<compile_context>
chip_gen: v7x
topology: tpu7x:2x2x1
jax: 0.10.2.dev20260603
libtpu: 0.0.44.dev20260713+nightly
codegen_flags: <defaults>
</compile_context>

<pallas_src>
import functools

import jax
import jax.numpy as jnp
from jax import lax
from jax.experimental import pallas as pl
from jax.experimental.pallas import tpu as pltpu
from jax.experimental.pallas import tpu_sc as plsc

NC = 2
NS = 16
EB = 120
KB = 12


def _vector_mesh():
    return plsc.VectorSubcoreMesh(core_axis_name="c", subcore_axis_name="s")


def _deg_pass(dst3, ones_hbm, zeros_hbm, npad):
    nb = dst3.shape[1]
    rows_per = npad // NS

    @functools.partial(
        pl.kernel,
        out_type=jax.ShapeDtypeStruct((NC, npad, 128), jnp.float32),
        mesh=_vector_mesh(),
        scratch_types=[
            pltpu.VMEM_SHARED((npad, 128), jnp.float32),
            pltpu.VMEM((nb, EB), jnp.int32),
            pltpu.VMEM((EB, 128), jnp.float32),
        ],
    )
    def k(dst_hbm, ones_h, zeros_h, out_hbm, acc, idst, buf):
        core = lax.axis_index("c")
        sub = lax.axis_index("s")
        wid = core * NS + sub
        r0 = sub * rows_per
        pltpu.sync_copy(dst_hbm.at[wid], idst)
        pltpu.sync_copy(ones_h, buf)
        pltpu.sync_copy(zeros_h.at[pl.ds(r0, rows_per)], acc.at[pl.ds(r0, rows_per)])
        plsc.subcore_barrier()

        @pl.loop(0, nb)
        def _(j):
            pltpu.sync_copy(buf, acc.at[idst.at[j]], add=True)

        plsc.subcore_barrier()

        @pl.when(core == 0)
        def _():
            pltpu.sync_copy(acc.at[pl.ds(r0, rows_per)],
                            out_hbm.at[0].at[pl.ds(r0, rows_per)])

        @pl.when(core == 1)
        def _():
            pltpu.sync_copy(acc.at[pl.ds(r0, rows_per)],
                            out_hbm.at[1].at[pl.ds(r0, rows_per)])

    return k(dst3, ones_hbm, zeros_hbm)


def _edge_pass(tab, src3, dst3, n, npad):
    nchunks = src3.shape[1]
    rows_a = ((n // NS) + 7) & ~7
    rows_last = n - rows_a * (NS - 1)

    @functools.partial(
        pl.kernel,
        out_type=jax.ShapeDtypeStruct((NC, n, 128), jnp.float32),
        mesh=_vector_mesh(),
        scratch_types=[
            pltpu.VMEM_SHARED((npad, 128), jnp.float32),
            pltpu.VMEM((KB, EB), jnp.int32),
            pltpu.VMEM((KB, EB), jnp.int32),
            pltpu.VMEM((EB, 128), jnp.float32),
            pltpu.VMEM((EB, 128), jnp.float32),
            pltpu.VMEM((EB, 128), jnp.float32),
            pltpu.SemaphoreType.DMA,
            pltpu.SemaphoreType.DMA,
            pltpu.SemaphoreType.DMA,
            pltpu.SemaphoreType.DMA,
            pltpu.SemaphoreType.DMA,
            pltpu.SemaphoreType.DMA,
        ],
    )
    def k(tab_hbm, src_hbm, dst_hbm, out_hbm, acc, isrc, idst,
          buf0, buf1, buf2, g0, g1, g2, s0, s1, s2):
        core = lax.axis_index("c")
        sub = lax.axis_index("s")
        r0 = sub * rows_a

        def run(tab_c, out_c):
            @pl.when(sub < NS - 1)
            def _():
                pltpu.sync_copy(tab_c.at[pl.ds(r0, rows_a)],
                                acc.at[pl.ds(r0, rows_a)])

            @pl.when(sub == NS - 1)
            def _():
                pltpu.sync_copy(tab_c.at[pl.ds(rows_a * (NS - 1), rows_last)],
                                acc.at[pl.ds(rows_a * (NS - 1), rows_last)])

            plsc.subcore_barrier()

            @pl.loop(0, nchunks)
            def _(c):
                pltpu.sync_copy(src_hbm.at[sub].at[c], isrc)
                pltpu.sync_copy(dst_hbm.at[sub].at[c], idst)
                slots = ((buf0, g0, s0), (buf1, g1, s1), (buf2, g2, s2))
                nd = len(slots)
                for j in range(min(nd, KB)):
                    buf, g, _ = slots[j % nd]
                    pltpu.async_copy(tab_c.at[isrc.at[j]], buf, g)
                for j0 in range(0, KB, nd):
                    hi = min(j0 + nd, KB)
                    for j in range(j0, hi):
                        buf, g, s = slots[j % nd]
                        pltpu.make_async_copy(
                            tab_c.at[isrc.at[j]], buf, g).wait()
                        pltpu.async_copy(buf, acc.at[idst.at[j]], s, add=True)
                    for j in range(j0, hi):
                        buf, g, s = slots[j % nd]
                        pltpu.make_async_copy(
                            buf, acc.at[idst.at[j]], s).wait()
                        if j + nd < KB:
                            pltpu.async_copy(
                                tab_c.at[isrc.at[j + nd]], buf, g)

            plsc.subcore_barrier()

            @pl.when(sub < NS - 1)
            def _():
                pltpu.sync_copy(acc.at[pl.ds(r0, rows_a)],
                                out_c.at[pl.ds(r0, rows_a)])

            @pl.when(sub == NS - 1)
            def _():
                pltpu.sync_copy(acc.at[pl.ds(rows_a * (NS - 1), rows_last)],
                                out_c.at[pl.ds(rows_a * (NS - 1), rows_last)])

        @pl.when(core == 0)
        def _():
            run(tab_hbm.at[0], out_hbm.at[0])

        @pl.when(core == 1)
        def _():
            run(tab_hbm.at[1], out_hbm.at[1])

    return k(tab, src3, dst3)


def _dinv_tile(degp_blk):
    deg = degp_blk[0, :, 0:1] + degp_blk[1, :, 0:1] + 1.0
    return lax.rsqrt(deg)


def _mm1(x, W1, tm):
    m, kdim = x.shape
    odim = W1.shape[1]

    def body(x_ref, w_ref, o_ref):
        o_ref[...] = lax.dot_general(
            x_ref[...], w_ref[...], (((1,), (0,)), ((), ())),
            precision=lax.Precision.HIGHEST,
            preferred_element_type=jnp.float32)

    return pl.pallas_call(
        body,
        grid=(m // tm,),
        in_specs=[pl.BlockSpec((tm, kdim), lambda i: (i, 0)),
                  pl.BlockSpec((kdim, odim), lambda i: (0, 0))],
        out_specs=pl.BlockSpec((tm, odim), lambda i: (i, 0)),
        out_shape=jax.ShapeDtypeStruct((m, odim), jnp.float32),
    )(x, W1)


def _prescale1(degp, h1, n, npad, tm):
    def body(d_ref, h_ref, o_ref):
        dinv = _dinv_tile(d_ref[...])
        hp = dinv * h_ref[...]
        o_ref[0] = hp[:, :128]
        o_ref[1] = hp[:, 128:]

    return pl.pallas_call(
        body,
        grid=(n // tm,),
        in_specs=[pl.BlockSpec((NC, tm, 128), lambda i: (0, i, 0)),
                  pl.BlockSpec((tm, 256), lambda i: (i, 0))],
        out_specs=pl.BlockSpec((NC, tm, 128), lambda i: (0, i, 0)),
        out_shape=jax.ShapeDtypeStruct((NC, n, 128), jnp.float32),
    )(degp, h1)


def _mid(acc1, degp, b1r, wcat, n, tm):
    def body(a_ref, d_ref, b_ref, w_ref, o_ref):
        dinv = _dinv_tile(d_ref[...])
        a = a_ref[...]
        pre = dinv * jnp.concatenate([a[0], a[1]], axis=1) + b_ref[...]
        hidden = jnp.maximum(pre, 0.0)
        hc = lax.dot_general(
            hidden, w_ref[...], (((1,), (0,)), ((), ())),
            precision=lax.Precision.HIGHEST,
            preferred_element_type=jnp.float32)
        o_ref[0] = dinv * hc[:, :128]
        o_ref[1] = dinv * hc[:, 128:]

    return pl.pallas_call(
        body,
        grid=(n // tm,),
        in_specs=[pl.BlockSpec((NC, tm, 128), lambda i: (0, i, 0)),
                  pl.BlockSpec((NC, tm, 128), lambda i: (0, i, 0)),
                  pl.BlockSpec((1, 256), lambda i: (0, 0)),
                  pl.BlockSpec((256, 256), lambda i: (0, 0))],
        out_specs=pl.BlockSpec((NC, tm, 128), lambda i: (0, i, 0)),
        out_shape=jax.ShapeDtypeStruct((NC, n, 128), jnp.float32),
    )(acc1, degp, b1r, wcat)


def _final(acc2, degp, bmr, bvr, wl, blr, noise, n, tm):
    def body(a_ref, d_ref, bm_ref, bv_ref, wl_ref, bl_ref, nz_ref,
             mean_ref, lv_ref, z_ref):
        dinv = _dinv_tile(d_ref[...])
        a = a_ref[...]
        mean = dinv * a[0] + bm_ref[...]
        pv = jnp.maximum(dinv * a[1] + bv_ref[...], 0.0)
        lv = jnp.tanh(
            lax.dot_general(pv, wl_ref[...], (((1,), (0,)), ((), ())),
                            precision=lax.Precision.HIGHEST,
                            preferred_element_type=jnp.float32)
            + bl_ref[...])
        mean_ref[...] = mean
        lv_ref[...] = lv
        z_ref[...] = nz_ref[...] * jnp.exp(0.5 * lv) + mean

    out_sds = jax.ShapeDtypeStruct((n, 128), jnp.float32)
    return pl.pallas_call(
        body,
        grid=(n // tm,),
        in_specs=[pl.BlockSpec((NC, tm, 128), lambda i: (0, i, 0)),
                  pl.BlockSpec((NC, tm, 128), lambda i: (0, i, 0)),
                  pl.BlockSpec((1, 128), lambda i: (0, 0)),
                  pl.BlockSpec((1, 128), lambda i: (0, 0)),
                  pl.BlockSpec((128, 128), lambda i: (0, 0)),
                  pl.BlockSpec((1, 128), lambda i: (0, 0)),
                  pl.BlockSpec((tm, 128), lambda i: (i, 0))],
        out_specs=[pl.BlockSpec((tm, 128), lambda i: (i, 0))] * 3,
        out_shape=[out_sds, out_sds, out_sds],
    )(acc2, degp, bmr, bvr, wl, blr, noise)


def kernel(x, edge_index, W1, b1, Wm, bm, Wv, bv, Wl, bl, noise):
    n = x.shape[0]
    e = edge_index.shape[1]
    npad = (n // 128 + 1) * 128
    tm = 1000

    src = edge_index[0]
    dst = edge_index[1]
    pad = (-e) % (NS * EB * KB)
    if pad:
        src = jnp.concatenate([src, jnp.zeros((pad,), src.dtype)])
        dst = jnp.concatenate(
            [dst, n + jnp.arange(pad, dtype=dst.dtype) % (npad - n)])
    src16 = src.reshape(NS, -1, KB, EB)
    dst16 = dst.reshape(NS, -1, KB, EB)
    dst32 = dst.reshape(NC * NS, -1, EB)

    ones128 = jnp.ones((EB, 128), jnp.float32)
    zeros128 = jnp.zeros((npad, 128), jnp.float32)

    degp = _deg_pass(dst32, ones128, zeros128, npad)
    h1 = _mm1(x, W1, tm)
    tab1 = _prescale1(degp, h1, n, npad, tm)
    acc1 = _edge_pass(tab1, src16, dst16, n, npad)
    wcat = jnp.concatenate([Wm, Wv], axis=1)
    tab2 = _mid(acc1, degp, b1.reshape(1, -1), wcat, n, tm)
    acc2 = _edge_pass(tab2, src16, dst16, n, npad)
    mean, logvar, z = _final(acc2, degp, bm.reshape(1, -1), bv.reshape(1, -1),
                             Wl, bl.reshape(1, -1), noise, n, tm)
    return (mean, logvar, z)

# --- scband reference (transcript-rebuilt; emitter-appended) ---
"""Pipeline reference for scband-encoder-24842090840532 (READ-ONLY COPY).

The authoritative reference and input builder live on the scoring server;
editing this copy changes nothing except your own understanding.
"""

import jax, jax.numpy as jnp
import numpy as np

N = 10000
E = 320000
FEAT = 128
H = 128


def gcn_conv(x, edge_index, W, b):
    # PyG GCNConv: add self-loops, symmetric deg^-1/2 normalization, linear, aggregate, bias
    n = x.shape[0]
    loop = jnp.arange(n, dtype=edge_index.dtype)
    src = jnp.concatenate([edge_index[0], loop])
    dst = jnp.concatenate([edge_index[1], loop])
    deg = jnp.zeros((n,), x.dtype).at[dst].add(1.0)
    dinv = jnp.where(deg > 0, 1.0 / jnp.sqrt(deg), 0.0)
    norm = dinv[src] * dinv[dst]
    h = x @ W
    msg = h[src] * norm[:, None]
    out = jnp.zeros((n, W.shape[1]), x.dtype).at[dst].add(msg)
    return out + b


def setup_inputs(seed: int = 0):
    key = jax.random.key(seed)
    ks = jax.random.split(key, 11)
    x = jax.random.normal(ks[0], (N, FEAT), dtype=jnp.float32)
    edge_index = jax.random.randint(ks[1], (2, E), 0, N, dtype=jnp.int32)
    W1 = jax.random.normal(ks[2], (FEAT, 2 * H), dtype=jnp.float32) * 0.05
    b1 = jnp.zeros((2 * H,), jnp.float32)
    Wm = jax.random.normal(ks[3], (2 * H, H), dtype=jnp.float32) * 0.05
    bm = jnp.zeros((H,), jnp.float32)
    Wv = jax.random.normal(ks[4], (2 * H, H), dtype=jnp.float32) * 0.05
    bv = jnp.zeros((H,), jnp.float32)
    Wl = jax.random.normal(ks[5], (H, H), dtype=jnp.float32) * 0.05
    bl = jnp.zeros((H,), jnp.float32)
    noise = jax.random.normal(ks[6], (N, H), dtype=jnp.float32)
    return {"x": x, "edge_index": edge_index, "W1": W1, "b1": b1,
            "Wm": Wm, "bm": bm, "Wv": Wv, "bv": bv,
            "Wl": Wl, "bl": bl, "noise": noise}


def reference(x, edge_index, W1, b1, Wm, bm, Wv, bv, Wl, bl, noise):
    hidden = jax.nn.relu(gcn_conv(x, edge_index, W1, b1))
    mean = gcn_conv(hidden, edge_index, Wm, bm)
    logvar = jax.nn.relu(gcn_conv(hidden, edge_index, Wv, bv))
    logvar = jnp.tanh(logvar @ Wl + bl)
    z = noise * jnp.exp(0.5 * logvar) + mean
    return (mean, logvar, z)

if __name__ == "__main__":
    import jax
    _d = setup_inputs()
    print(jax.jit(kernel)(*tuple(_d.values())))

</pallas_src>

<mosaic_0001>
#map = affine_map<(d0, d1) -> (0, 0, 0)>
#map1 = affine_map<(d0, d1) -> (0, 0, 0, 0)>
module attributes {stable_mosaic.version = 14 : i64} {
  func.func @k(%arg0: i32, %arg1: i32, %arg2: memref<2x10000x128xf32, #tpu.memory_space<hbm>>, %arg3: memref<16x14x12x120xi32, #tpu.memory_space<hbm>>, %arg4: memref<16x14x12x120xi32, #tpu.memory_space<hbm>>, %arg5: memref<2x10000x128xf32, #tpu.memory_space<hbm>>, %arg6: memref<10112x128xf32, #tpu.memory_space<vmem_shared>>, %arg7: memref<12x120xi32, #tpu.memory_space<vmem>>, %arg8: memref<12x120xi32, #tpu.memory_space<vmem>>, %arg9: memref<120x128xf32, #tpu.memory_space<vmem>>, %arg10: memref<120x128xf32, #tpu.memory_space<vmem>>, %arg11: memref<120x128xf32, #tpu.memory_space<vmem>>, %arg12: memref<!tpu.dma_semaphore, #tpu.memory_space<semaphore_mem>>, %arg13: memref<!tpu.dma_semaphore, #tpu.memory_space<semaphore_mem>>, %arg14: memref<!tpu.dma_semaphore, #tpu.memory_space<semaphore_mem>>, %arg15: memref<!tpu.dma_semaphore, #tpu.memory_space<semaphore_mem>>, %arg16: memref<!tpu.dma_semaphore, #tpu.memory_space<semaphore_mem>>, %arg17: memref<!tpu.dma_semaphore, #tpu.memory_space<semaphore_mem>>) attributes {dimension_semantics = [#tpu.dimension_semantics<core_parallel>, #tpu.dimension_semantics<subcore_parallel>], iteration_bounds = array<i64: 2, 16>, scalar_prefetch = 0 : i64, scratch_operands = 12 : i64, tpu.core_type = #tpu.core_type<sc_vector_subcore>, window_params = [{transform_indices = #map}, {transform_indices = #map1}, {transform_indices = #map1}, {transform_indices = #map}]} {
    %mul3A = arith.constant 632 : i32
    %mul3A_0 = arith.muli %arg1, %mul3A : i32
    %eq3A = arith.constant 0 : i32
    %eq3A_1 = arith.cmpi eq, %arg0, %eq3A : i32
    %convert_element_type3A = arith.extui %eq3A_1 : i1 to i32
    %cond3A = arith.constant 0 : i32
    %cond3A_2 = arith.cmpi ne, %convert_element_type3A, %cond3A : i32
    scf.if %cond3A_2 {
      %lt3A = arith.constant 15 : i32
      %lt3A_8 = arith.cmpi slt, %arg1, %lt3A : i32
      %convert_element_type3A_9 = arith.extui %lt3A_8 : i1 to i32
      %cond3A_10 = arith.constant 0 : i32
      %cond3A_11 = arith.constant 0 : i32
      %cond3A_12 = arith.cmpi ne, %convert_element_type3A_9, %cond3A_11 : i32
      scf.if %cond3A_12 {
        "tpu.region"() ({
          %run_scoped3A = tpu.sem_alloc : memref<!tpu.dma_semaphore, #tpu.memory_space<semaphore_mem>>
          %dma_start3A = arith.constant 0 : i32
          %dma_start3A_37 = tpu.memref_slice %arg6[%mul3A_0, %dma_start3A] : memref<10112x128xf32, #tpu.memory_space<vmem_shared>> -> memref<632x128xf32, #tpu.memory_space<vmem_shared>>
          %dma_start3A_38 = arith.constant 0 : i32
          %dma_start3A_39 = arith.constant 0 : i32
          %dma_start3A_40 = tpu.memref_slice %arg2[%cond3A_10, %dma_start3A_38, %dma_start3A_39] : memref<2x10000x128xf32, #tpu.memory_space<hbm>> -> memref<1x10000x128xf32, #tpu.memory_space<hbm>>
          %dma_start3A_41 = tpu.memref_squeeze %dma_start3A_40 : memref<1x10000x128xf32, #tpu.memory_space<hbm>> -> memref<10000x128xf32, #tpu.memory_space<hbm>>
          %dma_start3A_42 = arith.constant 0 : i32
          %dma_start3A_43 = tpu.memref_slice %dma_start3A_41[%mul3A_0, %dma_start3A_42] : memref<10000x128xf32, #tpu.memory_space<hbm>> -> memref<632x128xf32, #tpu.memory_space<hbm>>
          tpu.enqueue_dma source(%dma_start3A_43 : memref<632x128xf32, #tpu.memory_space<hbm>>) target(%dma_start3A_37 : memref<632x128xf32, #tpu.memory_space<vmem_shared>>) target_semaphore(%run_scoped3A : memref<!tpu.dma_semaphore, #tpu.memory_space<semaphore_mem>>)
          %dma_wait3A = arith.constant 0 : i32
          %dma_wait3A_44 = tpu.memref_slice %arg6[%mul3A_0, %dma_wait3A] : memref<10112x128xf32, #tpu.memory_space<vmem_shared>> -> memref<632x128xf32, #tpu.memory_space<vmem_shared>>
          %dma_wait3A_45 = arith.constant 0 : i32
          %dma_wait3A_46 = arith.constant 0 : i32
          %dma_wait3A_47 = tpu.memref_slice %arg2[%cond3A_10, %dma_wait3A_45, %dma_wait3A_46] : memref<2x10000x128xf32, #tpu.memory_space<hbm>> -> memref<1x10000x128xf32, #tpu.memory_space<hbm>>
          %dma_wait3A_48 = tpu.memref_squeeze %dma_wait3A_47 : memref<1x10000x128xf32, #tpu.memory_space<hbm>> -> memref<10000x128xf32, #tpu.memory_space<hbm>>
          %dma_wait3A_49 = arith.constant 0 : i32
          %dma_wait3A_50 = tpu.memref_slice %dma_wait3A_48[%mul3A_0, %dma_wait3A_49] : memref<10000x128xf32, #tpu.memory_space<hbm>> -> memref<632x128xf32, #tpu.memory_space<hbm>>
          tpu.wait_dma2 semaphore(%run_scoped3A : memref<!tpu.dma_semaphore, #tpu.memory_space<semaphore_mem>>) src(%dma_wait3A_50 : memref<632x128xf32, #tpu.memory_space<hbm>>) dst(%dma_wait3A_44 : memref<632x128xf32, #tpu.memory_space<vmem_shared>>)
          tpu.yield
        }) : () -> ()
      } else {
      }
      %eq3A_13 = arith.constant 15 : i32
      %eq3A_14 = arith.cmpi eq, %arg1, %eq3A_13 : i32
      %convert_element_type3A_15 = arith.extui %eq3A_14 : i1 to i32
      %cond3A_16 = arith.constant 0 : i32
      %cond3A_17 = arith.constant 0 : i32
      %cond3A_18 = arith.cmpi ne, %convert_element_type3A_15, %cond3A_17 : i32
      scf.if %cond3A_18 {
        "tpu.region"() ({
          %run_scoped3A = tpu.sem_alloc : memref<!tpu.dma_semaphore, #tpu.memory_space<semaphore_mem>>
          %dma_start3A = arith.constant 9480 : i32
          %dma_start3A_37 = arith.constant 0 : i32
          %dma_start3A_38 = tpu.memref_slice %arg6[%dma_start3A, %dma_start3A_37] : memref<10112x128xf32, #tpu.memory_space<vmem_shared>> -> memref<520x128xf32, #tpu.memory_space<vmem_shared>>
          %dma_start3A_39 = arith.constant 0 : i32
          %dma_start3A_40 = arith.constant 0 : i32
          %dma_start3A_41 = tpu.memref_slice %arg2[%cond3A_16, %dma_start3A_39, %dma_start3A_40] : memref<2x10000x128xf32, #tpu.memory_space<hbm>> -> memref<1x10000x128xf32, #tpu.memory_space<hbm>>
          %dma_start3A_42 = tpu.memref_squeeze %dma_start3A_41 : memref<1x10000x128xf32, #tpu.memory_space<hbm>> -> memref<10000x128xf32, #tpu.memory_space<hbm>>
          %dma_start3A_43 = arith.constant 9480 : i32
          %dma_start3A_44 = arith.constant 0 : i32
          %dma_start3A_45 = tpu.memref_slice %dma_start3A_42[%dma_start3A_43, %dma_start3A_44] : memref<10000x128xf32, #tpu.memory_space<hbm>> -> memref<520x128xf32, #tpu.memory_space<hbm>>
          tpu.enqueue_dma source(%dma_start3A_45 : memref<520x128xf32, #tpu.memory_space<hbm>>) target(%dma_start3A_38 : memref<520x128xf32, #tpu.memory_space<vmem_shared>>) target_semaphore(%run_scoped3A : memref<!tpu.dma_semaphore, #tpu.memory_space<semaphore_mem>>)
          %dma_wait3A = arith.constant 9480 : i32
          %dma_wait3A_46 = arith.constant 0 : i32
          %dma_wait3A_47 = tpu.memref_slice %arg6[%dma_wait3A, %dma_wait3A_46] : memref<10112x128xf32, #tpu.memory_space<vmem_shared>> -> memref<520x128xf32, #tpu.memory_space<vmem_shared>>
          %dma_wait3A_48 = arith.constant 0 : i32
          %dma_wait3A_49 = arith.constant 0 : i32
          %dma_wait3A_50 = tpu.memref_slice %arg2[%cond3A_16, %dma_wait3A_48, %dma_wait3A_49] : memref<2x10000x128xf32, #tpu.memory_space<hbm>> -> memref<1x10000x128xf32, #tpu.memory_space<hbm>>
          %dma_wait3A_51 = tpu.memref_squeeze %dma_wait3A_50 : memref<1x10000x128xf32, #tpu.memory_space<hbm>> -> memref<10000x128xf32, #tpu.memory_space<hbm>>
          %dma_wait3A_52 = arith.constant 9480 : i32
          %dma_wait3A_53 = arith.constant 0 : i32
          %dma_wait3A_54 = tpu.memref_slice %dma_wait3A_51[%dma_wait3A_52, %dma_wait3A_53] : memref<10000x128xf32, #tpu.memory_space<hbm>> -> memref<520x128xf32, #tpu.memory_space<hbm>>
          tpu.wait_dma2 semaphore(%run_scoped3A : memref<!tpu.dma_semaphore, #tpu.memory_space<semaphore_mem>>) src(%dma_wait3A_54 : memref<520x128xf32, #tpu.memory_space<hbm>>) dst(%dma_wait3A_47 : memref<520x128xf32, #tpu.memory_space<vmem_shared>>)
          tpu.yield
        }) : () -> ()
      } else {
      }
      %barrier3A = arith.constant 0 : index
      tpu.barrier barrier_id(%barrier3A)
      %scan3A = arith.constant 0 : i32
      %scan3A_19 = arith.constant 0 : i32
      %scan3A_20 = arith.constant 14 : i32
      %scan3A_21 = arith.addi %scan3A_19, %scan3A_20 : i32
      %scan3A_22 = arith.constant 1 : i32
      scf.for %scan3A_37 = %scan3A_19 to %scan3A_21 step %scan3A_22  : i32 {
        %mul3A_38 = arith.constant 1 : i32
        %mul3A_39 = arith.muli %scan3A_37, %mul3A_38 : i32
        %add3A = arith.constant 0 : i32
        %add3A_40 = arith.addi %add3A, %mul3A_39 : i32
        "tpu.region"() ({
          %run_scoped3A = tpu.sem_alloc : memref<!tpu.dma_semaphore, #tpu.memory_space<semaphore_mem>>
          %dma_start3A_471 = arith.constant 0 : i32
          %dma_start3A_472 = arith.constant 0 : i32
          %dma_start3A_473 = arith.constant 0 : i32
          %dma_start3A_474 = tpu.memref_slice %arg3[%arg1, %dma_start3A_471, %dma_start3A_472, %dma_start3A_473] : memref<16x14x12x120xi32, #tpu.memory_space<hbm>> -> memref<1x14x12x120xi32, #tpu.memory_space<hbm>>
          %dma_start3A_475 = tpu.memref_squeeze %dma_start3A_474 : memref<1x14x12x120xi32, #tpu.memory_space<hbm>> -> memref<14x12x120xi32, #tpu.memory_space<hbm>>
          %dma_start3A_476 = arith.constant 0 : i32
          %dma_start3A_477 = arith.constant 0 : i32
          %dma_start3A_478 = tpu.memref_slice %dma_start3A_475[%add3A_40, %dma_start3A_476, %dma_start3A_477] : memref<14x12x120xi32, #tpu.memory_space<hbm>> -> memref<1x12x120xi32, #tpu.memory_space<hbm>>
          %dma_start3A_479 = tpu.memref_squeeze %dma_start3A_478 : memref<1x12x120xi32, #tpu.memory_space<hbm>> -> memref<12x120xi32, #tpu.memory_space<hbm>>
          %dma_start3A_480 = arith.constant 0 : i32
          %dma_start3A_481 = arith.constant 0 : i32
          %dma_start3A_482 = arith.constant 0 : i32
          %dma_start3A_483 = tpu.memref_slice %arg3[%arg1, %dma_start3A_480, %dma_start3A_481, %dma_start3A_482] : memref<16x14x12x120xi32, #tpu.memory_space<hbm>> -> memref<1x14x12x120xi32, #tpu.memory_space<hbm>>
          %dma_start3A_484 = tpu.memref_squeeze %dma_start3A_483 : memref<1x14x12x120xi32, #tpu.memory_space<hbm>> -> memref<14x12x120xi32, #tpu.memory_space<hbm>>
          %dma_start3A_485 = arith.constant 0 : i32
          %dma_start3A_486 = arith.constant 0 : i32
          %dma_start3A_487 = tpu.memref_slice %dma_start3A_484[%add3A_40, %dma_start3A_485, %dma_start3A_486] : memref<14x12x120xi32, #tpu.memory_space<hbm>> -> memref<1x12x120xi32, #tpu.memory_space<hbm>>
          %dma_start3A_488 = tpu.memref_squeeze %dma_start3A_487 : memref<1x12x120xi32, #tpu.memory_space<hbm>> -> memref<12x120xi32, #tpu.memory_space<hbm>>
          tpu.enqueue_dma source(%dma_start3A_488 : memref<12x120xi32, #tpu.memory_space<hbm>>) target(%arg7 : memref<12x120xi32, #tpu.memory_space<vmem>>) target_semaphore(%run_scoped3A : memref<!tpu.dma_semaphore, #tpu.memory_space<semaphore_mem>>)
          %dma_wait3A_489 = arith.constant 0 : i32
          %dma_wait3A_490 = arith.constant 0 : i32
          %dma_wait3A_491 = arith.constant 0 : i32
          %dma_wait3A_492 = tpu.memref_slice %arg3[%arg1, %dma_wait3A_489, %dma_wait3A_490, %dma_wait3A_491] : memref<16x14x12x120xi32, #tpu.memory_space<hbm>> -> memref<1x14x12x120xi32, #tpu.memory_space<hbm>>
          %dma_wait3A_493 = tpu.memref_squeeze %dma_wait3A_492 : memref<1x14x12x120xi32, #tpu.memory_space<hbm>> -> memref<14x12x120xi32, #tpu.memory_space<hbm>>
          %dma_wait3A_494 = arith.constant 0 : i32
          %dma_wait3A_495 = arith.constant 0 : i32
          %dma_wait3A_496 = tpu.memref_slice %dma_wait3A_493[%add3A_40, %dma_wait3A_494, %dma_wait3A_495] : memref<14x12x120xi32, #tpu.memory_space<hbm>> -> memref<1x12x120xi32, #tpu.memory_space<hbm>>
          %dma_wait3A_497 = tpu.memref_squeeze %dma_wait3A_496 : memref<1x12x120xi32, #tpu.memory_space<hbm>> -> memref<12x120xi32, #tpu.memory_space<hbm>>
          %dma_wait3A_498 = arith.constant 0 : i32
          %dma_wait3A_499 = arith.constant 0 : i32
          %dma_wait3A_500 = arith.constant 0 : i32
          %dma_wait3A_501 = tpu.memref_slice %arg3[%arg1, %dma_wait3A_498, %dma_wait3A_499, %dma_wait3A_500] : memref<16x14x12x120xi32, #tpu.memory_space<hbm>> -> memref<1x14x12x120xi32, #tpu.memory_space<hbm>>
          %dma_wait3A_502 = tpu.memref_squeeze %dma_wait3A_501 : memref<1x14x12x120xi32, #tpu.memory_space<hbm>> -> memref<14x12x120xi32, #tpu.memory_space<hbm>>
          %dma_wait3A_503 = arith.constant 0 : i32
          %dma_wait3A_504 = arith.constant 0 : i32
          %dma_wait3A_505 = tpu.memref_slice %dma_wait3A_502[%add3A_40, %dma_wait3A_503, %dma_wait3A_504] : memref<14x12x120xi32, #tpu.memory_space<hbm>> -> memref<1x12x120xi32, #tpu.memory_space<hbm>>
          %dma_wait3A_506 = tpu.memref_squeeze %dma_wait3A_505 : memref<1x12x120xi32, #tpu.memory_space<hbm>> -> memref<12x120xi32, #tpu.memory_space<hbm>>
          tpu.wait_dma2 semaphore(%run_scoped3A : memref<!tpu.dma_semaphore, #tpu.memory_space<semaphore_mem>>) src(%dma_wait3A_506 : memref<12x120xi32, #tpu.memory_space<hbm>>) dst(%arg7 : memref<12x120xi32, #tpu.memory_space<vmem>>)
          tpu.yield
        }) : () -> ()
        "tpu.region"() ({
          %run_scoped3A = tpu.sem_alloc : memref<!tpu.dma_semaphore, #tpu.memory_space<semaphore_mem>>
          %dma_start3A_471 = arith.constant 0 : i32
          %dma_start3A_472 = arith.constant 0 : i32
          %dma_start3A_473 = arith.constant 0 : i32
          %dma_start3A_474 = tpu.memref_slice %arg4[%arg1, %dma_start3A_471, %dma_start3A_472, %dma_start3A_473] : memref<16x14x12x120xi32, #tpu.memory_space<hbm>> -> memref<1x14x12x120xi32, #tpu.memory_space<hbm>>
          %dma_start3A_475 = tpu.memref_squeeze %dma_start3A_474 : memref<1x14x12x120xi32, #tpu.memory_space<hbm>> -> memref<14x12x120xi32, #tpu.memory_space<hbm>>
          %dma_start3A_476 = arith.constant 0 : i32
          %dma_start3A_477 = arith.constant 0 : i32
          %dma_start3A_478 = tpu.memref_slice %dma_start3A_475[%add3A_40, %dma_start3A_476, %dma_start3A_477] : memref<14x12x120xi32, #tpu.memory_space<hbm>> -> memref<1x12x120xi32, #tpu.memory_space<hbm>>
          %dma_start3A_479 = tpu.memref_squeeze %dma_start3A_478 : memref<1x12x120xi32, #tpu.memory_space<hbm>> -> memref<12x120xi32, #tpu.memory_space<hbm>>
          %dma_start3A_480 = arith.constant 0 : i32
          %dma_start3A_481 = arith.constant 0 : i32
          %dma_start3A_482 = arith.constant 0 : i32
          %dma_start3A_483 = tpu.memref_slice %arg4[%arg1, %dma_start3A_480, %dma_start3A_481, %dma_start3A_482] : memref<16x14x12x120xi32, #tpu.memory_space<hbm>> -> memref<1x14x12x120xi32, #tpu.memory_space<hbm>>
          %dma_start3A_484 = tpu.memref_squeeze %dma_start3A_483 : memref<1x14x12x120xi32, #tpu.memory_space<hbm>> -> memref<14x12x120xi32, #tpu.memory_space<hbm>>
          %dma_start3A_485 = arith.constant 0 : i32
          %dma_start3A_486 = arith.constant 0 : i32
          %dma_start3A_487 = tpu.memref_slice %dma_start3A_484[%add3A_40, %dma_start3A_485, %dma_start3A_486] : memref<14x12x120xi32, #tpu.memory_space<hbm>> -> memref<1x12x120xi32, #tpu.memory_space<hbm>>
          %dma_start3A_488 = tpu.memref_squeeze %dma_start3A_487 : memref<1x12x120xi32, #tpu.memory_space<hbm>> -> memref<12x120xi32, #tpu.memory_space<hbm>>
          tpu.enqueue_dma source(%dma_start3A_488 : memref<12x120xi32, #tpu.memory_space<hbm>>) target(%arg8 : memref<12x120xi32, #tpu.memory_space<vmem>>) target_semaphore(%run_scoped3A : memref<!tpu.dma_semaphore, #tpu.memory_space<semaphore_mem>>)
          %dma_wait3A_489 = arith.constant 0 : i32
          %dma_wait3A_490 = arith.constant 0 : i32
          %dma_wait3A_491 = arith.constant 0 : i32
          %dma_wait3A_492 = tpu.memref_slice %arg4[%arg1, %dma_wait3A_489, %dma_wait3A_490, %dma_wait3A_491] : memref<16x14x12x120xi32, #tpu.memory_space<hbm>> -> memref<1x14x12x120xi32, #tpu.memory_space<hbm>>
          %dma_wait3A_493 = tpu.memref_squeeze %dma_wait3A_492 : memref<1x14x12x120xi32, #tpu.memory_space<hbm>> -> memref<14x12x120xi32, #tpu.memory_space<hbm>>
          %dma_wait3A_494 = arith.constant 0 : i32
          %dma_wait3A_495 = arith.constant 0 : i32
          %dma_wait3A_496 = tpu.memref_slice %dma_wait3A_493[%add3A_40, %dma_wait3A_494, %dma_wait3A_495] : memref<14x12x120xi32, #tpu.memory_space<hbm>> -> memref<1x12x120xi32, #tpu.memory_space<hbm>>
          %dma_wait3A_497 = tpu.memref_squeeze %dma_wait3A_496 : memref<1x12x120xi32, #tpu.memory_space<hbm>> -> memref<12x120xi32, #tpu.memory_space<hbm>>
          %dma_wait3A_498 = arith.constant 0 : i32
          %dma_wait3A_499 = arith.constant 0 : i32
          %dma_wait3A_500 = arith.constant 0 : i32
          %dma_wait3A_501 = tpu.memref_slice %arg4[%arg1, %dma_wait3A_498, %dma_wait3A_499, %dma_wait3A_500] : memref<16x14x12x120xi32, #tpu.memory_space<hbm>> -> memref<1x14x12x120xi32, #tpu.memory_space<hbm>>
          %dma_wait3A_502 = tpu.memref_squeeze %dma_wait3A_501 : memref<1x14x12x120xi32, #tpu.memory_space<hbm>> -> memref<14x12x120xi32, #tpu.memory_space<hbm>>
          %dma_wait3A_503 = arith.constant 0 : i32
          %dma_wait3A_504 = arith.constant 0 : i32
          %dma_wait3A_505 = tpu.memref_slice %dma_wait3A_502[%add3A_40, %dma_wait3A_503, %dma_wait3A_504] : memref<14x12x120xi32, #tpu.memory_space<hbm>> -> memref<1x12x120xi32, #tpu.memory_space<hbm>>
          %dma_wait3A_506 = tpu.memref_squeeze %dma_wait3A_505 : memref<1x12x120xi32, #tpu.memory_space<hbm>> -> memref<12x120xi32, #tpu.memory_space<hbm>>
          tpu.wait_dma2 semaphore(%run_scoped3A : memref<!tpu.dma_semaphore, #tpu.memory_space<semaphore_mem>>) src(%dma_wait3A_506 : memref<12x120xi32, #tpu.memory_space<hbm>>) dst(%arg8 : memref<12x120xi32, #tpu.memory_space<vmem>>)
          tpu.yield
        }) : () -> ()
        %dma_start3A = arith.constant 0 : i32
        %dma_start3A_41 = arith.constant 0 : i32
        %dma_start3A_42 = tpu.memref_slice %arg7[%dma_start3A, %dma_start3A_41] : memref<12x120xi32, #tpu.memory_space<vmem>> -> memref<1x120xi32, #tpu.memory_space<vmem>>
        %dma_start3A_43 = tpu.memref_squeeze %dma_start3A_42 : memref<1x120xi32, #tpu.memory_space<vmem>> -> memref<120xi32, #tpu.memory_space<vmem>>
        %dma_start3A_44 = arith.constant 0 : i32
        %dma_start3A_45 = arith.constant 0 : i32
        %dma_start3A_46 = tpu.memref_slice %arg2[%scan3A, %dma_start3A_44, %dma_start3A_45] : memref<2x10000x128xf32, #tpu.memory_space<hbm>> -> memref<1x10000x128xf32, #tpu.memory_space<hbm>>
        %dma_start3A_47 = tpu.memref_squeeze %dma_start3A_46 : memref<1x10000x128xf32, #tpu.memory_space<hbm>> -> memref<10000x128xf32, #tpu.memory_space<hbm>>
        %dma_start3A_48 = arith.constant 0 : i32
        %dma_start3A_49 = arith.constant 0 : i32
        %dma_start3A_50 = tpu.memref_slice %dma_start3A_47[%dma_start3A_48, %dma_start3A_49] : memref<10000x128xf32, #tpu.memory_space<hbm>> -> memref<10000x128xf32, #tpu.memory_space<hbm>>
        tpu.enqueue_indirect_dma source(%dma_start3A_50 : memref<10000x128xf32, #tpu.memory_space<hbm>>) target(%arg9 : memref<120x128xf32, #tpu.memory_space<vmem>>) offsets(%dma_start3A_43 : memref<120xi32, #tpu.memory_space<vmem>>) semaphore(%arg12 : memref<!tpu.dma_semaphore, #tpu.memory_space<semaphore_mem>>)
        %dma_start3A_51 = arith.constant 1 : i32
        %dma_start3A_52 = arith.constant 0 : i32
        %dma_start3A_53 = tpu.memref_slice %arg7[%dma_start3A_51, %dma_start3A_52] : memref<12x120xi32, #tpu.memory_space<vmem>> -> memref<1x120xi32, #tpu.memory_space<vmem>>
        %dma_start3A_54 = tpu.memref_squeeze %dma_start3A_53 : memref<1x120xi32, #tpu.memory_space<vmem>> -> memref<120xi32, #tpu.memory_space<vmem>>
        %dma_start3A_55 = arith.constant 0 : i32
        %dma_start3A_56 = arith.constant 0 : i32
        %dma_start3A_57 = tpu.memref_slice %arg2[%scan3A, %dma_start3A_55, %dma_start3A_56] : memref<2x10000x128xf32, #tpu.memory_space<hbm>> -> memref<1x10000x128xf32, #tpu.memory_space<hbm>>
        %dma_start3A_58 = tpu.memref_squeeze %dma_start3A_57 : memref<1x10000x128xf32, #tpu.memory_space<hbm>> -> memref<10000x128xf32, #tpu.memory_space<hbm>>
        %dma_start3A_59 = arith.constant 0 : i32
        %dma_start3A_60 = arith.constant 0 : i32
        %dma_start3A_61 = tpu.memref_slice %dma_start3A_58[%dma_start3A_59, %dma_start3A_60] : memref<10000x128xf32, #tpu.memory_space<hbm>> -> memref<10000x128xf32, #tpu.memory_space<hbm>>
        tpu.enqueue_indirect_dma source(%dma_start3A_61 : memref<10000x128xf32, #tpu.memory_space<hbm>>) target(%arg10 : memref<120x128xf32, #tpu.memory_space<vmem>>) offsets(%dma_start3A_54 : memref<120xi32, #tpu.memory_space<vmem>>) semaphore(%arg13 : memref<!tpu.dma_semaphore, #tpu.memory_space<semaphore_mem>>)
        %dma_start3A_62 = arith.constant 2 : i32
        %dma_start3A_63 = arith.constant 0 : i32
        %dma_start3A_64 = tpu.memref_slice %arg7[%dma_start3A_62, %dma_start3A_63] : memref<12x120xi32, #tpu.memory_space<vmem>> -> memref<1x120xi32, #tpu.memory_space<vmem>>
        %dma_start3A_65 = tpu.memref_squeeze %dma_start3A_64 : memref<1x120xi32, #tpu.memory_space<vmem>> -> memref<120xi32, #tpu.memory_space<vmem>>
        %dma_start3A_66 = arith.constant 0 : i32
        %dma_start3A_67 = arith.constant 0 : i32
        %dma_start3A_68 = tpu.memref_slice %arg2[%scan3A, %dma_start3A_66, %dma_start3A_67] : memref<2x10000x128xf32, #tpu.memory_space<hbm>> -> memref<1x10000x128xf32, #tpu.memory_space<hbm>>
        %dma_start3A_69 = tpu.memref_squeeze %dma_start3A_68 : memref<1x10000x128xf32, #tpu.memory_space<hbm>> -> memref<10000x128xf32, #tpu.memory_space<hbm>>
        %dma_start3A_70 = arith.constant 0 : i32
        %dma_start3A_71 = arith.constant 0 : i32
        %dma_start3A_72 = tpu.memref_slice %dma_start3A_69[%dma_start3A_70, %dma_start3A_71] : memref<10000x128xf32, #tpu.memory_space<hbm>> -> memref<10000x128xf32, #tpu.memory_space<hbm>>
        tpu.enqueue_indirect_dma source(%dma_start3A_72 : memref<10000x128xf32, #tpu.memory_space<hbm>>) target(%arg11 : memref<120x128xf32, #tpu.memory_space<vmem>>) offsets(%dma_start3A_65 : memref<120xi32, #tpu.memory_space<vmem>>) semaphore(%arg14 : memref<!tpu.dma_semaphore, #tpu.memory_space<semaphore_mem>>)
        %dma_wait3A = arith.constant 0 : i32
        %dma_wait3A_73 = arith.constant 0 : i32
        %dma_wait3A_74 = tpu.memref_slice %arg7[%dma_wait3A, %dma_wait3A_73] : memref<12x120xi32, #tpu.memory_space<vmem>> -> memref<1x120xi32, #tpu.memory_space<vmem>>
        %dma_wait3A_75 = tpu.memref_squeeze %dma_wait3A_74 : memref<1x120xi32, #tpu.memory_space<vmem>> -> memref<120xi32, #tpu.memory_space<vmem>>
        %dma_wait3A_76 = arith.constant 0 : i32
        %dma_wait3A_77 = arith.constant 0 : i32
        %dma_wait3A_78 = tpu.memref_slice %arg2[%scan3A, %dma_wait3A_76, %dma_wait3A_77] : memref<2x10000x128xf32, #tpu.memory_space<hbm>> -> memref<1x10000x128xf32, #tpu.memory_space<hbm>>
        %dma_wait3A_79 = tpu.memref_squeeze %dma_wait3A_78 : memref<1x10000x128xf32, #tpu.memory_space<hbm>> -> memref<10000x128xf32, #tpu.memory_space<hbm>>
        %dma_wait3A_80 = arith.constant 0 : i32
        %dma_wait3A_81 = arith.constant 0 : i32
        %dma_wait3A_82 = tpu.memref_slice %dma_wait3A_79[%dma_wait3A_80, %dma_wait3A_81] : memref<10000x128xf32, #tpu.memory_space<hbm>> -> memref<10000x128xf32, #tpu.memory_space<hbm>>
        tpu.wait_indirect_dma semaphore(%arg12 : memref<!tpu.dma_semaphore, #tpu.memory_space<semaphore_mem>>) src(%dma_wait3A_82 : memref<10000x128xf32, #tpu.memory_space<hbm>>) dst(%arg9 : memref<120x128xf32, #tpu.memory_space<vmem>>)
        %dma_start3A_83 = arith.constant 0 : i32
        %dma_start3A_84 = arith.constant 0 : i32
        %dma_start3A_85 = tpu.memref_slice %arg8[%dma_start3A_83, %dma_start3A_84] : memref<12x120xi32, #tpu.memory_space<vmem>> -> memref<1x120xi32, #tpu.memory_space<vmem>>
        %dma_start3A_86 = tpu.memref_squeeze %dma_start3A_85 : memref<1x120xi32, #tpu.memory_space<vmem>> -> memref<120xi32, #tpu.memory_space<vmem>>
        %dma_start3A_87 = arith.constant 0 : i32
        %dma_start3A_88 = arith.constant 0 : i32
        %dma_start3A_89 = tpu.memref_slice %arg6[%dma_start3A_87, %dma_start3A_88] : memref<10112x128xf32, #tpu.memory_space<vmem_shared>> -> memref<10112x128xf32, #tpu.memory_space<vmem_shared>>
        tpu.enqueue_indirect_dma source(%arg9 : memref<120x128xf32, #tpu.memory_space<vmem>>) target(%dma_start3A_89 : memref<10112x128xf32, #tpu.memory_space<vmem_shared>>) offsets(%dma_start3A_86 : memref<120xi32, #tpu.memory_space<vmem>>) semaphore(%arg15 : memref<!tpu.dma_semaphore, #tpu.memory_space<semaphore_mem>>) {add = true}
        %dma_wait3A_90 = arith.constant 1 : i32
        %dma_wait3A_91 = arith.constant 0 : i32
        %dma_wait3A_92 = tpu.memref_slice %arg7[%dma_wait3A_90, %dma_wait3A_91] : memref<12x120xi32, #tpu.memory_space<vmem>> -> memref<1x120xi32, #tpu.memory_space<vmem>>
        %dma_wait3A_93 = tpu.memref_squeeze %dma_wait3A_92 : memref<1x120xi32, #tpu.memory_space<vmem>> -> memref<120xi32, #tpu.memory_space<vmem>>
        %dma_wait3A_94 = arith.constant 0 : i32
        %dma_wait3A_95 = arith.constant 0 : i32
        %dma_wait3A_96 = tpu.memref_slice %arg2[%scan3A, %dma_wait3A_94, %dma_wait3A_95] : memref<2x10000x128xf32, #tpu.memory_space<hbm>> -> memref<1x10000x128xf32, #tpu.memory_space<hbm>>
        %dma_wait3A_97 = tpu.memref_squeeze %dma_wait3A_96 : memref<1x10000x128xf32, #tpu.memory_space<hbm>> -> memref<10000x128xf32, #tpu.memory_space<hbm>>
        %dma_wait3A_98 = arith.constant 0 : i32
        %dma_wait3A_99 = arith.constant 0 : i32
        %dma_wait3A_100 = tpu.memref_slice %dma_wait3A_97[%dma_wait3A_98, %dma_wait3A_99] : memref<10000x128xf32, #tpu.memory_space<hbm>> -> memref<10000x128xf32, #tpu.memory_space<hbm>>
        tpu.wait_indirect_dma semaphore(%arg13 : memref<!tpu.dma_semaphore, #tpu.memory_space<semaphore_mem>>) src(%dma_wait3A_100 : memref<10000x128xf32, #tpu.memory_space<hbm>>) dst(%arg10 : memref<120x128xf32, #tpu.memory_space<vmem>>)
        %dma_start3A_101 = arith.constant 1 : i32
        %dma_start3A_102 = arith.constant 0 : i32
        %dma_start3A_103 = tpu.memref_slice %arg8[%dma_start3A_101, %dma_start3A_102] : memref<12x120xi32, #tpu.memory_space<vmem>> -> memref<1x120xi32, #tpu.memory_space<vmem>>
        %dma_start3A_104 = tpu.memref_squeeze %dma_start3A_103 : memref<1x120xi32, #tpu.memory_space<vmem>> -> memref<120xi32, #tpu.memory_space<vmem>>
        %dma_start3A_105 = arith.constant 0 : i32
        %dma_start3A_106 = arith.constant 0 : i32
        %dma_start3A_107 = tpu.memref_slice %arg6[%dma_start3A_105, %dma_start3A_106] : memref<10112x128xf32, #tpu.memory_space<vmem_shared>> -> memref<10112x128xf32, #tpu.memory_space<vmem_shared>>
        tpu.enqueue_indirect_dma source(%arg10 : memref<120x128xf32, #tpu.memory_space<vmem>>) target(%dma_start3A_107 : memref<10112x128xf32, #tpu.memory_space<vmem_shared>>) offsets(%dma_start3A_104 : memref<120xi32, #tpu.memory_space<vmem>>) semaphore(%arg16 : memref<!tpu.dma_semaphore, #tpu.memory_space<semaphore_mem>>) {add = true}
        %dma_wait3A_108 = arith.constant 2 : i32
        %dma_wait3A_109 = arith.constant 0 : i32
        %dma_wait3A_110 = tpu.memref_slice %arg7[%dma_wait3A_108, %dma_wait3A_109] : memref<12x120xi32, #tpu.memory_space<vmem>> -> memref<1x120xi32, #tpu.memory_space<vmem>>
        %dma_wait3A_111 = tpu.memref_squeeze %dma_wait3A_110 : memref<1x120xi32, #tpu.memory_space<vmem>> -> memref<120xi32, #tpu.memory_space<vmem>>
        %dma_wait3A_112 = arith.constant 0 : i32
        %dma_wait3A_113 = arith.constant 0 : i32
        %dma_wait3A_114 = tpu.memref_slice %arg2[%scan3A, %dma_wait3A_112, %dma_wait3A_113] : memref<2x10000x128xf32, #tpu.memory_space<hbm>> -> memref<1x10000x128xf32, #tpu.memory_space<hbm>>
        %dma_wait3A_115 = tpu.memref_squeeze %dma_wait3A_114 : memref<1x10000x128xf32, #tpu.memory_space<hbm>> -> memref<10000x128xf32, #tpu.memory_space<hbm>>
        %dma_wait3A_116 = arith.constant 0 : i32
        %dma_wait3A_117 = arith.constant 0 : i32
        %dma_wait3A_118 = tpu.memref_slice %dma_wait3A_115[%dma_wait3A_116, %dma_wait3A_117] : memref<10000x128xf32, #tpu.memory_space<hbm>> -> memref<10000x128xf32, #tpu.memory_space<hbm>>
        tpu.wait_indirect_dma semaphore(%arg14 : memref<!tpu.dma_semaphore, #tpu.memory_space<semaphore_mem>>) src(%dma_wait3A_118 : memref<10000x128xf32, #tpu.memory_space<hbm>>) dst(%arg11 : memref<120x128xf32, #tpu.memory_space<vmem>>)
        %dma_start3A_119 = arith.constant 2 : i32
        %dma_start3A_120 = arith.constant 0 : i32
        %dma_start3A_121 = tpu.memref_slice %arg8[%dma_start3A_119, %dma_start3A_120] : memref<12x120xi32, #tpu.memory_space<vmem>> -> memref<1x120xi32, #tpu.memory_space<vmem>>
        %dma_start3A_122 = tpu.memref_squeeze %dma_start3A_121 : memref<1x120xi32, #tpu.memory_space<vmem>> -> memref<120xi32, #tpu.memory_space<vmem>>
        %dma_start3A_123 = arith.constant 0 : i32
        %dma_start3A_124 = arith.constant 0 : i32
        %dma_start3A_125 = tpu.memref_slice %arg6[%dma_start3A_123, %dma_start3A_124] : memref<10112x128xf32, #tpu.memory_space<vmem_shared>> -> memref<10112x128xf32, #tpu.memory_space<vmem_shared>>
        tpu.enqueue_indirect_dma source(%arg11 : memref<120x128xf32, #tpu.memory_space<vmem>>) target(%dma_start3A_125 : memref<10112x128xf32, #tpu.memory_space<vmem_shared>>) offsets(%dma_start3A_122 : memref<120xi32, #tpu.memory_space<vmem>>) semaphore(%arg17 : memref<!tpu.dma_semaphore, #tpu.memory_space<semaphore_mem>>) {add = true}
        %dma_wait3A_126 = arith.constant 0 : i32
        %dma_wait3A_127 = arith.constant 0 : i32
        %dma_wait3A_128 = tpu.memref_slice %arg8[%dma_wait3A_126, %dma_wait3A_127] : memref<12x120xi32, #tpu.memory_space<vmem>> -> memref<1x120xi32, #tpu.memory_space<vmem>>
        %dma_wait3A_129 = tpu.memref_squeeze %dma_wait3A_128 : memref<1x120xi32, #tpu.memory_space<vmem>> -> memref<120xi32, #tpu.memory_space<vmem>>
        %dma_wait3A_130 = arith.constant 0 : i32
        %dma_wait3A_131 = arith.constant 0 : i32
        %dma_wait3A_132 = tpu.memref_slice %arg6[%dma_wait3A_130, %dma_wait3A_131] : memref<10112x128xf32, #tpu.memory_space<vmem_shared>> -> memref<10112x128xf32, #tpu.memory_space<vmem_shared>>
        tpu.wait_indirect_dma semaphore(%arg15 : memref<!tpu.dma_semaphore, #tpu.memory_space<semaphore_mem>>) src(%arg9 : memref<120x128xf32, #tpu.memory_space<vmem>>) dst(%dma_wait3A_132 : memref<10112x128xf32, #tpu.memory_space<vmem_shared>>)
        %dma_start3A_133 = arith.constant 3 : i32
        %dma_start3A_134 = arith.constant 0 : i32
        %dma_start3A_135 = tpu.memref_slice %arg7[%dma_start3A_133, %dma_start3A_134] : memref<12x120xi32, #tpu.memory_space<vmem>> -> memref<1x120xi32, #tpu.memory_space<vmem>>
        %dma_start3A_136 = tpu.memref_squeeze %dma_start3A_135 : memref<1x120xi32, #tpu.memory_space<vmem>> -> memref<120xi32, #tpu.memory_space<vmem>>
        %dma_start3A_137 = arith.constant 0 : i32
        %dma_start3A_138 = arith.constant 0 : i32
        %dma_start3A_139 = tpu.memref_slice %arg2[%scan3A, %dma_start3A_137, %dma_start3A_138] : memref<2x10000x128xf32, #tpu.memory_space<hbm>> -> memref<1x10000x128xf32, #tpu.memory_space<hbm>>
        %dma_start3A_140 = tpu.memref_squeeze %dma_start3A_139 : memref<1x10000x128xf32, #tpu.memory_space<hbm>> -> memref<10000x128xf32, #tpu.memory_space<hbm>>
        %dma_start3A_141 = arith.constant 0 : i32
        %dma_start3A_142 = arith.constant 0 : i32
        %dma_start3A_143 = tpu.memref_slice %dma_start3A_140[%dma_start3A_141, %dma_start3A_142] : memref<10000x128xf32, #tpu.memory_space<hbm>> -> memref<10000x128xf32, #tpu.memory_space<hbm>>
        tpu.enqueue_indirect_dma source(%dma_start3A_143 : memref<10000x128xf32, #tpu.memory_space<hbm>>) target(%arg9 : memref<120x128xf32, #tpu.memory_space<vmem>>) offsets(%dma_start3A_136 : memref<120xi32, #tpu.memory_space<vmem>>) semaphore(%arg12 : memref<!tpu.dma_semaphore, #tpu.memory_space<semaphore_mem>>)
        %dma_wait3A_144 = arith.constant 1 : i32
        %dma_wait3A_145 = arith.constant 0 : i32
        %dma_wait3A_146 = tpu.memref_slice %arg8[%dma_wait3A_144, %dma_wait3A_145] : memref<12x120xi32, #tpu.memory_space<vmem>> -> memref<1x120xi32, #tpu.memory_space<vmem>>
        %dma_wait3A_147 = tpu.memref_squeeze %dma_wait3A_146 : memref<1x120xi32, #tpu.memory_space<vmem>> -> memref<120xi32, #tpu.memory_space<vmem>>
        %dma_wait3A_148 = arith.constant 0 : i32
        %dma_wait3A_149 = arith.constant 0 : i32
        %dma_wait3A_150 = tpu.memref_slice %arg6[%dma_wait3A_148, %dma_wait3A_149] : memref<10112x128xf32, #tpu.memory_space<vmem_shared>> -> memref<10112x128xf32, #tpu.memory_space<vmem_shared>>
        tpu.wait_indirect_dma semaphore(%arg16 : memref<!tpu.dma_semaphore, #tpu.memory_space<semaphore_mem>>) src(%arg10 : memref<120x128xf32, #tpu.memory_space<vmem>>) dst(%dma_wait3A_150 : memref<10112x128xf32, #tpu.memory_space<vmem_shared>>)
        %dma_start3A_151 = arith.constant 4 : i32
        %dma_start3A_152 = arith.constant 0 : i32
        %dma_start3A_153 = tpu.memref_slice %arg7[%dma_start3A_151, %dma_start3A_152] : memref<12x120xi32, #tpu.memory_space<vmem>> -> memref<1x120xi32, #tpu.memory_space<vmem>>
        %dma_start3A_154 = tpu.memref_squeeze %dma_start3A_153 : memref<1x120xi32, #tpu.memory_space<vmem>> -> memref<120xi32, #tpu.memory_space<vmem>>
        %dma_start3A_155 = arith.constant 0 : i32
        %dma_start3A_156 = arith.constant 0 : i32
        %dma_start3A_157 = tpu.memref_slice %arg2[%scan3A, %dma_start3A_155, %dma_start3A_156] : memref<2x10000x128xf32, #tpu.memory_space<hbm>> -> memref<1x10000x128xf32, #tpu.memory_space<hbm>>
        %dma_start3A_158 = tpu.memref_squeeze %dma_start3A_157 : memref<1x10000x128xf32, #tpu.memory_space<hbm>> -> memref<10000x128xf32, #tpu.memory_space<hbm>>
        %dma_start3A_159 = arith.constant 0 : i32
        %dma_start3A_160 = arith.constant 0 : i32
        %dma_start3A_161 = tpu.memref_slice %dma_start3A_158[%dma_start3A_159, %dma_start3A_160] : memref<10000x128xf32, #tpu.memory_space<hbm>> -> memref<10000x128xf32, #tpu.memory_space<hbm>>
        tpu.enqueue_indirect_dma source(%dma_start3A_161 : memref<10000x128xf32, #tpu.memory_space<hbm>>) target(%arg10 : memref<120x128xf32, #tpu.memory_space<vmem>>) offsets(%dma_start3A_154 : memref<120xi32, #tpu.memory_space<vmem>>) semaphore(%arg13 : memref<!tpu.dma_semaphore, #tpu.memory_space<semaphore_mem>>)
        %dma_wait3A_162 = arith.constant 2 : i32
        %dma_wait3A_163 = arith.constant 0 : i32
        %dma_wait3A_164 = tpu.memref_slice %arg8[%dma_wait3A_162, %dma_wait3A_163] : memref<12x120xi32, #tpu.memory_space<vmem>> -> memref<1x120xi32, #tpu.memory_space<vmem>>
        %dma_wait3A_165 = tpu.memref_squeeze %dma_wait3A_164 : memref<1x120xi32, #tpu.memory_space<vmem>> -> memref<120xi32, #tpu.memory_space<vmem>>
        %dma_wait3A_166 = arith.constant 0 : i32
        %dma_wait3A_167 = arith.constant 0 : i32
        %dma_wait3A_168 = tpu.memref_slice %arg6[%dma_wait3A_166, %dma_wait3A_167] : memref<10112x128xf32, #tpu.memory_space<vmem_shared>> -> memref<10112x128xf32, #tpu.memory_space<vmem_shared>>
        tpu.wait_indirect_dma semaphore(%arg17 : memref<!tpu.dma_semaphore, #tpu.memory_space<semaphore_mem>>) src(%arg11 : memref<120x128xf32, #tpu.memory_space<vmem>>) dst(%dma_wait3A_168 : memref<10112x128xf32, #tpu.memory_space<vmem_shared>>)
        %dma_start3A_169 = arith.constant 5 : i32
        %dma_start3A_170 = arith.constant 0 : i32
        %dma_start3A_171 = tpu.memref_slice %arg7[%dma_start3A_169, %dma_start3A_170] : memref<12x120xi32, #tpu.memory_space<vmem>> -> memref<1x120xi32, #tpu.memory_space<vmem>>
        %dma_start3A_172 = tpu.memref_squeeze %dma_start3A_171 : memref<1x120xi32, #tpu.memory_space<vmem>> -> memref<120xi32, #tpu.memory_space<vmem>>
        %dma_start3A_173 = arith.constant 0 : i32
        %dma_start3A_174 = arith.constant 0 : i32
        %dma_start3A_175 = tpu.memref_slice %arg2[%scan3A, %dma_start3A_173, %dma_start3A_174] : memref<2x10000x128xf32, #tpu.memory_space<hbm>> -> memref<1x10000x128xf32, #tpu.memory_space<hbm>>
        %dma_start3A_176 = tpu.memref_squeeze %dma_start3A_175 : memref<1x10000x128xf32, #tpu.memory_space<hbm>> -> memref<10000x128xf32, #tpu.memory_space<hbm>>
        %dma_start3A_177 = arith.constant 0 : i32
        %dma_start3A_178 = arith.constant 0 : i32
        %dma_start3A_179 = tpu.memref_slice %dma_start3A_176[%dma_start3A_177, %dma_start3A_178] : memref<10000x128xf32, #tpu.memory_space<hbm>> -> memref<10000x128xf32, #tpu.memory_space<hbm>>
        tpu.enqueue_indirect_dma source(%dma_start3A_179 : memref<10000x128xf32, #tpu.memory_space<hbm>>) target(%arg11 : memref<120x128xf32, #tpu.memory_space<vmem>>) offsets(%dma_start3A_172 : memref<120xi32, #tpu.memory_space<vmem>>) semaphore(%arg14 : memref<!tpu.dma_semaphore, #tpu.memory_space<semaphore_mem>>)
        %dma_wait3A_180 = arith.constant 3 : i32
        %dma_wait3A_181 = arith.constant 0 : i32
        %dma_wait3A_182 = tpu.memref_slice %arg7[%dma_wait3A_180, %dma_wait3A_181] : memref<12x120xi32, #tpu.memory_space<vmem>> -> memref<1x120xi32, #tpu.memory_space<vmem>>
        %dma_wait3A_183 = tpu.memref_squeeze %dma_wait3A_182 : memref<1x120xi32, #tpu.memory_space<vmem>> -> memref<120xi32, #tpu.memory_space<vmem>>
        %dma_wait3A_184 = arith.constant 0 : i32
        %dma_wait3A_185 = arith.constant 0 : i32
        %dma_wait3A_186 = tpu.memref_slice %arg2[%scan3A, %dma_wait3A_184, %dma_wait3A_185] : memref<2x10000x128xf32, #tpu.memory_space<hbm>> -> memref<1x10000x128xf32, #tpu.memory_space<hbm>>
        %dma_wait3A_187 = tpu.memref_squeeze %dma_wait3A_186 : memref<1x10000x128xf32, #tpu.memory_space<hbm>> -> memref<10000x128xf32, #tpu.memory_space<hbm>>
        %dma_wait3A_188 = arith.constant 0 : i32
        %dma_wait3A_189 = arith.constant 0 : i32
        %dma_wait3A_190 = tpu.memref_slice %dma_wait3A_187[%dma_wait3A_188, %dma_wait3A_189] : memref<10000x128xf32, #tpu.memory_space<hbm>> -> memref<10000x128xf32, #tpu.memory_space<hbm>>
        tpu.wait_indirect_dma semaphore(%arg12 : memref<!tpu.dma_semaphore, #tpu.memory_space<semaphore_mem>>) src(%dma_wait3A_190 : memref<10000x128xf32, #tpu.memory_space<hbm>>) dst(%arg9 : memref<120x128xf32, #tpu.memory_space<vmem>>)
        %dma_start3A_191 = arith.constant 3 : i32
        %dma_start3A_192 = arith.constant 0 : i32
        %dma_start3A_193 = tpu.memref_slice %arg8[%dma_start3A_191, %dma_start3A_192] : memref<12x120xi32, #tpu.memory_space<vmem>> -> memref<1x120xi32, #tpu.memory_space<vmem>>
        %dma_start3A_194 = tpu.memref_squeeze %dma_start3A_193 : memref<1x120xi32, #tpu.memory_space<vmem>> -> memref<120xi32, #tpu.memory_space<vmem>>
        %dma_start3A_195 = arith.constant 0 : i32
        %dma_start3A_196 = arith.constant 0 : i32
        %dma_start3A_197 = tpu.memref_slice %arg6[%dma_start3A_195, %dma_start3A_196] : memref<10112x128xf32, #tpu.memory_space<vmem_shared>> -> memref<10112x128xf32, #tpu.memory_space<vmem_shared>>
        tpu.enqueue_indirect_dma source(%arg9 : memref<120x128xf32, #tpu.memory_space<vmem>>) target(%dma_start3A_197 : memref<10112x128xf32, #tpu.memory_space<vmem_shared>>) offsets(%dma_start3A_194 : memref<120xi32, #tpu.memory_space<vmem>>) semaphore(%arg15 : memref<!tpu.dma_semaphore, #tpu.memory_space<semaphore_mem>>) {add = true}
        %dma_wait3A_198 = arith.constant 4 : i32
        %dma_wait3A_199 = arith.constant 0 : i32
        %dma_wait3A_200 = tpu.memref_slice %arg7[%dma_wait3A_198, %dma_wait3A_199] : memref<12x120xi32, #tpu.memory_space<vmem>> -> memref<1x120xi32, #tpu.memory_space<vmem>>
        %dma_wait3A_201 = tpu.memref_squeeze %dma_wait3A_200 : memref<1x120xi32, #tpu.memory_space<vmem>> -> memref<120xi32, #tpu.memory_space<vmem>>
        %dma_wait3A_202 = arith.constant 0 : i32
        %dma_wait3A_203 = arith.constant 0 : i32
        %dma_wait3A_204 = tpu.memref_slice %arg2[%scan3A, %dma_wait3A_202, %dma_wait3A_203] : memref<2x10000x128xf32, #tpu.memory_space<hbm>> -> memref<1x10000x128xf32, #tpu.memory_space<hbm>>
        %dma_wait3A_205 = tpu.memref_squeeze %dma_wait3A_204 : memref<1x10000x128xf32, #tpu.memory_space<hbm>> -> memref<10000x128xf32, #tpu.memory_space<hbm>>
        %dma_wait3A_206 = arith.constant 0 : i32
        %dma_wait3A_207 = arith.constant 0 : i32
        %dma_wait3A_208 = tpu.memref_slice %dma_wait3A_205[%dma_wait3A_206, %dma_wait3A_207] : memref<10000x128xf32, #tpu.memory_space<hbm>> -> memref<10000x128xf32, #tpu.memory_space<hbm>>
        tpu.wait_indirect_dma semaphore(%arg13 : memref<!tpu.dma_semaphore, #tpu.memory_space<semaphore_mem>>) src(%dma_wait3A_208 : memref<10000x128xf32, #tpu.memory_space<hbm>>) dst(%arg10 : memref<120x128xf32, #tpu.memory_space<vmem>>)
        %dma_start3A_209 = arith.constant 4 : i32
        %dma_start3A_210 = arith.constant 0 : i32
        %dma_start3A_211 = tpu.memref_slice %arg8[%dma_start3A_209, %dma_start3A_210] : memref<12x120xi32, #tpu.memory_space<vmem>> -> memref<1x120xi32, #tpu.memory_space<vmem>>
        %dma_start3A_212 = tpu.memref_squeeze %dma_start3A_211 : memref<1x120xi32, #tpu.memory_space<vmem>> -> memref<120xi32, #tpu.memory_space<vmem>>
        %dma_start3A_213 = arith.constant 0 : i32
        %dma_start3A_214 = arith.constant 0 : i32
        %dma_start3A_215 = tpu.memref_slice %arg6[%dma_start3A_213, %dma_start3A_214] : memref<10112x128xf32, #tpu.memory_space<vmem_shared>> -> memref<10112x128xf32, #tpu.memory_space<vmem_shared>>
        tpu.enqueue_indirect_dma source(%arg10 : memref<120x128xf32, #tpu.memory_space<vmem>>) target(%dma_start3A_215 : memref<10112x128xf32, #tpu.memory_space<vmem_shared>>) offsets(%dma_start3A_212 : memref<120xi32, #tpu.memory_space<vmem>>) semaphore(%arg16 : memref<!tpu.dma_semaphore, #tpu.memory_space<semaphore_mem>>) {add = true}
        %dma_wait3A_216 = arith.constant 5 : i32
        %dma_wait3A_217 = arith.constant 0 : i32
        %dma_wait3A_218 = tpu.memref_slice %arg7[%dma_wait3A_216, %dma_wait3A_217] : memref<12x120xi32, #tpu.memory_space<vmem>> -> memref<1x120xi32, #tpu.memory_space<vmem>>
        %dma_wait3A_219 = tpu.memref_squeeze %dma_wait3A_218 : memref<1x120xi32, #tpu.memory_space<vmem>> -> memref<120xi32, #tpu.memory_space<vmem>>
        %dma_wait3A_220 = arith.constant 0 : i32
        %dma_wait3A_221 = arith.constant 0 : i32
        %dma_wait3A_222 = tpu.memref_slice %arg2[%scan3A, %dma_wait3A_220, %dma_wait3A_221] : memref<2x10000x128xf32, #tpu.memory_space<hbm>> -> memref<1x10000x128xf32, #tpu.memory_space<hbm>>
        %dma_wait3A_223 = tpu.memref_squeeze %dma_wait3A_222 : memref<1x10000x128xf32, #tpu.memory_space<hbm>> -> memref<10000x128xf32, #tpu.memory_space<hbm>>
        %dma_wait3A_224 = arith.constant 0 : i32
        %dma_wait3A_225 = arith.constant 0 : i32
        %dma_wait3A_226 = tpu.memref_slice %dma_wait3A_223[%dma_wait3A_224, %dma_wait3A_225] : memref<10000x128xf32, #tpu.memory_space<hbm>> -> memref<10000x128xf32, #tpu.memory_space<hbm>>
        tpu.wait_indirect_dma semaphore(%arg14 : memref<!tpu.dma_semaphore, #tpu.memory_space<semaphore_mem>>) src(%dma_wait3A_226 : memref<10000x128xf32, #tpu.memory_space<hbm>>) dst(%arg11 : memref<120x128xf32, #tpu.memory_space<vmem>>)
        %dma_start3A_227 = arith.constant 5 : i32
        %dma_start3A_228 = arith.constant 0 : i32
        %dma_start3A_229 = tpu.memref_slice %arg8[%dma_start3A_227, %dma_start3A_228] : memref<12x120xi32, #tpu.memory_space<vmem>> -> memref<1x120xi32, #tpu.memory_space<vmem>>
        %dma_start3A_230 = tpu.memref_squeeze %dma_start3A_229 : memref<1x120xi32, #tpu.memory_space<vmem>> -> memref<120xi32, #tpu.memory_space<vmem>>
        %dma_start3A_231 = arith.constant 0 : i32
        %dma_start3A_232 = arith.constant 0 : i32
        %dma_start3A_233 = tpu.memref_slice %arg6[%dma_start3A_231, %dma_start3A_232] : memref<10112x128xf32, #tpu.memory_space<vmem_shared>> -> memref<10112x128xf32, #tpu.memory_space<vmem_shared>>
        tpu.enqueue_indirect_dma source(%arg11 : memref<120x128xf32, #tpu.memory_space<vmem>>) target(%dma_start3A_233 : memref<10112x128xf32, #tpu.memory_space<vmem_shared>>) offsets(%dma_start3A_230 : memref<120xi32, #tpu.memory_space<vmem>>) semaphore(%arg17 : memref<!tpu.dma_semaphore, #tpu.memory_space<semaphore_mem>>) {add = true}
        %dma_wait3A_234 = arith.constant 3 : i32
        %dma_wait3A_235 = arith.constant 0 : i32
        %dma_wait3A_236 = tpu.memref_slice %arg8[%dma_wait3A_234, %dma_wait3A_235] : memref<12x120xi32, #tpu.memory_space<vmem>> -> memref<1x120xi32, #tpu.memory_space<vmem>>
        %dma_wait3A_237 = tpu.memref_squeeze %dma_wait3A_236 : memref<1x120xi32, #tpu.memory_space<vmem>> -> memref<120xi32, #tpu.memory_space<vmem>>
        %dma_wait3A_238 = arith.constant 0 : i32
        %dma_wait3A_239 = arith.constant 0 : i32
        %dma_wait3A_240 = tpu.memref_slice %arg6[%dma_wait3A_238, %dma_wait3A_239] : memref<10112x128xf32, #tpu.memory_space<vmem_shared>> -> memref<10112x128xf32, #tpu.memory_space<vmem_shared>>
        tpu.wait_indirect_dma semaphore(%arg15 : memref<!tpu.dma_semaphore, #tpu.memory_space<semaphore_mem>>) src(%arg9 : memref<120x128xf32, #tpu.memory_space<vmem>>) dst(%dma_wait3A_240 : memref<10112x128xf32, #tpu.memory_space<vmem_shared>>)
        %dma_start3A_241 = arith.constant 6 : i32
        %dma_start3A_242 = arith.constant 0 : i32
        %dma_start3A_243 = tpu.memref_slice %arg7[%dma_start3A_241, %dma_start3A_242] : memref<12x120xi32, #tpu.memory_space<vmem>> -> memref<1x120xi32, #tpu.memory_space<vmem>>
        %dma_start3A_244 = tpu.memref_squeeze %dma_start3A_243 : memref<1x120xi32, #tpu.memory_space<vmem>> -> memref<120xi32, #tpu.memory_space<vmem>>
        %dma_start3A_245 = arith.constant 0 : i32
        %dma_start3A_246 = arith.constant 0 : i32
        %dma_start3A_247 = tpu.memref_slice %arg2[%scan3A, %dma_start3A_245, %dma_start3A_246] : memref<2x10000x128xf32, #tpu.memory_space<hbm>> -> memref<1x10000x128xf32, #tpu.memory_space<hbm>>
        %dma_start3A_248 = tpu.memref_squeeze %dma_start3A_247 : memref<1x10000x128xf32, #tpu.memory_space<hbm>> -> memref<10000x128xf32, #tpu.memory_space<hbm>>
        %dma_start3A_249 = arith.constant 0 : i32
        %dma_start3A_250 = arith.constant 0 : i32
        %dma_start3A_251 = tpu.memref_slice %dma_start3A_248[%dma_start3A_249, %dma_start3A_250] : memref<10000x128xf32, #tpu.memory_space<hbm>> -> memref<10000x128xf32, #tpu.memory_space<hbm>>
        tpu.enqueue_indirect_dma source(%dma_start3A_251 : memref<10000x128xf32, #tpu.memory_space<hbm>>) target(%arg9 : memref<120x128xf32, #tpu.memory_space<vmem>>) offsets(%dma_start3A_244 : memref<120xi32, #tpu.memory_space<vmem>>) semaphore(%arg12 : memref<!tpu.dma_semaphore, #tpu.memory_space<semaphore_mem>>)
        %dma_wait3A_252 = arith.constant 4 : i32
        %dma_wait3A_253 = arith.constant 0 : i32
        %dma_wait3A_254 = tpu.memref_slice %arg8[%dma_wait3A_252, %dma_wait3A_253] : memref<12x120xi32, #tpu.memory_space<vmem>> -> memref<1x120xi32, #tpu.memory_space<vmem>>
        %dma_wait3A_255 = tpu.memref_squeeze %dma_wait3A_254 : memref<1x120xi32, #tpu.memory_space<vmem>> -> memref<120xi32, #tpu.memory_space<vmem>>
        %dma_wait3A_256 = arith.constant 0 : i32
        %dma_wait3A_257 = arith.constant 0 : i32
        %dma_wait3A_258 = tpu.memref_slice %arg6[%dma_wait3A_256, %dma_wait3A_257] : memref<10112x128xf32, #tpu.memory_space<vmem_shared>> -> memref<10112x128xf32, #tpu.memory_space<vmem_shared>>
        tpu.wait_indirect_dma semaphore(%arg16 : memref<!tpu.dma_semaphore, #tpu.memory_space<semaphore_mem>>) src(%arg10 : memref<120x128xf32, #tpu.memory_space<vmem>>) dst(%dma_wait3A_258 : memref<10112x128xf32, #tpu.memory_space<vmem_shared>>)
        %dma_start3A_259 = arith.constant 7 : i32
        %dma_start3A_260 = arith.constant 0 : i32
        %dma_start3A_261 = tpu.memref_slice %arg7[%dma_start3A_259, %dma_start3A_260] : memref<12x120xi32, #tpu.memory_space<vmem>> -> memref<1x120xi32, #tpu.memory_space<vmem>>
        %dma_start3A_262 = tpu.memref_squeeze %dma_start3A_261 : memref<1x120xi32, #tpu.memory_space<vmem>> -> memref<120xi32, #tpu.memory_space<vmem>>
        %dma_start3A_263 = arith.constant 0 : i32
        %dma_start3A_264 = arith.constant 0 : i32
        %dma_start3A_265 = tpu.memref_slice %arg2[%scan3A, %dma_start3A_263, %dma_start3A_264] : memref<2x10000x128xf32, #tpu.memory_space<hbm>> -> memref<1x10000x128xf32, #tpu.memory_space<hbm>>
        %dma_start3A_266 = tpu.memref_squeeze %dma_start3A_265 : memref<1x10000x128xf32, #tpu.memory_space<hbm>> -> memref<10000x128xf32, #tpu.memory_space<hbm>>
        %dma_start3A_267 = arith.constant 0 : i32
        %dma_start3A_268 = arith.constant 0 : i32
        %dma_start3A_269 = tpu.memref_slice %dma_start3A_266[%dma_start3A_267, %dma_start3A_268] : memref<10000x128xf32, #tpu.memory_space<hbm>> -> memref<10000x128xf32, #tpu.memory_space<hbm>>
        tpu.enqueue_indirect_dma source(%dma_start3A_269 : memref<10000x128xf32, #tpu.memory_space<hbm>>) target(%arg10 : memref<120x128xf32, #tpu.memory_space<vmem>>) offsets(%dma_start3A_262 : memref<120xi32, #tpu.memory_space<vmem>>) semaphore(%arg13 : memref<!tpu.dma_semaphore, #tpu.memory_space<semaphore_mem>>)
        %dma_wait3A_270 = arith.constant 5 : i32
        %dma_wait3A_271 = arith.constant 0 : i32
        %dma_wait3A_272 = tpu.memref_slice %arg8[%dma_wait3A_270, %dma_wait3A_271] : memref<12x120xi32, #tpu.memory_space<vmem>> -> memref<1x120xi32, #tpu.memory_space<vmem>>
        %dma_wait3A_273 = tpu.memref_squeeze %dma_wait3A_272 : memref<1x120xi32, #tpu.memory_space<vmem>> -> memref<120xi32, #tpu.memory_space<vmem>>
        %dma_wait3A_274 = arith.constant 0 : i32
        %dma_wait3A_275 = arith.constant 0 : i32
        %dma_wait3A_276 = tpu.memref_slice %arg6[%dma_wait3A_274, %dma_wait3A_275] : memref<10112x128xf32, #tpu.memory_space<vmem_shared>> -> memref<10112x128xf32, #tpu.memory_space<vmem_shared>>
        tpu.wait_indirect_dma semaphore(%arg17 : memref<!tpu.dma_semaphore, #tpu.memory_space<semaphore_mem>>) src(%arg11 : memref<120x128xf32, #tpu.memory_space<vmem>>) dst(%dma_wait3A_276 : memref<10112x128xf32, #tpu.memory_space<vmem_shared>>)
        %dma_start3A_277 = arith.constant 8 : i32
        %dma_start3A_278 = arith.constant 0 : i32
        %dma_start3A_279 = tpu.memref_slice %arg7[%dma_start3A_277, %dma_start3A_278] : memref<12x120xi32, #tpu.memory_space<vmem>> -> memref<1x120xi32, #tpu.memory_space<vmem>>
        %dma_start3A_280 = tpu.memref_squeeze %dma_start3A_279 : memref<1x120xi32, #tpu.memory_space<vmem>> -> memref<120xi32, #tpu.memory_space<vmem>>
        %dma_start3A_281 = arith.constant 0 : i32
        %dma_start3A_282 = arith.constant 0 : i32
        %dma_start3A_283 = tpu.memref_slice %arg2[%scan3A, %dma_start3A_281, %dma_start3A_282] : memref<2x10000x128xf32, #tpu.memory_space<hbm>> -> memref<1x10000x128xf32, #tpu.memory_space<hbm>>
        %dma_start3A_284 = tpu.memref_squeeze %dma_start3A_283 : memref<1x10000x128xf32, #tpu.memory_space<hbm>> -> memref<10000x128xf32, #tpu.memory_space<hbm>>
        %dma_start3A_285 = arith.constant 0 : i32
        %dma_start3A_286 = arith.constant 0 : i32
        %dma_start3A_287 = tpu.memref_slice %dma_start3A_284[%dma_start3A_285, %dma_start3A_286] : memref<10000x128xf32, #tpu.memory_space<hbm>> -> memref<10000x128xf32, #tpu.memory_space<hbm>>
        tpu.enqueue_indirect_dma source(%dma_start3A_287 : memref<10000x128xf32, #tpu.memory_space<hbm>>) target(%arg11 : memref<120x128xf32, #tpu.memory_space<vmem>>) offsets(%dma_start3A_280 : memref<120xi32, #tpu.memory_space<vmem>>) semaphore(%arg14 : memref<!tpu.dma_semaphore, #tpu.memory_space<semaphore_mem>>)
        %dma_wait3A_288 = arith.constant 6 : i32
        %dma_wait3A_289 = arith.constant 0 : i32
        %dma_wait3A_290 = tpu.memref_slice %arg7[%dma_wait3A_288, %dma_wait3A_289] : memref<12x120xi32, #tpu.memory_space<vmem>> -> memref<1x120xi32, #tpu.memory_space<vmem>>
        %dma_wait3A_291 = tpu.memref_squeeze %dma_wait3A_290 : memref<1x120xi32, #tpu.memory_space<vmem>> -> memref<120xi32, #tpu.memory_space<vmem>>
        %dma_wait3A_292 = arith.constant 0 : i32
        %dma_wait3A_293 = arith.constant 0 : i32
        %dma_wait3A_294 = tpu.memref_slice %arg2[%scan3A, %dma_wait3A_292, %dma_wait3A_293] : memref<2x10000x128xf32, #tpu.memory_space<hbm>> -> memref<1x10000x128xf32, #tpu.memory_space<hbm>>
        %dma_wait3A_295 = tpu.memref_squeeze %dma_wait3A_294 : memref<1x10000x128xf32, #tpu.memory_space<hbm>> -> memref<10000x128xf32, #tpu.memory_space<hbm>>
        %dma_wait3A_296 = arith.constant 0 : i32
        %dma_wait3A_297 = arith.constant 0 : i32
        %dma_wait3A_298 = tpu.memref_slice %dma_wait3A_295[%dma_wait3A_296, %dma_wait3A_297] : memref<10000x128xf32, #tpu.memory_space<hbm>> -> memref<10000x128xf32, #tpu.memory_space<hbm>>
        tpu.wait_indirect_dma semaphore(%arg12 : memref<!tpu.dma_semaphore, #tpu.memory_space<semaphore_mem>>) src(%dma_wait3A_298 : memref<10000x128xf32, #tpu.memory_space<hbm>>) dst(%arg9 : memref<120x128xf32, #tpu.memory_space<vmem>>)
        %dma_start3A_299 = arith.constant 6 : i32
        %dma_start3A_300 = arith.constant 0 : i32
        %dma_start3A_301 = tpu.memref_slice %arg8[%dma_start3A_299, %dma_start3A_300] : memref<12x120xi32, #tpu.memory_space<vmem>> -> memref<1x120xi32, #tpu.memory_space<vmem>>
        %dma_start3A_302 = tpu.memref_squeeze %dma_start3A_301 : memref<1x120xi32, #tpu.memory_space<vmem>> -> memref<120xi32, #tpu.memory_space<vmem>>
        %dma_start3A_303 = arith.constant 0 : i32
        %dma_start3A_304 = arith.constant 0 : i32
        %dma_start3A_305 = tpu.memref_slice %arg6[%dma_start3A_303, %dma_start3A_304] : memref<10112x128xf32, #tpu.memory_space<vmem_shared>> -> memref<10112x128xf32, #tpu.memory_space<vmem_shared>>
        tpu.enqueue_indirect_dma source(%arg9 : memref<120x128xf32, #tpu.memory_space<vmem>>) target(%dma_start3A_305 : memref<10112x128xf32, #tpu.memory_space<vmem_shared>>) offsets(%dma_start3A_302 : memref<120xi32, #tpu.memory_space<vmem>>) semaphore(%arg15 : memref<!tpu.dma_semaphore, #tpu.memory_space<semaphore_mem>>) {add = true}
        %dma_wait3A_306 = arith.constant 7 : i32
        %dma_wait3A_307 = arith.constant 0 : i32
        %dma_wait3A_308 = tpu.memref_slice %arg7[%dma_wait3A_306, %dma_wait3A_307] : memref<12x120xi32, #tpu.memory_space<vmem>> -> memref<1x120xi32, #tpu.memory_space<vmem>>
        %dma_wait3A_309 = tpu.memref_squeeze %dma_wait3A_308 : memref<1x120xi32, #tpu.memory_space<vmem>> -> memref<120xi32, #tpu.memory_space<vmem>>
        %dma_wait3A_310 = arith.constant 0 : i32
        %dma_wait3A_311 = arith.constant 0 : i32
        %dma_wait3A_312 = tpu.memref_slice %arg2[%scan3A, %dma_wait3A_310, %dma_wait3A_311] : memref<2x10000x128xf32, #tpu.memory_space<hbm>> -> memref<1x10000x128xf32, #tpu.memory_space<hbm>>
        %dma_wait3A_313 = tpu.memref_squeeze %dma_wait3A_312 : memref<1x10000x128xf32, #tpu.memory_space<hbm>> -> memref<10000x128xf32, #tpu.memory_space<hbm>>
        %dma_wait3A_314 = arith.constant 0 : i32
        %dma_wait3A_315 = arith.constant 0 : i32
        %dma_wait3A_316 = tpu.memref_slice %dma_wait3A_313[%dma_wait3A_314, %dma_wait3A_315] : memref<10000x128xf32, #tpu.memory_space<hbm>> -> memref<10000x128xf32, #tpu.memory_space<hbm>>
        tpu.wait_indirect_dma semaphore(%arg13 : memref<!tpu.dma_semaphore, #tpu.memory_space<semaphore_mem>>) src(%dma_wait3A_316 : memref<10000x128xf32, #tpu.memory_space<hbm>>) dst(%arg10 : memref<120x128xf32, #tpu.memory_space<vmem>>)
        %dma_start3A_317 = arith.constant 7 : i32
        %dma_start3A_318 = arith.constant 0 : i32
        %dma_start3A_319 = tpu.memref_slice %arg8[%dma_start3A_317, %dma_start3A_318] : memref<12x120xi32, #tpu.memory_space<vmem>> -> memref<1x120xi32, #tpu.memory_space<vmem>>
        %dma_start3A_320 = tpu.memref_squeeze %dma_start3A_319 : memref<1x120xi32, #tpu.memory_space<vmem>> -> memref<120xi32, #tpu.memory_space<vmem>>
        %dma_start3A_321 = arith.constant 0 : i32
        %dma_start3A_322 = arith.constant 0 : i32
        %dma_start3A_323 = tpu.memref_slice %arg6[%dma_start3A_321, %dma_start3A_322] : memref<10112x128xf32, #tpu.memory_space<vmem_shared>> -> memref<10112x128xf32, #tpu.memory_space<vmem_shared>>
        tpu.enqueue_indirect_dma source(%arg10 : memref<120x128xf32, #tpu.memory_space<vmem>>) target(%dma_start3A_323 : memref<10112x128xf32, #tpu.memory_space<vmem_shared>>) offsets(%dma_start3A_320 : memref<120xi32, #tpu.memory_space<vmem>>) semaphore(%arg16 : memref<!tpu.dma_semaphore, #tpu.memory_space<semaphore_mem>>) {add = true}
        %dma_wait3A_324 = arith.constant 8 : i32
        %dma_wait3A_325 = arith.constant 0 : i32
        %dma_wait3A_326 = tpu.memref_slice %arg7[%dma_wait3A_324, %dma_wait3A_325] : memref<12x120xi32, #tpu.memory_space<vmem>> -> memref<1x120xi32, #tpu.memory_space<vmem>>
        %dma_wait3A_327 = tpu.memref_squeeze %dma_wait3A_326 : memref<1x120xi32, #tpu.memory_space<vmem>> -> memref<120xi32, #tpu.memory_space<vmem>>
        %dma_wait3A_328 = arith.constant 0 : i32
        %dma_wait3A_329 = arith.constant 0 : i32
        %dma_wait3A_330 = tpu.memref_slice %arg2[%scan3A, %dma_wait3A_328, %dma_wait3A_329] : memref<2x10000x128xf32, #tpu.memory_space<hbm>> -> memref<1x10000x128xf32, #tpu.memory_space<hbm>>
        %dma_wait3A_331 = tpu.memref_squeeze %dma_wait3A_330 : memref<1x10000x128xf32, #tpu.memory_space<hbm>> -> memref<10000x128xf32, #tpu.memory_space<hbm>>
        %dma_wait3A_332 = arith.constant 0 : i32
        %dma_wait3A_333 = arith.constant 0 : i32
        %dma_wait3A_334 = tpu.memref_slice %dma_wait3A_331[%dma_wait3A_332, %dma_wait3A_333] : memref<10000x128xf32, #tpu.memory_space<hbm>> -> memref<10000x128xf32, #tpu.memory_space<hbm>>
        tpu.wait_indirect_dma semaphore(%arg14 : memref<!tpu.dma_semaphore, #tpu.memory_space<semaphore_mem>>) src(%dma_wait3A_334 : memref<10000x128xf32, #tpu.memory_space<hbm>>) dst(%arg11 : memref<120x128xf32, #tpu.memory_space<vmem>>)
        %dma_start3A_335 = arith.constant 8 : i32
        %dma_start3A_336 = arith.constant 0 : i32
        %dma_start3A_337 = tpu.memref_slice %arg8[%dma_start3A_335, %dma_start3A_336] : memref<12x120xi32, #tpu.memory_space<vmem>> -> memref<1x120xi32, #tpu.memory_space<vmem>>
        %dma_start3A_338 = tpu.memref_squeeze %dma_start3A_337 : memref<1x120xi32, #tpu.memory_space<vmem>> -> memref<120xi32, #tpu.memory_space<vmem>>
        %dma_start3A_339 = arith.constant 0 : i32
        %dma_start3A_340 = arith.constant 0 : i32
        %dma_start3A_341 = tpu.memref_slice %arg6[%dma_start3A_339, %dma_start3A_340] : memref<10112x128xf32, #tpu.memory_space<vmem_shared>> -> memref<10112x128xf32, #tpu.memory_space<vmem_shared>>
        tpu.enqueue_indirect_dma source(%arg11 : memref<120x128xf32, #tpu.memory_space<vmem>>) target(%dma_start3A_341 : memref<10112x128xf32, #tpu.memory_space<vmem_shared>>) offsets(%dma_start3A_338 : memref<120xi32, #tpu.memory_space<vmem>>) semaphore(%arg17 : memref<!tpu.dma_semaphore, #tpu.memory_space<semaphore_mem>>) {add = true}
        %dma_wait3A_342 = arith.constant 6 : i32
        %dma_wait3A_343 = arith.constant 0 : i32
        %dma_wait3A_344 = tpu.memref_slice %arg8[%dma_wait3A_342, %dma_wait3A_343] : memref<12x120xi32, #tpu.memory_space<vmem>> -> memref<1x120xi32, #tpu.memory_space<vmem>>
        %dma_wait3A_345 = tpu.memref_squeeze %dma_wait3A_344 : memref<1x120xi32, #tpu.memory_space<vmem>> -> memref<120xi32, #tpu.memory_space<vmem>>
        %dma_wait3A_346 = arith.constant 0 : i32
        %dma_wait3A_347 = arith.constant 0 : i32
        %dma_wait3A_348 = tpu.memref_slice %arg6[%dma_wait3A_346, %dma_wait3A_347] : memref<10112x128xf32, #tpu.memory_space<vmem_shared>> -> memref<10112x128xf32, #tpu.memory_space<vmem_shared>>
        tpu.wait_indirect_dma semaphore(%arg15 : memref<!tpu.dma_semaphore, #tpu.memory_space<semaphore_mem>>) src(%arg9 : memref<120x128xf32, #tpu.memory_space<vmem>>) dst(%dma_wait3A_348 : memref<10112x128xf32, #tpu.memory_space<vmem_shared>>)
        %dma_start3A_349 = arith.constant 9 : i32
        %dma_start3A_350 = arith.constant 0 : i32
        %dma_start3A_351 = tpu.memref_slice %arg7[%dma_start3A_349, %dma_start3A_350] : memref<12x120xi32, #tpu.memory_space<vmem>> -> memref<1x120xi32, #tpu.memory_space<vmem>>
        %dma_start3A_352 = tpu.memref_squeeze %dma_start3A_351 : memref<1x120xi32, #tpu.memory_space<vmem>> -> memref<120xi32, #tpu.memory_space<vmem>>
        %dma_start3A_353 = arith.constant 0 : i32
        %dma_start3A_354 = arith.constant 0 : i32
        %dma_start3A_355 = tpu.memref_slice %arg2[%scan3A, %dma_start3A_353, %dma_start3A_354] : memref<2x10000x128xf32, #tpu.memory_space<hbm>> -> memref<1x10000x128xf32, #tpu.memory_space<hbm>>
        %dma_start3A_356 = tpu.memref_squeeze %dma_start3A_355 : memref<1x10000x128xf32, #tpu.memory_space<hbm>> -> memref<10000x128xf32, #tpu.memory_space<hbm>>
        %dma_start3A_357 = arith.constant 0 : i32
        %dma_start3A_358 = arith.constant 0 : i32
        %dma_start3A_359 = tpu.memref_slice %dma_start3A_356[%dma_start3A_357, %dma_start3A_358] : memref<10000x128xf32, #tpu.memory_space<hbm>> -> memref<10000x128xf32, #tpu.memory_space<hbm>>
        tpu.enqueue_indirect_dma source(%dma_start3A_359 : memref<10000x128xf32, #tpu.memory_space<hbm>>) target(%arg9 : memref<120x128xf32, #tpu.memory_space<vmem>>) offsets(%dma_start3A_352 : memref<120xi32, #tpu.memory_space<vmem>>) semaphore(%arg12 : memref<!tpu.dma_semaphore, #tpu.memory_space<semaphore_mem>>)
        %dma_wait3A_360 = arith.constant 7 : i32
        %dma_wait3A_361 = arith.constant 0 : i32
        %dma_wait3A_362 = tpu.memref_slice %arg8[%dma_wait3A_360, %dma_wait3A_361] : memref<12x120xi32, #tpu.memory_space<vmem>> -> memref<1x120xi32, #tpu.memory_space<vmem>>
        %dma_wait3A_363 = tpu.memref_squeeze %dma_wait3A_362 : memref<1x120xi32, #tpu.memory_space<vmem>> -> memref<120xi32, #tpu.memory_space<vmem>>
        %dma_wait3A_364 = arith.constant 0 : i32
        %dma_wait3A_365 = arith.constant 0 : i32
        %dma_wait3A_366 = tpu.memref_slice %arg6[%dma_wait3A_364, %dma_wait3A_365] : memref<10112x128xf32, #tpu.memory_space<vmem_shared>> -> memref<10112x128xf32, #tpu.memory_space<vmem_shared>>
        tpu.wait_indirect_dma semaphore(%arg16 : memref<!tpu.dma_semaphore, #tpu.memory_space<semaphore_mem>>) src(%arg10 : memref<120x128xf32, #tpu.memory_space<vmem>>) dst(%dma_wait3A_366 : memref<10112x128xf32, #tpu.memory_space<vmem_shared>>)
        %dma_start3A_367 = arith.constant 10 : i32
        %dma_start3A_368 = arith.constant 0 : i32
        %dma_start3A_369 = tpu.memref_slice %arg7[%dma_start3A_367, %dma_start3A_368] : memref<12x120xi32, #tpu.memory_space<vmem>> -> memref<1x120xi32, #tpu.memory_space<vmem>>
        %dma_start3A_370 = tpu.memref_squeeze %dma_start3A_369 : memref<1x120xi32, #tpu.memory_space<vmem>> -> memref<120xi32, #tpu.memory_space<vmem>>
        %dma_start3A_371 = arith.constant 0 : i32
        %dma_start3A_372 = arith.constant 0 : i32
        %dma_start3A_373 = tpu.memref_slice %arg2[%scan3A, %dma_start3A_371, %dma_start3A_372] : memref<2x10000x128xf32, #tpu.memory_space<hbm>> -> memref<1x10000x128xf32, #tpu.memory_space<hbm>>
        %dma_start3A_374 = tpu.memref_squeeze %dma_start3A_373 : memref<1x10000x128xf32, #tpu.memory_space<hbm>> -> memref<10000x128xf32, #tpu.memory_space<hbm>>
        %dma_start3A_375 = arith.constant 0 : i32
        %dma_start3A_376 = arith.constant 0 : i32
        %dma_start3A_377 = tpu.memref_slice %dma_start3A_374[%dma_start3A_375, %dma_start3A_376] : memref<10000x128xf32, #tpu.memory_space<hbm>> -> memref<10000x128xf32, #tpu.memory_space<hbm>>
        tpu.enqueue_indirect_dma source(%dma_start3A_377 : memref<10000x128xf32, #tpu.memory_space<hbm>>) target(%arg10 : memref<120x128xf32, #tpu.memory_space<vmem>>) offsets(%dma_start3A_370 : memref<120xi32, #tpu.memory_space<vmem>>) semaphore(%arg13 : memref<!tpu.dma_semaphore, #tpu.memory_space<semaphore_mem>>)
        %dma_wait3A_378 = arith.constant 8 : i32
        %dma_wait3A_379 = arith.constant 0 : i32
        %dma_wait3A_380 = tpu.memref_slice %arg8[%dma_wait3A_378, %dma_wait3A_379] : memref<12x120xi32, #tpu.memory_space<vmem>> -> memref<1x120xi32, #tpu.memory_space<vmem>>
        %dma_wait3A_381 = tpu.memref_squeeze %dma_wait3A_380 : memref<1x120xi32, #tpu.memory_space<vmem>> -> memref<120xi32, #tpu.memory_space<vmem>>
        %dma_wait3A_382 = arith.constant 0 : i32
        %dma_wait3A_383 = arith.constant 0 : i32
        %dma_wait3A_384 = tpu.memref_slice %arg6[%dma_wait3A_382, %dma_wait3A_383] : memref<10112x128xf32, #tpu.memory_space<vmem_shared>> -> memref<10112x128xf32, #tpu.memory_space<vmem_shared>>
        tpu.wait_indirect_dma semaphore(%arg17 : memref<!tpu.dma_semaphore, #tpu.memory_space<semaphore_mem>>) src(%arg11 : memref<120x128xf32, #tpu.memory_space<vmem>>) dst(%dma_wait3A_384 : memref<10112x128xf32, #tpu.memory_space<vmem_shared>>)
        %dma_start3A_385 = arith.constant 11 : i32
        %dma_start3A_386 = arith.constant 0 : i32
        %dma_start3A_387 = tpu.memref_slice %arg7[%dma_start3A_385, %dma_start3A_386] : memref<12x120xi32, #tpu.memory_space<vmem>> -> memref<1x120xi32, #tpu.memory_space<vmem>>
        %dma_start3A_388 = tpu.memref_squeeze %dma_start3A_387 : memref<1x120xi32, #tpu.memory_space<vmem>> -> memref<120xi32, #tpu.memory_space<vmem>>
        %dma_start3A_389 = arith.constant 0 : i32
        %dma_start3A_390 = arith.constant 0 : i32
        %dma_start3A_391 = tpu.memref_slice %arg2[%scan3A, %dma_start3A_389, %dma_start3A_390] : memref<2x10000x128xf32, #tpu.memory_space<hbm>> -> memref<1x10000x128xf32, #tpu.memory_space<hbm>>
        %dma_start3A_392 = tpu.memref_squeeze %dma_start3A_391 : memref<1x10000x128xf32, #tpu.memory_space<hbm>> -> memref<10000x128xf32, #tpu.memory_space<hbm>>
        %dma_start3A_393 = arith.constant 0 : i32
        %dma_start3A_394 = arith.constant 0 : i32
        %dma_start3A_395 = tpu.memref_slice %dma_start3A_392[%dma_start3A_393, %dma_start3A_394] : memref<10000x128xf32, #tpu.memory_space<hbm>> -> memref<10000x128xf32, #tpu.memory_space<hbm>>
        tpu.enqueue_indirect_dma source(%dma_start3A_395 : memref<10000x128xf32, #tpu.memory_space<hbm>>) target(%arg11 : memref<120x128xf32, #tpu.memory_space<vmem>>) offsets(%dma_start3A_388 : memref<120xi32, #tpu.memory_space<vmem>>) semaphore(%arg14 : memref<!tpu.dma_semaphore, #tpu.memory_space<semaphore_mem>>)
        %dma_wait3A_396 = arith.constant 9 : i32
        %dma_wait3A_397 = arith.constant 0 : i32
        %dma_wait3A_398 = tpu.memref_slice %arg7[%dma_wait3A_396, %dma_wait3A_397] : memref<12x120xi32, #tpu.memory_space<vmem>> -> memref<1x120xi32, #tpu.memory_space<vmem>>
        %dma_wait3A_399 = tpu.memref_squeeze %dma_wait3A_398 : memref<1x120xi32, #tpu.memory_space<vmem>> -> memref<120xi32, #tpu.memory_space<vmem>>
        %dma_wait3A_400 = arith.constant 0 : i32
        %dma_wait3A_401 = arith.constant 0 : i32
        %dma_wait3A_402 = tpu.memref_slice %arg2[%scan3A, %dma_wait3A_400, %dma_wait3A_401] : memref<2x10000x128xf32, #tpu.memory_space<hbm>> -> memref<1x10000x128xf32, #tpu.memory_space<hbm>>
        %dma_wait3A_403 = tpu.memref_squeeze %dma_wait3A_402 : memref<1x10000x128xf32, #tpu.memory_space<hbm>> -> memref<10000x128xf32, #tpu.memory_space<hbm>>
        %dma_wait3A_404 = arith.constant 0 : i32
        %dma_wait3A_405 = arith.constant 0 : i32
        %dma_wait3A_406 = tpu.memref_slice %dma_wait3A_403[%dma_wait3A_404, %dma_wait3A_405] : memref<10000x128xf32, #tpu.memory_space<hbm>> -> memref<10000x128xf32, #tpu.memory_space<hbm>>
        tpu.wait_indirect_dma semaphore(%arg12 : memref<!tpu.dma_semaphore, #tpu.memory_space<semaphore_mem>>) src(%dma_wait3A_406 : memref<10000x128xf32, #tpu.memory_space<hbm>>) dst(%arg9 : memref<120x128xf32, #tpu.memory_space<vmem>>)
        %dma_start3A_407 = arith.constant 9 : i32
        %dma_start3A_408 = arith.constant 0 : i32
        %dma_start3A_409 = tpu.memref_slice %arg8[%dma_start3A_407, %dma_start3A_408] : memref<12x120xi32, #tpu.memory_space<vmem>> -> memref<1x120xi32, #tpu.memory_space<vmem>>
        %dma_start3A_410 = tpu.memref_squeeze %dma_start3A_409 : memref<1x120xi32, #tpu.memory_space<vmem>> -> memref<120xi32, #tpu.memory_space<vmem>>
        %dma_start3A_411 = arith.constant 0 : i32
        %dma_start3A_412 = arith.constant 0 : i32
        %dma_start3A_413 = tpu.memref_slice %arg6[%dma_start3A_411, %dma_start3A_412] : memref<10112x128xf32, #tpu.memory_space<vmem_shared>> -> memref<10112x128xf32, #tpu.memory_space<vmem_shared>>
        tpu.enqueue_indirect_dma source(%arg9 : memref<120x128xf32, #tpu.memory_space<vmem>>) target(%dma_start3A_413 : memref<10112x128xf32, #tpu.memory_space<vmem_shared>>) offsets(%dma_start3A_410 : memref<120xi32, #tpu.memory_space<vmem>>) semaphore(%arg15 : memref<!tpu.dma_semaphore, #tpu.memory_space<semaphore_mem>>) {add = true}
        %dma_wait3A_414 = arith.constant 10 : i32
        %dma_wait3A_415 = arith.constant 0 : i32
        %dma_wait3A_416 = tpu.memref_slice %arg7[%dma_wait3A_414, %dma_wait3A_415] : memref<12x120xi32, #tpu.memory_space<vmem>> -> memref<1x120xi32, #tpu.memory_space<vmem>>
        %dma_wait3A_417 = tpu.memref_squeeze %dma_wait3A_416 : memref<1x120xi32, #tpu.memory_space<vmem>> -> memref<120xi32, #tpu.memory_space<vmem>>
        %dma_wait3A_418 = arith.constant 0 : i32
        %dma_wait3A_419 = arith.constant 0 : i32
        %dma_wait3A_420 = tpu.memref_slice %arg2[%scan3A, %dma_wait3A_418, %dma_wait3A_419] : memref<2x10000x128xf32, #tpu.memory_space<hbm>> -> memref<1x10000x128xf32, #tpu.memory_space<hbm>>
        %dma_wait3A_421 = tpu.memref_squeeze %dma_wait3A_420 : memref<1x10000x128xf32, #tpu.memory_space<hbm>> -> memref<10000x128xf32, #tpu.memory_space<hbm>>
        %dma_wait3A_422 = arith.constant 0 : i32
        %dma_wait3A_423 = arith.constant 0 : i32
        %dma_wait3A_424 = tpu.memref_slice %dma_wait3A_421[%dma_wait3A_422, %dma_wait3A_423] : memref<10000x128xf32, #tpu.memory_space<hbm>> -> memref<10000x128xf32, #tpu.memory_space<hbm>>
        tpu.wait_indirect_dma semaphore(%arg13 : memref<!tpu.dma_semaphore, #tpu.memory_space<semaphore_mem>>) src(%dma_wait3A_424 : memref<10000x128xf32, #tpu.memory_space<hbm>>) dst(%arg10 : memref<120x128xf32, #tpu.memory_space<vmem>>)
        %dma_start3A_425 = arith.constant 10 : i32
        %dma_start3A_426 = arith.constant 0 : i32
        %dma_start3A_427 = tpu.memref_slice %arg8[%dma_start3A_425, %dma_start3A_426] : memref<12x120xi32, #tpu.memory_space<vmem>> -> memref<1x120xi32, #tpu.memory_space<vmem>>
        %dma_start3A_428 = tpu.memref_squeeze %dma_start3A_427 : memref<1x120xi32, #tpu.memory_space<vmem>> -> memref<120xi32, #tpu.memory_space<vmem>>
        %dma_start3A_429 = arith.constant 0 : i32
        %dma_start3A_430 = arith.constant 0 : i32
        %dma_start3A_431 = tpu.memref_slice %arg6[%dma_start3A_429, %dma_start3A_430] : memref<10112x128xf32, #tpu.memory_space<vmem_shared>> -> memref<10112x128xf32, #tpu.memory_space<vmem_shared>>
        tpu.enqueue_indirect_dma source(%arg10 : memref<120x128xf32, #tpu.memory_space<vmem>>) target(%dma_start3A_431 : memref<10112x128xf32, #tpu.memory_space<vmem_shared>>) offsets(%dma_start3A_428 : memref<120xi32, #tpu.memory_space<vmem>>) semaphore(%arg16 : memref<!tpu.dma_semaphore, #tpu.memory_space<semaphore_mem>>) {add = true}
        %dma_wait3A_432 = arith.constant 11 : i32
        %dma_wait3A_433 = arith.constant 0 : i32
        %dma_wait3A_434 = tpu.memref_slice %arg7[%dma_wait3A_432, %dma_wait3A_433] : memref<12x120xi32, #tpu.memory_space<vmem>> -> memref<1x120xi32, #tpu.memory_space<vmem>>
        %dma_wait3A_435 = tpu.memref_squeeze %dma_wait3A_434 : memref<1x120xi32, #tpu.memory_space<vmem>> -> memref<120xi32, #tpu.memory_space<vmem>>
        %dma_wait3A_436 = arith.constant 0 : i32
        %dma_wait3A_437 = arith.constant 0 : i32
        %dma_wait3A_438 = tpu.memref_slice %arg2[%scan3A, %dma_wait3A_436, %dma_wait3A_437] : memref<2x10000x128xf32, #tpu.memory_space<hbm>> -> memref<1x10000x128xf32, #tpu.memory_space<hbm>>
        %dma_wait3A_439 = tpu.memref_squeeze %dma_wait3A_438 : memref<1x10000x128xf32, #tpu.memory_space<hbm>> -> memref<10000x128xf32, #tpu.memory_space<hbm>>
        %dma_wait3A_440 = arith.constant 0 : i32
        %dma_wait3A_441 = arith.constant 0 : i32
        %dma_wait3A_442 = tpu.memref_slice %dma_wait3A_439[%dma_wait3A_440, %dma_wait3A_441] : memref<10000x128xf32, #tpu.memory_space<hbm>> -> memref<10000x128xf32, #tpu.memory_space<hbm>>
        tpu.wait_indirect_dma semaphore(%arg14 : memref<!tpu.dma_semaphore, #tpu.memory_space<semaphore_mem>>) src(%dma_wait3A_442 : memref<10000x128xf32, #tpu.memory_space<hbm>>) dst(%arg11 : memref<120x128xf32, #tpu.memory_space<vmem>>)
        %dma_start3A_443 = arith.constant 11 : i32
        %dma_start3A_444 = arith.constant 0 : i32
        %dma_start3A_445 = tpu.memref_slice %arg8[%dma_start3A_443, %dma_start3A_444] : memref<12x120xi32, #tpu.memory_space<vmem>> -> memref<1x120xi32, #tpu.memory_space<vmem>>
        %dma_start3A_446 = tpu.memref_squeeze %dma_start3A_445 : memref<1x120xi32, #tpu.memory_space<vmem>> -> memref<120xi32, #tpu.memory_space<vmem>>
        %dma_start3A_447 = arith.constant 0 : i32
        %dma_start3A_448 = arith.constant 0 : i32
        %dma_start3A_449 = tpu.memref_slice %arg6[%dma_start3A_447, %dma_start3A_448] : memref<10112x128xf32, #tpu.memory_space<vmem_shared>> -> memref<10112x128xf32, #tpu.memory_space<vmem_shared>>
        tpu.enqueue_indirect_dma source(%arg11 : memref<120x128xf32, #tpu.memory_space<vmem>>) target(%dma_start3A_449 : memref<10112x128xf32, #tpu.memory_space<vmem_shared>>) offsets(%dma_start3A_446 : memref<120xi32, #tpu.memory_space<vmem>>) semaphore(%arg17 : memref<!tpu.dma_semaphore, #tpu.memory_space<semaphore_mem>>) {add = true}
        %dma_wait3A_450 = arith.constant 9 : i32
        %dma_wait3A_451 = arith.constant 0 : i32
        %dma_wait3A_452 = tpu.memref_slice %arg8[%dma_wait3A_450, %dma_wait3A_451] : memref<12x120xi32, #tpu.memory_space<vmem>> -> memref<1x120xi32, #tpu.memory_space<vmem>>
        %dma_wait3A_453 = tpu.memref_squeeze %dma_wait3A_452 : memref<1x120xi32, #tpu.memory_space<vmem>> -> memref<120xi32, #tpu.memory_space<vmem>>
        %dma_wait3A_454 = arith.constant 0 : i32
        %dma_wait3A_455 = arith.constant 0 : i32
        %dma_wait3A_456 = tpu.memref_slice %arg6[%dma_wait3A_454, %dma_wait3A_455] : memref<10112x128xf32, #tpu.memory_space<vmem_shared>> -> memref<10112x128xf32, #tpu.memory_space<vmem_shared>>
        tpu.wait_indirect_dma semaphore(%arg15 : memref<!tpu.dma_semaphore, #tpu.memory_space<semaphore_mem>>) src(%arg9 : memref<120x128xf32, #tpu.memory_space<vmem>>) dst(%dma_wait3A_456 : memref<10112x128xf32, #tpu.memory_space<vmem_shared>>)
        %dma_wait3A_457 = arith.constant 10 : i32
        %dma_wait3A_458 = arith.constant 0 : i32
        %dma_wait3A_459 = tpu.memref_slice %arg8[%dma_wait3A_457, %dma_wait3A_458] : memref<12x120xi32, #tpu.memory_space<vmem>> -> memref<1x120xi32, #tpu.memory_space<vmem>>
        %dma_wait3A_460 = tpu.memref_squeeze %dma_wait3A_459 : memref<1x120xi32, #tpu.memory_space<vmem>> -> memref<120xi32, #tpu.memory_space<vmem>>
        %dma_wait3A_461 = arith.constant 0 : i32
        %dma_wait3A_462 = arith.constant 0 : i32
        %dma_wait3A_463 = tpu.memref_slice %arg6[%dma_wait3A_461, %dma_wait3A_462] : memref<10112x128xf32, #tpu.memory_space<vmem_shared>> -> memref<10112x128xf32, #tpu.memory_space<vmem_shared>>
        tpu.wait_indirect_dma semaphore(%arg16 : memref<!tpu.dma_semaphore, #tpu.memory_space<semaphore_mem>>) src(%arg10 : memref<120x128xf32, #tpu.memory_space<vmem>>) dst(%dma_wait3A_463 : memref<10112x128xf32, #tpu.memory_space<vmem_shared>>)
        %dma_wait3A_464 = arith.constant 11 : i32
        %dma_wait3A_465 = arith.constant 0 : i32
        %dma_wait3A_466 = tpu.memref_slice %arg8[%dma_wait3A_464, %dma_wait3A_465] : memref<12x120xi32, #tpu.memory_space<vmem>> -> memref<1x120xi32, #tpu.memory_space<vmem>>
        %dma_wait3A_467 = tpu.memref_squeeze %dma_wait3A_466 : memref<1x120xi32, #tpu.memory_space<vmem>> -> memref<120xi32, #tpu.memory_space<vmem>>
        %dma_wait3A_468 = arith.constant 0 : i32
        %dma_wait3A_469 = arith.constant 0 : i32
        %dma_wait3A_470 = tpu.memref_slice %arg6[%dma_wait3A_468, %dma_wait3A_469] : memref<10112x128xf32, #tpu.memory_space<vmem_shared>> -> memref<10112x128xf32, #tpu.memory_space<vmem_shared>>
        tpu.wait_indirect_dma semaphore(%arg17 : memref<!tpu.dma_semaphore, #tpu.memory_space<semaphore_mem>>) src(%arg11 : memref<120x128xf32, #tpu.memory_space<vmem>>) dst(%dma_wait3A_470 : memref<10112x128xf32, #tpu.memory_space<vmem_shared>>)
      }
      %scan3A_23 = arith.constant 14 : i32
      %barrier3A_24 = arith.constant 0 : index
      tpu.barrier barrier_id(%barrier3A_24)
      %lt3A_25 = arith.constant 15 : i32
      %lt3A_26 = arith.cmpi slt, %arg1, %lt3A_25 : i32
      %convert_element_type3A_27 = arith.extui %lt3A_26 : i1 to i32
      %cond3A_28 = arith.constant 0 : i32
      %cond3A_29 = arith.constant 0 : i32
      %cond3A_30 = arith.cmpi ne, %convert_element_type3A_27, %cond3A_29 : i32
      scf.if %cond3A_30 {
        "tpu.region"() ({
          %run_scoped3A = tpu.sem_alloc : memref<!tpu.dma_semaphore, #tpu.memory_space<semaphore_mem>>
          %dma_start3A = arith.constant 0 : i32
          %dma_start3A_37 = arith.constant 0 : i32
          %dma_start3A_38 = tpu.memref_slice %arg5[%cond3A_28, %dma_start3A, %dma_start3A_37] : memref<2x10000x128xf32, #tpu.memory_space<hbm>> -> memref<1x10000x128xf32, #tpu.memory_space<hbm>>
          %dma_start3A_39 = tpu.memref_squeeze %dma_start3A_38 : memref<1x10000x128xf32, #tpu.memory_space<hbm>> -> memref<10000x128xf32, #tpu.memory_space<hbm>>
          %dma_start3A_40 = arith.constant 0 : i32
          %dma_start3A_41 = tpu.memref_slice %dma_start3A_39[%mul3A_0, %dma_start3A_40] : memref<10000x128xf32, #tpu.memory_space<hbm>> -> memref<632x128xf32, #tpu.memory_space<hbm>>
          %dma_start3A_42 = arith.constant 0 : i32
          %dma_start3A_43 = tpu.memref_slice %arg6[%mul3A_0, %dma_start3A_42] : memref<10112x128xf32, #tpu.memory_space<vmem_shared>> -> memref<632x128xf32, #tpu.memory_space<vmem_shared>>
          tpu.enqueue_dma source(%dma_start3A_43 : memref<632x128xf32, #tpu.memory_space<vmem_shared>>) target(%dma_start3A_41 : memref<632x128xf32, #tpu.memory_space<hbm>>) target_semaphore(%run_scoped3A : memref<!tpu.dma_semaphore, #tpu.memory_space<semaphore_mem>>)
          %dma_wait3A = arith.constant 0 : i32
          %dma_wait3A_44 = arith.constant 0 : i32
          %dma_wait3A_45 = tpu.memref_slice %arg5[%cond3A_28, %dma_wait3A, %dma_wait3A_44] : memref<2x10000x128xf32, #tpu.memory_space<hbm>> -> memref<1x10000x128xf32, #tpu.memory_space<hbm>>
          %dma_wait3A_46 = tpu.memref_squeeze %dma_wait3A_45 : memref<1x10000x128xf32, #tpu.memory_space<hbm>> -> memref<10000x128xf32, #tpu.memory_space<hbm>>
          %dma_wait3A_47 = arith.constant 0 : i32
          %dma_wait3A_48 = tpu.memref_slice %dma_wait3A_46[%mul3A_0, %dma_wait3A_47] : memref<10000x128xf32, #tpu.memory_space<hbm>> -> memref<632x128xf32, #tpu.memory_space<hbm>>
          %dma_wait3A_49 = arith.constant 0 : i32
          %dma_wait3A_50 = tpu.memref_slice %arg6[%mul3A_0, %dma_wait3A_49] : memref<10112x128xf32, #tpu.memory_space<vmem_shared>> -> memref<632x128xf32, #tpu.memory_space<vmem_shared>>
          tpu.wait_dma2 semaphore(%run_scoped3A : memref<!tpu.dma_semaphore, #tpu.memory_space<semaphore_mem>>) src(%dma_wait3A_50 : memref<632x128xf32, #tpu.memory_space<vmem_shared>>) dst(%dma_wait3A_48 : memref<632x128xf32, #tpu.memory_space<hbm>>)
          tpu.yield
        }) : () -> ()
      } else {
      }
      %eq3A_31 = arith.constant 15 : i32
      %eq3A_32 = arith.cmpi eq, %arg1, %eq3A_31 : i32
      %convert_element_type3A_33 = arith.extui %eq3A_32 : i1 to i32
      %cond3A_34 = arith.constant 0 : i32
      %cond3A_35 = arith.constant 0 : i32
      %cond3A_36 = arith.cmpi ne, %convert_element_type3A_33, %cond3A_35 : i32
      scf.if %cond3A_36 {
        "tpu.region"() ({
          %run_scoped3A = tpu.sem_alloc : memref<!tpu.dma_semaphore, #tpu.memory_space<semaphore_mem>>
          %dma_start3A = arith.constant 0 : i32
          %dma_start3A_37 = arith.constant 0 : i32
          %dma_start3A_38 = tpu.memref_slice %arg5[%cond3A_34, %dma_start3A, %dma_start3A_37] : memref<2x10000x128xf32, #tpu.memory_space<hbm>> -> memref<1x10000x128xf32, #tpu.memory_space<hbm>>
          %dma_start3A_39 = tpu.memref_squeeze %dma_start3A_38 : memref<1x10000x128xf32, #tpu.memory_space<hbm>> -> memref<10000x128xf32, #tpu.memory_space<hbm>>
          %dma_start3A_40 = arith.constant 9480 : i32
          %dma_start3A_41 = arith.constant 0 : i32
          %dma_start3A_42 = tpu.memref_slice %dma_start3A_39[%dma_start3A_40, %dma_start3A_41] : memref<10000x128xf32, #tpu.memory_space<hbm>> -> memref<520x128xf32, #tpu.memory_space<hbm>>
          %dma_start3A_43 = arith.constant 9480 : i32
          %dma_start3A_44 = arith.constant 0 : i32
          %dma_start3A_45 = tpu.memref_slice %arg6[%dma_start3A_43, %dma_start3A_44] : memref<10112x128xf32, #tpu.memory_space<vmem_shared>> -> memref<520x128xf32, #tpu.memory_space<vmem_shared>>
          tpu.enqueue_dma source(%dma_start3A_45 : memref<520x128xf32, #tpu.memory_space<vmem_shared>>) target(%dma_start3A_42 : memref<520x128xf32, #tpu.memory_space<hbm>>) target_semaphore(%run_scoped3A : memref<!tpu.dma_semaphore, #tpu.memory_space<semaphore_mem>>)
          %dma_wait3A = arith.constant 0 : i32
          %dma_wait3A_46 = arith.constant 0 : i32
          %dma_wait3A_47 = tpu.memref_slice %arg5[%cond3A_34, %dma_wait3A, %dma_wait3A_46] : memref<2x10000x128xf32, #tpu.memory_space<hbm>> -> memref<1x10000x128xf32, #tpu.memory_space<hbm>>
          %dma_wait3A_48 = tpu.memref_squeeze %dma_wait3A_47 : memref<1x10000x128xf32, #tpu.memory_space<hbm>> -> memref<10000x128xf32, #tpu.memory_space<hbm>>
          %dma_wait3A_49 = arith.constant 9480 : i32
          %dma_wait3A_50 = arith.constant 0 : i32
          %dma_wait3A_51 = tpu.memref_slice %dma_wait3A_48[%dma_wait3A_49, %dma_wait3A_50] : memref<10000x128xf32, #tpu.memory_space<hbm>> -> memref<520x128xf32, #tpu.memory_space<hbm>>
          %dma_wait3A_52 = arith.constant 9480 : i32
          %dma_wait3A_53 = arith.constant 0 : i32
          %dma_wait3A_54 = tpu.memref_slice %arg6[%dma_wait3A_52, %dma_wait3A_53] : memref<10112x128xf32, #tpu.memory_space<vmem_shared>> -> memref<520x128xf32, #tpu.memory_space<vmem_shared>>
          tpu.wait_dma2 semaphore(%run_scoped3A : memref<!tpu.dma_semaphore, #tpu.memory_space<semaphore_mem>>) src(%dma_wait3A_54 : memref<520x128xf32, #tpu.memory_space<vmem_shared>>) dst(%dma_wait3A_51 : memref<520x128xf32, #tpu.memory_space<hbm>>)
          tpu.yield
        }) : () -> ()
      } else {
      }
    } else {
    }
    %eq3A_3 = arith.constant 1 : i32
    %eq3A_4 = arith.cmpi eq, %arg0, %eq3A_3 : i32
    %convert_element_type3A_5 = arith.extui %eq3A_4 : i1 to i32
    %cond3A_6 = arith.constant 0 : i32
    %cond3A_7 = arith.cmpi ne, %convert_element_type3A_5, %cond3A_6 : i32
    scf.if %cond3A_7 {
      %lt3A = arith.constant 15 : i32
      %lt3A_8 = arith.cmpi slt, %arg1, %lt3A : i32
      %convert_element_type3A_9 = arith.extui %lt3A_8 : i1 to i32
      %cond3A_10 = arith.constant 1 : i32
      %cond3A_11 = arith.constant 0 : i32
      %cond3A_12 = arith.cmpi ne, %convert_element_type3A_9, %cond3A_11 : i32
      scf.if %cond3A_12 {
        "tpu.region"() ({
          %run_scoped3A = tpu.sem_alloc : memref<!tpu.dma_semaphore, #tpu.memory_space<semaphore_mem>>
          %dma_start3A = arith.constant 0 : i32
          %dma_start3A_37 = tpu.memref_slice %arg6[%mul3A_0, %dma_start3A] : memref<10112x128xf32, #tpu.memory_space<vmem_shared>> -> memref<632x128xf32, #tpu.memory_space<vmem_shared>>
          %dma_start3A_38 = arith.constant 0 : i32
          %dma_start3A_39 = arith.constant 0 : i32
          %dma_start3A_40 = tpu.memref_slice %arg2[%cond3A_10, %dma_start3A_38, %dma_start3A_39] : memref<2x10000x128xf32, #tpu.memory_space<hbm>> -> memref<1x10000x128xf32, #tpu.memory_space<hbm>>
          %dma_start3A_41 = tpu.memref_squeeze %dma_start3A_40 : memref<1x10000x128xf32, #tpu.memory_space<hbm>> -> memref<10000x128xf32, #tpu.memory_space<hbm>>
          %dma_start3A_42 = arith.constant 0 : i32
          %dma_start3A_43 = tpu.memref_slice %dma_start3A_41[%mul3A_0, %dma_start3A_42] : memref<10000x128xf32, #tpu.memory_space<hbm>> -> memref<632x128xf32, #tpu.memory_space<hbm>>
          tpu.enqueue_dma source(%dma_start3A_43 : memref<632x128xf32, #tpu.memory_space<hbm>>) target(%dma_start3A_37 : memref<632x128xf32, #tpu.memory_space<vmem_shared>>) target_semaphore(%run_scoped3A : memref<!tpu.dma_semaphore, #tpu.memory_space<semaphore_mem>>)
          %dma_wait3A = arith.constant 0 : i32
          %dma_wait3A_44 = tpu.memref_slice %arg6[%mul3A_0, %dma_wait3A] : memref<10112x128xf32, #tpu.memory_space<vmem_shared>> -> memref<632x128xf32, #tpu.memory_space<vmem_shared>>
          %dma_wait3A_45 = arith.constant 0 : i32
          %dma_wait3A_46 = arith.constant 0 : i32
          %dma_wait3A_47 = tpu.memref_slice %arg2[%cond3A_10, %dma_wait3A_45, %dma_wait3A_46] : memref<2x10000x128xf32, #tpu.memory_space<hbm>> -> memref<1x10000x128xf32, #tpu.memory_space<hbm>>
          %dma_wait3A_48 = tpu.memref_squeeze %dma_wait3A_47 : memref<1x10000x128xf32, #tpu.memory_space<hbm>> -> memref<10000x128xf32, #tpu.memory_space<hbm>>
          %dma_wait3A_49 = arith.constant 0 : i32
          %dma_wait3A_50 = tpu.memref_slice %dma_wait3A_48[%mul3A_0, %dma_wait3A_49] : memref<10000x128xf32, #tpu.memory_space<hbm>> -> memref<632x128xf32, #tpu.memory_space<hbm>>
          tpu.wait_dma2 semaphore(%run_scoped3A : memref<!tpu.dma_semaphore, #tpu.memory_space<semaphore_mem>>) src(%dma_wait3A_50 : memref<632x128xf32, #tpu.memory_space<hbm>>) dst(%dma_wait3A_44 : memref<632x128xf32, #tpu.memory_space<vmem_shared>>)
          tpu.yield
        }) : () -> ()
      } else {
      }
      %eq3A_13 = arith.constant 15 : i32
      %eq3A_14 = arith.cmpi eq, %arg1, %eq3A_13 : i32
      %convert_element_type3A_15 = arith.extui %eq3A_14 : i1 to i32
      %cond3A_16 = arith.constant 1 : i32
      %cond3A_17 = arith.constant 0 : i32
      %cond3A_18 = arith.cmpi ne, %convert_element_type3A_15, %cond3A_17 : i32
      scf.if %cond3A_18 {
        "tpu.region"() ({
          %run_scoped3A = tpu.sem_alloc : memref<!tpu.dma_semaphore, #tpu.memory_space<semaphore_mem>>
          %dma_start3A = arith.constant 9480 : i32
          %dma_start3A_37 = arith.constant 0 : i32
          %dma_start3A_38 = tpu.memref_slice %arg6[%dma_start3A, %dma_start3A_37] : memref<10112x128xf32, #tpu.memory_space<vmem_shared>> -> memref<520x128xf32, #tpu.memory_space<vmem_shared>>
          %dma_start3A_39 = arith.constant 0 : i32
          %dma_start3A_40 = arith.constant 0 : i32
          %dma_start3A_41 = tpu.memref_slice %arg2[%cond3A_16, %dma_start3A_39, %dma_start3A_40] : memref<2x10000x128xf32, #tpu.memory_space<hbm>> -> memref<1x10000x128xf32, #tpu.memory_space<hbm>>
          %dma_start3A_42 = tpu.memref_squeeze %dma_start3A_41 : memref<1x10000x128xf32, #tpu.memory_space<hbm>> -> memref<10000x128xf32, #tpu.memory_space<hbm>>
          %dma_start3A_43 = arith.constant 9480 : i32
          %dma_start3A_44 = arith.constant 0 : i32
          %dma_start3A_45 = tpu.memref_slice %dma_start3A_42[%dma_start3A_43, %dma_start3A_44] : memref<10000x128xf32, #tpu.memory_space<hbm>> -> memref<520x128xf32, #tpu.memory_space<hbm>>
          tpu.enqueue_dma source(%dma_start3A_45 : memref<520x128xf32, #tpu.memory_space<hbm>>) target(%dma_start3A_38 : memref<520x128xf32, #tpu.memory_space<vmem_shared>>) target_semaphore(%run_scoped3A : memref<!tpu.dma_semaphore, #tpu.memory_space<semaphore_mem>>)
          %dma_wait3A = arith.constant 9480 : i32
          %dma_wait3A_46 = arith.constant 0 : i32
          %dma_wait3A_47 = tpu.memref_slice %arg6[%dma_wait3A, %dma_wait3A_46] : memref<10112x128xf32, #tpu.memory_space<vmem_shared>> -> memref<520x128xf32, #tpu.memory_space<vmem_shared>>
          %dma_wait3A_48 = arith.constant 0 : i32
          %dma_wait3A_49 = arith.constant 0 : i32
          %dma_wait3A_50 = tpu.memref_slice %arg2[%cond3A_16, %dma_wait3A_48, %dma_wait3A_49] : memref<2x10000x128xf32, #tpu.memory_space<hbm>> -> memref<1x10000x128xf32, #tpu.memory_space<hbm>>
          %dma_wait3A_51 = tpu.memref_squeeze %dma_wait3A_50 : memref<1x10000x128xf32, #tpu.memory_space<hbm>> -> memref<10000x128xf32, #tpu.memory_space<hbm>>
          %dma_wait3A_52 = arith.constant 9480 : i32
          %dma_wait3A_53 = arith.constant 0 : i32
          %dma_wait3A_54 = tpu.memref_slice %dma_wait3A_51[%dma_wait3A_52, %dma_wait3A_53] : memref<10000x128xf32, #tpu.memory_space<hbm>> -> memref<520x128xf32, #tpu.memory_space<hbm>>
          tpu.wait_dma2 semaphore(%run_scoped3A : memref<!tpu.dma_semaphore, #tpu.memory_space<semaphore_mem>>) src(%dma_wait3A_54 : memref<520x128xf32, #tpu.memory_space<hbm>>) dst(%dma_wait3A_47 : memref<520x128xf32, #tpu.memory_space<vmem_shared>>)
          tpu.yield
        }) : () -> ()
      } else {
      }
      %barrier3A = arith.constant 0 : index
      tpu.barrier barrier_id(%barrier3A)
      %scan3A = arith.constant 1 : i32
      %scan3A_19 = arith.constant 0 : i32
      %scan3A_20 = arith.constant 14 : i32
      %scan3A_21 = arith.addi %scan3A_19, %scan3A_20 : i32
      %scan3A_22 = arith.constant 1 : i32
      scf.for %scan3A_37 = %scan3A_19 to %scan3A_21 step %scan3A_22  : i32 {
        %mul3A_38 = arith.constant 1 : i32
        %mul3A_39 = arith.muli %scan3A_37, %mul3A_38 : i32
        %add3A = arith.constant 0 : i32
        %add3A_40 = arith.addi %add3A, %mul3A_39 : i32
        "tpu.region"() ({
          %run_scoped3A = tpu.sem_alloc : memref<!tpu.dma_semaphore, #tpu.memory_space<semaphore_mem>>
          %dma_start3A_471 = arith.constant 0 : i32
          %dma_start3A_472 = arith.constant 0 : i32
          %dma_start3A_473 = arith.constant 0 : i32
          %dma_start3A_474 = tpu.memref_slice %arg3[%arg1, %dma_start3A_471, %dma_start3A_472, %dma_start3A_473] : memref<16x14x12x120xi32, #tpu.memory_space<hbm>> -> memref<1x14x12x120xi32, #tpu.memory_space<hbm>>
          %dma_start3A_475 = tpu.memref_squeeze %dma_start3A_474 : memref<1x14x12x120xi32, #tpu.memory_space<hbm>> -> memref<14x12x120xi32, #tpu.memory_space<hbm>>
          %dma_start3A_476 = arith.constant 0 : i32
          %dma_start3A_477 = arith.constant 0 : i32
          %dma_start3A_478 = tpu.memref_slice %dma_start3A_475[%add3A_40, %dma_start3A_476, %dma_start3A_477] : memref<14x12x120xi32, #tpu.memory_space<hbm>> -> memref<1x12x120xi32, #tpu.memory_space<hbm>>
          %dma_start3A_479 = tpu.memref_squeeze %dma_start3A_478 : memref<1x12x120xi32, #tpu.memory_space<hbm>> -> memref<12x120xi32, #tpu.memory_space<hbm>>
          %dma_start3A_480 = arith.constant 0 : i32
          %dma_start3A_481 = arith.constant 0 : i32
          %dma_start3A_482 = arith.constant 0 : i32
          %dma_start3A_483 = tpu.memref_slice %arg3[%arg1, %dma_start3A_480, %dma_start3A_481, %dma_start3A_482] : memref<16x14x12x120xi32, #tpu.memory_space<hbm>> -> memref<1x14x12x120xi32, #tpu.memory_space<hbm>>
          %dma_start3A_484 = tpu.memref_squeeze %dma_start3A_483 : memref<1x14x12x120xi32, #tpu.memory_space<hbm>> -> memref<14x12x120xi32, #tpu.memory_space<hbm>>
          %dma_start3A_485 = arith.constant 0 : i32
          %dma_start3A_486 = arith.constant 0 : i32
          %dma_start3A_487 = tpu.memref_slice %dma_start3A_484[%add3A_40, %dma_start3A_485, %dma_start3A_486] : memref<14x12x120xi32, #tpu.memory_space<hbm>> -> memref<1x12x120xi32, #tpu.memory_space<hbm>>
          %dma_start3A_488 = tpu.memref_squeeze %dma_start3A_487 : memref<1x12x120xi32, #tpu.memory_space<hbm>> -> memref<12x120xi32, #tpu.memory_space<hbm>>
          tpu.enqueue_dma source(%dma_start3A_488 : memref<12x120xi32, #tpu.memory_space<hbm>>) target(%arg7 : memref<12x120xi32, #tpu.memory_space<vmem>>) target_semaphore(%run_scoped3A : memref<!tpu.dma_semaphore, #tpu.memory_space<semaphore_mem>>)
          %dma_wait3A_489 = arith.constant 0 : i32
          %dma_wait3A_490 = arith.constant 0 : i32
          %dma_wait3A_491 = arith.constant 0 : i32
          %dma_wait3A_492 = tpu.memref_slice %arg3[%arg1, %dma_wait3A_489, %dma_wait3A_490, %dma_wait3A_491] : memref<16x14x12x120xi32, #tpu.memory_space<hbm>> -> memref<1x14x12x120xi32, #tpu.memory_space<hbm>>
          %dma_wait3A_493 = tpu.memref_squeeze %dma_wait3A_492 : memref<1x14x12x120xi32, #tpu.memory_space<hbm>> -> memref<14x12x120xi32, #tpu.memory_space<hbm>>
          %dma_wait3A_494 = arith.constant 0 : i32
          %dma_wait3A_495 = arith.constant 0 : i32
          %dma_wait3A_496 = tpu.memref_slice %dma_wait3A_493[%add3A_40, %dma_wait3A_494, %dma_wait3A_495] : memref<14x12x120xi32, #tpu.memory_space<hbm>> -> memref<1x12x120xi32, #tpu.memory_space<hbm>>
          %dma_wait3A_497 = tpu.memref_squeeze %dma_wait3A_496 : memref<1x12x120xi32, #tpu.memory_space<hbm>> -> memref<12x120xi32, #tpu.memory_space<hbm>>
          %dma_wait3A_498 = arith.constant 0 : i32
          %dma_wait3A_499 = arith.constant 0 : i32
          %dma_wait3A_500 = arith.constant 0 : i32
          %dma_wait3A_501 = tpu.memref_slice %arg3[%arg1, %dma_wait3A_498, %dma_wait3A_499, %dma_wait3A_500] : memref<16x14x12x120xi32, #tpu.memory_space<hbm>> -> memref<1x14x12x120xi32, #tpu.memory_space<hbm>>
          %dma_wait3A_502 = tpu.memref_squeeze %dma_wait3A_501 : memref<1x14x12x120xi32, #tpu.memory_space<hbm>> -> memref<14x12x120xi32, #tpu.memory_space<hbm>>
          %dma_wait3A_503 = arith.constant 0 : i32
          %dma_wait3A_504 = arith.constant 0 : i32
          %dma_wait3A_505 = tpu.memref_slice %dma_wait3A_502[%add3A_40, %dma_wait3A_503, %dma_wait3A_504] : memref<14x12x120xi32, #tpu.memory_space<hbm>> -> memref<1x12x120xi32, #tpu.memory_space<hbm>>
          %dma_wait3A_506 = tpu.memref_squeeze %dma_wait3A_505 : memref<1x12x120xi32, #tpu.memory_space<hbm>> -> memref<12x120xi32, #tpu.memory_space<hbm>>
          tpu.wait_dma2 semaphore(%run_scoped3A : memref<!tpu.dma_semaphore, #tpu.memory_space<semaphore_mem>>) src(%dma_wait3A_506 : memref<12x120xi32, #tpu.memory_space<hbm>>) dst(%arg7 : memref<12x120xi32, #tpu.memory_space<vmem>>)
          tpu.yield
        }) : () -> ()
        "tpu.region"() ({
          %run_scoped3A = tpu.sem_alloc : memref<!tpu.dma_semaphore, #tpu.memory_space<semaphore_mem>>
          %dma_start3A_471 = arith.constant 0 : i32
          %dma_start3A_472 = arith.constant 0 : i32
          %dma_start3A_473 = arith.constant 0 : i32
          %dma_start3A_474 = tpu.memref_slice %arg4[%arg1, %dma_start3A_471, %dma_start3A_472, %dma_start3A_473] : memref<16x14x12x120xi32, #tpu.memory_space<hbm>> -> memref<1x14x12x120xi32, #tpu.memory_space<hbm>>
          %dma_start3A_475 = tpu.memref_squeeze %dma_start3A_474 : memref<1x14x12x120xi32, #tpu.memory_space<hbm>> -> memref<14x12x120xi32, #tpu.memory_space<hbm>>
          %dma_start3A_476 = arith.constant 0 : i32
          %dma_start3A_477 = arith.constant 0 : i32
          %dma_start3A_478 = tpu.memref_slice %dma_start3A_475[%add3A_40, %dma_start3A_476, %dma_start3A_477] : memref<14x12x120xi32, #tpu.memory_space<hbm>> -> memref<1x12x120xi32, #tpu.memory_space<hbm>>
          %dma_start3A_479 = tpu.memref_squeeze %dma_start3A_478 : memref<1x12x120xi32, #tpu.memory_space<hbm>> -> memref<12x120xi32, #tpu.memory_space<hbm>>
          %dma_start3A_480 = arith.constant 0 : i32
          %dma_start3A_481 = arith.constant 0 : i32
          %dma_start3A_482 = arith.constant 0 : i32
          %dma_start3A_483 = tpu.memref_slice %arg4[%arg1, %dma_start3A_480, %dma_start3A_481, %dma_start3A_482] : memref<16x14x12x120xi32, #tpu.memory_space<hbm>> -> memref<1x14x12x120xi32, #tpu.memory_space<hbm>>
          %dma_start3A_484 = tpu.memref_squeeze %dma_start3A_483 : memref<1x14x12x120xi32, #tpu.memory_space<hbm>> -> memref<14x12x120xi32, #tpu.memory_space<hbm>>
          %dma_start3A_485 = arith.constant 0 : i32
          %dma_start3A_486 = arith.constant 0 : i32
          %dma_start3A_487 = tpu.memref_slice %dma_start3A_484[%add3A_40, %dma_start3A_485, %dma_start3A_486] : memref<14x12x120xi32, #tpu.memory_space<hbm>> -> memref<1x12x120xi32, #tpu.memory_space<hbm>>
          %dma_start3A_488 = tpu.memref_squeeze %dma_start3A_487 : memref<1x12x120xi32, #tpu.memory_space<hbm>> -> memref<12x120xi32, #tpu.memory_space<hbm>>
          tpu.enqueue_dma source(%dma_start3A_488 : memref<12x120xi32, #tpu.memory_space<hbm>>) target(%arg8 : memref<12x120xi32, #tpu.memory_space<vmem>>) target_semaphore(%run_scoped3A : memref<!tpu.dma_semaphore, #tpu.memory_space<semaphore_mem>>)
          %dma_wait3A_489 = arith.constant 0 : i32
          %dma_wait3A_490 = arith.constant 0 : i32
          %dma_wait3A_491 = arith.constant 0 : i32
          %dma_wait3A_492 = tpu.memref_slice %arg4[%arg1, %dma_wait3A_489, %dma_wait3A_490, %dma_wait3A_491] : memref<16x14x12x120xi32, #tpu.memory_space<hbm>> -> memref<1x14x12x120xi32, #tpu.memory_space<hbm>>
          %dma_wait3A_493 = tpu.memref_squeeze %dma_wait3A_492 : memref<1x14x12x120xi32, #tpu.memory_space<hbm>> -> memref<14x12x120xi32, #tpu.memory_space<hbm>>
          %dma_wait3A_494 = arith.constant 0 : i32
          %dma_wait3A_495 = arith.constant 0 : i32
          %dma_wait3A_496 = tpu.memref_slice %dma_wait3A_493[%add3A_40, %dma_wait3A_494, %dma_wait3A_495] : memref<14x12x120xi32, #tpu.memory_space<hbm>> -> memref<1x12x120xi32, #tpu.memory_space<hbm>>
          %dma_wait3A_497 = tpu.memref_squeeze %dma_wait3A_496 : memref<1x12x120xi32, #tpu.memory_space<hbm>> -> memref<12x120xi32, #tpu.memory_space<hbm>>
          %dma_wait3A_498 = arith.constant 0 : i32
          %dma_wait3A_499 = arith.constant 0 : i32
          %dma_wait3A_500 = arith.constant 0 : i32
          %dma_wait3A_501 = tpu.memref_slice %arg4[%arg1, %dma_wait3A_498, %dma_wait3A_499, %dma_wait3A_500] : memref<16x14x12x120xi32, #tpu.memory_space<hbm>> -> memref<1x14x12x120xi32, #tpu.memory_space<hbm>>
          %dma_wait3A_502 = tpu.memref_squeeze %dma_wait3A_501 : memref<1x14x12x120xi32, #tpu.memory_space<hbm>> -> memref<14x12x120xi32, #tpu.memory_space<hbm>>
          %dma_wait3A_503 = arith.constant 0 : i32
          %dma_wait3A_504 = arith.constant 0 : i32
          %dma_wait3A_505 = tpu.memref_slice %dma_wait3A_502[%add3A_40, %dma_wait3A_503, %dma_wait3A_504] : memref<14x12x120xi32, #tpu.memory_space<hbm>> -> memref<1x12x120xi32, #tpu.memory_space<hbm>>
          %dma_wait3A_506 = tpu.memref_squeeze %dma_wait3A_505 : memref<1x12x120xi32, #tpu.memory_space<hbm>> -> memref<12x120xi32, #tpu.memory_space<hbm>>
          tpu.wait_dma2 semaphore(%run_scoped3A : memref<!tpu.dma_semaphore, #tpu.memory_space<semaphore_mem>>) src(%dma_wait3A_506 : memref<12x120xi32, #tpu.memory_space<hbm>>) dst(%arg8 : memref<12x120xi32, #tpu.memory_space<vmem>>)
          tpu.yield
        }) : () -> ()
        %dma_start3A = arith.constant 0 : i32
        %dma_start3A_41 = arith.constant 0 : i32
        %dma_start3A_42 = tpu.memref_slice %arg7[%dma_start3A, %dma_start3A_41] : memref<12x120xi32, #tpu.memory_space<vmem>> -> memref<1x120xi32, #tpu.memory_space<vmem>>
        %dma_start3A_43 = tpu.memref_squeeze %dma_start3A_42 : memref<1x120xi32, #tpu.memory_space<vmem>> -> memref<120xi32, #tpu.memory_space<vmem>>
        %dma_start3A_44 = arith.constant 0 : i32
        %dma_start3A_45 = arith.constant 0 : i32
        %dma_start3A_46 = tpu.memref_slice %arg2[%scan3A, %dma_start3A_44, %dma_start3A_45] : memref<2x10000x128xf32, #tpu.memory_space<hbm>> -> memref<1x10000x128xf32, #tpu.memory_space<hbm>>
        %dma_start3A_47 = tpu.memref_squeeze %dma_start3A_46 : memref<1x10000x128xf32, #tpu.memory_space<hbm>> -> memref<10000x128xf32, #tpu.memory_space<hbm>>
        %dma_start3A_48 = arith.constant 0 : i32
        %dma_start3A_49 = arith.constant 0 : i32
        %dma_start3A_50 = tpu.memref_slice %dma_start3A_47[%dma_start3A_48, %dma_start3A_49] : memref<10000x128xf32, #tpu.memory_space<hbm>> -> memref<10000x128xf32, #tpu.memory_space<hbm>>
        tpu.enqueue_indirect_dma source(%dma_start3A_50 : memref<10000x128xf32, #tpu.memory_space<hbm>>) target(%arg9 : memref<120x128xf32, #tpu.memory_space<vmem>>) offsets(%dma_start3A_43 : memref<120xi32, #tpu.memory_space<vmem>>) semaphore(%arg12 : memref<!tpu.dma_semaphore, #tpu.memory_space<semaphore_mem>>)
        %dma_start3A_51 = arith.constant 1 : i32
        %dma_start3A_52 = arith.constant 0 : i32
        %dma_start3A_53 = tpu.memref_slice %arg7[%dma_start3A_51, %dma_start3A_52] : memref<12x120xi32, #tpu.memory_space<vmem>> -> memref<1x120xi32, #tpu.memory_space<vmem>>
        %dma_start3A_54 = tpu.memref_squeeze %dma_start3A_53 : memref<1x120xi32, #tpu.memory_space<vmem>> -> memref<120xi32, #tpu.memory_space<vmem>>
        %dma_start3A_55 = arith.constant 0 : i32
        %dma_start3A_56 = arith.constant 0 : i32
        %dma_start3A_57 = tpu.memref_slice %arg2[%scan3A, %dma_start3A_55, %dma_start3A_56] : memref<2x10000x128xf32, #tpu.memory_space<hbm>> -> memref<1x10000x128xf32, #tpu.memory_space<hbm>>
        %dma_start3A_58 = tpu.memref_squeeze %dma_start3A_57 : memref<1x10000x128xf32, #tpu.memory_space<hbm>> -> memref<10000x128xf32, #tpu.memory_space<hbm>>
        %dma_start3A_59 = arith.constant 0 : i32
        %dma_start3A_60 = arith.constant 0 : i32
        %dma_start3A_61 = tpu.memref_slice %dma_start3A_58[%dma_start3A_59, %dma_start3A_60] : memref<10000x128xf32, #tpu.memory_space<hbm>> -> memref<10000x128xf32, #tpu.memory_space<hbm>>
        tpu.enqueue_indirect_dma source(%dma_start3A_61 : memref<10000x128xf32, #tpu.memory_space<hbm>>) target(%arg10 : memref<120x128xf32, #tpu.memory_space<vmem>>) offsets(%dma_start3A_54 : memref<120xi32, #tpu.memory_space<vmem>>) semaphore(%arg13 : memref<!tpu.dma_semaphore, #tpu.memory_space<semaphore_mem>>)
        %dma_start3A_62 = arith.constant 2 : i32
        %dma_start3A_63 = arith.constant 0 : i32
        %dma_start3A_64 = tpu.memref_slice %arg7[%dma_start3A_62, %dma_start3A_63] : memref<12x120xi32, #tpu.memory_space<vmem>> -> memref<1x120xi32, #tpu.memory_space<vmem>>
        %dma_start3A_65 = tpu.memref_squeeze %dma_start3A_64 : memref<1x120xi32, #tpu.memory_space<vmem>> -> memref<120xi32, #tpu.memory_space<vmem>>
        %dma_start3A_66 = arith.constant 0 : i32
        %dma_start3A_67 = arith.constant 0 : i32
        %dma_start3A_68 = tpu.memref_slice %arg2[%scan3A, %dma_start3A_66, %dma_start3A_67] : memref<2x10000x128xf32, #tpu.memory_space<hbm>> -> memref<1x10000x128xf32, #tpu.memory_space<hbm>>
        %dma_start3A_69 = tpu.memref_squeeze %dma_start3A_68 : memref<1x10000x128xf32, #tpu.memory_space<hbm>> -> memref<10000x128xf32, #tpu.memory_space<hbm>>
        %dma_start3A_70 = arith.constant 0 : i32
        %dma_start3A_71 = arith.constant 0 : i32
        %dma_start3A_72 = tpu.memref_slice %dma_start3A_69[%dma_start3A_70, %dma_start3A_71] : memref<10000x128xf32, #tpu.memory_space<hbm>> -> memref<10000x128xf32, #tpu.memory_space<hbm>>
        tpu.enqueue_indirect_dma source(%dma_start3A_72 : memref<10000x128xf32, #tpu.memory_space<hbm>>) target(%arg11 : memref<120x128xf32, #tpu.memory_space<vmem>>) offsets(%dma_start3A_65 : memref<120xi32, #tpu.memory_space<vmem>>) semaphore(%arg14 : memref<!tpu.dma_semaphore, #tpu.memory_space<semaphore_mem>>)
        %dma_wait3A = arith.constant 0 : i32
        %dma_wait3A_73 = arith.constant 0 : i32
        %dma_wait3A_74 = tpu.memref_slice %arg7[%dma_wait3A, %dma_wait3A_73] : memref<12x120xi32, #tpu.memory_space<vmem>> -> memref<1x120xi32, #tpu.memory_space<vmem>>
        %dma_wait3A_75 = tpu.memref_squeeze %dma_wait3A_74 : memref<1x120xi32, #tpu.memory_space<vmem>> -> memref<120xi32, #tpu.memory_space<vmem>>
        %dma_wait3A_76 = arith.constant 0 : i32
        %dma_wait3A_77 = arith.constant 0 : i32
        %dma_wait3A_78 = tpu.memref_slice %arg2[%scan3A, %dma_wait3A_76, %dma_wait3A_77] : memref<2x10000x128xf32, #tpu.memory_space<hbm>> -> memref<1x10000x128xf32, #tpu.memory_space<hbm>>
        %dma_wait3A_79 = tpu.memref_squeeze %dma_wait3A_78 : memref<1x10000x128xf32, #tpu.memory_space<hbm>> -> memref<10000x128xf32, #tpu.memory_space<hbm>>
        %dma_wait3A_80 = arith.constant 0 : i32
        %dma_wait3A_81 = arith.constant 0 : i32
        %dma_wait3A_82 = tpu.memref_slice %dma_wait3A_79[%dma_wait3A_80, %dma_wait3A_81] : memref<10000x128xf32, #tpu.memory_space<hbm>> -> memref<10000x128xf32, #tpu.memory_space<hbm>>
        tpu.wait_indirect_dma semaphore(%arg12 : memref<!tpu.dma_semaphore, #tpu.memory_space<semaphore_mem>>) src(%dma_wait3A_82 : memref<10000x128xf32, #tpu.memory_space<hbm>>) dst(%arg9 : memref<120x128xf32, #tpu.memory_space<vmem>>)
        %dma_start3A_83 = arith.constant 0 : i32
        %dma_start3A_84 = arith.constant 0 : i32
        %dma_start3A_85 = tpu.memref_slice %arg8[%dma_start3A_83, %dma_start3A_84] : memref<12x120xi32, #tpu.memory_space<vmem>> -> memref<1x120xi32, #tpu.memory_space<vmem>>
        %dma_start3A_86 = tpu.memref_squeeze %dma_start3A_85 : memref<1x120xi32, #tpu.memory_space<vmem>> -> memref<120xi32, #tpu.memory_space<vmem>>
        %dma_start3A_87 = arith.constant 0 : i32
        %dma_start3A_88 = arith.constant 0 : i32
        %dma_start3A_89 = tpu.memref_slice %arg6[%dma_start3A_87, %dma_start3A_88] : memref<10112x128xf32, #tpu.memory_space<vmem_shared>> -> memref<10112x128xf32, #tpu.memory_space<vmem_shared>>
        tpu.enqueue_indirect_dma source(%arg9 : memref<120x128xf32, #tpu.memory_space<vmem>>) target(%dma_start3A_89 : memref<10112x128xf32, #tpu.memory_space<vmem_shared>>) offsets(%dma_start3A_86 : memref<120xi32, #tpu.memory_space<vmem>>) semaphore(%arg15 : memref<!tpu.dma_semaphore, #tpu.memory_space<semaphore_mem>>) {add = true}
        %dma_wait3A_90 = arith.constant 1 : i32
        %dma_wait3A_91 = arith.constant 0 : i32
        %dma_wait3A_92 = tpu.memref_slice %arg7[%dma_wait3A_90, %dma_wait3A_91] : memref<12x120xi32, #tpu.memory_space<vmem>> -> memref<1x120xi32, #tpu.memory_space<vmem>>
        %dma_wait3A_93 = tpu.memref_squeeze %dma_wait3A_92 : memref<1x120xi32, #tpu.memory_space<vmem>> -> memref<120xi32, #tpu.memory_space<vmem>>
        %dma_wait3A_94 = arith.constant 0 : i32
        %dma_wait3A_95 = arith.constant 0 : i32
        %dma_wait3A_96 = tpu.memref_slice %arg2[%scan3A, %dma_wait3A_94, %dma_wait3A_95] : memref<2x10000x128xf32, #tpu.memory_space<hbm>> -> memref<1x10000x128xf32, #tpu.memory_space<hbm>>
        %dma_wait3A_97 = tpu.memref_squeeze %dma_wait3A_96 : memref<1x10000x128xf32, #tpu.memory_space<hbm>> -> memref<10000x128xf32, #tpu.memory_space<hbm>>
        %dma_wait3A_98 = arith.constant 0 : i32
        %dma_wait3A_99 = arith.constant 0 : i32
        %dma_wait3A_100 = tpu.memref_slice %dma_wait3A_97[%dma_wait3A_98, %dma_wait3A_99] : memref<10000x128xf32, #tpu.memory_space<hbm>> -> memref<10000x128xf32, #tpu.memory_space<hbm>>
        tpu.wait_indirect_dma semaphore(%arg13 : memref<!tpu.dma_semaphore, #tpu.memory_space<semaphore_mem>>) src(%dma_wait3A_100 : memref<10000x128xf32, #tpu.memory_space<hbm>>) dst(%arg10 : memref<120x128xf32, #tpu.memory_space<vmem>>)
        %dma_start3A_101 = arith.constant 1 : i32
        %dma_start3A_102 = arith.constant 0 : i32
        %dma_start3A_103 = tpu.memref_slice %arg8[%dma_start3A_101, %dma_start3A_102] : memref<12x120xi32, #tpu.memory_space<vmem>> -> memref<1x120xi32, #tpu.memory_space<vmem>>
        %dma_start3A_104 = tpu.memref_squeeze %dma_start3A_103 : memref<1x120xi32, #tpu.memory_space<vmem>> -> memref<120xi32, #tpu.memory_space<vmem>>
        %dma_start3A_105 = arith.constant 0 : i32
        %dma_start3A_106 = arith.constant 0 : i32
        %dma_start3A_107 = tpu.memref_slice %arg6[%dma_start3A_105, %dma_start3A_106] : memref<10112x128xf32, #tpu.memory_space<vmem_shared>> -> memref<10112x128xf32, #tpu.memory_space<vmem_shared>>
        tpu.enqueue_indirect_dma source(%arg10 : memref<120x128xf32, #tpu.memory_space<vmem>>) target(%dma_start3A_107 : memref<10112x128xf32, #tpu.memory_space<vmem_shared>>) offsets(%dma_start3A_104 : memref<120xi32, #tpu.memory_space<vmem>>) semaphore(%arg16 : memref<!tpu.dma_semaphore, #tpu.memory_space<semaphore_mem>>) {add = true}
        %dma_wait3A_108 = arith.constant 2 : i32
        %dma_wait3A_109 = arith.constant 0 : i32
        %dma_wait3A_110 = tpu.memref_slice %arg7[%dma_wait3A_108, %dma_wait3A_109] : memref<12x120xi32, #tpu.memory_space<vmem>> -> memref<1x120xi32, #tpu.memory_space<vmem>>
        %dma_wait3A_111 = tpu.memref_squeeze %dma_wait3A_110 : memref<1x120xi32, #tpu.memory_space<vmem>> -> memref<120xi32, #tpu.memory_space<vmem>>
        %dma_wait3A_112 = arith.constant 0 : i32
        %dma_wait3A_113 = arith.constant 0 : i32
        %dma_wait3A_114 = tpu.memref_slice %arg2[%scan3A, %dma_wait3A_112, %dma_wait3A_113] : memref<2x10000x128xf32, #tpu.memory_space<hbm>> -> memref<1x10000x128xf32, #tpu.memory_space<hbm>>
        %dma_wait3A_115 = tpu.memref_squeeze %dma_wait3A_114 : memref<1x10000x128xf32, #tpu.memory_space<hbm>> -> memref<10000x128xf32, #tpu.memory_space<hbm>>
        %dma_wait3A_116 = arith.constant 0 : i32
        %dma_wait3A_117 = arith.constant 0 : i32
        %dma_wait3A_118 = tpu.memref_slice %dma_wait3A_115[%dma_wait3A_116, %dma_wait3A_117] : memref<10000x128xf32, #tpu.memory_space<hbm>> -> memref<10000x128xf32, #tpu.memory_space<hbm>>
        tpu.wait_indirect_dma semaphore(%arg14 : memref<!tpu.dma_semaphore, #tpu.memory_space<semaphore_mem>>) src(%dma_wait3A_118 : memref<10000x128xf32, #tpu.memory_space<hbm>>) dst(%arg11 : memref<120x128xf32, #tpu.memory_space<vmem>>)
        %dma_start3A_119 = arith.constant 2 : i32
        %dma_start3A_120 = arith.constant 0 : i32
        %dma_start3A_121 = tpu.memref_slice %arg8[%dma_start3A_119, %dma_start3A_120] : memref<12x120xi32, #tpu.memory_space<vmem>> -> memref<1x120xi32, #tpu.memory_space<vmem>>
        %dma_start3A_122 = tpu.memref_squeeze %dma_start3A_121 : memref<1x120xi32, #tpu.memory_space<vmem>> -> memref<120xi32, #tpu.memory_space<vmem>>
        %dma_start3A_123 = arith.constant 0 : i32
        %dma_start3A_124 = arith.constant 0 : i32
        %dma_start3A_125 = tpu.memref_slice %arg6[%dma_start3A_123, %dma_start3A_124] : memref<10112x128xf32, #tpu.memory_space<vmem_shared>> -> memref<10112x128xf32, #tpu.memory_space<vmem_shared>>
        tpu.enqueue_indirect_dma source(%arg11 : memref<120x128xf32, #tpu.memory_space<vmem>>) target(%dma_start3A_125 : memref<10112x128xf32, #tpu.memory_space<vmem_shared>>) offsets(%dma_start3A_122 : memref<120xi32, #tpu.memory_space<vmem>>) semaphore(%arg17 : memref<!tpu.dma_semaphore, #tpu.memory_space<semaphore_mem>>) {add = true}
        %dma_wait3A_126 = arith.constant 0 : i32
        %dma_wait3A_127 = arith.constant 0 : i32
        %dma_wait3A_128 = tpu.memref_slice %arg8[%dma_wait3A_126, %dma_wait3A_127] : memref<12x120xi32, #tpu.memory_space<vmem>> -> memref<1x120xi32, #tpu.memory_space<vmem>>
        %dma_wait3A_129 = tpu.memref_squeeze %dma_wait3A_128 : memref<1x120xi32, #tpu.memory_space<vmem>> -> memref<120xi32, #tpu.memory_space<vmem>>
        %dma_wait3A_130 = arith.constant 0 : i32
        %dma_wait3A_131 = arith.constant 0 : i32
        %dma_wait3A_132 = tpu.memref_slice %arg6[%dma_wait3A_130, %dma_wait3A_131] : memref<10112x128xf32, #tpu.memory_space<vmem_shared>> -> memref<10112x128xf32, #tpu.memory_space<vmem_shared>>
        tpu.wait_indirect_dma semaphore(%arg15 : memref<!tpu.dma_semaphore, #tpu.memory_space<semaphore_mem>>) src(%arg9 : memref<120x128xf32, #tpu.memory_space<vmem>>) dst(%dma_wait3A_132 : memref<10112x128xf32, #tpu.memory_space<vmem_shared>>)
        %dma_start3A_133 = arith.constant 3 : i32
        %dma_start3A_134 = arith.constant 0 : i32
        %dma_start3A_135 = tpu.memref_slice %arg7[%dma_start3A_133, %dma_start3A_134] : memref<12x120xi32, #tpu.memory_space<vmem>> -> memref<1x120xi32, #tpu.memory_space<vmem>>
        %dma_start3A_136 = tpu.memref_squeeze %dma_start3A_135 : memref<1x120xi32, #tpu.memory_space<vmem>> -> memref<120xi32, #tpu.memory_space<vmem>>
        %dma_start3A_137 = arith.constant 0 : i32
        %dma_start3A_138 = arith.constant 0 : i32
        %dma_start3A_139 = tpu.memref_slice %arg2[%scan3A, %dma_start3A_137, %dma_start3A_138] : memref<2x10000x128xf32, #tpu.memory_space<hbm>> -> memref<1x10000x128xf32, #tpu.memory_space<hbm>>
        %dma_start3A_140 = tpu.memref_squeeze %dma_start3A_139 : memref<1x10000x128xf32, #tpu.memory_space<hbm>> -> memref<10000x128xf32, #tpu.memory_space<hbm>>
        %dma_start3A_141 = arith.constant 0 : i32
        %dma_start3A_142 = arith.constant 0 : i32
        %dma_start3A_143 = tpu.memref_slice %dma_start3A_140[%dma_start3A_141, %dma_start3A_142] : memref<10000x128xf32, #tpu.memory_space<hbm>> -> memref<10000x128xf32, #tpu.memory_space<hbm>>
        tpu.enqueue_indirect_dma source(%dma_start3A_143 : memref<10000x128xf32, #tpu.memory_space<hbm>>) target(%arg9 : memref<120x128xf32, #tpu.memory_space<vmem>>) offsets(%dma_start3A_136 : memref<120xi32, #tpu.memory_space<vmem>>) semaphore(%arg12 : memref<!tpu.dma_semaphore, #tpu.memory_space<semaphore_mem>>)
        %dma_wait3A_144 = arith.constant 1 : i32
        %dma_wait3A_145 = arith.constant 0 : i32
        %dma_wait3A_146 = tpu.memref_slice %arg8[%dma_wait3A_144, %dma_wait3A_145] : memref<12x120xi32, #tpu.memory_space<vmem>> -> memref<1x120xi32, #tpu.memory_space<vmem>>
        %dma_wait3A_147 = tpu.memref_squeeze %dma_wait3A_146 : memref<1x120xi32, #tpu.memory_space<vmem>> -> memref<120xi32, #tpu.memory_space<vmem>>
        %dma_wait3A_148 = arith.constant 0 : i32
        %dma_wait3A_149 = arith.constant 0 : i32
        %dma_wait3A_150 = tpu.memref_slice %arg6[%dma_wait3A_148, %dma_wait3A_149] : memref<10112x128xf32, #tpu.memory_space<vmem_shared>> -> memref<10112x128xf32, #tpu.memory_space<vmem_shared>>
        tpu.wait_indirect_dma semaphore(%arg16 : memref<!tpu.dma_semaphore, #tpu.memory_space<semaphore_mem>>) src(%arg10 : memref<120x128xf32, #tpu.memory_space<vmem>>) dst(%dma_wait3A_150 : memref<10112x128xf32, #tpu.memory_space<vmem_shared>>)
        %dma_start3A_151 = arith.constant 4 : i32
        %dma_start3A_152 = arith.constant 0 : i32
        %dma_start3A_153 = tpu.memref_slice %arg7[%dma_start3A_151, %dma_start3A_152] : memref<12x120xi32, #tpu.memory_space<vmem>> -> memref<1x120xi32, #tpu.memory_space<vmem>>
        %dma_start3A_154 = tpu.memref_squeeze %dma_start3A_153 : memref<1x120xi32, #tpu.memory_space<vmem>> -> memref<120xi32, #tpu.memory_space<vmem>>
        %dma_start3A_155 = arith.constant 0 : i32
        %dma_start3A_156 = arith.constant 0 : i32
        %dma_start3A_157 = tpu.memref_slice %arg2[%scan3A, %dma_start3A_155, %dma_start3A_156] : memref<2x10000x128xf32, #tpu.memory_space<hbm>> -> memref<1x10000x128xf32, #tpu.memory_space<hbm>>
        %dma_start3A_158 = tpu.memref_squeeze %dma_start3A_157 : memref<1x10000x128xf32, #tpu.memory_space<hbm>> -> memref<10000x128xf32, #tpu.memory_space<hbm>>
        %dma_start3A_159 = arith.constant 0 : i32
        %dma_start3A_160 = arith.constant 0 : i32
        %dma_start3A_161 = tpu.memref_slice %dma_start3A_158[%dma_start3A_159, %dma_start3A_160] : memref<10000x128xf32, #tpu.memory_space<hbm>> -> memref<10000x128xf32, #tpu.memory_space<hbm>>
        tpu.enqueue_indirect_dma source(%dma_start3A_161 : memref<10000x128xf32, #tpu.memory_space<hbm>>) target(%arg10 : memref<120x128xf32, #tpu.memory_space<vmem>>) offsets(%dma_start3A_154 : memref<120xi32, #tpu.memory_space<vmem>>) semaphore(%arg13 : memref<!tpu.dma_semaphore, #tpu.memory_space<semaphore_mem>>)
        %dma_wait3A_162 = arith.constant 2 : i32
        %dma_wait3A_163 = arith.constant 0 : i32
        %dma_wait3A_164 = tpu.memref_slice %arg8[%dma_wait3A_162, %dma_wait3A_163] : memref<12x120xi32, #tpu.memory_space<vmem>> -> memref<1x120xi32, #tpu.memory_space<vmem>>
        %dma_wait3A_165 = tpu.memref_squeeze %dma_wait3A_164 : memref<1x120xi32, #tpu.memory_space<vmem>> -> memref<120xi32, #tpu.memory_space<vmem>>
        %dma_wait3A_166 = arith.constant 0 : i32
        %dma_wait3A_167 = arith.constant 0 : i32
        %dma_wait3A_168 = tpu.memref_slice %arg6[%dma_wait3A_166, %dma_wait3A_167] : memref<10112x128xf32, #tpu.memory_space<vmem_shared>> -> memref<10112x128xf32, #tpu.memory_space<vmem_shared>>
        tpu.wait_indirect_dma semaphore(%arg17 : memref<!tpu.dma_semaphore, #tpu.memory_space<semaphore_mem>>) src(%arg11 : memref<120x128xf32, #tpu.memory_space<vmem>>) dst(%dma_wait3A_168 : memref<10112x128xf32, #tpu.memory_space<vmem_shared>>)
        %dma_start3A_169 = arith.constant 5 : i32
        %dma_start3A_170 = arith.constant 0 : i32
        %dma_start3A_171 = tpu.memref_slice %arg7[%dma_start3A_169, %dma_start3A_170] : memref<12x120xi32, #tpu.memory_space<vmem>> -> memref<1x120xi32, #tpu.memory_space<vmem>>
        %dma_start3A_172 = tpu.memref_squeeze %dma_start3A_171 : memref<1x120xi32, #tpu.memory_space<vmem>> -> memref<120xi32, #tpu.memory_space<vmem>>
        %dma_start3A_173 = arith.constant 0 : i32
        %dma_start3A_174 = arith.constant 0 : i32
        %dma_start3A_175 = tpu.memref_slice %arg2[%scan3A, %dma_start3A_173, %dma_start3A_174] : memref<2x10000x128xf32, #tpu.memory_space<hbm>> -> memref<1x10000x128xf32, #tpu.memory_space<hbm>>
        %dma_start3A_176 = tpu.memref_squeeze %dma_start3A_175 : memref<1x10000x128xf32, #tpu.memory_space<hbm>> -> memref<10000x128xf32, #tpu.memory_space<hbm>>
        %dma_start3A_177 = arith.constant 0 : i32
        %dma_start3A_178 = arith.constant 0 : i32
        %dma_start3A_179 = tpu.memref_slice %dma_start3A_176[%dma_start3A_177, %dma_start3A_178] : memref<10000x128xf32, #tpu.memory_space<hbm>> -> memref<10000x128xf32, #tpu.memory_space<hbm>>
        tpu.enqueue_indirect_dma source(%dma_start3A_179 : memref<10000x128xf32, #tpu.memory_space<hbm>>) target(%arg11 : memref<120x128xf32, #tpu.memory_space<vmem>>) offsets(%dma_start3A_172 : memref<120xi32, #tpu.memory_space<vmem>>) semaphore(%arg14 : memref<!tpu.dma_semaphore, #tpu.memory_space<semaphore_mem>>)
        %dma_wait3A_180 = arith.constant 3 : i32
        %dma_wait3A_181 = arith.constant 0 : i32
        %dma_wait3A_182 = tpu.memref_slice %arg7[%dma_wait3A_180, %dma_wait3A_181] : memref<12x120xi32, #tpu.memory_space<vmem>> -> memref<1x120xi32, #tpu.memory_space<vmem>>
        %dma_wait3A_183 = tpu.memref_squeeze %dma_wait3A_182 : memref<1x120xi32, #tpu.memory_space<vmem>> -> memref<120xi32, #tpu.memory_space<vmem>>
        %dma_wait3A_184 = arith.constant 0 : i32
        %dma_wait3A_185 = arith.constant 0 : i32
        %dma_wait3A_186 = tpu.memref_slice %arg2[%scan3A, %dma_wait3A_184, %dma_wait3A_185] : memref<2x10000x128xf32, #tpu.memory_space<hbm>> -> memref<1x10000x128xf32, #tpu.memory_space<hbm>>
        %dma_wait3A_187 = tpu.memref_squeeze %dma_wait3A_186 : memref<1x10000x128xf32, #tpu.memory_space<hbm>> -> memref<10000x128xf32, #tpu.memory_space<hbm>>
        %dma_wait3A_188 = arith.constant 0 : i32
        %dma_wait3A_189 = arith.constant 0 : i32
        %dma_wait3A_190 = tpu.memref_slice %dma_wait3A_187[%dma_wait3A_188, %dma_wait3A_189] : memref<10000x128xf32, #tpu.memory_space<hbm>> -> memref<10000x128xf32, #tpu.memory_space<hbm>>
        tpu.wait_indirect_dma semaphore(%arg12 : memref<!tpu.dma_semaphore, #tpu.memory_space<semaphore_mem>>) src(%dma_wait3A_190 : memref<10000x128xf32, #tpu.memory_space<hbm>>) dst(%arg9 : memref<120x128xf32, #tpu.memory_space<vmem>>)
        %dma_start3A_191 = arith.constant 3 : i32
        %dma_start3A_192 = arith.constant 0 : i32
        %dma_start3A_193 = tpu.memref_slice %arg8[%dma_start3A_191, %dma_start3A_192] : memref<12x120xi32, #tpu.memory_space<vmem>> -> memref<1x120xi32, #tpu.memory_space<vmem>>
        %dma_start3A_194 = tpu.memref_squeeze %dma_start3A_193 : memref<1x120xi32, #tpu.memory_space<vmem>> -> memref<120xi32, #tpu.memory_space<vmem>>
        %dma_start3A_195 = arith.constant 0 : i32
        %dma_start3A_196 = arith.constant 0 : i32
        %dma_start3A_197 = tpu.memref_slice %arg6[%dma_start3A_195, %dma_start3A_196] : memref<10112x128xf32, #tpu.memory_space<vmem_shared>> -> memref<10112x128xf32, #tpu.memory_space<vmem_shared>>
        tpu.enqueue_indirect_dma source(%arg9 : memref<120x128xf32, #tpu.memory_space<vmem>>) target(%dma_start3A_197 : memref<10112x128xf32, #tpu.memory_space<vmem_shared>>) offsets(%dma_start3A_194 : memref<120xi32, #tpu.memory_space<vmem>>) semaphore(%arg15 : memref<!tpu.dma_semaphore, #tpu.memory_space<semaphore_mem>>) {add = true}
        %dma_wait3A_198 = arith.constant 4 : i32
        %dma_wait3A_199 = arith.constant 0 : i32
        %dma_wait3A_200 = tpu.memref_slice %arg7[%dma_wait3A_198, %dma_wait3A_199] : memref<12x120xi32, #tpu.memory_space<vmem>> -> memref<1x120xi32, #tpu.memory_space<vmem>>
        %dma_wait3A_201 = tpu.memref_squeeze %dma_wait3A_200 : memref<1x120xi32, #tpu.memory_space<vmem>> -> memref<120xi32, #tpu.memory_space<vmem>>
        %dma_wait3A_202 = arith.constant 0 : i32
        %dma_wait3A_203 = arith.constant 0 : i32
        %dma_wait3A_204 = tpu.memref_slice %arg2[%scan3A, %dma_wait3A_202, %dma_wait3A_203] : memref<2x10000x128xf32, #tpu.memory_space<hbm>> -> memref<1x10000x128xf32, #tpu.memory_space<hbm>>
        %dma_wait3A_205 = tpu.memref_squeeze %dma_wait3A_204 : memref<1x10000x128xf32, #tpu.memory_space<hbm>> -> memref<10000x128xf32, #tpu.memory_space<hbm>>
        %dma_wait3A_206 = arith.constant 0 : i32
        %dma_wait3A_207 = arith.constant 0 : i32
        %dma_wait3A_208 = tpu.memref_slice %dma_wait3A_205[%dma_wait3A_206, %dma_wait3A_207] : memref<10000x128xf32, #tpu.memory_space<hbm>> -> memref<10000x128xf32, #tpu.memory_space<hbm>>
        tpu.wait_indirect_dma semaphore(%arg13 : memref<!tpu.dma_semaphore, #tpu.memory_space<semaphore_mem>>) src(%dma_wait3A_208 : memref<10000x128xf32, #tpu.memory_space<hbm>>) dst(%arg10 : memref<120x128xf32, #tpu.memory_space<vmem>>)
        %dma_start3A_209 = arith.constant 4 : i32
        %dma_start3A_210 = arith.constant 0 : i32
        %dma_start3A_211 = tpu.memref_slice %arg8[%dma_start3A_209, %dma_start3A_210] : memref<12x120xi32, #tpu.memory_space<vmem>> -> memref<1x120xi32, #tpu.memory_space<vmem>>
        %dma_start3A_212 = tpu.memref_squeeze %dma_start3A_211 : memref<1x120xi32, #tpu.memory_space<vmem>> -> memref<120xi32, #tpu.memory_space<vmem>>
        %dma_start3A_213 = arith.constant 0 : i32
        %dma_start3A_214 = arith.constant 0 : i32
        %dma_start3A_215 = tpu.memref_slice %arg6[%dma_start3A_213, %dma_start3A_214] : memref<10112x128xf32, #tpu.memory_space<vmem_shared>> -> memref<10112x128xf32, #tpu.memory_space<vmem_shared>>
        tpu.enqueue_indirect_dma source(%arg10 : memref<120x128xf32, #tpu.memory_space<vmem>>) target(%dma_start3A_215 : memref<10112x128xf32, #tpu.memory_space<vmem_shared>>) offsets(%dma_start3A_212 : memref<120xi32, #tpu.memory_space<vmem>>) semaphore(%arg16 : memref<!tpu.dma_semaphore, #tpu.memory_space<semaphore_mem>>) {add = true}
        %dma_wait3A_216 = arith.constant 5 : i32
        %dma_wait3A_217 = arith.constant 0 : i32
        %dma_wait3A_218 = tpu.memref_slice %arg7[%dma_wait3A_216, %dma_wait3A_217] : memref<12x120xi32, #tpu.memory_space<vmem>> -> memref<1x120xi32, #tpu.memory_space<vmem>>
        %dma_wait3A_219 = tpu.memref_squeeze %dma_wait3A_218 : memref<1x120xi32, #tpu.memory_space<vmem>> -> memref<120xi32, #tpu.memory_space<vmem>>
        %dma_wait3A_220 = arith.constant 0 : i32
        %dma_wait3A_221 = arith.constant 0 : i32
        %dma_wait3A_222 = tpu.memref_slice %arg2[%scan3A, %dma_wait3A_220, %dma_wait3A_221] : memref<2x10000x128xf32, #tpu.memory_space<hbm>> -> memref<1x10000x128xf32, #tpu.memory_space<hbm>>
        %dma_wait3A_223 = tpu.memref_squeeze %dma_wait3A_222 : memref<1x10000x128xf32, #tpu.memory_space<hbm>> -> memref<10000x128xf32, #tpu.memory_space<hbm>>
        %dma_wait3A_224 = arith.constant 0 : i32
        %dma_wait3A_225 = arith.constant 0 : i32
        %dma_wait3A_226 = tpu.memref_slice %dma_wait3A_223[%dma_wait3A_224, %dma_wait3A_225] : memref<10000x128xf32, #tpu.memory_space<hbm>> -> memref<10000x128xf32, #tpu.memory_space<hbm>>
        tpu.wait_indirect_dma semaphore(%arg14 : memref<!tpu.dma_semaphore, #tpu.memory_space<semaphore_mem>>) src(%dma_wait3A_226 : memref<10000x128xf32, #tpu.memory_space<hbm>>) dst(%arg11 : memref<120x128xf32, #tpu.memory_space<vmem>>)
        %dma_start3A_227 = arith.constant 5 : i32
        %dma_start3A_228 = arith.constant 0 : i32
        %dma_start3A_229 = tpu.memref_slice %arg8[%dma_start3A_227, %dma_start3A_228] : memref<12x120xi32, #tpu.memory_space<vmem>> -> memref<1x120xi32, #tpu.memory_space<vmem>>
        %dma_start3A_230 = tpu.memref_squeeze %dma_start3A_229 : memref<1x120xi32, #tpu.memory_space<vmem>> -> memref<120xi32, #tpu.memory_space<vmem>>
        %dma_start3A_231 = arith.constant 0 : i32
        %dma_start3A_232 = arith.constant 0 : i32
        %dma_start3A_233 = tpu.memref_slice %arg6[%dma_start3A_231, %dma_start3A_232] : memref<10112x128xf32, #tpu.memory_space<vmem_shared>> -> memref<10112x128xf32, #tpu.memory_space<vmem_shared>>
        tpu.enqueue_indirect_dma source(%arg11 : memref<120x128xf32, #tpu.memory_space<vmem>>) target(%dma_start3A_233 : memref<10112x128xf32, #tpu.memory_space<vmem_shared>>) offsets(%dma_start3A_230 : memref<120xi32, #tpu.memory_space<vmem>>) semaphore(%arg17 : memref<!tpu.dma_semaphore, #tpu.memory_space<semaphore_mem>>) {add = true}
        %dma_wait3A_234 = arith.constant 3 : i32
        %dma_wait3A_235 = arith.constant 0 : i32
        %dma_wait3A_236 = tpu.memref_slice %arg8[%dma_wait3A_234, %dma_wait3A_235] : memref<12x120xi32, #tpu.memory_space<vmem>> -> memref<1x120xi32, #tpu.memory_space<vmem>>
        %dma_wait3A_237 = tpu.memref_squeeze %dma_wait3A_236 : memref<1x120xi32, #tpu.memory_space<vmem>> -> memref<120xi32, #tpu.memory_space<vmem>>
        %dma_wait3A_238 = arith.constant 0 : i32
        %dma_wait3A_239 = arith.constant 0 : i32
        %dma_wait3A_240 = tpu.memref_slice %arg6[%dma_wait3A_238, %dma_wait3A_239] : memref<10112x128xf32, #tpu.memory_space<vmem_shared>> -> memref<10112x128xf32, #tpu.memory_space<vmem_shared>>
        tpu.wait_indirect_dma semaphore(%arg15 : memref<!tpu.dma_semaphore, #tpu.memory_space<semaphore_mem>>) src(%arg9 : memref<120x128xf32, #tpu.memory_space<vmem>>) dst(%dma_wait3A_240 : memref<10112x128xf32, #tpu.memory_space<vmem_shared>>)
        %dma_start3A_241 = arith.constant 6 : i32
        %dma_start3A_242 = arith.constant 0 : i32
        %dma_start3A_243 = tpu.memref_slice %arg7[%dma_start3A_241, %dma_start3A_242] : memref<12x120xi32, #tpu.memory_space<vmem>> -> memref<1x120xi32, #tpu.memory_space<vmem>>
        %dma_start3A_244 = tpu.memref_squeeze %dma_start3A_243 : memref<1x120xi32, #tpu.memory_space<vmem>> -> memref<120xi32, #tpu.memory_space<vmem>>
        %dma_start3A_245 = arith.constant 0 : i32
        %dma_start3A_246 = arith.constant 0 : i32
        %dma_start3A_247 = tpu.memref_slice %arg2[%scan3A, %dma_start3A_245, %dma_start3A_246] : memref<2x10000x128xf32, #tpu.memory_space<hbm>> -> memref<1x10000x128xf32, #tpu.memory_space<hbm>>
        %dma_start3A_248 = tpu.memref_squeeze %dma_start3A_247 : memref<1x10000x128xf32, #tpu.memory_space<hbm>> -> memref<10000x128xf32, #tpu.memory_space<hbm>>
        %dma_start3A_249 = arith.constant 0 : i32
        %dma_start3A_250 = arith.constant 0 : i32
        %dma_start3A_251 = tpu.memref_slice %dma_start3A_248[%dma_start3A_249, %dma_start3A_250] : memref<10000x128xf32, #tpu.memory_space<hbm>> -> memref<10000x128xf32, #tpu.memory_space<hbm>>
        tpu.enqueue_indirect_dma source(%dma_start3A_251 : memref<10000x128xf32, #tpu.memory_space<hbm>>) target(%arg9 : memref<120x128xf32, #tpu.memory_space<vmem>>) offsets(%dma_start3A_244 : memref<120xi32, #tpu.memory_space<vmem>>) semaphore(%arg12 : memref<!tpu.dma_semaphore, #tpu.memory_space<semaphore_mem>>)
        %dma_wait3A_252 = arith.constant 4 : i32
        %dma_wait3A_253 = arith.constant 0 : i32
        %dma_wait3A_254 = tpu.memref_slice %arg8[%dma_wait3A_252, %dma_wait3A_253] : memref<12x120xi32, #tpu.memory_space<vmem>> -> memref<1x120xi32, #tpu.memory_space<vmem>>
        %dma_wait3A_255 = tpu.memref_squeeze %dma_wait3A_254 : memref<1x120xi32, #tpu.memory_space<vmem>> -> memref<120xi32, #tpu.memory_space<vmem>>
        %dma_wait3A_256 = arith.constant 0 : i32
        %dma_wait3A_257 = arith.constant 0 : i32
        %dma_wait3A_258 = tpu.memref_slice %arg6[%dma_wait3A_256, %dma_wait3A_257] : memref<10112x128xf32, #tpu.memory_space<vmem_shared>> -> memref<10112x128xf32, #tpu.memory_space<vmem_shared>>
        tpu.wait_indirect_dma semaphore(%arg16 : memref<!tpu.dma_semaphore, #tpu.memory_space<semaphore_mem>>) src(%arg10 : memref<120x128xf32, #tpu.memory_space<vmem>>) dst(%dma_wait3A_258 : memref<10112x128xf32, #tpu.memory_space<vmem_shared>>)
        %dma_start3A_259 = arith.constant 7 : i32
        %dma_start3A_260 = arith.constant 0 : i32
        %dma_start3A_261 = tpu.memref_slice %arg7[%dma_start3A_259, %dma_start3A_260] : memref<12x120xi32, #tpu.memory_space<vmem>> -> memref<1x120xi32, #tpu.memory_space<vmem>>
        %dma_start3A_262 = tpu.memref_squeeze %dma_start3A_261 : memref<1x120xi32, #tpu.memory_space<vmem>> -> memref<120xi32, #tpu.memory_space<vmem>>
        %dma_start3A_263 = arith.constant 0 : i32
        %dma_start3A_264 = arith.constant 0 : i32
        %dma_start3A_265 = tpu.memref_slice %arg2[%scan3A, %dma_start3A_263, %dma_start3A_264] : memref<2x10000x128xf32, #tpu.memory_space<hbm>> -> memref<1x10000x128xf32, #tpu.memory_space<hbm>>
        %dma_start3A_266 = tpu.memref_squeeze %dma_start3A_265 : memref<1x10000x128xf32, #tpu.memory_space<hbm>> -> memref<10000x128xf32, #tpu.memory_space<hbm>>
        %dma_start3A_267 = arith.constant 0 : i32
        %dma_start3A_268 = arith.constant 0 : i32
        %dma_start3A_269 = tpu.memref_slice %dma_start3A_266[%dma_start3A_267, %dma_start3A_268] : memref<10000x128xf32, #tpu.memory_space<hbm>> -> memref<10000x128xf32, #tpu.memory_space<hbm>>
        tpu.enqueue_indirect_dma source(%dma_start3A_269 : memref<10000x128xf32, #tpu.memory_space<hbm>>) target(%arg10 : memref<120x128xf32, #tpu.memory_space<vmem>>) offsets(%dma_start3A_262 : memref<120xi32, #tpu.memory_space<vmem>>) semaphore(%arg13 : memref<!tpu.dma_semaphore, #tpu.memory_space<semaphore_mem>>)
        %dma_wait3A_270 = arith.constant 5 : i32
        %dma_wait3A_271 = arith.constant 0 : i32
        %dma_wait3A_272 = tpu.memref_slice %arg8[%dma_wait3A_270, %dma_wait3A_271] : memref<12x120xi32, #tpu.memory_space<vmem>> -> memref<1x120xi32, #tpu.memory_space<vmem>>
        %dma_wait3A_273 = tpu.memref_squeeze %dma_wait3A_272 : memref<1x120xi32, #tpu.memory_space<vmem>> -> memref<120xi32, #tpu.memory_space<vmem>>
        %dma_wait3A_274 = arith.constant 0 : i32
        %dma_wait3A_275 = arith.constant 0 : i32
        %dma_wait3A_276 = tpu.memref_slice %arg6[%dma_wait3A_274, %dma_wait3A_275] : memref<10112x128xf32, #tpu.memory_space<vmem_shared>> -> memref<10112x128xf32, #tpu.memory_space<vmem_shared>>
        tpu.wait_indirect_dma semaphore(%arg17 : memref<!tpu.dma_semaphore, #tpu.memory_space<semaphore_mem>>) src(%arg11 : memref<120x128xf32, #tpu.memory_space<vmem>>) dst(%dma_wait3A_276 : memref<10112x128xf32, #tpu.memory_space<vmem_shared>>)
        %dma_start3A_277 = arith.constant 8 : i32
        %dma_start3A_278 = arith.constant 0 : i32
        %dma_start3A_279 = tpu.memref_slice %arg7[%dma_start3A_277, %dma_start3A_278] : memref<12x120xi32, #tpu.memory_space<vmem>> -> memref<1x120xi32, #tpu.memory_space<vmem>>
        %dma_start3A_280 = tpu.memref_squeeze %dma_start3A_279 : memref<1x120xi32, #tpu.memory_space<vmem>> -> memref<120xi32, #tpu.memory_space<vmem>>
        %dma_start3A_281 = arith.constant 0 : i32
        %dma_start3A_282 = arith.constant 0 : i32
        %dma_start3A_283 = tpu.memref_slice %arg2[%scan3A, %dma_start3A_281, %dma_start3A_282] : memref<2x10000x128xf32, #tpu.memory_space<hbm>> -> memref<1x10000x128xf32, #tpu.memory_space<hbm>>
        %dma_start3A_284 = tpu.memref_squeeze %dma_start3A_283 : memref<1x10000x128xf32, #tpu.memory_space<hbm>> -> memref<10000x128xf32, #tpu.memory_space<hbm>>
        %dma_start3A_285 = arith.constant 0 : i32
        %dma_start3A_286 = arith.constant 0 : i32
        %dma_start3A_287 = tpu.memref_slice %dma_start3A_284[%dma_start3A_285, %dma_start3A_286] : memref<10000x128xf32, #tpu.memory_space<hbm>> -> memref<10000x128xf32, #tpu.memory_space<hbm>>
        tpu.enqueue_indirect_dma source(%dma_start3A_287 : memref<10000x128xf32, #tpu.memory_space<hbm>>) target(%arg11 : memref<120x128xf32, #tpu.memory_space<vmem>>) offsets(%dma_start3A_280 : memref<120xi32, #tpu.memory_space<vmem>>) semaphore(%arg14 : memref<!tpu.dma_semaphore, #tpu.memory_space<semaphore_mem>>)
        %dma_wait3A_288 = arith.constant 6 : i32
        %dma_wait3A_289 = arith.constant 0 : i32
        %dma_wait3A_290 = tpu.memref_slice %arg7[%dma_wait3A_288, %dma_wait3A_289] : memref<12x120xi32, #tpu.memory_space<vmem>> -> memref<1x120xi32, #tpu.memory_space<vmem>>
        %dma_wait3A_291 = tpu.memref_squeeze %dma_wait3A_290 : memref<1x120xi32, #tpu.memory_space<vmem>> -> memref<120xi32, #tpu.memory_space<vmem>>
        %dma_wait3A_292 = arith.constant 0 : i32
        %dma_wait3A_293 = arith.constant 0 : i32
        %dma_wait3A_294 = tpu.memref_slice %arg2[%scan3A, %dma_wait3A_292, %dma_wait3A_293] : memref<2x10000x128xf32, #tpu.memory_space<hbm>> -> memref<1x10000x128xf32, #tpu.memory_space<hbm>>
        %dma_wait3A_295 = tpu.memref_squeeze %dma_wait3A_294 : memref<1x10000x128xf32, #tpu.memory_space<hbm>> -> memref<10000x128xf32, #tpu.memory_space<hbm>>
        %dma_wait3A_296 = arith.constant 0 : i32
        %dma_wait3A_297 = arith.constant 0 : i32
        %dma_wait3A_298 = tpu.memref_slice %dma_wait3A_295[%dma_wait3A_296, %dma_wait3A_297] : memref<10000x128xf32, #tpu.memory_space<hbm>> -> memref<10000x128xf32, #tpu.memory_space<hbm>>
        tpu.wait_indirect_dma semaphore(%arg12 : memref<!tpu.dma_semaphore, #tpu.memory_space<semaphore_mem>>) src(%dma_wait3A_298 : memref<10000x128xf32, #tpu.memory_space<hbm>>) dst(%arg9 : memref<120x128xf32, #tpu.memory_space<vmem>>)
        %dma_start3A_299 = arith.constant 6 : i32
        %dma_start3A_300 = arith.constant 0 : i32
        %dma_start3A_301 = tpu.memref_slice %arg8[%dma_start3A_299, %dma_start3A_300] : memref<12x120xi32, #tpu.memory_space<vmem>> -> memref<1x120xi32, #tpu.memory_space<vmem>>
        %dma_start3A_302 = tpu.memref_squeeze %dma_start3A_301 : memref<1x120xi32, #tpu.memory_space<vmem>> -> memref<120xi32, #tpu.memory_space<vmem>>
        %dma_start3A_303 = arith.constant 0 : i32
        %dma_start3A_304 = arith.constant 0 : i32
        %dma_start3A_305 = tpu.memref_slice %arg6[%dma_start3A_303, %dma_start3A_304] : memref<10112x128xf32, #tpu.memory_space<vmem_shared>> -> memref<10112x128xf32, #tpu.memory_space<vmem_shared>>
        tpu.enqueue_indirect_dma source(%arg9 : memref<120x128xf32, #tpu.memory_space<vmem>>) target(%dma_start3A_305 : memref<10112x128xf32, #tpu.memory_space<vmem_shared>>) offsets(%dma_start3A_302 : memref<120xi32, #tpu.memory_space<vmem>>) semaphore(%arg15 : memref<!tpu.dma_semaphore, #tpu.memory_space<semaphore_mem>>) {add = true}
        %dma_wait3A_306 = arith.constant 7 : i32
        %dma_wait3A_307 = arith.constant 0 : i32
        %dma_wait3A_308 = tpu.memref_slice %arg7[%dma_wait3A_306, %dma_wait3A_307] : memref<12x120xi32, #tpu.memory_space<vmem>> -> memref<1x120xi32, #tpu.memory_space<vmem>>
        %dma_wait3A_309 = tpu.memref_squeeze %dma_wait3A_308 : memref<1x120xi32, #tpu.memory_space<vmem>> -> memref<120xi32, #tpu.memory_space<vmem>>
        %dma_wait3A_310 = arith.constant 0 : i32
        %dma_wait3A_311 = arith.constant 0 : i32
        %dma_wait3A_312 = tpu.memref_slice %arg2[%scan3A, %dma_wait3A_310, %dma_wait3A_311] : memref<2x10000x128xf32, #tpu.memory_space<hbm>> -> memref<1x10000x128xf32, #tpu.memory_space<hbm>>
        %dma_wait3A_313 = tpu.memref_squeeze %dma_wait3A_312 : memref<1x10000x128xf32, #tpu.memory_space<hbm>> -> memref<10000x128xf32, #tpu.memory_space<hbm>>
        %dma_wait3A_314 = arith.constant 0 : i32
        %dma_wait3A_315 = arith.constant 0 : i32
        %dma_wait3A_316 = tpu.memref_slice %dma_wait3A_313[%dma_wait3A_314, %dma_wait3A_315] : memref<10000x128xf32, #tpu.memory_space<hbm>> -> memref<10000x128xf32, #tpu.memory_space<hbm>>
        tpu.wait_indirect_dma semaphore(%arg13 : memref<!tpu.dma_semaphore, #tpu.memory_space<semaphore_mem>>) src(%dma_wait3A_316 : memref<10000x128xf32, #tpu.memory_space<hbm>>) dst(%arg10 : memref<120x128xf32, #tpu.memory_space<vmem>>)
        %dma_start3A_317 = arith.constant 7 : i32
        %dma_start3A_318 = arith.constant 0 : i32
        %dma_start3A_319 = tpu.memref_slice %arg8[%dma_start3A_317, %dma_start3A_318] : memref<12x120xi32, #tpu.memory_space<vmem>> -> memref<1x120xi32, #tpu.memory_space<vmem>>
        %dma_start3A_320 = tpu.memref_squeeze %dma_start3A_319 : memref<1x120xi32, #tpu.memory_space<vmem>> -> memref<120xi32, #tpu.memory_space<vmem>>
        %dma_start3A_321 = arith.constant 0 : i32
        %dma_start3A_322 = arith.constant 0 : i32
        %dma_start3A_323 = tpu.memref_slice %arg6[%dma_start3A_321, %dma_start3A_322] : memref<10112x128xf32, #tpu.memory_space<vmem_shared>> -> memref<10112x128xf32, #tpu.memory_space<vmem_shared>>
        tpu.enqueue_indirect_dma source(%arg10 : memref<120x128xf32, #tpu.memory_space<vmem>>) target(%dma_start3A_323 : memref<10112x128xf32, #tpu.memory_space<vmem_shared>>) offsets(%dma_start3A_320 : memref<120xi32, #tpu.memory_space<vmem>>) semaphore(%arg16 : memref<!tpu.dma_semaphore, #tpu.memory_space<semaphore_mem>>) {add = true}
        %dma_wait3A_324 = arith.constant 8 : i32
        %dma_wait3A_325 = arith.constant 0 : i32
        %dma_wait3A_326 = tpu.memref_slice %arg7[%dma_wait3A_324, %dma_wait3A_325] : memref<12x120xi32, #tpu.memory_space<vmem>> -> memref<1x120xi32, #tpu.memory_space<vmem>>
        %dma_wait3A_327 = tpu.memref_squeeze %dma_wait3A_326 : memref<1x120xi32, #tpu.memory_space<vmem>> -> memref<120xi32, #tpu.memory_space<vmem>>
        %dma_wait3A_328 = arith.constant 0 : i32
        %dma_wait3A_329 = arith.constant 0 : i32
        %dma_wait3A_330 = tpu.memref_slice %arg2[%scan3A, %dma_wait3A_328, %dma_wait3A_329] : memref<2x10000x128xf32, #tpu.memory_space<hbm>> -> memref<1x10000x128xf32, #tpu.memory_space<hbm>>
        %dma_wait3A_331 = tpu.memref_squeeze %dma_wait3A_330 : memref<1x10000x128xf32, #tpu.memory_space<hbm>> -> memref<10000x128xf32, #tpu.memory_space<hbm>>
        %dma_wait3A_332 = arith.constant 0 : i32
        %dma_wait3A_333 = arith.constant 0 : i32
        %dma_wait3A_334 = tpu.memref_slice %dma_wait3A_331[%dma_wait3A_332, %dma_wait3A_333] : memref<10000x128xf32, #tpu.memory_space<hbm>> -> memref<10000x128xf32, #tpu.memory_space<hbm>>
        tpu.wait_indirect_dma semaphore(%arg14 : memref<!tpu.dma_semaphore, #tpu.memory_space<semaphore_mem>>) src(%dma_wait3A_334 : memref<10000x128xf32, #tpu.memory_space<hbm>>) dst(%arg11 : memref<120x128xf32, #tpu.memory_space<vmem>>)
        %dma_start3A_335 = arith.constant 8 : i32
        %dma_start3A_336 = arith.constant 0 : i32
        %dma_start3A_337 = tpu.memref_slice %arg8[%dma_start3A_335, %dma_start3A_336] : memref<12x120xi32, #tpu.memory_space<vmem>> -> memref<1x120xi32, #tpu.memory_space<vmem>>
        %dma_start3A_338 = tpu.memref_squeeze %dma_start3A_337 : memref<1x120xi32, #tpu.memory_space<vmem>> -> memref<120xi32, #tpu.memory_space<vmem>>
        %dma_start3A_339 = arith.constant 0 : i32
        %dma_start3A_340 = arith.constant 0 : i32
        %dma_start3A_341 = tpu.memref_slice %arg6[%dma_start3A_339, %dma_start3A_340] : memref<10112x128xf32, #tpu.memory_space<vmem_shared>> -> memref<10112x128xf32, #tpu.memory_space<vmem_shared>>
        tpu.enqueue_indirect_dma source(%arg11 : memref<120x128xf32, #tpu.memory_space<vmem>>) target(%dma_start3A_341 : memref<10112x128xf32, #tpu.memory_space<vmem_shared>>) offsets(%dma_start3A_338 : memref<120xi32, #tpu.memory_space<vmem>>) semaphore(%arg17 : memref<!tpu.dma_semaphore, #tpu.memory_space<semaphore_mem>>) {add = true}
        %dma_wait3A_342 = arith.constant 6 : i32
        %dma_wait3A_343 = arith.constant 0 : i32
        %dma_wait3A_344 = tpu.memref_slice %arg8[%dma_wait3A_342, %dma_wait3A_343] : memref<12x120xi32, #tpu.memory_space<vmem>> -> memref<1x120xi32, #tpu.memory_space<vmem>>
        %dma_wait3A_345 = tpu.memref_squeeze %dma_wait3A_344 : memref<1x120xi32, #tpu.memory_space<vmem>> -> memref<120xi32, #tpu.memory_space<vmem>>
        %dma_wait3A_346 = arith.constant 0 : i32
        %dma_wait3A_347 = arith.constant 0 : i32
        %dma_wait3A_348 = tpu.memref_slice %arg6[%dma_wait3A_346, %dma_wait3A_347] : memref<10112x128xf32, #tpu.memory_space<vmem_shared>> -> memref<10112x128xf32, #tpu.memory_space<vmem_shared>>
        tpu.wait_indirect_dma semaphore(%arg15 : memref<!tpu.dma_semaphore, #tpu.memory_space<semaphore_mem>>) src(%arg9 : memref<120x128xf32, #tpu.memory_space<vmem>>) dst(%dma_wait3A_348 : memref<10112x128xf32, #tpu.memory_space<vmem_shared>>)
        %dma_start3A_349 = arith.constant 9 : i32
        %dma_start3A_350 = arith.constant 0 : i32
        %dma_start3A_351 = tpu.memref_slice %arg7[%dma_start3A_349, %dma_start3A_350] : memref<12x120xi32, #tpu.memory_space<vmem>> -> memref<1x120xi32, #tpu.memory_space<vmem>>
        %dma_start3A_352 = tpu.memref_squeeze %dma_start3A_351 : memref<1x120xi32, #tpu.memory_space<vmem>> -> memref<120xi32, #tpu.memory_space<vmem>>
        %dma_start3A_353 = arith.constant 0 : i32
        %dma_start3A_354 = arith.constant 0 : i32
        %dma_start3A_355 = tpu.memref_slice %arg2[%scan3A, %dma_start3A_353, %dma_start3A_354] : memref<2x10000x128xf32, #tpu.memory_space<hbm>> -> memref<1x10000x128xf32, #tpu.memory_space<hbm>>
        %dma_start3A_356 = tpu.memref_squeeze %dma_start3A_355 : memref<1x10000x128xf32, #tpu.memory_space<hbm>> -> memref<10000x128xf32, #tpu.memory_space<hbm>>
        %dma_start3A_357 = arith.constant 0 : i32
        %dma_start3A_358 = arith.constant 0 : i32
        %dma_start3A_359 = tpu.memref_slice %dma_start3A_356[%dma_start3A_357, %dma_start3A_358] : memref<10000x128xf32, #tpu.memory_space<hbm>> -> memref<10000x128xf32, #tpu.memory_space<hbm>>
        tpu.enqueue_indirect_dma source(%dma_start3A_359 : memref<10000x128xf32, #tpu.memory_space<hbm>>) target(%arg9 : memref<120x128xf32, #tpu.memory_space<vmem>>) offsets(%dma_start3A_352 : memref<120xi32, #tpu.memory_space<vmem>>) semaphore(%arg12 : memref<!tpu.dma_semaphore, #tpu.memory_space<semaphore_mem>>)
        %dma_wait3A_360 = arith.constant 7 : i32
        %dma_wait3A_361 = arith.constant 0 : i32
        %dma_wait3A_362 = tpu.memref_slice %arg8[%dma_wait3A_360, %dma_wait3A_361] : memref<12x120xi32, #tpu.memory_space<vmem>> -> memref<1x120xi32, #tpu.memory_space<vmem>>
        %dma_wait3A_363 = tpu.memref_squeeze %dma_wait3A_362 : memref<1x120xi32, #tpu.memory_space<vmem>> -> memref<120xi32, #tpu.memory_space<vmem>>
        %dma_wait3A_364 = arith.constant 0 : i32
        %dma_wait3A_365 = arith.constant 0 : i32
        %dma_wait3A_366 = tpu.memref_slice %arg6[%dma_wait3A_364, %dma_wait3A_365] : memref<10112x128xf32, #tpu.memory_space<vmem_shared>> -> memref<10112x128xf32, #tpu.memory_space<vmem_shared>>
        tpu.wait_indirect_dma semaphore(%arg16 : memref<!tpu.dma_semaphore, #tpu.memory_space<semaphore_mem>>) src(%arg10 : memref<120x128xf32, #tpu.memory_space<vmem>>) dst(%dma_wait3A_366 : memref<10112x128xf32, #tpu.memory_space<vmem_shared>>)
        %dma_start3A_367 = arith.constant 10 : i32
        %dma_start3A_368 = arith.constant 0 : i32
        %dma_start3A_369 = tpu.memref_slice %arg7[%dma_start3A_367, %dma_start3A_368] : memref<12x120xi32, #tpu.memory_space<vmem>> -> memref<1x120xi32, #tpu.memory_space<vmem>>
        %dma_start3A_370 = tpu.memref_squeeze %dma_start3A_369 : memref<1x120xi32, #tpu.memory_space<vmem>> -> memref<120xi32, #tpu.memory_space<vmem>>
        %dma_start3A_371 = arith.constant 0 : i32
        %dma_start3A_372 = arith.constant 0 : i32
        %dma_start3A_373 = tpu.memref_slice %arg2[%scan3A, %dma_start3A_371, %dma_start3A_372] : memref<2x10000x128xf32, #tpu.memory_space<hbm>> -> memref<1x10000x128xf32, #tpu.memory_space<hbm>>
        %dma_start3A_374 = tpu.memref_squeeze %dma_start3A_373 : memref<1x10000x128xf32, #tpu.memory_space<hbm>> -> memref<10000x128xf32, #tpu.memory_space<hbm>>
        %dma_start3A_375 = arith.constant 0 : i32
        %dma_start3A_376 = arith.constant 0 : i32
        %dma_start3A_377 = tpu.memref_slice %dma_start3A_374[%dma_start3A_375, %dma_start3A_376] : memref<10000x128xf32, #tpu.memory_space<hbm>> -> memref<10000x128xf32, #tpu.memory_space<hbm>>
        tpu.enqueue_indirect_dma source(%dma_start3A_377 : memref<10000x128xf32, #tpu.memory_space<hbm>>) target(%arg10 : memref<120x128xf32, #tpu.memory_space<vmem>>) offsets(%dma_start3A_370 : memref<120xi32, #tpu.memory_space<vmem>>) semaphore(%arg13 : memref<!tpu.dma_semaphore, #tpu.memory_space<semaphore_mem>>)
        %dma_wait3A_378 = arith.constant 8 : i32
        %dma_wait3A_379 = arith.constant 0 : i32
        %dma_wait3A_380 = tpu.memref_slice %arg8[%dma_wait3A_378, %dma_wait3A_379] : memref<12x120xi32, #tpu.memory_space<vmem>> -> memref<1x120xi32, #tpu.memory_space<vmem>>
        %dma_wait3A_381 = tpu.memref_squeeze %dma_wait3A_380 : memref<1x120xi32, #tpu.memory_space<vmem>> -> memref<120xi32, #tpu.memory_space<vmem>>
        %dma_wait3A_382 = arith.constant 0 : i32
        %dma_wait3A_383 = arith.constant 0 : i32
        %dma_wait3A_384 = tpu.memref_slice %arg6[%dma_wait3A_382, %dma_wait3A_383] : memref<10112x128xf32, #tpu.memory_space<vmem_shared>> -> memref<10112x128xf32, #tpu.memory_space<vmem_shared>>
        tpu.wait_indirect_dma semaphore(%arg17 : memref<!tpu.dma_semaphore, #tpu.memory_space<semaphore_mem>>) src(%arg11 : memref<120x128xf32, #tpu.memory_space<vmem>>) dst(%dma_wait3A_384 : memref<10112x128xf32, #tpu.memory_space<vmem_shared>>)
        %dma_start3A_385 = arith.constant 11 : i32
        %dma_start3A_386 = arith.constant 0 : i32
        %dma_start3A_387 = tpu.memref_slice %arg7[%dma_start3A_385, %dma_start3A_386] : memref<12x120xi32, #tpu.memory_space<vmem>> -> memref<1x120xi32, #tpu.memory_space<vmem>>
        %dma_start3A_388 = tpu.memref_squeeze %dma_start3A_387 : memref<1x120xi32, #tpu.memory_space<vmem>> -> memref<120xi32, #tpu.memory_space<vmem>>
        %dma_start3A_389 = arith.constant 0 : i32
        %dma_start3A_390 = arith.constant 0 : i32
        %dma_start3A_391 = tpu.memref_slice %arg2[%scan3A, %dma_start3A_389, %dma_start3A_390] : memref<2x10000x128xf32, #tpu.memory_space<hbm>> -> memref<1x10000x128xf32, #tpu.memory_space<hbm>>
        %dma_start3A_392 = tpu.memref_squeeze %dma_start3A_391 : memref<1x10000x128xf32, #tpu.memory_space<hbm>> -> memref<10000x128xf32, #tpu.memory_space<hbm>>
        %dma_start3A_393 = arith.constant 0 : i32
        %dma_start3A_394 = arith.constant 0 : i32
        %dma_start3A_395 = tpu.memref_slice %dma_start3A_392[%dma_start3A_393, %dma_start3A_394] : memref<10000x128xf32, #tpu.memory_space<hbm>> -> memref<10000x128xf32, #tpu.memory_space<hbm>>
        tpu.enqueue_indirect_dma source(%dma_start3A_395 : memref<10000x128xf32, #tpu.memory_space<hbm>>) target(%arg11 : memref<120x128xf32, #tpu.memory_space<vmem>>) offsets(%dma_start3A_388 : memref<120xi32, #tpu.memory_space<vmem>>) semaphore(%arg14 : memref<!tpu.dma_semaphore, #tpu.memory_space<semaphore_mem>>)
        %dma_wait3A_396 = arith.constant 9 : i32
        %dma_wait3A_397 = arith.constant 0 : i32
        %dma_wait3A_398 = tpu.memref_slice %arg7[%dma_wait3A_396, %dma_wait3A_397] : memref<12x120xi32, #tpu.memory_space<vmem>> -> memref<1x120xi32, #tpu.memory_space<vmem>>
        %dma_wait3A_399 = tpu.memref_squeeze %dma_wait3A_398 : memref<1x120xi32, #tpu.memory_space<vmem>> -> memref<120xi32, #tpu.memory_space<vmem>>
        %dma_wait3A_400 = arith.constant 0 : i32
        %dma_wait3A_401 = arith.constant 0 : i32
        %dma_wait3A_402 = tpu.memref_slice %arg2[%scan3A, %dma_wait3A_400, %dma_wait3A_401] : memref<2x10000x128xf32, #tpu.memory_space<hbm>> -> memref<1x10000x128xf32, #tpu.memory_space<hbm>>
        %dma_wait3A_403 = tpu.memref_squeeze %dma_wait3A_402 : memref<1x10000x128xf32, #tpu.memory_space<hbm>> -> memref<10000x128xf32, #tpu.memory_space<hbm>>
        %dma_wait3A_404 = arith.constant 0 : i32
        %dma_wait3A_405 = arith.constant 0 : i32
        %dma_wait3A_406 = tpu.memref_slice %dma_wait3A_403[%dma_wait3A_404, %dma_wait3A_405] : memref<10000x128xf32, #tpu.memory_space<hbm>> -> memref<10000x128xf32, #tpu.memory_space<hbm>>
        tpu.wait_indirect_dma semaphore(%arg12 : memref<!tpu.dma_semaphore, #tpu.memory_space<semaphore_mem>>) src(%dma_wait3A_406 : memref<10000x128xf32, #tpu.memory_space<hbm>>) dst(%arg9 : memref<120x128xf32, #tpu.memory_space<vmem>>)
        %dma_start3A_407 = arith.constant 9 : i32
        %dma_start3A_408 = arith.constant 0 : i32
        %dma_start3A_409 = tpu.memref_slice %arg8[%dma_start3A_407, %dma_start3A_408] : memref<12x120xi32, #tpu.memory_space<vmem>> -> memref<1x120xi32, #tpu.memory_space<vmem>>
        %dma_start3A_410 = tpu.memref_squeeze %dma_start3A_409 : memref<1x120xi32, #tpu.memory_space<vmem>> -> memref<120xi32, #tpu.memory_space<vmem>>
        %dma_start3A_411 = arith.constant 0 : i32
        %dma_start3A_412 = arith.constant 0 : i32
        %dma_start3A_413 = tpu.memref_slice %arg6[%dma_start3A_411, %dma_start3A_412] : memref<10112x128xf32, #tpu.memory_space<vmem_shared>> -> memref<10112x128xf32, #tpu.memory_space<vmem_shared>>
        tpu.enqueue_indirect_dma source(%arg9 : memref<120x128xf32, #tpu.memory_space<vmem>>) target(%dma_start3A_413 : memref<10112x128xf32, #tpu.memory_space<vmem_shared>>) offsets(%dma_start3A_410 : memref<120xi32, #tpu.memory_space<vmem>>) semaphore(%arg15 : memref<!tpu.dma_semaphore, #tpu.memory_space<semaphore_mem>>) {add = true}
        %dma_wait3A_414 = arith.constant 10 : i32
        %dma_wait3A_415 = arith.constant 0 : i32
        %dma_wait3A_416 = tpu.memref_slice %arg7[%dma_wait3A_414, %dma_wait3A_415] : memref<12x120xi32, #tpu.memory_space<vmem>> -> memref<1x120xi32, #tpu.memory_space<vmem>>
        %dma_wait3A_417 = tpu.memref_squeeze %dma_wait3A_416 : memref<1x120xi32, #tpu.memory_space<vmem>> -> memref<120xi32, #tpu.memory_space<vmem>>
        %dma_wait3A_418 = arith.constant 0 : i32
        %dma_wait3A_419 = arith.constant 0 : i32
        %dma_wait3A_420 = tpu.memref_slice %arg2[%scan3A, %dma_wait3A_418, %dma_wait3A_419] : memref<2x10000x128xf32, #tpu.memory_space<hbm>> -> memref<1x10000x128xf32, #tpu.memory_space<hbm>>
        %dma_wait3A_421 = tpu.memref_squeeze %dma_wait3A_420 : memref<1x10000x128xf32, #tpu.memory_space<hbm>> -> memref<10000x128xf32, #tpu.memory_space<hbm>>
        %dma_wait3A_422 = arith.constant 0 : i32
        %dma_wait3A_423 = arith.constant 0 : i32
        %dma_wait3A_424 = tpu.memref_slice %dma_wait3A_421[%dma_wait3A_422, %dma_wait3A_423] : memref<10000x128xf32, #tpu.memory_space<hbm>> -> memref<10000x128xf32, #tpu.memory_space<hbm>>
        tpu.wait_indirect_dma semaphore(%arg13 : memref<!tpu.dma_semaphore, #tpu.memory_space<semaphore_mem>>) src(%dma_wait3A_424 : memref<10000x128xf32, #tpu.memory_space<hbm>>) dst(%arg10 : memref<120x128xf32, #tpu.memory_space<vmem>>)
        %dma_start3A_425 = arith.constant 10 : i32
        %dma_start3A_426 = arith.constant 0 : i32
        %dma_start3A_427 = tpu.memref_slice %arg8[%dma_start3A_425, %dma_start3A_426] : memref<12x120xi32, #tpu.memory_space<vmem>> -> memref<1x120xi32, #tpu.memory_space<vmem>>
        %dma_start3A_428 = tpu.memref_squeeze %dma_start3A_427 : memref<1x120xi32, #tpu.memory_space<vmem>> -> memref<120xi32, #tpu.memory_space<vmem>>
        %dma_start3A_429 = arith.constant 0 : i32
        %dma_start3A_430 = arith.constant 0 : i32
        %dma_start3A_431 = tpu.memref_slice %arg6[%dma_start3A_429, %dma_start3A_430] : memref<10112x128xf32, #tpu.memory_space<vmem_shared>> -> memref<10112x128xf32, #tpu.memory_space<vmem_shared>>
        tpu.enqueue_indirect_dma source(%arg10 : memref<120x128xf32, #tpu.memory_space<vmem>>) target(%dma_start3A_431 : memref<10112x128xf32, #tpu.memory_space<vmem_shared>>) offsets(%dma_start3A_428 : memref<120xi32, #tpu.memory_space<vmem>>) semaphore(%arg16 : memref<!tpu.dma_semaphore, #tpu.memory_space<semaphore_mem>>) {add = true}
        %dma_wait3A_432 = arith.constant 11 : i32
        %dma_wait3A_433 = arith.constant 0 : i32
        %dma_wait3A_434 = tpu.memref_slice %arg7[%dma_wait3A_432, %dma_wait3A_433] : memref<12x120xi32, #tpu.memory_space<vmem>> -> memref<1x120xi32, #tpu.memory_space<vmem>>
        %dma_wait3A_435 = tpu.memref_squeeze %dma_wait3A_434 : memref<1x120xi32, #tpu.memory_space<vmem>> -> memref<120xi32, #tpu.memory_space<vmem>>
        %dma_wait3A_436 = arith.constant 0 : i32
        %dma_wait3A_437 = arith.constant 0 : i32
        %dma_wait3A_438 = tpu.memref_slice %arg2[%scan3A, %dma_wait3A_436, %dma_wait3A_437] : memref<2x10000x128xf32, #tpu.memory_space<hbm>> -> memref<1x10000x128xf32, #tpu.memory_space<hbm>>
        %dma_wait3A_439 = tpu.memref_squeeze %dma_wait3A_438 : memref<1x10000x128xf32, #tpu.memory_space<hbm>> -> memref<10000x128xf32, #tpu.memory_space<hbm>>
        %dma_wait3A_440 = arith.constant 0 : i32
        %dma_wait3A_441 = arith.constant 0 : i32
        %dma_wait3A_442 = tpu.memref_slice %dma_wait3A_439[%dma_wait3A_440, %dma_wait3A_441] : memref<10000x128xf32, #tpu.memory_space<hbm>> -> memref<10000x128xf32, #tpu.memory_space<hbm>>
        tpu.wait_indirect_dma semaphore(%arg14 : memref<!tpu.dma_semaphore, #tpu.memory_space<semaphore_mem>>) src(%dma_wait3A_442 : memref<10000x128xf32, #tpu.memory_space<hbm>>) dst(%arg11 : memref<120x128xf32, #tpu.memory_space<vmem>>)
        %dma_start3A_443 = arith.constant 11 : i32
        %dma_start3A_444 = arith.constant 0 : i32
        %dma_start3A_445 = tpu.memref_slice %arg8[%dma_start3A_443, %dma_start3A_444] : memref<12x120xi32, #tpu.memory_space<vmem>> -> memref<1x120xi32, #tpu.memory_space<vmem>>
        %dma_start3A_446 = tpu.memref_squeeze %dma_start3A_445 : memref<1x120xi32, #tpu.memory_space<vmem>> -> memref<120xi32, #tpu.memory_space<vmem>>
        %dma_start3A_447 = arith.constant 0 : i32
        %dma_start3A_448 = arith.constant 0 : i32
        %dma_start3A_449 = tpu.memref_slice %arg6[%dma_start3A_447, %dma_start3A_448] : memref<10112x128xf32, #tpu.memory_space<vmem_shared>> -> memref<10112x128xf32, #tpu.memory_space<vmem_shared>>
        tpu.enqueue_indirect_dma source(%arg11 : memref<120x128xf32, #tpu.memory_space<vmem>>) target(%dma_start3A_449 : memref<10112x128xf32, #tpu.memory_space<vmem_shared>>) offsets(%dma_start3A_446 : memref<120xi32, #tpu.memory_space<vmem>>) semaphore(%arg17 : memref<!tpu.dma_semaphore, #tpu.memory_space<semaphore_mem>>) {add = true}
        %dma_wait3A_450 = arith.constant 9 : i32
        %dma_wait3A_451 = arith.constant 0 : i32
        %dma_wait3A_452 = tpu.memref_slice %arg8[%dma_wait3A_450, %dma_wait3A_451] : memref<12x120xi32, #tpu.memory_space<vmem>> -> memref<1x120xi32, #tpu.memory_space<vmem>>
        %dma_wait3A_453 = tpu.memref_squeeze %dma_wait3A_452 : memref<1x120xi32, #tpu.memory_space<vmem>> -> memref<120xi32, #tpu.memory_space<vmem>>
        %dma_wait3A_454 = arith.constant 0 : i32
        %dma_wait3A_455 = arith.constant 0 : i32
        %dma_wait3A_456 = tpu.memref_slice %arg6[%dma_wait3A_454, %dma_wait3A_455] : memref<10112x128xf32, #tpu.memory_space<vmem_shared>> -> memref<10112x128xf32, #tpu.memory_space<vmem_shared>>
        tpu.wait_indirect_dma semaphore(%arg15 : memref<!tpu.dma_semaphore, #tpu.memory_space<semaphore_mem>>) src(%arg9 : memref<120x128xf32, #tpu.memory_space<vmem>>) dst(%dma_wait3A_456 : memref<10112x128xf32, #tpu.memory_space<vmem_shared>>)
        %dma_wait3A_457 = arith.constant 10 : i32
        %dma_wait3A_458 = arith.constant 0 : i32
        %dma_wait3A_459 = tpu.memref_slice %arg8[%dma_wait3A_457, %dma_wait3A_458] : memref<12x120xi32, #tpu.memory_space<vmem>> -> memref<1x120xi32, #tpu.memory_space<vmem>>
        %dma_wait3A_460 = tpu.memref_squeeze %dma_wait3A_459 : memref<1x120xi32, #tpu.memory_space<vmem>> -> memref<120xi32, #tpu.memory_space<vmem>>
        %dma_wait3A_461 = arith.constant 0 : i32
        %dma_wait3A_462 = arith.constant 0 : i32
        %dma_wait3A_463 = tpu.memref_slice %arg6[%dma_wait3A_461, %dma_wait3A_462] : memref<10112x128xf32, #tpu.memory_space<vmem_shared>> -> memref<10112x128xf32, #tpu.memory_space<vmem_shared>>
        tpu.wait_indirect_dma semaphore(%arg16 : memref<!tpu.dma_semaphore, #tpu.memory_space<semaphore_mem>>) src(%arg10 : memref<120x128xf32, #tpu.memory_space<vmem>>) dst(%dma_wait3A_463 : memref<10112x128xf32, #tpu.memory_space<vmem_shared>>)
        %dma_wait3A_464 = arith.constant 11 : i32
        %dma_wait3A_465 = arith.constant 0 : i32
        %dma_wait3A_466 = tpu.memref_slice %arg8[%dma_wait3A_464, %dma_wait3A_465] : memref<12x120xi32, #tpu.memory_space<vmem>> -> memref<1x120xi32, #tpu.memory_space<vmem>>
        %dma_wait3A_467 = tpu.memref_squeeze %dma_wait3A_466 : memref<1x120xi32, #tpu.memory_space<vmem>> -> memref<120xi32, #tpu.memory_space<vmem>>
        %dma_wait3A_468 = arith.constant 0 : i32
        %dma_wait3A_469 = arith.constant 0 : i32
        %dma_wait3A_470 = tpu.memref_slice %arg6[%dma_wait3A_468, %dma_wait3A_469] : memref<10112x128xf32, #tpu.memory_space<vmem_shared>> -> memref<10112x128xf32, #tpu.memory_space<vmem_shared>>
        tpu.wait_indirect_dma semaphore(%arg17 : memref<!tpu.dma_semaphore, #tpu.memory_space<semaphore_mem>>) src(%arg11 : memref<120x128xf32, #tpu.memory_space<vmem>>) dst(%dma_wait3A_470 : memref<10112x128xf32, #tpu.memory_space<vmem_shared>>)
      }
      %scan3A_23 = arith.constant 14 : i32
      %barrier3A_24 = arith.constant 0 : index
      tpu.barrier barrier_id(%barrier3A_24)
      %lt3A_25 = arith.constant 15 : i32
      %lt3A_26 = arith.cmpi slt, %arg1, %lt3A_25 : i32
      %convert_element_type3A_27 = arith.extui %lt3A_26 : i1 to i32
      %cond3A_28 = arith.constant 1 : i32
      %cond3A_29 = arith.constant 0 : i32
      %cond3A_30 = arith.cmpi ne, %convert_element_type3A_27, %cond3A_29 : i32
      scf.if %cond3A_30 {
        "tpu.region"() ({
          %run_scoped3A = tpu.sem_alloc : memref<!tpu.dma_semaphore, #tpu.memory_space<semaphore_mem>>
          %dma_start3A = arith.constant 0 : i32
          %dma_start3A_37 = arith.constant 0 : i32
          %dma_start3A_38 = tpu.memref_slice %arg5[%cond3A_28, %dma_start3A, %dma_start3A_37] : memref<2x10000x128xf32, #tpu.memory_space<hbm>> -> memref<1x10000x128xf32, #tpu.memory_space<hbm>>
          %dma_start3A_39 = tpu.memref_squeeze %dma_start3A_38 : memref<1x10000x128xf32, #tpu.memory_space<hbm>> -> memref<10000x128xf32, #tpu.memory_space<hbm>>
          %dma_start3A_40 = arith.constant 0 : i32
          %dma_start3A_41 = tpu.memref_slice %dma_start3A_39[%mul3A_0, %dma_start3A_40] : memref<10000x128xf32, #tpu.memory_space<hbm>> -> memref<632x128xf32, #tpu.memory_space<hbm>>
          %dma_start3A_42 = arith.constant 0 : i32
          %dma_start3A_43 = tpu.memref_slice %arg6[%mul3A_0, %dma_start3A_42] : memref<10112x128xf32, #tpu.memory_space<vmem_shared>> -> memref<632x128xf32, #tpu.memory_space<vmem_shared>>
          tpu.enqueue_dma source(%dma_start3A_43 : memref<632x128xf32, #tpu.memory_space<vmem_shared>>) target(%dma_start3A_41 : memref<632x128xf32, #tpu.memory_space<hbm>>) target_semaphore(%run_scoped3A : memref<!tpu.dma_semaphore, #tpu.memory_space<semaphore_mem>>)
          %dma_wait3A = arith.constant 0 : i32
          %dma_wait3A_44 = arith.constant 0 : i32
          %dma_wait3A_45 = tpu.memref_slice %arg5[%cond3A_28, %dma_wait3A, %dma_wait3A_44] : memref<2x10000x128xf32, #tpu.memory_space<hbm>> -> memref<1x10000x128xf32, #tpu.memory_space<hbm>>
          %dma_wait3A_46 = tpu.memref_squeeze %dma_wait3A_45 : memref<1x10000x128xf32, #tpu.memory_space<hbm>> -> memref<10000x128xf32, #tpu.memory_space<hbm>>
          %dma_wait3A_47 = arith.constant 0 : i32
          %dma_wait3A_48 = tpu.memref_slice %dma_wait3A_46[%mul3A_0, %dma_wait3A_47] : memref<10000x128xf32, #tpu.memory_space<hbm>> -> memref<632x128xf32, #tpu.memory_space<hbm>>
          %dma_wait3A_49 = arith.constant 0 : i32
          %dma_wait3A_50 = tpu.memref_slice %arg6[%mul3A_0, %dma_wait3A_49] : memref<10112x128xf32, #tpu.memory_space<vmem_shared>> -> memref<632x128xf32, #tpu.memory_space<vmem_shared>>
          tpu.wait_dma2 semaphore(%run_scoped3A : memref<!tpu.dma_semaphore, #tpu.memory_space<semaphore_mem>>) src(%dma_wait3A_50 : memref<632x128xf32, #tpu.memory_space<vmem_shared>>) dst(%dma_wait3A_48 : memref<632x128xf32, #tpu.memory_space<hbm>>)
          tpu.yield
        }) : () -> ()
      } else {
      }
      %eq3A_31 = arith.constant 15 : i32
      %eq3A_32 = arith.cmpi eq, %arg1, %eq3A_31 : i32
      %convert_element_type3A_33 = arith.extui %eq3A_32 : i1 to i32
      %cond3A_34 = arith.constant 1 : i32
      %cond3A_35 = arith.constant 0 : i32
      %cond3A_36 = arith.cmpi ne, %convert_element_type3A_33, %cond3A_35 : i32
      scf.if %cond3A_36 {
        "tpu.region"() ({
          %run_scoped3A = tpu.sem_alloc : memref<!tpu.dma_semaphore, #tpu.memory_space<semaphore_mem>>
          %dma_start3A = arith.constant 0 : i32
          %dma_start3A_37 = arith.constant 0 : i32
          %dma_start3A_38 = tpu.memref_slice %arg5[%cond3A_34, %dma_start3A, %dma_start3A_37] : memref<2x10000x128xf32, #tpu.memory_space<hbm>> -> memref<1x10000x128xf32, #tpu.memory_space<hbm>>
          %dma_start3A_39 = tpu.memref_squeeze %dma_start3A_38 : memref<1x10000x128xf32, #tpu.memory_space<hbm>> -> memref<10000x128xf32, #tpu.memory_space<hbm>>
          %dma_start3A_40 = arith.constant 9480 : i32
          %dma_start3A_41 = arith.constant 0 : i32
          %dma_start3A_42 = tpu.memref_slice %dma_start3A_39[%dma_start3A_40, %dma_start3A_41] : memref<10000x128xf32, #tpu.memory_space<hbm>> -> memref<520x128xf32, #tpu.memory_space<hbm>>
          %dma_start3A_43 = arith.constant 9480 : i32
          %dma_start3A_44 = arith.constant 0 : i32
          %dma_start3A_45 = tpu.memref_slice %arg6[%dma_start3A_43, %dma_start3A_44] : memref<10112x128xf32, #tpu.memory_space<vmem_shared>> -> memref<520x128xf32, #tpu.memory_space<vmem_shared>>
          tpu.enqueue_dma source(%dma_start3A_45 : memref<520x128xf32, #tpu.memory_space<vmem_shared>>) target(%dma_start3A_42 : memref<520x128xf32, #tpu.memory_space<hbm>>) target_semaphore(%run_scoped3A : memref<!tpu.dma_semaphore, #tpu.memory_space<semaphore_mem>>)
          %dma_wait3A = arith.constant 0 : i32
          %dma_wait3A_46 = arith.constant 0 : i32
          %dma_wait3A_47 = tpu.memref_slice %arg5[%cond3A_34, %dma_wait3A, %dma_wait3A_46] : memref<2x10000x128xf32, #tpu.memory_space<hbm>> -> memref<1x10000x128xf32, #tpu.memory_space<hbm>>
          %dma_wait3A_48 = tpu.memref_squeeze %dma_wait3A_47 : memref<1x10000x128xf32, #tpu.memory_space<hbm>> -> memref<10000x128xf32, #tpu.memory_space<hbm>>
          %dma_wait3A_49 = arith.constant 9480 : i32
          %dma_wait3A_50 = arith.constant 0 : i32
          %dma_wait3A_51 = tpu.memref_slice %dma_wait3A_48[%dma_wait3A_49, %dma_wait3A_50] : memref<10000x128xf32, #tpu.memory_space<hbm>> -> memref<520x128xf32, #tpu.memory_space<hbm>>
          %dma_wait3A_52 = arith.constant 9480 : i32
          %dma_wait3A_53 = arith.constant 0 : i32
          %dma_wait3A_54 = tpu.memref_slice %arg6[%dma_wait3A_52, %dma_wait3A_53] : memref<10112x128xf32, #tpu.memory_space<vmem_shared>> -> memref<520x128xf32, #tpu.memory_space<vmem_shared>>
          tpu.wait_dma2 semaphore(%run_scoped3A : memref<!tpu.dma_semaphore, #tpu.memory_space<semaphore_mem>>) src(%dma_wait3A_54 : memref<520x128xf32, #tpu.memory_space<vmem_shared>>) dst(%dma_wait3A_51 : memref<520x128xf32, #tpu.memory_space<hbm>>)
          tpu.yield
        }) : () -> ()
      } else {
      }
    } else {
    }
    return
  }
}

#map = affine_map<(d0, d1) -> (0, 0, 0)>
#map1 = affine_map<(d0, d1) -> (0, 0)>
module attributes {stable_mosaic.version = 14 : i64} {
  func.func @k(%arg0: i32, %arg1: i32, %arg2: memref<32x84x120xi32, #tpu.memory_space<hbm>>, %arg3: memref<120x128xf32, #tpu.memory_space<hbm>>, %arg4: memref<10112x128xf32, #tpu.memory_space<hbm>>, %arg5: memref<2x10112x128xf32, #tpu.memory_space<hbm>>, %arg6: memref<10112x128xf32, #tpu.memory_space<vmem_shared>>, %arg7: memref<84x120xi32, #tpu.memory_space<vmem>>, %arg8: memref<120x128xf32, #tpu.memory_space<vmem>>) attributes {dimension_semantics = [#tpu.dimension_semantics<core_parallel>, #tpu.dimension_semantics<subcore_parallel>], iteration_bounds = array<i64: 2, 16>, scalar_prefetch = 0 : i64, scratch_operands = 3 : i64, tpu.core_type = #tpu.core_type<sc_vector_subcore>, window_params = [{transform_indices = #map}, {transform_indices = #map1}, {transform_indices = #map1}, {transform_indices = #map}]} {
    %mul3A = arith.constant 16 : i32
    %mul3A_0 = arith.muli %arg0, %mul3A : i32
    %add3A = arith.addi %mul3A_0, %arg1 : i32
    %mul3A_1 = arith.constant 632 : i32
    %mul3A_2 = arith.muli %arg1, %mul3A_1 : i32
    "tpu.region"() ({
      %run_scoped3A = tpu.sem_alloc : memref<!tpu.dma_semaphore, #tpu.memory_space<semaphore_mem>>
      %dma_start3A = arith.constant 0 : i32
      %dma_start3A_15 = arith.constant 0 : i32
      %dma_start3A_16 = tpu.memref_slice %arg2[%add3A, %dma_start3A, %dma_start3A_15] : memref<32x84x120xi32, #tpu.memory_space<hbm>> -> memref<1x84x120xi32, #tpu.memory_space<hbm>>
      %dma_start3A_17 = tpu.memref_squeeze %dma_start3A_16 : memref<1x84x120xi32, #tpu.memory_space<hbm>> -> memref<84x120xi32, #tpu.memory_space<hbm>>
      %dma_start3A_18 = arith.constant 0 : i32
      %dma_start3A_19 = arith.constant 0 : i32
      %dma_start3A_20 = tpu.memref_slice %arg2[%add3A, %dma_start3A_18, %dma_start3A_19] : memref<32x84x120xi32, #tpu.memory_space<hbm>> -> memref<1x84x120xi32, #tpu.memory_space<hbm>>
      %dma_start3A_21 = tpu.memref_squeeze %dma_start3A_20 : memref<1x84x120xi32, #tpu.memory_space<hbm>> -> memref<84x120xi32, #tpu.memory_space<hbm>>
      tpu.enqueue_dma source(%dma_start3A_21 : memref<84x120xi32, #tpu.memory_space<hbm>>) target(%arg7 : memref<84x120xi32, #tpu.memory_space<vmem>>) target_semaphore(%run_scoped3A : memref<!tpu.dma_semaphore, #tpu.memory_space<semaphore_mem>>)
      %dma_wait3A = arith.constant 0 : i32
      %dma_wait3A_22 = arith.constant 0 : i32
      %dma_wait3A_23 = tpu.memref_slice %arg2[%add3A, %dma_wait3A, %dma_wait3A_22] : memref<32x84x120xi32, #tpu.memory_space<hbm>> -> memref<1x84x120xi32, #tpu.memory_space<hbm>>
      %dma_wait3A_24 = tpu.memref_squeeze %dma_wait3A_23 : memref<1x84x120xi32, #tpu.memory_space<hbm>> -> memref<84x120xi32, #tpu.memory_space<hbm>>
      %dma_wait3A_25 = arith.constant 0 : i32
      %dma_wait3A_26 = arith.constant 0 : i32
      %dma_wait3A_27 = tpu.memref_slice %arg2[%add3A, %dma_wait3A_25, %dma_wait3A_26] : memref<32x84x120xi32, #tpu.memory_space<hbm>> -> memref<1x84x120xi32, #tpu.memory_space<hbm>>
      %dma_wait3A_28 = tpu.memref_squeeze %dma_wait3A_27 : memref<1x84x120xi32, #tpu.memory_space<hbm>> -> memref<84x120xi32, #tpu.memory_space<hbm>>
      tpu.wait_dma2 semaphore(%run_scoped3A : memref<!tpu.dma_semaphore, #tpu.memory_space<semaphore_mem>>) src(%dma_wait3A_28 : memref<84x120xi32, #tpu.memory_space<hbm>>) dst(%arg7 : memref<84x120xi32, #tpu.memory_space<vmem>>)
      tpu.yield
    }) : () -> ()
    "tpu.region"() ({
      %run_scoped3A = tpu.sem_alloc : memref<!tpu.dma_semaphore, #tpu.memory_space<semaphore_mem>>
      tpu.enqueue_dma source(%arg3 : memref<120x128xf32, #tpu.memory_space<hbm>>) target(%arg8 : memref<120x128xf32, #tpu.memory_space<vmem>>) target_semaphore(%run_scoped3A : memref<!tpu.dma_semaphore, #tpu.memory_space<semaphore_mem>>)
      tpu.wait_dma2 semaphore(%run_scoped3A : memref<!tpu.dma_semaphore, #tpu.memory_space<semaphore_mem>>) src(%arg3 : memref<120x128xf32, #tpu.memory_space<hbm>>) dst(%arg8 : memref<120x128xf32, #tpu.memory_space<vmem>>)
      tpu.yield
    }) : () -> ()
    "tpu.region"() ({
      %run_scoped3A = tpu.sem_alloc : memref<!tpu.dma_semaphore, #tpu.memory_space<semaphore_mem>>
      %dma_start3A = arith.constant 0 : i32
      %dma_start3A_15 = tpu.memref_slice %arg6[%mul3A_2, %dma_start3A] : memref<10112x128xf32, #tpu.memory_space<vmem_shared>> -> memref<632x128xf32, #tpu.memory_space<vmem_shared>>
      %dma_start3A_16 = arith.constant 0 : i32
      %dma_start3A_17 = tpu.memref_slice %arg4[%mul3A_2, %dma_start3A_16] : memref<10112x128xf32, #tpu.memory_space<hbm>> -> memref<632x128xf32, #tpu.memory_space<hbm>>
      tpu.enqueue_dma source(%dma_start3A_17 : memref<632x128xf32, #tpu.memory_space<hbm>>) target(%dma_start3A_15 : memref<632x128xf32, #tpu.memory_space<vmem_shared>>) target_semaphore(%run_scoped3A : memref<!tpu.dma_semaphore, #tpu.memory_space<semaphore_mem>>)
      %dma_wait3A = arith.constant 0 : i32
      %dma_wait3A_18 = tpu.memref_slice %arg6[%mul3A_2, %dma_wait3A] : memref<10112x128xf32, #tpu.memory_space<vmem_shared>> -> memref<632x128xf32, #tpu.memory_space<vmem_shared>>
      %dma_wait3A_19 = arith.constant 0 : i32
      %dma_wait3A_20 = tpu.memref_slice %arg4[%mul3A_2, %dma_wait3A_19] : memref<10112x128xf32, #tpu.memory_space<hbm>> -> memref<632x128xf32, #tpu.memory_space<hbm>>
      tpu.wait_dma2 semaphore(%run_scoped3A : memref<!tpu.dma_semaphore, #tpu.memory_space<semaphore_mem>>) src(%dma_wait3A_20 : memref<632x128xf32, #tpu.memory_space<hbm>>) dst(%dma_wait3A_18 : memref<632x128xf32, #tpu.memory_space<vmem_shared>>)
      tpu.yield
    }) : () -> ()
    %barrier3A = arith.constant 0 : index
    tpu.barrier barrier_id(%barrier3A)
    %scan3A = arith.constant 0 : i32
    %scan3A_3 = arith.constant 84 : i32
    %scan3A_4 = arith.addi %scan3A, %scan3A_3 : i32
    %scan3A_5 = arith.constant 1 : i32
    scf.for %scan3A_15 = %scan3A to %scan3A_4 step %scan3A_5  : i32 {
      %mul3A_16 = arith.constant 1 : i32
      %mul3A_17 = arith.muli %scan3A_15, %mul3A_16 : i32
      %add3A_18 = arith.constant 0 : i32
      %add3A_19 = arith.addi %add3A_18, %mul3A_17 : i32
      "tpu.region"() ({
        %run_scoped3A = tpu.sem_alloc : memref<!tpu.dma_semaphore, #tpu.memory_space<semaphore_mem>>
        %dma_start3A = arith.constant 0 : i32
        %dma_start3A_20 = tpu.memref_slice %arg7[%add3A_19, %dma_start3A] : memref<84x120xi32, #tpu.memory_space<vmem>> -> memref<1x120xi32, #tpu.memory_space<vmem>>
        %dma_start3A_21 = tpu.memref_squeeze %dma_start3A_20 : memref<1x120xi32, #tpu.memory_space<vmem>> -> memref<120xi32, #tpu.memory_space<vmem>>
        %dma_start3A_22 = arith.constant 0 : i32
        %dma_start3A_23 = arith.constant 0 : i32
        %dma_start3A_24 = tpu.memref_slice %arg6[%dma_start3A_22, %dma_start3A_23] : memref<10112x128xf32, #tpu.memory_space<vmem_shared>> -> memref<10112x128xf32, #tpu.memory_space<vmem_shared>>
        tpu.enqueue_indirect_dma source(%arg8 : memref<120x128xf32, #tpu.memory_space<vmem>>) target(%dma_start3A_24 : memref<10112x128xf32, #tpu.memory_space<vmem_shared>>) offsets(%dma_start3A_21 : memref<120xi32, #tpu.memory_space<vmem>>) semaphore(%run_scoped3A : memref<!tpu.dma_semaphore, #tpu.memory_space<semaphore_mem>>) {add = true}
        %dma_wait3A = arith.constant 0 : i32
        %dma_wait3A_25 = tpu.memref_slice %arg7[%add3A_19, %dma_wait3A] : memref<84x120xi32, #tpu.memory_space<vmem>> -> memref<1x120xi32, #tpu.memory_space<vmem>>
        %dma_wait3A_26 = tpu.memref_squeeze %dma_wait3A_25 : memref<1x120xi32, #tpu.memory_space<vmem>> -> memref<120xi32, #tpu.memory_space<vmem>>
        %dma_wait3A_27 = arith.constant 0 : i32
        %dma_wait3A_28 = arith.constant 0 : i32
        %dma_wait3A_29 = tpu.memref_slice %arg6[%dma_wait3A_27, %dma_wait3A_28] : memref<10112x128xf32, #tpu.memory_space<vmem_shared>> -> memref<10112x128xf32, #tpu.memory_space<vmem_shared>>
        tpu.wait_indirect_dma semaphore(%run_scoped3A : memref<!tpu.dma_semaphore, #tpu.memory_space<semaphore_mem>>) src(%arg8 : memref<120x128xf32, #tpu.memory_space<vmem>>) dst(%dma_wait3A_29 : memref<10112x128xf32, #tpu.memory_space<vmem_shared>>)
        tpu.yield
      }) : () -> ()
    }
    %scan3A_6 = arith.constant 84 : i32
    %barrier3A_7 = arith.constant 0 : index
    tpu.barrier barrier_id(%barrier3A_7)
    %eq3A = arith.constant 0 : i32
    %eq3A_8 = arith.cmpi eq, %arg0, %eq3A : i32
    %convert_element_type3A = arith.extui %eq3A_8 : i1 to i32
    %cond3A = arith.constant 0 : i32
    %cond3A_9 = arith.cmpi ne, %convert_element_type3A, %cond3A : i32
    scf.if %cond3A_9 {
      %run_scoped3A = arith.constant 0 : i32
      "tpu.region"() ({
        %run_scoped3A_15 = tpu.sem_alloc : memref<!tpu.dma_semaphore, #tpu.memory_space<semaphore_mem>>
        %dma_start3A = arith.constant 0 : i32
        %dma_start3A_16 = arith.constant 0 : i32
        %dma_start3A_17 = tpu.memref_slice %arg5[%run_scoped3A, %dma_start3A, %dma_start3A_16] : memref<2x10112x128xf32, #tpu.memory_space<hbm>> -> memref<1x10112x128xf32, #tpu.memory_space<hbm>>
        %dma_start3A_18 = tpu.memref_squeeze %dma_start3A_17 : memref<1x10112x128xf32, #tpu.memory_space<hbm>> -> memref<10112x128xf32, #tpu.memory_space<hbm>>
        %dma_start3A_19 = arith.constant 0 : i32
        %dma_start3A_20 = tpu.memref_slice %dma_start3A_18[%mul3A_2, %dma_start3A_19] : memref<10112x128xf32, #tpu.memory_space<hbm>> -> memref<632x128xf32, #tpu.memory_space<hbm>>
        %dma_start3A_21 = arith.constant 0 : i32
        %dma_start3A_22 = tpu.memref_slice %arg6[%mul3A_2, %dma_start3A_21] : memref<10112x128xf32, #tpu.memory_space<vmem_shared>> -> memref<632x128xf32, #tpu.memory_space<vmem_shared>>
        tpu.enqueue_dma source(%dma_start3A_22 : memref<632x128xf32, #tpu.memory_space<vmem_shared>>) target(%dma_start3A_20 : memref<632x128xf32, #tpu.memory_space<hbm>>) target_semaphore(%run_scoped3A_15 : memref<!tpu.dma_semaphore, #tpu.memory_space<semaphore_mem>>)
        %dma_wait3A = arith.constant 0 : i32
        %dma_wait3A_23 = arith.constant 0 : i32
        %dma_wait3A_24 = tpu.memref_slice %arg5[%run_scoped3A, %dma_wait3A, %dma_wait3A_23] : memref<2x10112x128xf32, #tpu.memory_space<hbm>> -> memref<1x10112x128xf32, #tpu.memory_space<hbm>>
        %dma_wait3A_25 = tpu.memref_squeeze %dma_wait3A_24 : memref<1x10112x128xf32, #tpu.memory_space<hbm>> -> memref<10112x128xf32, #tpu.memory_space<hbm>>
        %dma_wait3A_26 = arith.constant 0 : i32
        %dma_wait3A_27 = tpu.memref_slice %dma_wait3A_25[%mul3A_2, %dma_wait3A_26] : memref<10112x128xf32, #tpu.memory_space<hbm>> -> memref<632x128xf32, #tpu.memory_space<hbm>>
        %dma_wait3A_28 = arith.constant 0 : i32
        %dma_wait3A_29 = tpu.memref_slice %arg6[%mul3A_2, %dma_wait3A_28] : memref<10112x128xf32, #tpu.memory_space<vmem_shared>> -> memref<632x128xf32, #tpu.memory_space<vmem_shared>>
        tpu.wait_dma2 semaphore(%run_scoped3A_15 : memref<!tpu.dma_semaphore, #tpu.memory_space<semaphore_mem>>) src(%dma_wait3A_29 : memref<632x128xf32, #tpu.memory_space<vmem_shared>>) dst(%dma_wait3A_27 : memref<632x128xf32, #tpu.memory_space<hbm>>)
        tpu.yield
      }) : () -> ()
    } else {
    }
    %eq3A_10 = arith.constant 1 : i32
    %eq3A_11 = arith.cmpi eq, %arg0, %eq3A_10 : i32
    %convert_element_type3A_12 = arith.extui %eq3A_11 : i1 to i32
    %cond3A_13 = arith.constant 0 : i32
    %cond3A_14 = arith.cmpi ne, %convert_element_type3A_12, %cond3A_13 : i32
    scf.if %cond3A_14 {
      %run_scoped3A = arith.constant 1 : i32
      "tpu.region"() ({
        %run_scoped3A_15 = tpu.sem_alloc : memref<!tpu.dma_semaphore, #tpu.memory_space<semaphore_mem>>
        %dma_start3A = arith.constant 0 : i32
        %dma_start3A_16 = arith.constant 0 : i32
        %dma_start3A_17 = tpu.memref_slice %arg5[%run_scoped3A, %dma_start3A, %dma_start3A_16] : memref<2x10112x128xf32, #tpu.memory_space<hbm>> -> memref<1x10112x128xf32, #tpu.memory_space<hbm>>
        %dma_start3A_18 = tpu.memref_squeeze %dma_start3A_17 : memref<1x10112x128xf32, #tpu.memory_space<hbm>> -> memref<10112x128xf32, #tpu.memory_space<hbm>>
        %dma_start3A_19 = arith.constant 0 : i32
        %dma_start3A_20 = tpu.memref_slice %dma_start3A_18[%mul3A_2, %dma_start3A_19] : memref<10112x128xf32, #tpu.memory_space<hbm>> -> memref<632x128xf32, #tpu.memory_space<hbm>>
        %dma_start3A_21 = arith.constant 0 : i32
        %dma_start3A_22 = tpu.memref_slice %arg6[%mul3A_2, %dma_start3A_21] : memref<10112x128xf32, #tpu.memory_space<vmem_shared>> -> memref<632x128xf32, #tpu.memory_space<vmem_shared>>
        tpu.enqueue_dma source(%dma_start3A_22 : memref<632x128xf32, #tpu.memory_space<vmem_shared>>) target(%dma_start3A_20 : memref<632x128xf32, #tpu.memory_space<hbm>>) target_semaphore(%run_scoped3A_15 : memref<!tpu.dma_semaphore, #tpu.memory_space<semaphore_mem>>)
        %dma_wait3A = arith.constant 0 : i32
        %dma_wait3A_23 = arith.constant 0 : i32
        %dma_wait3A_24 = tpu.memref_slice %arg5[%run_scoped3A, %dma_wait3A, %dma_wait3A_23] : memref<2x10112x128xf32, #tpu.memory_space<hbm>> -> memref<1x10112x128xf32, #tpu.memory_space<hbm>>
        %dma_wait3A_25 = tpu.memref_squeeze %dma_wait3A_24 : memref<1x10112x128xf32, #tpu.memory_space<hbm>> -> memref<10112x128xf32, #tpu.memory_space<hbm>>
        %dma_wait3A_26 = arith.constant 0 : i32
        %dma_wait3A_27 = tpu.memref_slice %dma_wait3A_25[%mul3A_2, %dma_wait3A_26] : memref<10112x128xf32, #tpu.memory_space<hbm>> -> memref<632x128xf32, #tpu.memory_space<hbm>>
        %dma_wait3A_28 = arith.constant 0 : i32
        %dma_wait3A_29 = tpu.memref_slice %arg6[%mul3A_2, %dma_wait3A_28] : memref<10112x128xf32, #tpu.memory_space<vmem_shared>> -> memref<632x128xf32, #tpu.memory_space<vmem_shared>>
        tpu.wait_dma2 semaphore(%run_scoped3A_15 : memref<!tpu.dma_semaphore, #tpu.memory_space<semaphore_mem>>) src(%dma_wait3A_29 : memref<632x128xf32, #tpu.memory_space<vmem_shared>>) dst(%dma_wait3A_27 : memref<632x128xf32, #tpu.memory_space<hbm>>)
        tpu.yield
      }) : () -> ()
    } else {
    }
    return
  }
}

#map = affine_map<(d0, d1) -> (0, 0, 0)>
#map1 = affine_map<(d0, d1) -> (0, 0, 0, 0)>
module attributes {stable_mosaic.version = 14 : i64} {
  func.func @k(%arg0: i32, %arg1: i32, %arg2: memref<2x10000x128xf32, #tpu.memory_space<hbm>>, %arg3: memref<16x14x12x120xi32, #tpu.memory_space<hbm>>, %arg4: memref<16x14x12x120xi32, #tpu.memory_space<hbm>>, %arg5: memref<2x10000x128xf32, #tpu.memory_space<hbm>>, %arg6: memref<10112x128xf32, #tpu.memory_space<vmem_shared>>, %arg7: memref<12x120xi32, #tpu.memory_space<vmem>>, %arg8: memref<12x120xi32, #tpu.memory_space<vmem>>, %arg9: memref<120x128xf32, #tpu.memory_space<vmem>>, %arg10: memref<120x128xf32, #tpu.memory_space<vmem>>, %arg11: memref<120x128xf32, #tpu.memory_space<vmem>>, %arg12: memref<!tpu.dma_semaphore, #tpu.memory_space<semaphore_mem>>, %arg13: memref<!tpu.dma_semaphore, #tpu.memory_space<semaphore_mem>>, %arg14: memref<!tpu.dma_semaphore, #tpu.memory_space<semaphore_mem>>, %arg15: memref<!tpu.dma_semaphore, #tpu.memory_space<semaphore_mem>>, %arg16: memref<!tpu.dma_semaphore, #tpu.memory_space<semaphore_mem>>, %arg17: memref<!tpu.dma_semaphore, #tpu.memory_space<semaphore_mem>>) attributes {dimension_semantics = [#tpu.dimension_semantics<core_parallel>, #tpu.dimension_semantics<subcore_parallel>], iteration_bounds = array<i64: 2, 16>, scalar_prefetch = 0 : i64, scratch_operands = 12 : i64, tpu.core_type = #tpu.core_type<sc_vector_subcore>, window_params = [{transform_indices = #map}, {transform_indices = #map1}, {transform_indices = #map1}, {transform_indices = #map}]} {
    %mul3A = arith.constant 632 : i32
    %mul3A_0 = arith.muli %arg1, %mul3A : i32
    %eq3A = arith.constant 0 : i32
    %eq3A_1 = arith.cmpi eq, %arg0, %eq3A : i32
    %convert_element_type3A = arith.extui %eq3A_1 : i1 to i32
    %cond3A = arith.constant 0 : i32
    %cond3A_2 = arith.cmpi ne, %convert_element_type3A, %cond3A : i32
    scf.if %cond3A_2 {
      %lt3A = arith.constant 15 : i32
      %lt3A_8 = arith.cmpi slt, %arg1, %lt3A : i32
      %convert_element_type3A_9 = arith.extui %lt3A_8 : i1 to i32
      %cond3A_10 = arith.constant 0 : i32
      %cond3A_11 = arith.constant 0 : i32
      %cond3A_12 = arith.cmpi ne, %convert_element_type3A_9, %cond3A_11 : i32
      scf.if %cond3A_12 {
        "tpu.region"() ({
          %run_scoped3A = tpu.sem_alloc : memref<!tpu.dma_semaphore, #tpu.memory_space<semaphore_mem>>
          %dma_start3A = arith.constant 0 : i32
          %dma_start3A_37 = tpu.memref_slice %arg6[%mul3A_0, %dma_start3A] : memref<10112x128xf32, #tpu.memory_space<vmem_shared>> -> memref<632x128xf32, #tpu.memory_space<vmem_shared>>
          %dma_start3A_38 = arith.constant 0 : i32
          %dma_start3A_39 = arith.constant 0 : i32
          %dma_start3A_40 = tpu.memref_slice %arg2[%cond3A_10, %dma_start3A_38, %dma_start3A_39] : memref<2x10000x128xf32, #tpu.memory_space<hbm>> -> memref<1x10000x128xf32, #tpu.memory_space<hbm>>
          %dma_start3A_41 = tpu.memref_squeeze %dma_start3A_40 : memref<1x10000x128xf32, #tpu.memory_space<hbm>> -> memref<10000x128xf32, #tpu.memory_space<hbm>>
          %dma_start3A_42 = arith.constant 0 : i32
          %dma_start3A_43 = tpu.memref_slice %dma_start3A_41[%mul3A_0, %dma_start3A_42] : memref<10000x128xf32, #tpu.memory_space<hbm>> -> memref<632x128xf32, #tpu.memory_space<hbm>>
          tpu.enqueue_dma source(%dma_start3A_43 : memref<632x128xf32, #tpu.memory_space<hbm>>) target(%dma_start3A_37 : memref<632x128xf32, #tpu.memory_space<vmem_shared>>) target_semaphore(%run_scoped3A : memref<!tpu.dma_semaphore, #tpu.memory_space<semaphore_mem>>)
          %dma_wait3A = arith.constant 0 : i32
          %dma_wait3A_44 = tpu.memref_slice %arg6[%mul3A_0, %dma_wait3A] : memref<10112x128xf32, #tpu.memory_space<vmem_shared>> -> memref<632x128xf32, #tpu.memory_space<vmem_shared>>
          %dma_wait3A_45 = arith.constant 0 : i32
          %dma_wait3A_46 = arith.constant 0 : i32
          %dma_wait3A_47 = tpu.memref_slice %arg2[%cond3A_10, %dma_wait3A_45, %dma_wait3A_46] : memref<2x10000x128xf32, #tpu.memory_space<hbm>> -> memref<1x10000x128xf32, #tpu.memory_space<hbm>>
          %dma_wait3A_48 = tpu.memref_squeeze %dma_wait3A_47 : memref<1x10000x128xf32, #tpu.memory_space<hbm>> -> memref<10000x128xf32, #tpu.memory_space<hbm>>
          %dma_wait3A_49 = arith.constant 0 : i32
          %dma_wait3A_50 = tpu.memref_slice %dma_wait3A_48[%mul3A_0, %dma_wait3A_49] : memref<10000x128xf32, #tpu.memory_space<hbm>> -> memref<632x128xf32, #tpu.memory_space<hbm>>
          tpu.wait_dma2 semaphore(%run_scoped3A : memref<!tpu.dma_semaphore, #tpu.memory_space<semaphore_mem>>) src(%dma_wait3A_50 : memref<632x128xf32, #tpu.memory_space<hbm>>) dst(%dma_wait3A_44 : memref<632x128xf32, #tpu.memory_space<vmem_shared>>)
          tpu.yield
        }) : () -> ()
      } else {
      }
      %eq3A_13 = arith.constant 15 : i32
      %eq3A_14 = arith.cmpi eq, %arg1, %eq3A_13 : i32
      %convert_element_type3A_15 = arith.extui %eq3A_14 : i1 to i32
      %cond3A_16 = arith.constant 0 : i32
      %cond3A_17 = arith.constant 0 : i32
      %cond3A_18 = arith.cmpi ne, %convert_element_type3A_15, %cond3A_17 : i32
      scf.if %cond3A_18 {
        "tpu.region"() ({
          %run_scoped3A = tpu.sem_alloc : memref<!tpu.dma_semaphore, #tpu.memory_space<semaphore_mem>>
          %dma_start3A = arith.constant 9480 : i32
          %dma_start3A_37 = arith.constant 0 : i32
          %dma_start3A_38 = tpu.memref_slice %arg6[%dma_start3A, %dma_start3A_37] : memref<10112x128xf32, #tpu.memory_space<vmem_shared>> -> memref<520x128xf32, #tpu.memory_space<vmem_shared>>
          %dma_start3A_39 = arith.constant 0 : i32
          %dma_start3A_40 = arith.constant 0 : i32
          %dma_start3A_41 = tpu.memref_slice %arg2[%cond3A_16, %dma_start3A_39, %dma_start3A_40] : memref<2x10000x128xf32, #tpu.memory_space<hbm>> -> memref<1x10000x128xf32, #tpu.memory_space<hbm>>
          %dma_start3A_42 = tpu.memref_squeeze %dma_start3A_41 : memref<1x10000x128xf32, #tpu.memory_space<hbm>> -> memref<10000x128xf32, #tpu.memory_space<hbm>>
          %dma_start3A_43 = arith.constant 9480 : i32
          %dma_start3A_44 = arith.constant 0 : i32
          %dma_start3A_45 = tpu.memref_slice %dma_start3A_42[%dma_start3A_43, %dma_start3A_44] : memref<10000x128xf32, #tpu.memory_space<hbm>> -> memref<520x128xf32, #tpu.memory_space<hbm>>
          tpu.enqueue_dma source(%dma_start3A_45 : memref<520x128xf32, #tpu.memory_space<hbm>>) target(%dma_start3A_38 : memref<520x128xf32, #tpu.memory_space<vmem_shared>>) target_semaphore(%run_scoped3A : memref<!tpu.dma_semaphore, #tpu.memory_space<semaphore_mem>>)
          %dma_wait3A = arith.constant 9480 : i32
          %dma_wait3A_46 = arith.constant 0 : i32
          %dma_wait3A_47 = tpu.memref_slice %arg6[%dma_wait3A, %dma_wait3A_46] : memref<10112x128xf32, #tpu.memory_space<vmem_shared>> -> memref<520x128xf32, #tpu.memory_space<vmem_shared>>
          %dma_wait3A_48 = arith.constant 0 : i32
          %dma_wait3A_49 = arith.constant 0 : i32
          %dma_wait3A_50 = tpu.memref_slice %arg2[%cond3A_16, %dma_wait3A_48, %dma_wait3A_49] : memref<2x10000x128xf32, #tpu.memory_space<hbm>> -> memref<1x10000x128xf32, #tpu.memory_space<hbm>>
          %dma_wait3A_51 = tpu.memref_squeeze %dma_wait3A_50 : memref<1x10000x128xf32, #tpu.memory_space<hbm>> -> memref<10000x128xf32, #tpu.memory_space<hbm>>
          %dma_wait3A_52 = arith.constant 9480 : i32
          %dma_wait3A_53 = arith.constant 0 : i32
          %dma_wait3A_54 = tpu.memref_slice %dma_wait3A_51[%dma_wait3A_52, %dma_wait3A_53] : memref<10000x128xf32, #tpu.memory_space<hbm>> -> memref<520x128xf32, #tpu.memory_space<hbm>>
          tpu.wait_dma2 semaphore(%run_scoped3A : memref<!tpu.dma_semaphore, #tpu.memory_space<semaphore_mem>>) src(%dma_wait3A_54 : memref<520x128xf32, #tpu.memory_space<hbm>>) dst(%dma_wait3A_47 : memref<520x128xf32, #tpu.memory_space<vmem_shared>>)
          tpu.yield
        }) : () -> ()
      } else {
      }
      %barrier3A = arith.constant 0 : index
      tpu.barrier barrier_id(%barrier3A)
      %scan3A = arith.constant 0 : i32
      %scan3A_19 = arith.constant 0 : i32
      %scan3A_20 = arith.constant 14 : i32
      %scan3A_21 = arith.addi %scan3A_19, %scan3A_20 : i32
      %scan3A_22 = arith.constant 1 : i32
      scf.for %scan3A_37 = %scan3A_19 to %scan3A_21 step %scan3A_22  : i32 {
        %mul3A_38 = arith.constant 1 : i32
        %mul3A_39 = arith.muli %scan3A_37, %mul3A_38 : i32
        %add3A = arith.constant 0 : i32
        %add3A_40 = arith.addi %add3A, %mul3A_39 : i32
        "tpu.region"() ({
          %run_scoped3A = tpu.sem_alloc : memref<!tpu.dma_semaphore, #tpu.memory_space<semaphore_mem>>
          %dma_start3A_471 = arith.constant 0 : i32
          %dma_start3A_472 = arith.constant 0 : i32
          %dma_start3A_473 = arith.constant 0 : i32
          %dma_start3A_474 = tpu.memref_slice %arg3[%arg1, %dma_start3A_471, %dma_start3A_472, %dma_start3A_473] : memref<16x14x12x120xi32, #tpu.memory_space<hbm>> -> memref<1x14x12x120xi32, #tpu.memory_space<hbm>>
          %dma_start3A_475 = tpu.memref_squeeze %dma_start3A_474 : memref<1x14x12x120xi32, #tpu.memory_space<hbm>> -> memref<14x12x120xi32, #tpu.memory_space<hbm>>
          %dma_start3A_476 = arith.constant 0 : i32
          %dma_start3A_477 = arith.constant 0 : i32
          %dma_start3A_478 = tpu.memref_slice %dma_start3A_475[%add3A_40, %dma_start3A_476, %dma_start3A_477] : memref<14x12x120xi32, #tpu.memory_space<hbm>> -> memref<1x12x120xi32, #tpu.memory_space<hbm>>
          %dma_start3A_479 = tpu.memref_squeeze %dma_start3A_478 : memref<1x12x120xi32, #tpu.memory_space<hbm>> -> memref<12x120xi32, #tpu.memory_space<hbm>>
          %dma_start3A_480 = arith.constant 0 : i32
          %dma_start3A_481 = arith.constant 0 : i32
          %dma_start3A_482 = arith.constant 0 : i32
          %dma_start3A_483 = tpu.memref_slice %arg3[%arg1, %dma_start3A_480, %dma_start3A_481, %dma_start3A_482] : memref<16x14x12x120xi32, #tpu.memory_space<hbm>> -> memref<1x14x12x120xi32, #tpu.memory_space<hbm>>
          %dma_start3A_484 = tpu.memref_squeeze %dma_start3A_483 : memref<1x14x12x120xi32, #tpu.memory_space<hbm>> -> memref<14x12x120xi32, #tpu.memory_space<hbm>>
          %dma_start3A_485 = arith.constant 0 : i32
          %dma_start3A_486 = arith.constant 0 : i32
          %dma_start3A_487 = tpu.memref_slice %dma_start3A_484[%add3A_40, %dma_start3A_485, %dma_start3A_486] : memref<14x12x120xi32, #tpu.memory_space<hbm>> -> memref<1x12x120xi32, #tpu.memory_space<hbm>>
          %dma_start3A_488 = tpu.memref_squeeze %dma_start3A_487 : memref<1x12x120xi32, #tpu.memory_space<hbm>> -> memref<12x120xi32, #tpu.memory_space<hbm>>
          tpu.enqueue_dma source(%dma_start3A_488 : memref<12x120xi32, #tpu.memory_space<hbm>>) target(%arg7 : memref<12x120xi32, #tpu.memory_space<vmem>>) target_semaphore(%run_scoped3A : memref<!tpu.dma_semaphore, #tpu.memory_space<semaphore_mem>>)
          %dma_wait3A_489 = arith.constant 0 : i32
          %dma_wait3A_490 = arith.constant 0 : i32
          %dma_wait3A_491 = arith.constant 0 : i32
          %dma_wait3A_492 = tpu.memref_slice %arg3[%arg1, %dma_wait3A_489, %dma_wait3A_490, %dma_wait3A_491] : memref<16x14x12x120xi32, #tpu.memory_space<hbm>> -> memref<1x14x12x120xi32, #tpu.memory_space<hbm>>
          %dma_wait3A_493 = tpu.memref_squeeze %dma_wait3A_492 : memref<1x14x12x120xi32, #tpu.memory_space<hbm>> -> memref<14x12x120xi32, #tpu.memory_space<hbm>>
          %dma_wait3A_494 = arith.constant 0 : i32
          %dma_wait3A_495 = arith.constant 0 : i32
          %dma_wait3A_496 = tpu.memref_slice %dma_wait3A_493[%add3A_40, %dma_wait3A_494, %dma_wait3A_495] : memref<14x12x120xi32, #tpu.memory_space<hbm>> -> memref<1x12x120xi32, #tpu.memory_space<hbm>>
          %dma_wait3A_497 = tpu.memref_squeeze %dma_wait3A_496 : memref<1x12x120xi32, #tpu.memory_space<hbm>> -> memref<12x120xi32, #tpu.memory_space<hbm>>
          %dma_wait3A_498 = arith.constant 0 : i32
          %dma_wait3A_499 = arith.constant 0 : i32
          %dma_wait3A_500 = arith.constant 0 : i32
          %dma_wait3A_501 = tpu.memref_slice %arg3[%arg1, %dma_wait3A_498, %dma_wait3A_499, %dma_wait3A_500] : memref<16x14x12x120xi32, #tpu.memory_space<hbm>> -> memref<1x14x12x120xi32, #tpu.memory_space<hbm>>
          %dma_wait3A_502 = tpu.memref_squeeze %dma_wait3A_501 : memref<1x14x12x120xi32, #tpu.memory_space<hbm>> -> memref<14x12x120xi32, #tpu.memory_space<hbm>>
          %dma_wait3A_503 = arith.constant 0 : i32
          %dma_wait3A_504 = arith.constant 0 : i32
          %dma_wait3A_505 = tpu.memref_slice %dma_wait3A_502[%add3A_40, %dma_wait3A_503, %dma_wait3A_504] : memref<14x12x120xi32, #tpu.memory_space<hbm>> -> memref<1x12x120xi32, #tpu.memory_space<hbm>>
          %dma_wait3A_506 = tpu.memref_squeeze %dma_wait3A_505 : memref<1x12x120xi32, #tpu.memory_space<hbm>> -> memref<12x120xi32, #tpu.memory_space<hbm>>
          tpu.wait_dma2 semaphore(%run_scoped3A : memref<!tpu.dma_semaphore, #tpu.memory_space<semaphore_mem>>) src(%dma_wait3A_506 : memref<12x120xi32, #tpu.memory_space<hbm>>) dst(%arg7 : memref<12x120xi32, #tpu.memory_space<vmem>>)
          tpu.yield
        }) : () -> ()
        "tpu.region"() ({
          %run_scoped3A = tpu.sem_alloc : memref<!tpu.dma_semaphore, #tpu.memory_space<semaphore_mem>>
          %dma_start3A_471 = arith.constant 0 : i32
          %dma_start3A_472 = arith.constant 0 : i32
          %dma_start3A_473 = arith.constant 0 : i32
          %dma_start3A_474 = tpu.memref_slice %arg4[%arg1, %dma_start3A_471, %dma_start3A_472, %dma_start3A_473] : memref<16x14x12x120xi32, #tpu.memory_space<hbm>> -> memref<1x14x12x120xi32, #tpu.memory_space<hbm>>
          %dma_start3A_475 = tpu.memref_squeeze %dma_start3A_474 : memref<1x14x12x120xi32, #tpu.memory_space<hbm>> -> memref<14x12x120xi32, #tpu.memory_space<hbm>>
          %dma_start3A_476 = arith.constant 0 : i32
          %dma_start3A_477 = arith.constant 0 : i32
          %dma_start3A_478 = tpu.memref_slice %dma_start3A_475[%add3A_40, %dma_start3A_476, %dma_start3A_477] : memref<14x12x120xi32, #tpu.memory_space<hbm>> -> memref<1x12x120xi32, #tpu.memory_space<hbm>>
          %dma_start3A_479 = tpu.memref_squeeze %dma_start3A_478 : memref<1x12x120xi32, #tpu.memory_space<hbm>> -> memref<12x120xi32, #tpu.memory_space<hbm>>
          %dma_start3A_480 = arith.constant 0 : i32
          %dma_start3A_481 = arith.constant 0 : i32
          %dma_start3A_482 = arith.constant 0 : i32
          %dma_start3A_483 = tpu.memref_slice %arg4[%arg1, %dma_start3A_480, %dma_start3A_481, %dma_start3A_482] : memref<16x14x12x120xi32, #tpu.memory_space<hbm>> -> memref<1x14x12x120xi32, #tpu.memory_space<hbm>>
          %dma_start3A_484 = tpu.memref_squeeze %dma_start3A_483 : memref<1x14x12x120xi32, #tpu.memory_space<hbm>> -> memref<14x12x120xi32, #tpu.memory_space<hbm>>
          %dma_start3A_485 = arith.constant 0 : i32
          %dma_start3A_486 = arith.constant 0 : i32
          %dma_start3A_487 = tpu.memref_slice %dma_start3A_484[%add3A_40, %dma_start3A_485, %dma_start3A_486] : memref<14x12x120xi32, #tpu.memory_space<hbm>> -> memref<1x12x120xi32, #tpu.memory_space<hbm>>
          %dma_start3A_488 = tpu.memref_squeeze %dma_start3A_487 : memref<1x12x120xi32, #tpu.memory_space<hbm>> -> memref<12x120xi32, #tpu.memory_space<hbm>>
          tpu.enqueue_dma source(%dma_start3A_488 : memref<12x120xi32, #tpu.memory_space<hbm>>) target(%arg8 : memref<12x120xi32, #tpu.memory_space<vmem>>) target_semaphore(%run_scoped3A : memref<!tpu.dma_semaphore, #tpu.memory_space<semaphore_mem>>)
          %dma_wait3A_489 = arith.constant 0 : i32
          %dma_wait3A_490 = arith.constant 0 : i32
          %dma_wait3A_491 = arith.constant 0 : i32
          %dma_wait3A_492 = tpu.memref_slice %arg4[%arg1, %dma_wait3A_489, %dma_wait3A_490, %dma_wait3A_491] : memref<16x14x12x120xi32, #tpu.memory_space<hbm>> -> memref<1x14x12x120xi32, #tpu.memory_space<hbm>>
          %dma_wait3A_493 = tpu.memref_squeeze %dma_wait3A_492 : memref<1x14x12x120xi32, #tpu.memory_space<hbm>> -> memref<14x12x120xi32, #tpu.memory_space<hbm>>
          %dma_wait3A_494 = arith.constant 0 : i32
          %dma_wait3A_495 = arith.constant 0 : i32
          %dma_wait3A_496 = tpu.memref_slice %dma_wait3A_493[%add3A_40, %dma_wait3A_494, %dma_wait3A_495] : memref<14x12x120xi32, #tpu.memory_space<hbm>> -> memref<1x12x120xi32, #tpu.memory_space<hbm>>
          %dma_wait3A_497 = tpu.memref_squeeze %dma_wait3A_496 : memref<1x12x120xi32, #tpu.memory_space<hbm>> -> memref<12x120xi32, #tpu.memory_space<hbm>>
          %dma_wait3A_498 = arith.constant 0 : i32
          %dma_wait3A_499 = arith.constant 0 : i32
          %dma_wait3A_500 = arith.constant 0 : i32
          %dma_wait3A_501 = tpu.memref_slice %arg4[%arg1, %dma_wait3A_498, %dma_wait3A_499, %dma_wait3A_500] : memref<16x14x12x120xi32, #tpu.memory_space<hbm>> -> memref<1x14x12x120xi32, #tpu.memory_space<hbm>>
          %dma_wait3A_502 = tpu.memref_squeeze %dma_wait3A_501 : memref<1x14x12x120xi32, #tpu.memory_space<hbm>> -> memref<14x12x120xi32, #tpu.memory_space<hbm>>
          %dma_wait3A_503 = arith.constant 0 : i32
          %dma_wait3A_504 = arith.constant 0 : i32
          %dma_wait3A_505 = tpu.memref_slice %dma_wait3A_502[%add3A_40, %dma_wait3A_503, %dma_wait3A_504] : memref<14x12x120xi32, #tpu.memory_space<hbm>> -> memref<1x12x120xi32, #tpu.memory_space<hbm>>
          %dma_wait3A_506 = tpu.memref_squeeze %dma_wait3A_505 : memref<1x12x120xi32, #tpu.memory_space<hbm>> -> memref<12x120xi32, #tpu.memory_space<hbm>>
          tpu.wait_dma2 semaphore(%run_scoped3A : memref<!tpu.dma_semaphore, #tpu.memory_space<semaphore_mem>>) src(%dma_wait3A_506 : memref<12x120xi32, #tpu.memory_space<hbm>>) dst(%arg8 : memref<12x120xi32, #tpu.memory_space<vmem>>)
          tpu.yield
        }) : () -> ()
        %dma_start3A = arith.constant 0 : i32
        %dma_start3A_41 = arith.constant 0 : i32
        %dma_start3A_42 = tpu.memref_slice %arg7[%dma_start3A, %dma_start3A_41] : memref<12x120xi32, #tpu.memory_space<vmem>> -> memref<1x120xi32, #tpu.memory_space<vmem>>
        %dma_start3A_43 = tpu.memref_squeeze %dma_start3A_42 : memref<1x120xi32, #tpu.memory_space<vmem>> -> memref<120xi32, #tpu.memory_space<vmem>>
        %dma_start3A_44 = arith.constant 0 : i32
        %dma_start3A_45 = arith.constant 0 : i32
        %dma_start3A_46 = tpu.memref_slice %arg2[%scan3A, %dma_start3A_44, %dma_start3A_45] : memref<2x10000x128xf32, #tpu.memory_space<hbm>> -> memref<1x10000x128xf32, #tpu.memory_space<hbm>>
        %dma_start3A_47 = tpu.memref_squeeze %dma_start3A_46 : memref<1x10000x128xf32, #tpu.memory_space<hbm>> -> memref<10000x128xf32, #tpu.memory_space<hbm>>
        %dma_start3A_48 = arith.constant 0 : i32
        %dma_start3A_49 = arith.constant 0 : i32
        %dma_start3A_50 = tpu.memref_slice %dma_start3A_47[%dma_start3A_48, %dma_start3A_49] : memref<10000x128xf32, #tpu.memory_space<hbm>> -> memref<10000x128xf32, #tpu.memory_space<hbm>>
        tpu.enqueue_indirect_dma source(%dma_start3A_50 : memref<10000x128xf32, #tpu.memory_space<hbm>>) target(%arg9 : memref<120x128xf32, #tpu.memory_space<vmem>>) offsets(%dma_start3A_43 : memref<120xi32, #tpu.memory_space<vmem>>) semaphore(%arg12 : memref<!tpu.dma_semaphore, #tpu.memory_space<semaphore_mem>>)
        %dma_start3A_51 = arith.constant 1 : i32
        %dma_start3A_52 = arith.constant 0 : i32
        %dma_start3A_53 = tpu.memref_slice %arg7[%dma_start3A_51, %dma_start3A_52] : memref<12x120xi32, #tpu.memory_space<vmem>> -> memref<1x120xi32, #tpu.memory_space<vmem>>
        %dma_start3A_54 = tpu.memref_squeeze %dma_start3A_53 : memref<1x120xi32, #tpu.memory_space<vmem>> -> memref<120xi32, #tpu.memory_space<vmem>>
        %dma_start3A_55 = arith.constant 0 : i32
        %dma_start3A_56 = arith.constant 0 : i32
        %dma_start3A_57 = tpu.memref_slice %arg2[%scan3A, %dma_start3A_55, %dma_start3A_56] : memref<2x10000x128xf32, #tpu.memory_space<hbm>> -> memref<1x10000x128xf32, #tpu.memory_space<hbm>>
        %dma_start3A_58 = tpu.memref_squeeze %dma_start3A_57 : memref<1x10000x128xf32, #tpu.memory_space<hbm>> -> memref<10000x128xf32, #tpu.memory_space<hbm>>
        %dma_start3A_59 = arith.constant 0 : i32
        %dma_start3A_60 = arith.constant 0 : i32
        %dma_start3A_61 = tpu.memref_slice %dma_start3A_58[%dma_start3A_59, %dma_start3A_60] : memref<10000x128xf32, #tpu.memory_space<hbm>> -> memref<10000x128xf32, #tpu.memory_space<hbm>>
        tpu.enqueue_indirect_dma source(%dma_start3A_61 : memref<10000x128xf32, #tpu.memory_space<hbm>>) target(%arg10 : memref<120x128xf32, #tpu.memory_space<vmem>>) offsets(%dma_start3A_54 : memref<120xi32, #tpu.memory_space<vmem>>) semaphore(%arg13 : memref<!tpu.dma_semaphore, #tpu.memory_space<semaphore_mem>>)
        %dma_start3A_62 = arith.constant 2 : i32
        %dma_start3A_63 = arith.constant 0 : i32
        %dma_start3A_64 = tpu.memref_slice %arg7[%dma_start3A_62, %dma_start3A_63] : memref<12x120xi32, #tpu.memory_space<vmem>> -> memref<1x120xi32, #tpu.memory_space<vmem>>
        %dma_start3A_65 = tpu.memref_squeeze %dma_start3A_64 : memref<1x120xi32, #tpu.memory_space<vmem>> -> memref<120xi32, #tpu.memory_space<vmem>>
        %dma_start3A_66 = arith.constant 0 : i32
        %dma_start3A_67 = arith.constant 0 : i32
        %dma_start3A_68 = tpu.memref_slice %arg2[%scan3A, %dma_start3A_66, %dma_start3A_67] : memref<2x10000x128xf32, #tpu.memory_space<hbm>> -> memref<1x10000x128xf32, #tpu.memory_space<hbm>>
        %dma_start3A_69 = tpu.memref_squeeze %dma_start3A_68 : memref<1x10000x128xf32, #tpu.memory_space<hbm>> -> memref<10000x128xf32, #tpu.memory_space<hbm>>
        %dma_start3A_70 = arith.constant 0 : i32
        %dma_start3A_71 = arith.constant 0 : i32
        %dma_start3A_72 = tpu.memref_slice %dma_start3A_69[%dma_start3A_70, %dma_start3A_71] : memref<10000x128xf32, #tpu.memory_space<hbm>> -> memref<10000x128xf32, #tpu.memory_space<hbm>>
        tpu.enqueue_indirect_dma source(%dma_start3A_72 : memref<10000x128xf32, #tpu.memory_space<hbm>>) target(%arg11 : memref<120x128xf32, #tpu.memory_space<vmem>>) offsets(%dma_start3A_65 : memref<120xi32, #tpu.memory_space<vmem>>) semaphore(%arg14 : memref<!tpu.dma_semaphore, #tpu.memory_space<semaphore_mem>>)
        %dma_wait3A = arith.constant 0 : i32
        %dma_wait3A_73 = arith.constant 0 : i32
        %dma_wait3A_74 = tpu.memref_slice %arg7[%dma_wait3A, %dma_wait3A_73] : memref<12x120xi32, #tpu.memory_space<vmem>> -> memref<1x120xi32, #tpu.memory_space<vmem>>
        %dma_wait3A_75 = tpu.memref_squeeze %dma_wait3A_74 : memref<1x120xi32, #tpu.memory_space<vmem>> -> memref<120xi32, #tpu.memory_space<vmem>>
        %dma_wait3A_76 = arith.constant 0 : i32
        %dma_wait3A_77 = arith.constant 0 : i32
        %dma_wait3A_78 = tpu.memref_slice %arg2[%scan3A, %dma_wait3A_76, %dma_wait3A_77] : memref<2x10000x128xf32, #tpu.memory_space<hbm>> -> memref<1x10000x128xf32, #tpu.memory_space<hbm>>
        %dma_wait3A_79 = tpu.memref_squeeze %dma_wait3A_78 : memref<1x10000x128xf32, #tpu.memory_space<hbm>> -> memref<10000x128xf32, #tpu.memory_space<hbm>>
        %dma_wait3A_80 = arith.constant 0 : i32
        %dma_wait3A_81 = arith.constant 0 : i32
        %dma_wait3A_82 = tpu.memref_slice %dma_wait3A_79[%dma_wait3A_80, %dma_wait3A_81] : memref<10000x128xf32, #tpu.memory_space<hbm>> -> memref<10000x128xf32, #tpu.memory_space<hbm>>
        tpu.wait_indirect_dma semaphore(%arg12 : memref<!tpu.dma_semaphore, #tpu.memory_space<semaphore_mem>>) src(%dma_wait3A_82 : memref<10000x128xf32, #tpu.memory_space<hbm>>) dst(%arg9 : memref<120x128xf32, #tpu.memory_space<vmem>>)
        %dma_start3A_83 = arith.constant 0 : i32
        %dma_start3A_84 = arith.constant 0 : i32
        %dma_start3A_85 = tpu.memref_slice %arg8[%dma_start3A_83, %dma_start3A_84] : memref<12x120xi32, #tpu.memory_space<vmem>> -> memref<1x120xi32, #tpu.memory_space<vmem>>
        %dma_start3A_86 = tpu.memref_squeeze %dma_start3A_85 : memref<1x120xi32, #tpu.memory_space<vmem>> -> memref<120xi32, #tpu.memory_space<vmem>>
        %dma_start3A_87 = arith.constant 0 : i32
        %dma_start3A_88 = arith.constant 0 : i32
        %dma_start3A_89 = tpu.memref_slice %arg6[%dma_start3A_87, %dma_start3A_88] : memref<10112x128xf32, #tpu.memory_space<vmem_shared>> -> memref<10112x128xf32, #tpu.memory_space<vmem_shared>>
        tpu.enqueue_indirect_dma source(%arg9 : memref<120x128xf32, #tpu.memory_space<vmem>>) target(%dma_start3A_89 : memref<10112x128xf32, #tpu.memory_space<vmem_shared>>) offsets(%dma_start3A_86 : memref<120xi32, #tpu.memory_space<vmem>>) semaphore(%arg15 : memref<!tpu.dma_semaphore, #tpu.memory_space<semaphore_mem>>) {add = true}
        %dma_wait3A_90 = arith.constant 1 : i32
        %dma_wait3A_91 = arith.constant 0 : i32
        %dma_wait3A_92 = tpu.memref_slice %arg7[%dma_wait3A_90, %dma_wait3A_91] : memref<12x120xi32, #tpu.memory_space<vmem>> -> memref<1x120xi32, #tpu.memory_space<vmem>>
        %dma_wait3A_93 = tpu.memref_squeeze %dma_wait3A_92 : memref<1x120xi32, #tpu.memory_space<vmem>> -> memref<120xi32, #tpu.memory_space<vmem>>
        %dma_wait3A_94 = arith.constant 0 : i32
        %dma_wait3A_95 = arith.constant 0 : i32
        %dma_wait3A_96 = tpu.memref_slice %arg2[%scan3A, %dma_wait3A_94, %dma_wait3A_95] : memref<2x10000x128xf32, #tpu.memory_space<hbm>> -> memref<1x10000x128xf32, #tpu.memory_space<hbm>>
        %dma_wait3A_97 = tpu.memref_squeeze %dma_wait3A_96 : memref<1x10000x128xf32, #tpu.memory_space<hbm>> -> memref<10000x128xf32, #tpu.memory_space<hbm>>
        %dma_wait3A_98 = arith.constant 0 : i32
        %dma_wait3A_99 = arith.constant 0 : i32
        %dma_wait3A_100 = tpu.memref_slice %dma_wait3A_97[%dma_wait3A_98, %dma_wait3A_99] : memref<10000x128xf32, #tpu.memory_space<hbm>> -> memref<10000x128xf32, #tpu.memory_space<hbm>>
        tpu.wait_indirect_dma semaphore(%arg13 : memref<!tpu.dma_semaphore, #tpu.memory_space<semaphore_mem>>) src(%dma_wait3A_100 : memref<10000x128xf32, #tpu.memory_space<hbm>>) dst(%arg10 : memref<120x128xf32, #tpu.memory_space<vmem>>)
        %dma_start3A_101 = arith.constant 1 : i32
        %dma_start3A_102 = arith.constant 0 : i32
        %dma_start3A_103 = tpu.memref_slice %arg8[%dma_start3A_101, %dma_start3A_102] : memref<12x120xi32, #tpu.memory_space<vmem>> -> memref<1x120xi32, #tpu.memory_space<vmem>>
        %dma_start3A_104 = tpu.memref_squeeze %dma_start3A_103 : memref<1x120xi32, #tpu.memory_space<vmem>> -> memref<120xi32, #tpu.memory_space<vmem>>
        %dma_start3A_105 = arith.constant 0 : i32
        %dma_start3A_106 = arith.constant 0 : i32
        %dma_start3A_107 = tpu.memref_slice %arg6[%dma_start3A_105, %dma_start3A_106] : memref<10112x128xf32, #tpu.memory_space<vmem_shared>> -> memref<10112x128xf32, #tpu.memory_space<vmem_shared>>
        tpu.enqueue_indirect_dma source(%arg10 : memref<120x128xf32, #tpu.memory_space<vmem>>) target(%dma_start3A_107 : memref<10112x128xf32, #tpu.memory_space<vmem_shared>>) offsets(%dma_start3A_104 : memref<120xi32, #tpu.memory_space<vmem>>) semaphore(%arg16 : memref<!tpu.dma_semaphore, #tpu.memory_space<semaphore_mem>>) {add = true}
        %dma_wait3A_108 = arith.constant 2 : i32
        %dma_wait3A_109 = arith.constant 0 : i32
        %dma_wait3A_110 = tpu.memref_slice %arg7[%dma_wait3A_108, %dma_wait3A_109] : memref<12x120xi32, #tpu.memory_space<vmem>> -> memref<1x120xi32, #tpu.memory_space<vmem>>
        %dma_wait3A_111 = tpu.memref_squeeze %dma_wait3A_110 : memref<1x120xi32, #tpu.memory_space<vmem>> -> memref<120xi32, #tpu.memory_space<vmem>>
        %dma_wait3A_112 = arith.constant 0 : i32
        %dma_wait3A_113 = arith.constant 0 : i32
        %dma_wait3A_114 = tpu.memref_slice %arg2[%scan3A, %dma_wait3A_112, %dma_wait3A_113] : memref<2x10000x128xf32, #tpu.memory_space<hbm>> -> memref<1x10000x128xf32, #tpu.memory_space<hbm>>
        %dma_wait3A_115 = tpu.memref_squeeze %dma_wait3A_114 : memref<1x10000x128xf32, #tpu.memory_space<hbm>> -> memref<10000x128xf32, #tpu.memory_space<hbm>>
        %dma_wait3A_116 = arith.constant 0 : i32
        %dma_wait3A_117 = arith.constant 0 : i32
        %dma_wait3A_118 = tpu.memref_slice %dma_wait3A_115[%dma_wait3A_116, %dma_wait3A_117] : memref<10000x128xf32, #tpu.memory_space<hbm>> -> memref<10000x128xf32, #tpu.memory_space<hbm>>
        tpu.wait_indirect_dma semaphore(%arg14 : memref<!tpu.dma_semaphore, #tpu.memory_space<semaphore_mem>>) src(%dma_wait3A_118 : memref<10000x128xf32, #tpu.memory_space<hbm>>) dst(%arg11 : memref<120x128xf32, #tpu.memory_space<vmem>>)
        %dma_start3A_119 = arith.constant 2 : i32
        %dma_start3A_120 = arith.constant 0 : i32
        %dma_start3A_121 = tpu.memref_slice %arg8[%dma_start3A_119, %dma_start3A_120] : memref<12x120xi32, #tpu.memory_space<vmem>> -> memref<1x120xi32, #tpu.memory_space<vmem>>
        %dma_start3A_122 = tpu.memref_squeeze %dma_start3A_121 : memref<1x120xi32, #tpu.memory_space<vmem>> -> memref<120xi32, #tpu.memory_space<vmem>>
        %dma_start3A_123 = arith.constant 0 : i32
        %dma_start3A_124 = arith.constant 0 : i32
        %dma_start3A_125 = tpu.memref_slice %arg6[%dma_start3A_123, %dma_start3A_124] : memref<10112x128xf32, #tpu.memory_space<vmem_shared>> -> memref<10112x128xf32, #tpu.memory_space<vmem_shared>>
        tpu.enqueue_indirect_dma source(%arg11 : memref<120x128xf32, #tpu.memory_space<vmem>>) target(%dma_start3A_125 : memref<10112x128xf32, #tpu.memory_space<vmem_shared>>) offsets(%dma_start3A_122 : memref<120xi32, #tpu.memory_space<vmem>>) semaphore(%arg17 : memref<!tpu.dma_semaphore, #tpu.memory_space<semaphore_mem>>) {add = true}
        %dma_wait3A_126 = arith.constant 0 : i32
        %dma_wait3A_127 = arith.constant 0 : i32
        %dma_wait3A_128 = tpu.memref_slice %arg8[%dma_wait3A_126, %dma_wait3A_127] : memref<12x120xi32, #tpu.memory_space<vmem>> -> memref<1x120xi32, #tpu.memory_space<vmem>>
        %dma_wait3A_129 = tpu.memref_squeeze %dma_wait3A_128 : memref<1x120xi32, #tpu.memory_space<vmem>> -> memref<120xi32, #tpu.memory_space<vmem>>
        %dma_wait3A_130 = arith.constant 0 : i32
        %dma_wait3A_131 = arith.constant 0 : i32
        %dma_wait3A_132 = tpu.memref_slice %arg6[%dma_wait3A_130, %dma_wait3A_131] : memref<10112x128xf32, #tpu.memory_space<vmem_shared>> -> memref<10112x128xf32, #tpu.memory_space<vmem_shared>>
        tpu.wait_indirect_dma semaphore(%arg15 : memref<!tpu.dma_semaphore, #tpu.memory_space<semaphore_mem>>) src(%arg9 : memref<120x128xf32, #tpu.memory_space<vmem>>) dst(%dma_wait3A_132 : memref<10112x128xf32, #tpu.memory_space<vmem_shared>>)
        %dma_start3A_133 = arith.constant 3 : i32
        %dma_start3A_134 = arith.constant 0 : i32
        %dma_start3A_135 = tpu.memref_slice %arg7[%dma_start3A_133, %dma_start3A_134] : memref<12x120xi32, #tpu.memory_space<vmem>> -> memref<1x120xi32, #tpu.memory_space<vmem>>
        %dma_start3A_136 = tpu.memref_squeeze %dma_start3A_135 : memref<1x120xi32, #tpu.memory_space<vmem>> -> memref<120xi32, #tpu.memory_space<vmem>>
        %dma_start3A_137 = arith.constant 0 : i32
        %dma_start3A_138 = arith.constant 0 : i32
        %dma_start3A_139 = tpu.memref_slice %arg2[%scan3A, %dma_start3A_137, %dma_start3A_138] : memref<2x10000x128xf32, #tpu.memory_space<hbm>> -> memref<1x10000x128xf32, #tpu.memory_space<hbm>>
        %dma_start3A_140 = tpu.memref_squeeze %dma_start3A_139 : memref<1x10000x128xf32, #tpu.memory_space<hbm>> -> memref<10000x128xf32, #tpu.memory_space<hbm>>
        %dma_start3A_141 = arith.constant 0 : i32
        %dma_start3A_142 = arith.constant 0 : i32
        %dma_start3A_143 = tpu.memref_slice %dma_start3A_140[%dma_start3A_141, %dma_start3A_142] : memref<10000x128xf32, #tpu.memory_space<hbm>> -> memref<10000x128xf32, #tpu.memory_space<hbm>>
        tpu.enqueue_indirect_dma source(%dma_start3A_143 : memref<10000x128xf32, #tpu.memory_space<hbm>>) target(%arg9 : memref<120x128xf32, #tpu.memory_space<vmem>>) offsets(%dma_start3A_136 : memref<120xi32, #tpu.memory_space<vmem>>) semaphore(%arg12 : memref<!tpu.dma_semaphore, #tpu.memory_space<semaphore_mem>>)
        %dma_wait3A_144 = arith.constant 1 : i32
        %dma_wait3A_145 = arith.constant 0 : i32
        %dma_wait3A_146 = tpu.memref_slice %arg8[%dma_wait3A_144, %dma_wait3A_145] : memref<12x120xi32, #tpu.memory_space<vmem>> -> memref<1x120xi32, #tpu.memory_space<vmem>>
        %dma_wait3A_147 = tpu.memref_squeeze %dma_wait3A_146 : memref<1x120xi32, #tpu.memory_space<vmem>> -> memref<120xi32, #tpu.memory_space<vmem>>
        %dma_wait3A_148 = arith.constant 0 : i32
        %dma_wait3A_149 = arith.constant 0 : i32
        %dma_wait3A_150 = tpu.memref_slice %arg6[%dma_wait3A_148, %dma_wait3A_149] : memref<10112x128xf32, #tpu.memory_space<vmem_shared>> -> memref<10112x128xf32, #tpu.memory_space<vmem_shared>>
        tpu.wait_indirect_dma semaphore(%arg16 : memref<!tpu.dma_semaphore, #tpu.memory_space<semaphore_mem>>) src(%arg10 : memref<120x128xf32, #tpu.memory_space<vmem>>) dst(%dma_wait3A_150 : memref<10112x128xf32, #tpu.memory_space<vmem_shared>>)
        %dma_start3A_151 = arith.constant 4 : i32
        %dma_start3A_152 = arith.constant 0 : i32
        %dma_start3A_153 = tpu.memref_slice %arg7[%dma_start3A_151, %dma_start3A_152] : memref<12x120xi32, #tpu.memory_space<vmem>> -> memref<1x120xi32, #tpu.memory_space<vmem>>
        %dma_start3A_154 = tpu.memref_squeeze %dma_start3A_153 : memref<1x120xi32, #tpu.memory_space<vmem>> -> memref<120xi32, #tpu.memory_space<vmem>>
        %dma_start3A_155 = arith.constant 0 : i32
        %dma_start3A_156 = arith.constant 0 : i32
        %dma_start3A_157 = tpu.memref_slice %arg2[%scan3A, %dma_start3A_155, %dma_start3A_156] : memref<2x10000x128xf32, #tpu.memory_space<hbm>> -> memref<1x10000x128xf32, #tpu.memory_space<hbm>>
        %dma_start3A_158 = tpu.memref_squeeze %dma_start3A_157 : memref<1x10000x128xf32, #tpu.memory_space<hbm>> -> memref<10000x128xf32, #tpu.memory_space<hbm>>
        %dma_start3A_159 = arith.constant 0 : i32
        %dma_start3A_160 = arith.constant 0 : i32
        %dma_start3A_161 = tpu.memref_slice %dma_start3A_158[%dma_start3A_159, %dma_start3A_160] : memref<10000x128xf32, #tpu.memory_space<hbm>> -> memref<10000x128xf32, #tpu.memory_space<hbm>>
        tpu.enqueue_indirect_dma source(%dma_start3A_161 : memref<10000x128xf32, #tpu.memory_space<hbm>>) target(%arg10 : memref<120x128xf32, #tpu.memory_space<vmem>>) offsets(%dma_start3A_154 : memref<120xi32, #tpu.memory_space<vmem>>) semaphore(%arg13 : memref<!tpu.dma_semaphore, #tpu.memory_space<semaphore_mem>>)
        %dma_wait3A_162 = arith.constant 2 : i32
        %dma_wait3A_163 = arith.constant 0 : i32
        %dma_wait3A_164 = tpu.memref_slice %arg8[%dma_wait3A_162, %dma_wait3A_163] : memref<12x120xi32, #tpu.memory_space<vmem>> -> memref<1x120xi32, #tpu.memory_space<vmem>>
        %dma_wait3A_165 = tpu.memref_squeeze %dma_wait3A_164 : memref<1x120xi32, #tpu.memory_space<vmem>> -> memref<120xi32, #tpu.memory_space<vmem>>
        %dma_wait3A_166 = arith.constant 0 : i32
        %dma_wait3A_167 = arith.constant 0 : i32
        %dma_wait3A_168 = tpu.memref_slice %arg6[%dma_wait3A_166, %dma_wait3A_167] : memref<10112x128xf32, #tpu.memory_space<vmem_shared>> -> memref<10112x128xf32, #tpu.memory_space<vmem_shared>>
        tpu.wait_indirect_dma semaphore(%arg17 : memref<!tpu.dma_semaphore, #tpu.memory_space<semaphore_mem>>) src(%arg11 : memref<120x128xf32, #tpu.memory_space<vmem>>) dst(%dma_wait3A_168 : memref<10112x128xf32, #tpu.memory_space<vmem_shared>>)
        %dma_start3A_169 = arith.constant 5 : i32
        %dma_start3A_170 = arith.constant 0 : i32
        %dma_start3A_171 = tpu.memref_slice %arg7[%dma_start3A_169, %dma_start3A_170] : memref<12x120xi32, #tpu.memory_space<vmem>> -> memref<1x120xi32, #tpu.memory_space<vmem>>
        %dma_start3A_172 = tpu.memref_squeeze %dma_start3A_171 : memref<1x120xi32, #tpu.memory_space<vmem>> -> memref<120xi32, #tpu.memory_space<vmem>>
        %dma_start3A_173 = arith.constant 0 : i32
        %dma_start3A_174 = arith.constant 0 : i32
        %dma_start3A_175 = tpu.memref_slice %arg2[%scan3A, %dma_start3A_173, %dma_start3A_174] : memref<2x10000x128xf32, #tpu.memory_space<hbm>> -> memref<1x10000x128xf32, #tpu.memory_space<hbm>>
        %dma_start3A_176 = tpu.memref_squeeze %dma_start3A_175 : memref<1x10000x128xf32, #tpu.memory_space<hbm>> -> memref<10000x128xf32, #tpu.memory_space<hbm>>
        %dma_start3A_177 = arith.constant 0 : i32
        %dma_start3A_178 = arith.constant 0 : i32
        %dma_start3A_179 = tpu.memref_slice %dma_start3A_176[%dma_start3A_177, %dma_start3A_178] : memref<10000x128xf32, #tpu.memory_space<hbm>> -> memref<10000x128xf32, #tpu.memory_space<hbm>>
        tpu.enqueue_indirect_dma source(%dma_start3A_179 : memref<10000x128xf32, #tpu.memory_space<hbm>>) target(%arg11 : memref<120x128xf32, #tpu.memory_space<vmem>>) offsets(%dma_start3A_172 : memref<120xi32, #tpu.memory_space<vmem>>) semaphore(%arg14 : memref<!tpu.dma_semaphore, #tpu.memory_space<semaphore_mem>>)
        %dma_wait3A_180 = arith.constant 3 : i32
        %dma_wait3A_181 = arith.constant 0 : i32
        %dma_wait3A_182 = tpu.memref_slice %arg7[%dma_wait3A_180, %dma_wait3A_181] : memref<12x120xi32, #tpu.memory_space<vmem>> -> memref<1x120xi32, #tpu.memory_space<vmem>>
        %dma_wait3A_183 = tpu.memref_squeeze %dma_wait3A_182 : memref<1x120xi32, #tpu.memory_space<vmem>> -> memref<120xi32, #tpu.memory_space<vmem>>
        %dma_wait3A_184 = arith.constant 0 : i32
        %dma_wait3A_185 = arith.constant 0 : i32
        %dma_wait3A_186 = tpu.memref_slice %arg2[%scan3A, %dma_wait3A_184, %dma_wait3A_185] : memref<2x10000x128xf32, #tpu.memory_space<hbm>> -> memref<1x10000x128xf32, #tpu.memory_space<hbm>>
        %dma_wait3A_187 = tpu.memref_squeeze %dma_wait3A_186 : memref<1x10000x128xf32, #tpu.memory_space<hbm>> -> memref<10000x128xf32, #tpu.memory_space<hbm>>
        %dma_wait3A_188 = arith.constant 0 : i32
        %dma_wait3A_189 = arith.constant 0 : i32
        %dma_wait3A_190 = tpu.memref_slice %dma_wait3A_187[%dma_wait3A_188, %dma_wait3A_189] : memref<10000x128xf32, #tpu.memory_space<hbm>> -> memref<10000x128xf32, #tpu.memory_space<hbm>>
        tpu.wait_indirect_dma semaphore(%arg12 : memref<!tpu.dma_semaphore, #tpu.memory_space<semaphore_mem>>) src(%dma_wait3A_190 : memref<10000x128xf32, #tpu.memory_space<hbm>>) dst(%arg9 : memref<120x128xf32, #tpu.memory_space<vmem>>)
        %dma_start3A_191 = arith.constant 3 : i32
        %dma_start3A_192 = arith.constant 0 : i32
        %dma_start3A_193 = tpu.memref_slice %arg8[%dma_start3A_191, %dma_start3A_192] : memref<12x120xi32, #tpu.memory_space<vmem>> -> memref<1x120xi32, #tpu.memory_space<vmem>>
        %dma_start3A_194 = tpu.memref_squeeze %dma_start3A_193 : memref<1x120xi32, #tpu.memory_space<vmem>> -> memref<120xi32, #tpu.memory_space<vmem>>
        %dma_start3A_195 = arith.constant 0 : i32
        %dma_start3A_196 = arith.constant 0 : i32
        %dma_start3A_197 = tpu.memref_slice %arg6[%dma_start3A_195, %dma_start3A_196] : memref<10112x128xf32, #tpu.memory_space<vmem_shared>> -> memref<10112x128xf32, #tpu.memory_space<vmem_shared>>
        tpu.enqueue_indirect_dma source(%arg9 : memref<120x128xf32, #tpu.memory_space<vmem>>) target(%dma_start3A_197 : memref<10112x128xf32, #tpu.memory_space<vmem_shared>>) offsets(%dma_start3A_194 : memref<120xi32, #tpu.memory_space<vmem>>) semaphore(%arg15 : memref<!tpu.dma_semaphore, #tpu.memory_space<semaphore_mem>>) {add = true}
        %dma_wait3A_198 = arith.constant 4 : i32
        %dma_wait3A_199 = arith.constant 0 : i32
        %dma_wait3A_200 = tpu.memref_slice %arg7[%dma_wait3A_198, %dma_wait3A_199] : memref<12x120xi32, #tpu.memory_space<vmem>> -> memref<1x120xi32, #tpu.memory_space<vmem>>
        %dma_wait3A_201 = tpu.memref_squeeze %dma_wait3A_200 : memref<1x120xi32, #tpu.memory_space<vmem>> -> memref<120xi32, #tpu.memory_space<vmem>>
        %dma_wait3A_202 = arith.constant 0 : i32
        %dma_wait3A_203 = arith.constant 0 : i32
        %dma_wait3A_204 = tpu.memref_slice %arg2[%scan3A, %dma_wait3A_202, %dma_wait3A_203] : memref<2x10000x128xf32, #tpu.memory_space<hbm>> -> memref<1x10000x128xf32, #tpu.memory_space<hbm>>
        %dma_wait3A_205 = tpu.memref_squeeze %dma_wait3A_204 : memref<1x10000x128xf32, #tpu.memory_space<hbm>> -> memref<10000x128xf32, #tpu.memory_space<hbm>>
        %dma_wait3A_206 = arith.constant 0 : i32
        %dma_wait3A_207 = arith.constant 0 : i32
        %dma_wait3A_208 = tpu.memref_slice %dma_wait3A_205[%dma_wait3A_206, %dma_wait3A_207] : memref<10000x128xf32, #tpu.memory_space<hbm>> -> memref<10000x128xf32, #tpu.memory_space<hbm>>
        tpu.wait_indirect_dma semaphore(%arg13 : memref<!tpu.dma_semaphore, #tpu.memory_space<semaphore_mem>>) src(%dma_wait3A_208 : memref<10000x128xf32, #tpu.memory_space<hbm>>) dst(%arg10 : memref<120x128xf32, #tpu.memory_space<vmem>>)
        %dma_start3A_209 = arith.constant 4 : i32
        %dma_start3A_210 = arith.constant 0 : i32
        %dma_start3A_211 = tpu.memref_slice %arg8[%dma_start3A_209, %dma_start3A_210] : memref<12x120xi32, #tpu.memory_space<vmem>> -> memref<1x120xi32, #tpu.memory_space<vmem>>
        %dma_start3A_212 = tpu.memref_squeeze %dma_start3A_211 : memref<1x120xi32, #tpu.memory_space<vmem>> -> memref<120xi32, #tpu.memory_space<vmem>>
        %dma_start3A_213 = arith.constant 0 : i32
        %dma_start3A_214 = arith.constant 0 : i32
        %dma_start3A_215 = tpu.memref_slice %arg6[%dma_start3A_213, %dma_start3A_214] : memref<10112x128xf32, #tpu.memory_space<vmem_shared>> -> memref<10112x128xf32, #tpu.memory_space<vmem_shared>>
        tpu.enqueue_indirect_dma source(%arg10 : memref<120x128xf32, #tpu.memory_space<vmem>>) target(%dma_start3A_215 : memref<10112x128xf32, #tpu.memory_space<vmem_shared>>) offsets(%dma_start3A_212 : memref<120xi32, #tpu.memory_space<vmem>>) semaphore(%arg16 : memref<!tpu.dma_semaphore, #tpu.memory_space<semaphore_mem>>) {add = true}
        %dma_wait3A_216 = arith.constant 5 : i32
        %dma_wait3A_217 = arith.constant 0 : i32
        %dma_wait3A_218 = tpu.memref_slice %arg7[%dma_wait3A_216, %dma_wait3A_217] : memref<12x120xi32, #tpu.memory_space<vmem>> -> memref<1x120xi32, #tpu.memory_space<vmem>>
        %dma_wait3A_219 = tpu.memref_squeeze %dma_wait3A_218 : memref<1x120xi32, #tpu.memory_space<vmem>> -> memref<120xi32, #tpu.memory_space<vmem>>
        %dma_wait3A_220 = arith.constant 0 : i32
        %dma_wait3A_221 = arith.constant 0 : i32
        %dma_wait3A_222 = tpu.memref_slice %arg2[%scan3A, %dma_wait3A_220, %dma_wait3A_221] : memref<2x10000x128xf32, #tpu.memory_space<hbm>> -> memref<1x10000x128xf32, #tpu.memory_space<hbm>>
        %dma_wait3A_223 = tpu.memref_squeeze %dma_wait3A_222 : memref<1x10000x128xf32, #tpu.memory_space<hbm>> -> memref<10000x128xf32, #tpu.memory_space<hbm>>
        %dma_wait3A_224 = arith.constant 0 : i32
        %dma_wait3A_225 = arith.constant 0 : i32
        %dma_wait3A_226 = tpu.memref_slice %dma_wait3A_223[%dma_wait3A_224, %dma_wait3A_225] : memref<10000x128xf32, #tpu.memory_space<hbm>> -> memref<10000x128xf32, #tpu.memory_space<hbm>>
        tpu.wait_indirect_dma semaphore(%arg14 : memref<!tpu.dma_semaphore, #tpu.memory_space<semaphore_mem>>) src(%dma_wait3A_226 : memref<10000x128xf32, #tpu.memory_space<hbm>>) dst(%arg11 : memref<120x128xf32, #tpu.memory_space<vmem>>)
        %dma_start3A_227 = arith.constant 5 : i32
        %dma_start3A_228 = arith.constant 0 : i32
        %dma_start3A_229 = tpu.memref_slice %arg8[%dma_start3A_227, %dma_start3A_228] : memref<12x120xi32, #tpu.memory_space<vmem>> -> memref<1x120xi32, #tpu.memory_space<vmem>>
        %dma_start3A_230 = tpu.memref_squeeze %dma_start3A_229 : memref<1x120xi32, #tpu.memory_space<vmem>> -> memref<120xi32, #tpu.memory_space<vmem>>
        %dma_start3A_231 = arith.constant 0 : i32
        %dma_start3A_232 = arith.constant 0 : i32
        %dma_start3A_233 = tpu.memref_slice %arg6[%dma_start3A_231, %dma_start3A_232] : memref<10112x128xf32, #tpu.memory_space<vmem_shared>> -> memref<10112x128xf32, #tpu.memory_space<vmem_shared>>
        tpu.enqueue_indirect_dma source(%arg11 : memref<120x128xf32, #tpu.memory_space<vmem>>) target(%dma_start3A_233 : memref<10112x128xf32, #tpu.memory_space<vmem_shared>>) offsets(%dma_start3A_230 : memref<120xi32, #tpu.memory_space<vmem>>) semaphore(%arg17 : memref<!tpu.dma_semaphore, #tpu.memory_space<semaphore_mem>>) {add = true}
        %dma_wait3A_234 = arith.constant 3 : i32
        %dma_wait3A_235 = arith.constant 0 : i32
        %dma_wait3A_236 = tpu.memref_slice %arg8[%dma_wait3A_234, %dma_wait3A_235] : memref<12x120xi32, #tpu.memory_space<vmem>> -> memref<1x120xi32, #tpu.memory_space<vmem>>
        %dma_wait3A_237 = tpu.memref_squeeze %dma_wait3A_236 : memref<1x120xi32, #tpu.memory_space<vmem>> -> memref<120xi32, #tpu.memory_space<vmem>>
        %dma_wait3A_238 = arith.constant 0 : i32
        %dma_wait3A_239 = arith.constant 0 : i32
        %dma_wait3A_240 = tpu.memref_slice %arg6[%dma_wait3A_238, %dma_wait3A_239] : memref<10112x128xf32, #tpu.memory_space<vmem_shared>> -> memref<10112x128xf32, #tpu.memory_space<vmem_shared>>
        tpu.wait_indirect_dma semaphore(%arg15 : memref<!tpu.dma_semaphore, #tpu.memory_space<semaphore_mem>>) src(%arg9 : memref<120x128xf32, #tpu.memory_space<vmem>>) dst(%dma_wait3A_240 : memref<10112x128xf32, #tpu.memory_space<vmem_shared>>)
        %dma_start3A_241 = arith.constant 6 : i32
        %dma_start3A_242 = arith.constant 0 : i32
        %dma_start3A_243 = tpu.memref_slice %arg7[%dma_start3A_241, %dma_start3A_242] : memref<12x120xi32, #tpu.memory_space<vmem>> -> memref<1x120xi32, #tpu.memory_space<vmem>>
        %dma_start3A_244 = tpu.memref_squeeze %dma_start3A_243 : memref<1x120xi32, #tpu.memory_space<vmem>> -> memref<120xi32, #tpu.memory_space<vmem>>
        %dma_start3A_245 = arith.constant 0 : i32
        %dma_start3A_246 = arith.constant 0 : i32
        %dma_start3A_247 = tpu.memref_slice %arg2[%scan3A, %dma_start3A_245, %dma_start3A_246] : memref<2x10000x128xf32, #tpu.memory_space<hbm>> -> memref<1x10000x128xf32, #tpu.memory_space<hbm>>
        %dma_start3A_248 = tpu.memref_squeeze %dma_start3A_247 : memref<1x10000x128xf32, #tpu.memory_space<hbm>> -> memref<10000x128xf32, #tpu.memory_space<hbm>>
        %dma_start3A_249 = arith.constant 0 : i32
        %dma_start3A_250 = arith.constant 0 : i32
        %dma_start3A_251 = tpu.memref_slice %dma_start3A_248[%dma_start3A_249, %dma_start3A_250] : memref<10000x128xf32, #tpu.memory_space<hbm>> -> memref<10000x128xf32, #tpu.memory_space<hbm>>
        tpu.enqueue_indirect_dma source(%dma_start3A_251 : memref<10000x128xf32, #tpu.memory_space<hbm>>) target(%arg9 : memref<120x128xf32, #tpu.memory_space<vmem>>) offsets(%dma_start3A_244 : memref<120xi32, #tpu.memory_space<vmem>>) semaphore(%arg12 : memref<!tpu.dma_semaphore, #tpu.memory_space<semaphore_mem>>)
        %dma_wait3A_252 = arith.constant 4 : i32
        %dma_wait3A_253 = arith.constant 0 : i32
        %dma_wait3A_254 = tpu.memref_slice %arg8[%dma_wait3A_252, %dma_wait3A_253] : memref<12x120xi32, #tpu.memory_space<vmem>> -> memref<1x120xi32, #tpu.memory_space<vmem>>
        %dma_wait3A_255 = tpu.memref_squeeze %dma_wait3A_254 : memref<1x120xi32, #tpu.memory_space<vmem>> -> memref<120xi32, #tpu.memory_space<vmem>>
        %dma_wait3A_256 = arith.constant 0 : i32
        %dma_wait3A_257 = arith.constant 0 : i32
        %dma_wait3A_258 = tpu.memref_slice %arg6[%dma_wait3A_256, %dma_wait3A_257] : memref<10112x128xf32, #tpu.memory_space<vmem_shared>> -> memref<10112x128xf32, #tpu.memory_space<vmem_shared>>
        tpu.wait_indirect_dma semaphore(%arg16 : memref<!tpu.dma_semaphore, #tpu.memory_space<semaphore_mem>>) src(%arg10 : memref<120x128xf32, #tpu.memory_space<vmem>>) dst(%dma_wait3A_258 : memref<10112x128xf32, #tpu.memory_space<vmem_shared>>)
        %dma_start3A_259 = arith.constant 7 : i32
        %dma_start3A_260 = arith.constant 0 : i32
        %dma_start3A_261 = tpu.memref_slice %arg7[%dma_start3A_259, %dma_start3A_260] : memref<12x120xi32, #tpu.memory_space<vmem>> -> memref<1x120xi32, #tpu.memory_space<vmem>>
        %dma_start3A_262 = tpu.memref_squeeze %dma_start3A_261 : memref<1x120xi32, #tpu.memory_space<vmem>> -> memref<120xi32, #tpu.memory_space<vmem>>
        %dma_start3A_263 = arith.constant 0 : i32
        %dma_start3A_264 = arith.constant 0 : i32
        %dma_start3A_265 = tpu.memref_slice %arg2[%scan3A, %dma_start3A_263, %dma_start3A_264] : memref<2x10000x128xf32, #tpu.memory_space<hbm>> -> memref<1x10000x128xf32, #tpu.memory_space<hbm>>
        %dma_start3A_266 = tpu.memref_squeeze %dma_start3A_265 : memref<1x10000x128xf32, #tpu.memory_space<hbm>> -> memref<10000x128xf32, #tpu.memory_space<hbm>>
        %dma_start3A_267 = arith.constant 0 : i32
        %dma_start3A_268 = arith.constant 0 : i32
        %dma_start3A_269 = tpu.memref_slice %dma_start3A_266[%dma_start3A_267, %dma_start3A_268] : memref<10000x128xf32, #tpu.memory_space<hbm>> -> memref<10000x128xf32, #tpu.memory_space<hbm>>
        tpu.enqueue_indirect_dma source(%dma_start3A_269 : memref<10000x128xf32, #tpu.memory_space<hbm>>) target(%arg10 : memref<120x128xf32, #tpu.memory_space<vmem>>) offsets(%dma_start3A_262 : memref<120xi32, #tpu.memory_space<vmem>>) semaphore(%arg13 : memref<!tpu.dma_semaphore, #tpu.memory_space<semaphore_mem>>)
        %dma_wait3A_270 = arith.constant 5 : i32
        %dma_wait3A_271 = arith.constant 0 : i32
        %dma_wait3A_272 = tpu.memref_slice %arg8[%dma_wait3A_270, %dma_wait3A_271] : memref<12x120xi32, #tpu.memory_space<vmem>> -> memref<1x120xi32, #tpu.memory_space<vmem>>
        %dma_wait3A_273 = tpu.memref_squeeze %dma_wait3A_272 : memref<1x120xi32, #tpu.memory_space<vmem>> -> memref<120xi32, #tpu.memory_space<vmem>>
        %dma_wait3A_274 = arith.constant 0 : i32
        %dma_wait3A_275 = arith.constant 0 : i32
        %dma_wait3A_276 = tpu.memref_slice %arg6[%dma_wait3A_274, %dma_wait3A_275] : memref<10112x128xf32, #tpu.memory_space<vmem_shared>> -> memref<10112x128xf32, #tpu.memory_space<vmem_shared>>
        tpu.wait_indirect_dma semaphore(%arg17 : memref<!tpu.dma_semaphore, #tpu.memory_space<semaphore_mem>>) src(%arg11 : memref<120x128xf32, #tpu.memory_space<vmem>>) dst(%dma_wait3A_276 : memref<10112x128xf32, #tpu.memory_space<vmem_shared>>)
        %dma_start3A_277 = arith.constant 8 : i32
        %dma_start3A_278 = arith.constant 0 : i32
        %dma_start3A_279 = tpu.memref_slice %arg7[%dma_start3A_277, %dma_start3A_278] : memref<12x120xi32, #tpu.memory_space<vmem>> -> memref<1x120xi32, #tpu.memory_space<vmem>>
        %dma_start3A_280 = tpu.memref_squeeze %dma_start3A_279 : memref<1x120xi32, #tpu.memory_space<vmem>> -> memref<120xi32, #tpu.memory_space<vmem>>
        %dma_start3A_281 = arith.constant 0 : i32
        %dma_start3A_282 = arith.constant 0 : i32
        %dma_start3A_283 = tpu.memref_slice %arg2[%scan3A, %dma_start3A_281, %dma_start3A_282] : memref<2x10000x128xf32, #tpu.memory_space<hbm>> -> memref<1x10000x128xf32, #tpu.memory_space<hbm>>
        %dma_start3A_284 = tpu.memref_squeeze %dma_start3A_283 : memref<1x10000x128xf32, #tpu.memory_space<hbm>> -> memref<10000x128xf32, #tpu.memory_space<hbm>>
        %dma_start3A_285 = arith.constant 0 : i32
        %dma_start3A_286 = arith.constant 0 : i32
        %dma_start3A_287 = tpu.memref_slice %dma_start3A_284[%dma_start3A_285, %dma_start3A_286] : memref<10000x128xf32, #tpu.memory_space<hbm>> -> memref<10000x128xf32, #tpu.memory_space<hbm>>
        tpu.enqueue_indirect_dma source(%dma_start3A_287 : memref<10000x128xf32, #tpu.memory_space<hbm>>) target(%arg11 : memref<120x128xf32, #tpu.memory_space<vmem>>) offsets(%dma_start3A_280 : memref<120xi32, #tpu.memory_space<vmem>>) semaphore(%arg14 : memref<!tpu.dma_semaphore, #tpu.memory_space<semaphore_mem>>)
        %dma_wait3A_288 = arith.constant 6 : i32
        %dma_wait3A_289 = arith.constant 0 : i32
        %dma_wait3A_290 = tpu.memref_slice %arg7[%dma_wait3A_288, %dma_wait3A_289] : memref<12x120xi32, #tpu.memory_space<vmem>> -> memref<1x120xi32, #tpu.memory_space<vmem>>
        %dma_wait3A_291 = tpu.memref_squeeze %dma_wait3A_290 : memref<1x120xi32, #tpu.memory_space<vmem>> -> memref<120xi32, #tpu.memory_space<vmem>>
        %dma_wait3A_292 = arith.constant 0 : i32
        %dma_wait3A_293 = arith.constant 0 : i32
        %dma_wait3A_294 = tpu.memref_slice %arg2[%scan3A, %dma_wait3A_292, %dma_wait3A_293] : memref<2x10000x128xf32, #tpu.memory_space<hbm>> -> memref<1x10000x128xf32, #tpu.memory_space<hbm>>
        %dma_wait3A_295 = tpu.memref_squeeze %dma_wait3A_294 : memref<1x10000x128xf32, #tpu.memory_space<hbm>> -> memref<10000x128xf32, #tpu.memory_space<hbm>>
        %dma_wait3A_296 = arith.constant 0 : i32
        %dma_wait3A_297 = arith.constant 0 : i32
        %dma_wait3A_298 = tpu.memref_slice %dma_wait3A_295[%dma_wait3A_296, %dma_wait3A_297] : memref<10000x128xf32, #tpu.memory_space<hbm>> -> memref<10000x128xf32, #tpu.memory_space<hbm>>
        tpu.wait_indirect_dma semaphore(%arg12 : memref<!tpu.dma_semaphore, #tpu.memory_space<semaphore_mem>>) src(%dma_wait3A_298 : memref<10000x128xf32, #tpu.memory_space<hbm>>) dst(%arg9 : memref<120x128xf32, #tpu.memory_space<vmem>>)
        %dma_start3A_299 = arith.constant 6 : i32
        %dma_start3A_300 = arith.constant 0 : i32
        %dma_start3A_301 = tpu.memref_slice %arg8[%dma_start3A_299, %dma_start3A_300] : memref<12x120xi32, #tpu.memory_space<vmem>> -> memref<1x120xi32, #tpu.memory_space<vmem>>
        %dma_start3A_302 = tpu.memref_squeeze %dma_start3A_301 : memref<1x120xi32, #tpu.memory_space<vmem>> -> memref<120xi32, #tpu.memory_space<vmem>>
        %dma_start3A_303 = arith.constant 0 : i32
        %dma_start3A_304 = arith.constant 0 : i32
        %dma_start3A_305 = tpu.memref_slice %arg6[%dma_start3A_303, %dma_start3A_304] : memref<10112x128xf32, #tpu.memory_space<vmem_shared>> -> memref<10112x128xf32, #tpu.memory_space<vmem_shared>>
        tpu.enqueue_indirect_dma source(%arg9 : memref<120x128xf32, #tpu.memory_space<vmem>>) target(%dma_start3A_305 : memref<10112x128xf32, #tpu.memory_space<vmem_shared>>) offsets(%dma_start3A_302 : memref<120xi32, #tpu.memory_space<vmem>>) semaphore(%arg15 : memref<!tpu.dma_semaphore, #tpu.memory_space<semaphore_mem>>) {add = true}
        %dma_wait3A_306 = arith.constant 7 : i32
        %dma_wait3A_307 = arith.constant 0 : i32
        %dma_wait3A_308 = tpu.memref_slice %arg7[%dma_wait3A_306, %dma_wait3A_307] : memref<12x120xi32, #tpu.memory_space<vmem>> -> memref<1x120xi32, #tpu.memory_space<vmem>>
        %dma_wait3A_309 = tpu.memref_squeeze %dma_wait3A_308 : memref<1x120xi32, #tpu.memory_space<vmem>> -> memref<120xi32, #tpu.memory_space<vmem>>
        %dma_wait3A_310 = arith.constant 0 : i32
        %dma_wait3A_311 = arith.constant 0 : i32
        %dma_wait3A_312 = tpu.memref_slice %arg2[%scan3A, %dma_wait3A_310, %dma_wait3A_311] : memref<2x10000x128xf32, #tpu.memory_space<hbm>> -> memref<1x10000x128xf32, #tpu.memory_space<hbm>>
        %dma_wait3A_313 = tpu.memref_squeeze %dma_wait3A_312 : memref<1x10000x128xf32, #tpu.memory_space<hbm>> -> memref<10000x128xf32, #tpu.memory_space<hbm>>
        %dma_wait3A_314 = arith.constant 0 : i32
        %dma_wait3A_315 = arith.constant 0 : i32
        %dma_wait3A_316 = tpu.memref_slice %dma_wait3A_313[%dma_wait3A_314, %dma_wait3A_315] : memref<10000x128xf32, #tpu.memory_space<hbm>> -> memref<10000x128xf32, #tpu.memory_space<hbm>>
        tpu.wait_indirect_dma semaphore(%arg13 : memref<!tpu.dma_semaphore, #tpu.memory_space<semaphore_mem>>) src(%dma_wait3A_316 : memref<10000x128xf32, #tpu.memory_space<hbm>>) dst(%arg10 : memref<120x128xf32, #tpu.memory_space<vmem>>)
        %dma_start3A_317 = arith.constant 7 : i32
        %dma_start3A_318 = arith.constant 0 : i32
        %dma_start3A_319 = tpu.memref_slice %arg8[%dma_start3A_317, %dma_start3A_318] : memref<12x120xi32, #tpu.memory_space<vmem>> -> memref<1x120xi32, #tpu.memory_space<vmem>>
        %dma_start3A_320 = tpu.memref_squeeze %dma_start3A_319 : memref<1x120xi32, #tpu.memory_space<vmem>> -> memref<120xi32, #tpu.memory_space<vmem>>
        %dma_start3A_321 = arith.constant 0 : i32
        %dma_start3A_322 = arith.constant 0 : i32
        %dma_start3A_323 = tpu.memref_slice %arg6[%dma_start3A_321, %dma_start3A_322] : memref<10112x128xf32, #tpu.memory_space<vmem_shared>> -> memref<10112x128xf32, #tpu.memory_space<vmem_shared>>
        tpu.enqueue_indirect_dma source(%arg10 : memref<120x128xf32, #tpu.memory_space<vmem>>) target(%dma_start3A_323 : memref<10112x128xf32, #tpu.memory_space<vmem_shared>>) offsets(%dma_start3A_320 : memref<120xi32, #tpu.memory_space<vmem>>) semaphore(%arg16 : memref<!tpu.dma_semaphore, #tpu.memory_space<semaphore_mem>>) {add = true}
        %dma_wait3A_324 = arith.constant 8 : i32
        %dma_wait3A_325 = arith.constant 0 : i32
        %dma_wait3A_326 = tpu.memref_slice %arg7[%dma_wait3A_324, %dma_wait3A_325] : memref<12x120xi32, #tpu.memory_space<vmem>> -> memref<1x120xi32, #tpu.memory_space<vmem>>
        %dma_wait3A_327 = tpu.memref_squeeze %dma_wait3A_326 : memref<1x120xi32, #tpu.memory_space<vmem>> -> memref<120xi32, #tpu.memory_space<vmem>>
        %dma_wait3A_328 = arith.constant 0 : i32
        %dma_wait3A_329 = arith.constant 0 : i32
        %dma_wait3A_330 = tpu.memref_slice %arg2[%scan3A, %dma_wait3A_328, %dma_wait3A_329] : memref<2x10000x128xf32, #tpu.memory_space<hbm>> -> memref<1x10000x128xf32, #tpu.memory_space<hbm>>
        %dma_wait3A_331 = tpu.memref_squeeze %dma_wait3A_330 : memref<1x10000x128xf32, #tpu.memory_space<hbm>> -> memref<10000x128xf32, #tpu.memory_space<hbm>>
        %dma_wait3A_332 = arith.constant 0 : i32
        %dma_wait3A_333 = arith.constant 0 : i32
        %dma_wait3A_334 = tpu.memref_slice %dma_wait3A_331[%dma_wait3A_332, %dma_wait3A_333] : memref<10000x128xf32, #tpu.memory_space<hbm>> -> memref<10000x128xf32, #tpu.memory_space<hbm>>
        tpu.wait_indirect_dma semaphore(%arg14 : memref<!tpu.dma_semaphore, #tpu.memory_space<semaphore_mem>>) src(%dma_wait3A_334 : memref<10000x128xf32, #tpu.memory_space<hbm>>) dst(%arg11 : memref<120x128xf32, #tpu.memory_space<vmem>>)
        %dma_start3A_335 = arith.constant 8 : i32
        %dma_start3A_336 = arith.constant 0 : i32
        %dma_start3A_337 = tpu.memref_slice %arg8[%dma_start3A_335, %dma_start3A_336] : memref<12x120xi32, #tpu.memory_space<vmem>> -> memref<1x120xi32, #tpu.memory_space<vmem>>
        %dma_start3A_338 = tpu.memref_squeeze %dma_start3A_337 : memref<1x120xi32, #tpu.memory_space<vmem>> -> memref<120xi32, #tpu.memory_space<vmem>>
        %dma_start3A_339 = arith.constant 0 : i32
        %dma_start3A_340 = arith.constant 0 : i32
        %dma_start3A_341 = tpu.memref_slice %arg6[%dma_start3A_339, %dma_start3A_340] : memref<10112x128xf32, #tpu.memory_space<vmem_shared>> -> memref<10112x128xf32, #tpu.memory_space<vmem_shared>>
        tpu.enqueue_indirect_dma source(%arg11 : memref<120x128xf32, #tpu.memory_space<vmem>>) target(%dma_start3A_341 : memref<10112x128xf32, #tpu.memory_space<vmem_shared>>) offsets(%dma_start3A_338 : memref<120xi32, #tpu.memory_space<vmem>>) semaphore(%arg17 : memref<!tpu.dma_semaphore, #tpu.memory_space<semaphore_mem>>) {add = true}
        %dma_wait3A_342 = arith.constant 6 : i32
        %dma_wait3A_343 = arith.constant 0 : i32
        %dma_wait3A_344 = tpu.memref_slice %arg8[%dma_wait3A_342, %dma_wait3A_343] : memref<12x120xi32, #tpu.memory_space<vmem>> -> memref<1x120xi32, #tpu.memory_space<vmem>>
        %dma_wait3A_345 = tpu.memref_squeeze %dma_wait3A_344 : memref<1x120xi32, #tpu.memory_space<vmem>> -> memref<120xi32, #tpu.memory_space<vmem>>
        %dma_wait3A_346 = arith.constant 0 : i32
        %dma_wait3A_347 = arith.constant 0 : i32
        %dma_wait3A_348 = tpu.memref_slice %arg6[%dma_wait3A_346, %dma_wait3A_347] : memref<10112x128xf32, #tpu.memory_space<vmem_shared>> -> memref<10112x128xf32, #tpu.memory_space<vmem_shared>>
        tpu.wait_indirect_dma semaphore(%arg15 : memref<!tpu.dma_semaphore, #tpu.memory_space<semaphore_mem>>) src(%arg9 : memref<120x128xf32, #tpu.memory_space<vmem>>) dst(%dma_wait3A_348 : memref<10112x128xf32, #tpu.memory_space<vmem_shared>>)
        %dma_start3A_349 = arith.constant 9 : i32
        %dma_start3A_350 = arith.constant 0 : i32
        %dma_start3A_351 = tpu.memref_slice %arg7[%dma_start3A_349, %dma_start3A_350] : memref<12x120xi32, #tpu.memory_space<vmem>> -> memref<1x120xi32, #tpu.memory_space<vmem>>
        %dma_start3A_352 = tpu.memref_squeeze %dma_start3A_351 : memref<1x120xi32, #tpu.memory_space<vmem>> -> memref<120xi32, #tpu.memory_space<vmem>>
        %dma_start3A_353 = arith.constant 0 : i32
        %dma_start3A_354 = arith.constant 0 : i32
        %dma_start3A_355 = tpu.memref_slice %arg2[%scan3A, %dma_start3A_353, %dma_start3A_354] : memref<2x10000x128xf32, #tpu.memory_space<hbm>> -> memref<1x10000x128xf32, #tpu.memory_space<hbm>>
        %dma_start3A_356 = tpu.memref_squeeze %dma_start3A_355 : memref<1x10000x128xf32, #tpu.memory_space<hbm>> -> memref<10000x128xf32, #tpu.memory_space<hbm>>
        %dma_start3A_357 = arith.constant 0 : i32
        %dma_start3A_358 = arith.constant 0 : i32
        %dma_start3A_359 = tpu.memref_slice %dma_start3A_356[%dma_start3A_357, %dma_start3A_358] : memref<10000x128xf32, #tpu.memory_space<hbm>> -> memref<10000x128xf32, #tpu.memory_space<hbm>>
        tpu.enqueue_indirect_dma source(%dma_start3A_359 : memref<10000x128xf32, #tpu.memory_space<hbm>>) target(%arg9 : memref<120x128xf32, #tpu.memory_space<vmem>>) offsets(%dma_start3A_352 : memref<120xi32, #tpu.memory_space<vmem>>) semaphore(%arg12 : memref<!tpu.dma_semaphore, #tpu.memory_space<semaphore_mem>>)
        %dma_wait3A_360 = arith.constant 7 : i32
        %dma_wait3A_361 = arith.constant 0 : i32
        %dma_wait3A_362 = tpu.memref_slice %arg8[%dma_wait3A_360, %dma_wait3A_361] : memref<12x120xi32, #tpu.memory_space<vmem>> -> memref<1x120xi32, #tpu.memory_space<vmem>>
        %dma_wait3A_363 = tpu.memref_squeeze %dma_wait3A_362 : memref<1x120xi32, #tpu.memory_space<vmem>> -> memref<120xi32, #tpu.memory_space<vmem>>
        %dma_wait3A_364 = arith.constant 0 : i32
        %dma_wait3A_365 = arith.constant 0 : i32
        %dma_wait3A_366 = tpu.memref_slice %arg6[%dma_wait3A_364, %dma_wait3A_365] : memref<10112x128xf32, #tpu.memory_space<vmem_shared>> -> memref<10112x128xf32, #tpu.memory_space<vmem_shared>>
        tpu.wait_indirect_dma semaphore(%arg16 : memref<!tpu.dma_semaphore, #tpu.memory_space<semaphore_mem>>) src(%arg10 : memref<120x128xf32, #tpu.memory_space<vmem>>) dst(%dma_wait3A_366 : memref<10112x128xf32, #tpu.memory_space<vmem_shared>>)
        %dma_start3A_367 = arith.constant 10 : i32
        %dma_start3A_368 = arith.constant 0 : i32
        %dma_start3A_369 = tpu.memref_slice %arg7[%dma_start3A_367, %dma_start3A_368] : memref<12x120xi32, #tpu.memory_space<vmem>> -> memref<1x120xi32, #tpu.memory_space<vmem>>
        %dma_start3A_370 = tpu.memref_squeeze %dma_start3A_369 : memref<1x120xi32, #tpu.memory_space<vmem>> -> memref<120xi32, #tpu.memory_space<vmem>>
        %dma_start3A_371 = arith.constant 0 : i32
        %dma_start3A_372 = arith.constant 0 : i32
        %dma_start3A_373 = tpu.memref_slice %arg2[%scan3A, %dma_start3A_371, %dma_start3A_372] : memref<2x10000x128xf32, #tpu.memory_space<hbm>> -> memref<1x10000x128xf32, #tpu.memory_space<hbm>>
        %dma_start3A_374 = tpu.memref_squeeze %dma_start3A_373 : memref<1x10000x128xf32, #tpu.memory_space<hbm>> -> memref<10000x128xf32, #tpu.memory_space<hbm>>
        %dma_start3A_375 = arith.constant 0 : i32
        %dma_start3A_376 = arith.constant 0 : i32
        %dma_start3A_377 = tpu.memref_slice %dma_start3A_374[%dma_start3A_375, %dma_start3A_376] : memref<10000x128xf32, #tpu.memory_space<hbm>> -> memref<10000x128xf32, #tpu.memory_space<hbm>>
        tpu.enqueue_indirect_dma source(%dma_start3A_377 : memref<10000x128xf32, #tpu.memory_space<hbm>>) target(%arg10 : memref<120x128xf32, #tpu.memory_space<vmem>>) offsets(%dma_start3A_370 : memref<120xi32, #tpu.memory_space<vmem>>) semaphore(%arg13 : memref<!tpu.dma_semaphore, #tpu.memory_space<semaphore_mem>>)
        %dma_wait3A_378 = arith.constant 8 : i32
        %dma_wait3A_379 = arith.constant 0 : i32
        %dma_wait3A_380 = tpu.memref_slice %arg8[%dma_wait3A_378, %dma_wait3A_379] : memref<12x120xi32, #tpu.memory_space<vmem>> -> memref<1x120xi32, #tpu.memory_space<vmem>>
        %dma_wait3A_381 = tpu.memref_squeeze %dma_wait3A_380 : memref<1x120xi32, #tpu.memory_space<vmem>> -> memref<120xi32, #tpu.memory_space<vmem>>
        %dma_wait3A_382 = arith.constant 0 : i32
        %dma_wait3A_383 = arith.constant 0 : i32
        %dma_wait3A_384 = tpu.memref_slice %arg6[%dma_wait3A_382, %dma_wait3A_383] : memref<10112x128xf32, #tpu.memory_space<vmem_shared>> -> memref<10112x128xf32, #tpu.memory_space<vmem_shared>>
        tpu.wait_indirect_dma semaphore(%arg17 : memref<!tpu.dma_semaphore, #tpu.memory_space<semaphore_mem>>) src(%arg11 : memref<120x128xf32, #tpu.memory_space<vmem>>) dst(%dma_wait3A_384 : memref<10112x128xf32, #tpu.memory_space<vmem_shared>>)
        %dma_start3A_385 = arith.constant 11 : i32
        %dma_start3A_386 = arith.constant 0 : i32
        %dma_start3A_387 = tpu.memref_slice %arg7[%dma_start3A_385, %dma_start3A_386] : memref<12x120xi32, #tpu.memory_space<vmem>> -> memref<1x120xi32, #tpu.memory_space<vmem>>
        %dma_start3A_388 = tpu.memref_squeeze %dma_start3A_387 : memref<1x120xi32, #tpu.memory_space<vmem>> -> memref<120xi32, #tpu.memory_space<vmem>>
        %dma_start3A_389 = arith.constant 0 : i32
        %dma_start3A_390 = arith.constant 0 : i32
        %dma_start3A_391 = tpu.memref_slice %arg2[%scan3A, %dma_start3A_389, %dma_start3A_390] : memref<2x10000x128xf32, #tpu.memory_space<hbm>> -> memref<1x10000x128xf32, #tpu.memory_space<hbm>>
        %dma_start3A_392 = tpu.memref_squeeze %dma_start3A_391 : memref<1x10000x128xf32, #tpu.memory_space<hbm>> -> memref<10000x128xf32, #tpu.memory_space<hbm>>
        %dma_start3A_393 = arith.constant 0 : i32
        %dma_start3A_394 = arith.constant 0 : i32
        %dma_start3A_395 = tpu.memref_slice %dma_start3A_392[%dma_start3A_393, %dma_start3A_394] : memref<10000x128xf32, #tpu.memory_space<hbm>> -> memref<10000x128xf32, #tpu.memory_space<hbm>>
        tpu.enqueue_indirect_dma source(%dma_start3A_395 : memref<10000x128xf32, #tpu.memory_space<hbm>>) target(%arg11 : memref<120x128xf32, #tpu.memory_space<vmem>>) offsets(%dma_start3A_388 : memref<120xi32, #tpu.memory_space<vmem>>) semaphore(%arg14 : memref<!tpu.dma_semaphore, #tpu.memory_space<semaphore_mem>>)
        %dma_wait3A_396 = arith.constant 9 : i32
        %dma_wait3A_397 = arith.constant 0 : i32
        %dma_wait3A_398 = tpu.memref_slice %arg7[%dma_wait3A_396, %dma_wait3A_397] : memref<12x120xi32, #tpu.memory_space<vmem>> -> memref<1x120xi32, #tpu.memory_space<vmem>>
        %dma_wait3A_399 = tpu.memref_squeeze %dma_wait3A_398 : memref<1x120xi32, #tpu.memory_space<vmem>> -> memref<120xi32, #tpu.memory_space<vmem>>
        %dma_wait3A_400 = arith.constant 0 : i32
        %dma_wait3A_401 = arith.constant 0 : i32
        %dma_wait3A_402 = tpu.memref_slice %arg2[%scan3A, %dma_wait3A_400, %dma_wait3A_401] : memref<2x10000x128xf32, #tpu.memory_space<hbm>> -> memref<1x10000x128xf32, #tpu.memory_space<hbm>>
        %dma_wait3A_403 = tpu.memref_squeeze %dma_wait3A_402 : memref<1x10000x128xf32, #tpu.memory_space<hbm>> -> memref<10000x128xf32, #tpu.memory_space<hbm>>
        %dma_wait3A_404 = arith.constant 0 : i32
        %dma_wait3A_405 = arith.constant 0 : i32
        %dma_wait3A_406 = tpu.memref_slice %dma_wait3A_403[%dma_wait3A_404, %dma_wait3A_405] : memref<10000x128xf32, #tpu.memory_space<hbm>> -> memref<10000x128xf32, #tpu.memory_space<hbm>>
        tpu.wait_indirect_dma semaphore(%arg12 : memref<!tpu.dma_semaphore, #tpu.memory_space<semaphore_mem>>) src(%dma_wait3A_406 : memref<10000x128xf32, #tpu.memory_space<hbm>>) dst(%arg9 : memref<120x128xf32, #tpu.memory_space<vmem>>)
        %dma_start3A_407 = arith.constant 9 : i32
        %dma_start3A_408 = arith.constant 0 : i32
        %dma_start3A_409 = tpu.memref_slice %arg8[%dma_start3A_407, %dma_start3A_408] : memref<12x120xi32, #tpu.memory_space<vmem>> -> memref<1x120xi32, #tpu.memory_space<vmem>>
        %dma_start3A_410 = tpu.memref_squeeze %dma_start3A_409 : memref<1x120xi32, #tpu.memory_space<vmem>> -> memref<120xi32, #tpu.memory_space<vmem>>
        %dma_start3A_411 = arith.constant 0 : i32
        %dma_start3A_412 = arith.constant 0 : i32
        %dma_start3A_413 = tpu.memref_slice %arg6[%dma_start3A_411, %dma_start3A_412] : memref<10112x128xf32, #tpu.memory_space<vmem_shared>> -> memref<10112x128xf32, #tpu.memory_space<vmem_shared>>
        tpu.enqueue_indirect_dma source(%arg9 : memref<120x128xf32, #tpu.memory_space<vmem>>) target(%dma_start3A_413 : memref<10112x128xf32, #tpu.memory_space<vmem_shared>>) offsets(%dma_start3A_410 : memref<120xi32, #tpu.memory_space<vmem>>) semaphore(%arg15 : memref<!tpu.dma_semaphore, #tpu.memory_space<semaphore_mem>>) {add = true}
        %dma_wait3A_414 = arith.constant 10 : i32
        %dma_wait3A_415 = arith.constant 0 : i32
        %dma_wait3A_416 = tpu.memref_slice %arg7[%dma_wait3A_414, %dma_wait3A_415] : memref<12x120xi32, #tpu.memory_space<vmem>> -> memref<1x120xi32, #tpu.memory_space<vmem>>
        %dma_wait3A_417 = tpu.memref_squeeze %dma_wait3A_416 : memref<1x120xi32, #tpu.memory_space<vmem>> -> memref<120xi32, #tpu.memory_space<vmem>>
        %dma_wait3A_418 = arith.constant 0 : i32
        %dma_wait3A_419 = arith.constant 0 : i32
        %dma_wait3A_420 = tpu.memref_slice %arg2[%scan3A, %dma_wait3A_418, %dma_wait3A_419] : memref<2x10000x128xf32, #tpu.memory_space<hbm>> -> memref<1x10000x128xf32, #tpu.memory_space<hbm>>
        %dma_wait3A_421 = tpu.memref_squeeze %dma_wait3A_420 : memref<1x10000x128xf32, #tpu.memory_space<hbm>> -> memref<10000x128xf32, #tpu.memory_space<hbm>>
        %dma_wait3A_422 = arith.constant 0 : i32
        %dma_wait3A_423 = arith.constant 0 : i32
        %dma_wait3A_424 = tpu.memref_slice %dma_wait3A_421[%dma_wait3A_422, %dma_wait3A_423] : memref<10000x128xf32, #tpu.memory_space<hbm>> -> memref<10000x128xf32, #tpu.memory_space<hbm>>
        tpu.wait_indirect_dma semaphore(%arg13 : memref<!tpu.dma_semaphore, #tpu.memory_space<semaphore_mem>>) src(%dma_wait3A_424 : memref<10000x128xf32, #tpu.memory_space<hbm>>) dst(%arg10 : memref<120x128xf32, #tpu.memory_space<vmem>>)
        %dma_start3A_425 = arith.constant 10 : i32
        %dma_start3A_426 = arith.constant 0 : i32
        %dma_start3A_427 = tpu.memref_slice %arg8[%dma_start3A_425, %dma_start3A_426] : memref<12x120xi32, #tpu.memory_space<vmem>> -> memref<1x120xi32, #tpu.memory_space<vmem>>
        %dma_start3A_428 = tpu.memref_squeeze %dma_start3A_427 : memref<1x120xi32, #tpu.memory_space<vmem>> -> memref<120xi32, #tpu.memory_space<vmem>>
        %dma_start3A_429 = arith.constant 0 : i32
        %dma_start3A_430 = arith.constant 0 : i32
        %dma_start3A_431 = tpu.memref_slice %arg6[%dma_start3A_429, %dma_start3A_430] : memref<10112x128xf32, #tpu.memory_space<vmem_shared>> -> memref<10112x128xf32, #tpu.memory_space<vmem_shared>>
        tpu.enqueue_indirect_dma source(%arg10 : memref<120x128xf32, #tpu.memory_space<vmem>>) target(%dma_start3A_431 : memref<10112x128xf32, #tpu.memory_space<vmem_shared>>) offsets(%dma_start3A_428 : memref<120xi32, #tpu.memory_space<vmem>>) semaphore(%arg16 : memref<!tpu.dma_semaphore, #tpu.memory_space<semaphore_mem>>) {add = true}
        %dma_wait3A_432 = arith.constant 11 : i32
        %dma_wait3A_433 = arith.constant 0 : i32
        %dma_wait3A_434 = tpu.memref_slice %arg7[%dma_wait3A_432, %dma_wait3A_433] : memref<12x120xi32, #tpu.memory_space<vmem>> -> memref<1x120xi32, #tpu.memory_space<vmem>>
        %dma_wait3A_435 = tpu.memref_squeeze %dma_wait3A_434 : memref<1x120xi32, #tpu.memory_space<vmem>> -> memref<120xi32, #tpu.memory_space<vmem>>
        %dma_wait3A_436 = arith.constant 0 : i32
        %dma_wait3A_437 = arith.constant 0 : i32
        %dma_wait3A_438 = tpu.memref_slice %arg2[%scan3A, %dma_wait3A_436, %dma_wait3A_437] : memref<2x10000x128xf32, #tpu.memory_space<hbm>> -> memref<1x10000x128xf32, #tpu.memory_space<hbm>>
        %dma_wait3A_439 = tpu.memref_squeeze %dma_wait3A_438 : memref<1x10000x128xf32, #tpu.memory_space<hbm>> -> memref<10000x128xf32, #tpu.memory_space<hbm>>
        %dma_wait3A_440 = arith.constant 0 : i32
        %dma_wait3A_441 = arith.constant 0 : i32
        %dma_wait3A_442 = tpu.memref_slice %dma_wait3A_439[%dma_wait3A_440, %dma_wait3A_441] : memref<10000x128xf32, #tpu.memory_space<hbm>> -> memref<10000x128xf32, #tpu.memory_space<hbm>>
        tpu.wait_indirect_dma semaphore(%arg14 : memref<!tpu.dma_semaphore, #tpu.memory_space<semaphore_mem>>) src(%dma_wait3A_442 : memref<10000x128xf32, #tpu.memory_space<hbm>>) dst(%arg11 : memref<120x128xf32, #tpu.memory_space<vmem>>)
        %dma_start3A_443 = arith.constant 11 : i32
        %dma_start3A_444 = arith.constant 0 : i32
        %dma_start3A_445 = tpu.memref_slice %arg8[%dma_start3A_443, %dma_start3A_444] : memref<12x120xi32, #tpu.memory_space<vmem>> -> memref<1x120xi32, #tpu.memory_space<vmem>>
        %dma_start3A_446 = tpu.memref_squeeze %dma_start3A_445 : memref<1x120xi32, #tpu.memory_space<vmem>> -> memref<120xi32, #tpu.memory_space<vmem>>
        %dma_start3A_447 = arith.constant 0 : i32
        %dma_start3A_448 = arith.constant 0 : i32
        %dma_start3A_449 = tpu.memref_slice %arg6[%dma_start3A_447, %dma_start3A_448] : memref<10112x128xf32, #tpu.memory_space<vmem_shared>> -> memref<10112x128xf32, #tpu.memory_space<vmem_shared>>
        tpu.enqueue_indirect_dma source(%arg11 : memref<120x128xf32, #tpu.memory_space<vmem>>) target(%dma_start3A_449 : memref<10112x128xf32, #tpu.memory_space<vmem_shared>>) offsets(%dma_start3A_446 : memref<120xi32, #tpu.memory_space<vmem>>) semaphore(%arg17 : memref<!tpu.dma_semaphore, #tpu.memory_space<semaphore_mem>>) {add = true}
        %dma_wait3A_450 = arith.constant 9 : i32
        %dma_wait3A_451 = arith.constant 0 : i32
        %dma_wait3A_452 = tpu.memref_slice %arg8[%dma_wait3A_450, %dma_wait3A_451] : memref<12x120xi32, #tpu.memory_space<vmem>> -> memref<1x120xi32, #tpu.memory_space<vmem>>
        %dma_wait3A_453 = tpu.memref_squeeze %dma_wait3A_452 : memref<1x120xi32, #tpu.memory_space<vmem>> -> memref<120xi32, #tpu.memory_space<vmem>>
        %dma_wait3A_454 = arith.constant 0 : i32
        %dma_wait3A_455 = arith.constant 0 : i32
        %dma_wait3A_456 = tpu.memref_slice %arg6[%dma_wait3A_454, %dma_wait3A_455] : memref<10112x128xf32, #tpu.memory_space<vmem_shared>> -> memref<10112x128xf32, #tpu.memory_space<vmem_shared>>
        tpu.wait_indirect_dma semaphore(%arg15 : memref<!tpu.dma_semaphore, #tpu.memory_space<semaphore_mem>>) src(%arg9 : memref<120x128xf32, #tpu.memory_space<vmem>>) dst(%dma_wait3A_456 : memref<10112x128xf32, #tpu.memory_space<vmem_shared>>)
        %dma_wait3A_457 = arith.constant 10 : i32
        %dma_wait3A_458 = arith.constant 0 : i32
        %dma_wait3A_459 = tpu.memref_slice %arg8[%dma_wait3A_457, %dma_wait3A_458] : memref<12x120xi32, #tpu.memory_space<vmem>> -> memref<1x120xi32, #tpu.memory_space<vmem>>
        %dma_wait3A_460 = tpu.memref_squeeze %dma_wait3A_459 : memref<1x120xi32, #tpu.memory_space<vmem>> -> memref<120xi32, #tpu.memory_space<vmem>>
        %dma_wait3A_461 = arith.constant 0 : i32
        %dma_wait3A_462 = arith.constant 0 : i32
        %dma_wait3A_463 = tpu.memref_slice %arg6[%dma_wait3A_461, %dma_wait3A_462] : memref<10112x128xf32, #tpu.memory_space<vmem_shared>> -> memref<10112x128xf32, #tpu.memory_space<vmem_shared>>
        tpu.wait_indirect_dma semaphore(%arg16 : memref<!tpu.dma_semaphore, #tpu.memory_space<semaphore_mem>>) src(%arg10 : memref<120x128xf32, #tpu.memory_space<vmem>>) dst(%dma_wait3A_463 : memref<10112x128xf32, #tpu.memory_space<vmem_shared>>)
        %dma_wait3A_464 = arith.constant 11 : i32
        %dma_wait3A_465 = arith.constant 0 : i32
        %dma_wait3A_466 = tpu.memref_slice %arg8[%dma_wait3A_464, %dma_wait3A_465] : memref<12x120xi32, #tpu.memory_space<vmem>> -> memref<1x120xi32, #tpu.memory_space<vmem>>
        %dma_wait3A_467 = tpu.memref_squeeze %dma_wait3A_466 : memref<1x120xi32, #tpu.memory_space<vmem>> -> memref<120xi32, #tpu.memory_space<vmem>>
        %dma_wait3A_468 = arith.constant 0 : i32
        %dma_wait3A_469 = arith.constant 0 : i32
        %dma_wait3A_470 = tpu.memref_slice %arg6[%dma_wait3A_468, %dma_wait3A_469] : memref<10112x128xf32, #tpu.memory_space<vmem_shared>> -> memref<10112x128xf32, #tpu.memory_space<vmem_shared>>
        tpu.wait_indirect_dma semaphore(%arg17 : memref<!tpu.dma_semaphore, #tpu.memory_space<semaphore_mem>>) src(%arg11 : memref<120x128xf32, #tpu.memory_space<vmem>>) dst(%dma_wait3A_470 : memref<10112x128xf32, #tpu.memory_space<vmem_shared>>)
      }
      %scan3A_23 = arith.constant 14 : i32
      %barrier3A_24 = arith.constant 0 : index
      tpu.barrier barrier_id(%barrier3A_24)
      %lt3A_25 = arith.constant 15 : i32
      %lt3A_26 = arith.cmpi slt, %arg1, %lt3A_25 : i32
      %convert_element_type3A_27 = arith.extui %lt3A_26 : i1 to i32
      %cond3A_28 = arith.constant 0 : i32
      %cond3A_29 = arith.constant 0 : i32
      %cond3A_30 = arith.cmpi ne, %convert_element_type3A_27, %cond3A_29 : i32
      scf.if %cond3A_30 {
        "tpu.region"() ({
          %run_scoped3A = tpu.sem_alloc : memref<!tpu.dma_semaphore, #tpu.memory_space<semaphore_mem>>
          %dma_start3A = arith.constant 0 : i32
          %dma_start3A_37 = arith.constant 0 : i32
          %dma_start3A_38 = tpu.memref_slice %arg5[%cond3A_28, %dma_start3A, %dma_start3A_37] : memref<2x10000x128xf32, #tpu.memory_space<hbm>> -> memref<1x10000x128xf32, #tpu.memory_space<hbm>>
          %dma_start3A_39 = tpu.memref_squeeze %dma_start3A_38 : memref<1x10000x128xf32, #tpu.memory_space<hbm>> -> memref<10000x128xf32, #tpu.memory_space<hbm>>
          %dma_start3A_40 = arith.constant 0 : i32
          %dma_start3A_41 = tpu.memref_slice %dma_start3A_39[%mul3A_0, %dma_start3A_40] : memref<10000x128xf32, #tpu.memory_space<hbm>> -> memref<632x128xf32, #tpu.memory_space<hbm>>
          %dma_start3A_42 = arith.constant 0 : i32
          %dma_start3A_43 = tpu.memref_slice %arg6[%mul3A_0, %dma_start3A_42] : memref<10112x128xf32, #tpu.memory_space<vmem_shared>> -> memref<632x128xf32, #tpu.memory_space<vmem_shared>>
          tpu.enqueue_dma source(%dma_start3A_43 : memref<632x128xf32, #tpu.memory_space<vmem_shared>>) target(%dma_start3A_41 : memref<632x128xf32, #tpu.memory_space<hbm>>) target_semaphore(%run_scoped3A : memref<!tpu.dma_semaphore, #tpu.memory_space<semaphore_mem>>)
          %dma_wait3A = arith.constant 0 : i32
          %dma_wait3A_44 = arith.constant 0 : i32
          %dma_wait3A_45 = tpu.memref_slice %arg5[%cond3A_28, %dma_wait3A, %dma_wait3A_44] : memref<2x10000x128xf32, #tpu.memory_space<hbm>> -> memref<1x10000x128xf32, #tpu.memory_space<hbm>>
          %dma_wait3A_46 = tpu.memref_squeeze %dma_wait3A_45 : memref<1x10000x128xf32, #tpu.memory_space<hbm>> -> memref<10000x128xf32, #tpu.memory_space<hbm>>
          %dma_wait3A_47 = arith.constant 0 : i32
          %dma_wait3A_48 = tpu.memref_slice %dma_wait3A_46[%mul3A_0, %dma_wait3A_47] : memref<10000x128xf32, #tpu.memory_space<hbm>> -> memref<632x128xf32, #tpu.memory_space<hbm>>
          %dma_wait3A_49 = arith.constant 0 : i32
          %dma_wait3A_50 = tpu.memref_slice %arg6[%mul3A_0, %dma_wait3A_49] : memref<10112x128xf32, #tpu.memory_space<vmem_shared>> -> memref<632x128xf32, #tpu.memory_space<vmem_shared>>
          tpu.wait_dma2 semaphore(%run_scoped3A : memref<!tpu.dma_semaphore, #tpu.memory_space<semaphore_mem>>) src(%dma_wait3A_50 : memref<632x128xf32, #tpu.memory_space<vmem_shared>>) dst(%dma_wait3A_48 : memref<632x128xf32, #tpu.memory_space<hbm>>)
          tpu.yield
        }) : () -> ()
      } else {
      }
      %eq3A_31 = arith.constant 15 : i32
      %eq3A_32 = arith.cmpi eq, %arg1, %eq3A_31 : i32
      %convert_element_type3A_33 = arith.extui %eq3A_32 : i1 to i32
      %cond3A_34 = arith.constant 0 : i32
      %cond3A_35 = arith.constant 0 : i32
      %cond3A_36 = arith.cmpi ne, %convert_element_type3A_33, %cond3A_35 : i32
      scf.if %cond3A_36 {
        "tpu.region"() ({
          %run_scoped3A = tpu.sem_alloc : memref<!tpu.dma_semaphore, #tpu.memory_space<semaphore_mem>>
          %dma_start3A = arith.constant 0 : i32
          %dma_start3A_37 = arith.constant 0 : i32
          %dma_start3A_38 = tpu.memref_slice %arg5[%cond3A_34, %dma_start3A, %dma_start3A_37] : memref<2x10000x128xf32, #tpu.memory_space<hbm>> -> memref<1x10000x128xf32, #tpu.memory_space<hbm>>
          %dma_start3A_39 = tpu.memref_squeeze %dma_start3A_38 : memref<1x10000x128xf32, #tpu.memory_space<hbm>> -> memref<10000x128xf32, #tpu.memory_space<hbm>>
          %dma_start3A_40 = arith.constant 9480 : i32
          %dma_start3A_41 = arith.constant 0 : i32
          %dma_start3A_42 = tpu.memref_slice %dma_start3A_39[%dma_start3A_40, %dma_start3A_41] : memref<10000x128xf32, #tpu.memory_space<hbm>> -> memref<520x128xf32, #tpu.memory_space<hbm>>
          %dma_start3A_43 = arith.constant 9480 : i32
          %dma_start3A_44 = arith.constant 0 : i32
          %dma_start3A_45 = tpu.memref_slice %arg6[%dma_start3A_43, %dma_start3A_44] : memref<10112x128xf32, #tpu.memory_space<vmem_shared>> -> memref<520x128xf32, #tpu.memory_space<vmem_shared>>
          tpu.enqueue_dma source(%dma_start3A_45 : memref<520x128xf32, #tpu.memory_space<vmem_shared>>) target(%dma_start3A_42 : memref<520x128xf32, #tpu.memory_space<hbm>>) target_semaphore(%run_scoped3A : memref<!tpu.dma_semaphore, #tpu.memory_space<semaphore_mem>>)
          %dma_wait3A = arith.constant 0 : i32
          %dma_wait3A_46 = arith.constant 0 : i32
          %dma_wait3A_47 = tpu.memref_slice %arg5[%cond3A_34, %dma_wait3A, %dma_wait3A_46] : memref<2x10000x128xf32, #tpu.memory_space<hbm>> -> memref<1x10000x128xf32, #tpu.memory_space<hbm>>
          %dma_wait3A_48 = tpu.memref_squeeze %dma_wait3A_47 : memref<1x10000x128xf32, #tpu.memory_space<hbm>> -> memref<10000x128xf32, #tpu.memory_space<hbm>>
          %dma_wait3A_49 = arith.constant 9480 : i32
          %dma_wait3A_50 = arith.constant 0 : i32
          %dma_wait3A_51 = tpu.memref_slice %dma_wait3A_48[%dma_wait3A_49, %dma_wait3A_50] : memref<10000x128xf32, #tpu.memory_space<hbm>> -> memref<520x128xf32, #tpu.memory_space<hbm>>
          %dma_wait3A_52 = arith.constant 9480 : i32
          %dma_wait3A_53 = arith.constant 0 : i32
          %dma_wait3A_54 = tpu.memref_slice %arg6[%dma_wait3A_52, %dma_wait3A_53] : memref<10112x128xf32, #tpu.memory_space<vmem_shared>> -> memref<520x128xf32, #tpu.memory_space<vmem_shared>>
          tpu.wait_dma2 semaphore(%run_scoped3A : memref<!tpu.dma_semaphore, #tpu.memory_space<semaphore_mem>>) src(%dma_wait3A_54 : memref<520x128xf32, #tpu.memory_space<vmem_shared>>) dst(%dma_wait3A_51 : memref<520x128xf32, #tpu.memory_space<hbm>>)
          tpu.yield
        }) : () -> ()
      } else {
      }
    } else {
    }
    %eq3A_3 = arith.constant 1 : i32
    %eq3A_4 = arith.cmpi eq, %arg0, %eq3A_3 : i32
    %convert_element_type3A_5 = arith.extui %eq3A_4 : i1 to i32
    %cond3A_6 = arith.constant 0 : i32
    %cond3A_7 = arith.cmpi ne, %convert_element_type3A_5, %cond3A_6 : i32
    scf.if %cond3A_7 {
      %lt3A = arith.constant 15 : i32
      %lt3A_8 = arith.cmpi slt, %arg1, %lt3A : i32
      %convert_element_type3A_9 = arith.extui %lt3A_8 : i1 to i32
      %cond3A_10 = arith.constant 1 : i32
      %cond3A_11 = arith.constant 0 : i32
      %cond3A_12 = arith.cmpi ne, %convert_element_type3A_9, %cond3A_11 : i32
      scf.if %cond3A_12 {
        "tpu.region"() ({
          %run_scoped3A = tpu.sem_alloc : memref<!tpu.dma_semaphore, #tpu.memory_space<semaphore_mem>>
          %dma_start3A = arith.constant 0 : i32
          %dma_start3A_37 = tpu.memref_slice %arg6[%mul3A_0, %dma_start3A] : memref<10112x128xf32, #tpu.memory_space<vmem_shared>> -> memref<632x128xf32, #tpu.memory_space<vmem_shared>>
          %dma_start3A_38 = arith.constant 0 : i32
          %dma_start3A_39 = arith.constant 0 : i32
          %dma_start3A_40 = tpu.memref_slice %arg2[%cond3A_10, %dma_start3A_38, %dma_start3A_39] : memref<2x10000x128xf32, #tpu.memory_space<hbm>> -> memref<1x10000x128xf32, #tpu.memory_space<hbm>>
          %dma_start3A_41 = tpu.memref_squeeze %dma_start3A_40 : memref<1x10000x128xf32, #tpu.memory_space<hbm>> -> memref<10000x128xf32, #tpu.memory_space<hbm>>
          %dma_start3A_42 = arith.constant 0 : i32
          %dma_start3A_43 = tpu.memref_slice %dma_start3A_41[%mul3A_0, %dma_start3A_42] : memref<10000x128xf32, #tpu.memory_space<hbm>> -> memref<632x128xf32, #tpu.memory_space<hbm>>
          tpu.enqueue_dma source(%dma_start3A_43 : memref<632x128xf32, #tpu.memory_space<hbm>>) target(%dma_start3A_37 : memref<632x128xf32, #tpu.memory_space<vmem_shared>>) target_semaphore(%run_scoped3A : memref<!tpu.dma_semaphore, #tpu.memory_space<semaphore_mem>>)
          %dma_wait3A = arith.constant 0 : i32
          %dma_wait3A_44 = tpu.memref_slice %arg6[%mul3A_0, %dma_wait3A] : memref<10112x128xf32, #tpu.memory_space<vmem_shared>> -> memref<632x128xf32, #tpu.memory_space<vmem_shared>>
          %dma_wait3A_45 = arith.constant 0 : i32
          %dma_wait3A_46 = arith.constant 0 : i32
          %dma_wait3A_47 = tpu.memref_slice %arg2[%cond3A_10, %dma_wait3A_45, %dma_wait3A_46] : memref<2x10000x128xf32, #tpu.memory_space<hbm>> -> memref<1x10000x128xf32, #tpu.memory_space<hbm>>
          %dma_wait3A_48 = tpu.memref_squeeze %dma_wait3A_47 : memref<1x10000x128xf32, #tpu.memory_space<hbm>> -> memref<10000x128xf32, #tpu.memory_space<hbm>>
          %dma_wait3A_49 = arith.constant 0 : i32
          %dma_wait3A_50 = tpu.memref_slice %dma_wait3A_48[%mul3A_0, %dma_wait3A_49] : memref<10000x128xf32, #tpu.memory_space<hbm>> -> memref<632x128xf32, #tpu.memory_space<hbm>>
          tpu.wait_dma2 semaphore(%run_scoped3A : memref<!tpu.dma_semaphore, #tpu.memory_space<semaphore_mem>>) src(%dma_wait3A_50 : memref<632x128xf32, #tpu.memory_space<hbm>>) dst(%dma_wait3A_44 : memref<632x128xf32, #tpu.memory_space<vmem_shared>>)
          tpu.yield
        }) : () -> ()
      } else {
      }
      %eq3A_13 = arith.constant 15 : i32
      %eq3A_14 = arith.cmpi eq, %arg1, %eq3A_13 : i32
      %convert_element_type3A_15 = arith.extui %eq3A_14 : i1 to i32
      %cond3A_16 = arith.constant 1 : i32
      %cond3A_17 = arith.constant 0 : i32
      %cond3A_18 = arith.cmpi ne, %convert_element_type3A_15, %cond3A_17 : i32
      scf.if %cond3A_18 {
        "tpu.region"() ({
          %run_scoped3A = tpu.sem_alloc : memref<!tpu.dma_semaphore, #tpu.memory_space<semaphore_mem>>
          %dma_start3A = arith.constant 9480 : i32
          %dma_start3A_37 = arith.constant 0 : i32
          %dma_start3A_38 = tpu.memref_slice %arg6[%dma_start3A, %dma_start3A_37] : memref<10112x128xf32, #tpu.memory_space<vmem_shared>> -> memref<520x128xf32, #tpu.memory_space<vmem_shared>>
          %dma_start3A_39 = arith.constant 0 : i32
          %dma_start3A_40 = arith.constant 0 : i32
          %dma_start3A_41 = tpu.memref_slice %arg2[%cond3A_16, %dma_start3A_39, %dma_start3A_40] : memref<2x10000x128xf32, #tpu.memory_space<hbm>> -> memref<1x10000x128xf32, #tpu.memory_space<hbm>>
          %dma_start3A_42 = tpu.memref_squeeze %dma_start3A_41 : memref<1x10000x128xf32, #tpu.memory_space<hbm>> -> memref<10000x128xf32, #tpu.memory_space<hbm>>
          %dma_start3A_43 = arith.constant 9480 : i32
          %dma_start3A_44 = arith.constant 0 : i32
          %dma_start3A_45 = tpu.memref_slice %dma_start3A_42[%dma_start3A_43, %dma_start3A_44] : memref<10000x128xf32, #tpu.memory_space<hbm>> -> memref<520x128xf32, #tpu.memory_space<hbm>>
          tpu.enqueue_dma source(%dma_start3A_45 : memref<520x128xf32, #tpu.memory_space<hbm>>) target(%dma_start3A_38 : memref<520x128xf32, #tpu.memory_space<vmem_shared>>) target_semaphore(%run_scoped3A : memref<!tpu.dma_semaphore, #tpu.memory_space<semaphore_mem>>)
          %dma_wait3A = arith.constant 9480 : i32
          %dma_wait3A_46 = arith.constant 0 : i32
          %dma_wait3A_47 = tpu.memref_slice %arg6[%dma_wait3A, %dma_wait3A_46] : memref<10112x128xf32, #tpu.memory_space<vmem_shared>> -> memref<520x128xf32, #tpu.memory_space<vmem_shared>>
          %dma_wait3A_48 = arith.constant 0 : i32
          %dma_wait3A_49 = arith.constant 0 : i32
          %dma_wait3A_50 = tpu.memref_slice %arg2[%cond3A_16, %dma_wait3A_48, %dma_wait3A_49] : memref<2x10000x128xf32, #tpu.memory_space<hbm>> -> memref<1x10000x128xf32, #tpu.memory_space<hbm>>
          %dma_wait3A_51 = tpu.memref_squeeze %dma_wait3A_50 : memref<1x10000x128xf32, #tpu.memory_space<hbm>> -> memref<10000x128xf32, #tpu.memory_space<hbm>>
          %dma_wait3A_52 = arith.constant 9480 : i32
          %dma_wait3A_53 = arith.constant 0 : i32
          %dma_wait3A_54 = tpu.memref_slice %dma_wait3A_51[%dma_wait3A_52, %dma_wait3A_53] : memref<10000x128xf32, #tpu.memory_space<hbm>> -> memref<520x128xf32, #tpu.memory_space<hbm>>
          tpu.wait_dma2 semaphore(%run_scoped3A : memref<!tpu.dma_semaphore, #tpu.memory_space<semaphore_mem>>) src(%dma_wait3A_54 : memref<520x128xf32, #tpu.memory_space<hbm>>) dst(%dma_wait3A_47 : memref<520x128xf32, #tpu.memory_space<vmem_shared>>)
          tpu.yield
        }) : () -> ()
      } else {
      }
      %barrier3A = arith.constant 0 : index
      tpu.barrier barrier_id(%barrier3A)
      %scan3A = arith.constant 1 : i32
      %scan3A_19 = arith.constant 0 : i32
      %scan3A_20 = arith.constant 14 : i32
      %scan3A_21 = arith.addi %scan3A_19, %scan3A_20 : i32
      %scan3A_22 = arith.constant 1 : i32
      scf.for %scan3A_37 = %scan3A_19 to %scan3A_21 step %scan3A_22  : i32 {
        %mul3A_38 = arith.constant 1 : i32
        %mul3A_39 = arith.muli %scan3A_37, %mul3A_38 : i32
        %add3A = arith.constant 0 : i32
        %add3A_40 = arith.addi %add3A, %mul3A_39 : i32
        "tpu.region"() ({
          %run_scoped3A = tpu.sem_alloc : memref<!tpu.dma_semaphore, #tpu.memory_space<semaphore_mem>>
          %dma_start3A_471 = arith.constant 0 : i32
          %dma_start3A_472 = arith.constant 0 : i32
          %dma_start3A_473 = arith.constant 0 : i32
          %dma_start3A_474 = tpu.memref_slice %arg3[%arg1, %dma_start3A_471, %dma_start3A_472, %dma_start3A_473] : memref<16x14x12x120xi32, #tpu.memory_space<hbm>> -> memref<1x14x12x120xi32, #tpu.memory_space<hbm>>
          %dma_start3A_475 = tpu.memref_squeeze %dma_start3A_474 : memref<1x14x12x120xi32, #tpu.memory_space<hbm>> -> memref<14x12x120xi32, #tpu.memory_space<hbm>>
          %dma_start3A_476 = arith.constant 0 : i32
          %dma_start3A_477 = arith.constant 0 : i32
          %dma_start3A_478 = tpu.memref_slice %dma_start3A_475[%add3A_40, %dma_start3A_476, %dma_start3A_477] : memref<14x12x120xi32, #tpu.memory_space<hbm>> -> memref<1x12x120xi32, #tpu.memory_space<hbm>>
          %dma_start3A_479 = tpu.memref_squeeze %dma_start3A_478 : memref<1x12x120xi32, #tpu.memory_space<hbm>> -> memref<12x120xi32, #tpu.memory_space<hbm>>
          %dma_start3A_480 = arith.constant 0 : i32
          %dma_start3A_481 = arith.constant 0 : i32
          %dma_start3A_482 = arith.constant 0 : i32
          %dma_start3A_483 = tpu.memref_slice %arg3[%arg1, %dma_start3A_480, %dma_start3A_481, %dma_start3A_482] : memref<16x14x12x120xi32, #tpu.memory_space<hbm>> -> memref<1x14x12x120xi32, #tpu.memory_space<hbm>>
          %dma_start3A_484 = tpu.memref_squeeze %dma_start3A_483 : memref<1x14x12x120xi32, #tpu.memory_space<hbm>> -> memref<14x12x120xi32, #tpu.memory_space<hbm>>
          %dma_start3A_485 = arith.constant 0 : i32
          %dma_start3A_486 = arith.constant 0 : i32
          %dma_start3A_487 = tpu.memref_slice %dma_start3A_484[%add3A_40, %dma_start3A_485, %dma_start3A_486] : memref<14x12x120xi32, #tpu.memory_space<hbm>> -> memref<1x12x120xi32, #tpu.memory_space<hbm>>
          %dma_start3A_488 = tpu.memref_squeeze %dma_start3A_487 : memref<1x12x120xi32, #tpu.memory_space<hbm>> -> memref<12x120xi32, #tpu.memory_space<hbm>>
          tpu.enqueue_dma source(%dma_start3A_488 : memref<12x120xi32, #tpu.memory_space<hbm>>) target(%arg7 : memref<12x120xi32, #tpu.memory_space<vmem>>) target_semaphore(%run_scoped3A : memref<!tpu.dma_semaphore, #tpu.memory_space<semaphore_mem>>)
          %dma_wait3A_489 = arith.constant 0 : i32
          %dma_wait3A_490 = arith.constant 0 : i32
          %dma_wait3A_491 = arith.constant 0 : i32
          %dma_wait3A_492 = tpu.memref_slice %arg3[%arg1, %dma_wait3A_489, %dma_wait3A_490, %dma_wait3A_491] : memref<16x14x12x120xi32, #tpu.memory_space<hbm>> -> memref<1x14x12x120xi32, #tpu.memory_space<hbm>>
          %dma_wait3A_493 = tpu.memref_squeeze %dma_wait3A_492 : memref<1x14x12x120xi32, #tpu.memory_space<hbm>> -> memref<14x12x120xi32, #tpu.memory_space<hbm>>
          %dma_wait3A_494 = arith.constant 0 : i32
          %dma_wait3A_495 = arith.constant 0 : i32
          %dma_wait3A_496 = tpu.memref_slice %dma_wait3A_493[%add3A_40, %dma_wait3A_494, %dma_wait3A_495] : memref<14x12x120xi32, #tpu.memory_space<hbm>> -> memref<1x12x120xi32, #tpu.memory_space<hbm>>
          %dma_wait3A_497 = tpu.memref_squeeze %dma_wait3A_496 : memref<1x12x120xi32, #tpu.memory_space<hbm>> -> memref<12x120xi32, #tpu.memory_space<hbm>>
          %dma_wait3A_498 = arith.constant 0 : i32
          %dma_wait3A_499 = arith.constant 0 : i32
          %dma_wait3A_500 = arith.constant 0 : i32
          %dma_wait3A_501 = tpu.memref_slice %arg3[%arg1, %dma_wait3A_498, %dma_wait3A_499, %dma_wait3A_500] : memref<16x14x12x120xi32, #tpu.memory_space<hbm>> -> memref<1x14x12x120xi32, #tpu.memory_space<hbm>>
          %dma_wait3A_502 = tpu.memref_squeeze %dma_wait3A_501 : memref<1x14x12x120xi32, #tpu.memory_space<hbm>> -> memref<14x12x120xi32, #tpu.memory_space<hbm>>
          %dma_wait3A_503 = arith.constant 0 : i32
          %dma_wait3A_504 = arith.constant 0 : i32
          %dma_wait3A_505 = tpu.memref_slice %dma_wait3A_502[%add3A_40, %dma_wait3A_503, %dma_wait3A_504] : memref<14x12x120xi32, #tpu.memory_space<hbm>> -> memref<1x12x120xi32, #tpu.memory_space<hbm>>
          %dma_wait3A_506 = tpu.memref_squeeze %dma_wait3A_505 : memref<1x12x120xi32, #tpu.memory_space<hbm>> -> memref<12x120xi32, #tpu.memory_space<hbm>>
          tpu.wait_dma2 semaphore(%run_scoped3A : memref<!tpu.dma_semaphore, #tpu.memory_space<semaphore_mem>>) src(%dma_wait3A_506 : memref<12x120xi32, #tpu.memory_space<hbm>>) dst(%arg7 : memref<12x120xi32, #tpu.memory_space<vmem>>)
          tpu.yield
        }) : () -> ()
        "tpu.region"() ({
          %run_scoped3A = tpu.sem_alloc : memref<!tpu.dma_semaphore, #tpu.memory_space<semaphore_mem>>
          %dma_start3A_471 = arith.constant 0 : i32
          %dma_start3A_472 = arith.constant 0 : i32
          %dma_start3A_473 = arith.constant 0 : i32
          %dma_start3A_474 = tpu.memref_slice %arg4[%arg1, %dma_start3A_471, %dma_start3A_472, %dma_start3A_473] : memref<16x14x12x120xi32, #tpu.memory_space<hbm>> -> memref<1x14x12x120xi32, #tpu.memory_space<hbm>>
          %dma_start3A_475 = tpu.memref_squeeze %dma_start3A_474 : memref<1x14x12x120xi32, #tpu.memory_space<hbm>> -> memref<14x12x120xi32, #tpu.memory_space<hbm>>
          %dma_start3A_476 = arith.constant 0 : i32
          %dma_start3A_477 = arith.constant 0 : i32
          %dma_start3A_478 = tpu.memref_slice %dma_start3A_475[%add3A_40, %dma_start3A_476, %dma_start3A_477] : memref<14x12x120xi32, #tpu.memory_space<hbm>> -> memref<1x12x120xi32, #tpu.memory_space<hbm>>
          %dma_start3A_479 = tpu.memref_squeeze %dma_start3A_478 : memref<1x12x120xi32, #tpu.memory_space<hbm>> -> memref<12x120xi32, #tpu.memory_space<hbm>>
          %dma_start3A_480 = arith.constant 0 : i32
          %dma_start3A_481 = arith.constant 0 : i32
          %dma_start3A_482 = arith.constant 0 : i32
          %dma_start3A_483 = tpu.memref_slice %arg4[%arg1, %dma_start3A_480, %dma_start3A_481, %dma_start3A_482] : memref<16x14x12x120xi32, #tpu.memory_space<hbm>> -> memref<1x14x12x120xi32, #tpu.memory_space<hbm>>
          %dma_start3A_484 = tpu.memref_squeeze %dma_start3A_483 : memref<1x14x12x120xi32, #tpu.memory_space<hbm>> -> memref<14x12x120xi32, #tpu.memory_space<hbm>>
          %dma_start3A_485 = arith.constant 0 : i32
          %dma_start3A_486 = arith.constant 0 : i32
          %dma_start3A_487 = tpu.memref_slice %dma_start3A_484[%add3A_40, %dma_start3A_485, %dma_start3A_486] : memref<14x12x120xi32, #tpu.memory_space<hbm>> -> memref<1x12x120xi32, #tpu.memory_space<hbm>>
          %dma_start3A_488 = tpu.memref_squeeze %dma_start3A_487 : memref<1x12x120xi32, #tpu.memory_space<hbm>> -> memref<12x120xi32, #tpu.memory_space<hbm>>
          tpu.enqueue_dma source(%dma_start3A_488 : memref<12x120xi32, #tpu.memory_space<hbm>>) target(%arg8 : memref<12x120xi32, #tpu.memory_space<vmem>>) target_semaphore(%run_scoped3A : memref<!tpu.dma_semaphore, #tpu.memory_space<semaphore_mem>>)
          %dma_wait3A_489 = arith.constant 0 : i32
          %dma_wait3A_490 = arith.constant 0 : i32
          %dma_wait3A_491 = arith.constant 0 : i32
          %dma_wait3A_492 = tpu.memref_slice %arg4[%arg1, %dma_wait3A_489, %dma_wait3A_490, %dma_wait3A_491] : memref<16x14x12x120xi32, #tpu.memory_space<hbm>> -> memref<1x14x12x120xi32, #tpu.memory_space<hbm>>
          %dma_wait3A_493 = tpu.memref_squeeze %dma_wait3A_492 : memref<1x14x12x120xi32, #tpu.memory_space<hbm>> -> memref<14x12x120xi32, #tpu.memory_space<hbm>>
          %dma_wait3A_494 = arith.constant 0 : i32
          %dma_wait3A_495 = arith.constant 0 : i32
          %dma_wait3A_496 = tpu.memref_slice %dma_wait3A_493[%add3A_40, %dma_wait3A_494, %dma_wait3A_495] : memref<14x12x120xi32, #tpu.memory_space<hbm>> -> memref<1x12x120xi32, #tpu.memory_space<hbm>>
          %dma_wait3A_497 = tpu.memref_squeeze %dma_wait3A_496 : memref<1x12x120xi32, #tpu.memory_space<hbm>> -> memref<12x120xi32, #tpu.memory_space<hbm>>
          %dma_wait3A_498 = arith.constant 0 : i32
          %dma_wait3A_499 = arith.constant 0 : i32
          %dma_wait3A_500 = arith.constant 0 : i32
          %dma_wait3A_501 = tpu.memref_slice %arg4[%arg1, %dma_wait3A_498, %dma_wait3A_499, %dma_wait3A_500] : memref<16x14x12x120xi32, #tpu.memory_space<hbm>> -> memref<1x14x12x120xi32, #tpu.memory_space<hbm>>
          %dma_wait3A_502 = tpu.memref_squeeze %dma_wait3A_501 : memref<1x14x12x120xi32, #tpu.memory_space<hbm>> -> memref<14x12x120xi32, #tpu.memory_space<hbm>>
          %dma_wait3A_503 = arith.constant 0 : i32
          %dma_wait3A_504 = arith.constant 0 : i32
          %dma_wait3A_505 = tpu.memref_slice %dma_wait3A_502[%add3A_40, %dma_wait3A_503, %dma_wait3A_504] : memref<14x12x120xi32, #tpu.memory_space<hbm>> -> memref<1x12x120xi32, #tpu.memory_space<hbm>>
          %dma_wait3A_506 = tpu.memref_squeeze %dma_wait3A_505 : memref<1x12x120xi32, #tpu.memory_space<hbm>> -> memref<12x120xi32, #tpu.memory_space<hbm>>
          tpu.wait_dma2 semaphore(%run_scoped3A : memref<!tpu.dma_semaphore, #tpu.memory_space<semaphore_mem>>) src(%dma_wait3A_506 : memref<12x120xi32, #tpu.memory_space<hbm>>) dst(%arg8 : memref<12x120xi32, #tpu.memory_space<vmem>>)
          tpu.yield
        }) : () -> ()
        %dma_start3A = arith.constant 0 : i32
        %dma_start3A_41 = arith.constant 0 : i32
        %dma_start3A_42 = tpu.memref_slice %arg7[%dma_start3A, %dma_start3A_41] : memref<12x120xi32, #tpu.memory_space<vmem>> -> memref<1x120xi32, #tpu.memory_space<vmem>>
        %dma_start3A_43 = tpu.memref_squeeze %dma_start3A_42 : memref<1x120xi32, #tpu.memory_space<vmem>> -> memref<120xi32, #tpu.memory_space<vmem>>
        %dma_start3A_44 = arith.constant 0 : i32
        %dma_start3A_45 = arith.constant 0 : i32
        %dma_start3A_46 = tpu.memref_slice %arg2[%scan3A, %dma_start3A_44, %dma_start3A_45] : memref<2x10000x128xf32, #tpu.memory_space<hbm>> -> memref<1x10000x128xf32, #tpu.memory_space<hbm>>
        %dma_start3A_47 = tpu.memref_squeeze %dma_start3A_46 : memref<1x10000x128xf32, #tpu.memory_space<hbm>> -> memref<10000x128xf32, #tpu.memory_space<hbm>>
        %dma_start3A_48 = arith.constant 0 : i32
        %dma_start3A_49 = arith.constant 0 : i32
        %dma_start3A_50 = tpu.memref_slice %dma_start3A_47[%dma_start3A_48, %dma_start3A_49] : memref<10000x128xf32, #tpu.memory_space<hbm>> -> memref<10000x128xf32, #tpu.memory_space<hbm>>
        tpu.enqueue_indirect_dma source(%dma_start3A_50 : memref<10000x128xf32, #tpu.memory_space<hbm>>) target(%arg9 : memref<120x128xf32, #tpu.memory_space<vmem>>) offsets(%dma_start3A_43 : memref<120xi32, #tpu.memory_space<vmem>>) semaphore(%arg12 : memref<!tpu.dma_semaphore, #tpu.memory_space<semaphore_mem>>)
        %dma_start3A_51 = arith.constant 1 : i32
        %dma_start3A_52 = arith.constant 0 : i32
        %dma_start3A_53 = tpu.memref_slice %arg7[%dma_start3A_51, %dma_start3A_52] : memref<12x120xi32, #tpu.memory_space<vmem>> -> memref<1x120xi32, #tpu.memory_space<vmem>>
        %dma_start3A_54 = tpu.memref_squeeze %dma_start3A_53 : memref<1x120xi32, #tpu.memory_space<vmem>> -> memref<120xi32, #tpu.memory_space<vmem>>
        %dma_start3A_55 = arith.constant 0 : i32
        %dma_start3A_56 = arith.constant 0 : i32
        %dma_start3A_57 = tpu.memref_slice %arg2[%scan3A, %dma_start3A_55, %dma_start3A_56] : memref<2x10000x128xf32, #tpu.memory_space<hbm>> -> memref<1x10000x128xf32, #tpu.memory_space<hbm>>
        %dma_start3A_58 = tpu.memref_squeeze %dma_start3A_57 : memref<1x10000x128xf32, #tpu.memory_space<hbm>> -> memref<10000x128xf32, #tpu.memory_space<hbm>>
        %dma_start3A_59 = arith.constant 0 : i32
        %dma_start3A_60 = arith.constant 0 : i32
        %dma_start3A_61 = tpu.memref_slice %dma_start3A_58[%dma_start3A_59, %dma_start3A_60] : memref<10000x128xf32, #tpu.memory_space<hbm>> -> memref<10000x128xf32, #tpu.memory_space<hbm>>
        tpu.enqueue_indirect_dma source(%dma_start3A_61 : memref<10000x128xf32, #tpu.memory_space<hbm>>) target(%arg10 : memref<120x128xf32, #tpu.memory_space<vmem>>) offsets(%dma_start3A_54 : memref<120xi32, #tpu.memory_space<vmem>>) semaphore(%arg13 : memref<!tpu.dma_semaphore, #tpu.memory_space<semaphore_mem>>)
        %dma_start3A_62 = arith.constant 2 : i32
        %dma_start3A_63 = arith.constant 0 : i32
        %dma_start3A_64 = tpu.memref_slice %arg7[%dma_start3A_62, %dma_start3A_63] : memref<12x120xi32, #tpu.memory_space<vmem>> -> memref<1x120xi32, #tpu.memory_space<vmem>>
        %dma_start3A_65 = tpu.memref_squeeze %dma_start3A_64 : memref<1x120xi32, #tpu.memory_space<vmem>> -> memref<120xi32, #tpu.memory_space<vmem>>
        %dma_start3A_66 = arith.constant 0 : i32
        %dma_start3A_67 = arith.constant 0 : i32
        %dma_start3A_68 = tpu.memref_slice %arg2[%scan3A, %dma_start3A_66, %dma_start3A_67] : memref<2x10000x128xf32, #tpu.memory_space<hbm>> -> memref<1x10000x128xf32, #tpu.memory_space<hbm>>
        %dma_start3A_69 = tpu.memref_squeeze %dma_start3A_68 : memref<1x10000x128xf32, #tpu.memory_space<hbm>> -> memref<10000x128xf32, #tpu.memory_space<hbm>>
        %dma_start3A_70 = arith.constant 0 : i32
        %dma_start3A_71 = arith.constant 0 : i32
        %dma_start3A_72 = tpu.memref_slice %dma_start3A_69[%dma_start3A_70, %dma_start3A_71] : memref<10000x128xf32, #tpu.memory_space<hbm>> -> memref<10000x128xf32, #tpu.memory_space<hbm>>
        tpu.enqueue_indirect_dma source(%dma_start3A_72 : memref<10000x128xf32, #tpu.memory_space<hbm>>) target(%arg11 : memref<120x128xf32, #tpu.memory_space<vmem>>) offsets(%dma_start3A_65 : memref<120xi32, #tpu.memory_space<vmem>>) semaphore(%arg14 : memref<!tpu.dma_semaphore, #tpu.memory_space<semaphore_mem>>)
        %dma_wait3A = arith.constant 0 : i32
        %dma_wait3A_73 = arith.constant 0 : i32
        %dma_wait3A_74 = tpu.memref_slice %arg7[%dma_wait3A, %dma_wait3A_73] : memref<12x120xi32, #tpu.memory_space<vmem>> -> memref<1x120xi32, #tpu.memory_space<vmem>>
        %dma_wait3A_75 = tpu.memref_squeeze %dma_wait3A_74 : memref<1x120xi32, #tpu.memory_space<vmem>> -> memref<120xi32, #tpu.memory_space<vmem>>
        %dma_wait3A_76 = arith.constant 0 : i32
        %dma_wait3A_77 = arith.constant 0 : i32
        %dma_wait3A_78 = tpu.memref_slice %arg2[%scan3A, %dma_wait3A_76, %dma_wait3A_77] : memref<2x10000x128xf32, #tpu.memory_space<hbm>> -> memref<1x10000x128xf32, #tpu.memory_space<hbm>>
        %dma_wait3A_79 = tpu.memref_squeeze %dma_wait3A_78 : memref<1x10000x128xf32, #tpu.memory_space<hbm>> -> memref<10000x128xf32, #tpu.memory_space<hbm>>
        %dma_wait3A_80 = arith.constant 0 : i32
        %dma_wait3A_81 = arith.constant 0 : i32
        %dma_wait3A_82 = tpu.memref_slice %dma_wait3A_79[%dma_wait3A_80, %dma_wait3A_81] : memref<10000x128xf32, #tpu.memory_space<hbm>> -> memref<10000x128xf32, #tpu.memory_space<hbm>>
        tpu.wait_indirect_dma semaphore(%arg12 : memref<!tpu.dma_semaphore, #tpu.memory_space<semaphore_mem>>) src(%dma_wait3A_82 : memref<10000x128xf32, #tpu.memory_space<hbm>>) dst(%arg9 : memref<120x128xf32, #tpu.memory_space<vmem>>)
        %dma_start3A_83 = arith.constant 0 : i32
        %dma_start3A_84 = arith.constant 0 : i32
        %dma_start3A_85 = tpu.memref_slice %arg8[%dma_start3A_83, %dma_start3A_84] : memref<12x120xi32, #tpu.memory_space<vmem>> -> memref<1x120xi32, #tpu.memory_space<vmem>>
        %dma_start3A_86 = tpu.memref_squeeze %dma_start3A_85 : memref<1x120xi32, #tpu.memory_space<vmem>> -> memref<120xi32, #tpu.memory_space<vmem>>
        %dma_start3A_87 = arith.constant 0 : i32
        %dma_start3A_88 = arith.constant 0 : i32
        %dma_start3A_89 = tpu.memref_slice %arg6[%dma_start3A_87, %dma_start3A_88] : memref<10112x128xf32, #tpu.memory_space<vmem_shared>> -> memref<10112x128xf32, #tpu.memory_space<vmem_shared>>
        tpu.enqueue_indirect_dma source(%arg9 : memref<120x128xf32, #tpu.memory_space<vmem>>) target(%dma_start3A_89 : memref<10112x128xf32, #tpu.memory_space<vmem_shared>>) offsets(%dma_start3A_86 : memref<120xi32, #tpu.memory_space<vmem>>) semaphore(%arg15 : memref<!tpu.dma_semaphore, #tpu.memory_space<semaphore_mem>>) {add = true}
        %dma_wait3A_90 = arith.constant 1 : i32
        %dma_wait3A_91 = arith.constant 0 : i32
        %dma_wait3A_92 = tpu.memref_slice %arg7[%dma_wait3A_90, %dma_wait3A_91] : memref<12x120xi32, #tpu.memory_space<vmem>> -> memref<1x120xi32, #tpu.memory_space<vmem>>
        %dma_wait3A_93 = tpu.memref_squeeze %dma_wait3A_92 : memref<1x120xi32, #tpu.memory_space<vmem>> -> memref<120xi32, #tpu.memory_space<vmem>>
        %dma_wait3A_94 = arith.constant 0 : i32
        %dma_wait3A_95 = arith.constant 0 : i32
        %dma_wait3A_96 = tpu.memref_slice %arg2[%scan3A, %dma_wait3A_94, %dma_wait3A_95] : memref<2x10000x128xf32, #tpu.memory_space<hbm>> -> memref<1x10000x128xf32, #tpu.memory_space<hbm>>
        %dma_wait3A_97 = tpu.memref_squeeze %dma_wait3A_96 : memref<1x10000x128xf32, #tpu.memory_space<hbm>> -> memref<10000x128xf32, #tpu.memory_space<hbm>>
        %dma_wait3A_98 = arith.constant 0 : i32
        %dma_wait3A_99 = arith.constant 0 : i32
        %dma_wait3A_100 = tpu.memref_slice %dma_wait3A_97[%dma_wait3A_98, %dma_wait3A_99] : memref<10000x128xf32, #tpu.memory_space<hbm>> -> memref<10000x128xf32, #tpu.memory_space<hbm>>
        tpu.wait_indirect_dma semaphore(%arg13 : memref<!tpu.dma_semaphore, #tpu.memory_space<semaphore_mem>>) src(%dma_wait3A_100 : memref<10000x128xf32, #tpu.memory_space<hbm>>) dst(%arg10 : memref<120x128xf32, #tpu.memory_space<vmem>>)
        %dma_start3A_101 = arith.constant 1 : i32
        %dma_start3A_102 = arith.constant 0 : i32
        %dma_start3A_103 = tpu.memref_slice %arg8[%dma_start3A_101, %dma_start3A_102] : memref<12x120xi32, #tpu.memory_space<vmem>> -> memref<1x120xi32, #tpu.memory_space<vmem>>
        %dma_start3A_104 = tpu.memref_squeeze %dma_start3A_103 : memref<1x120xi32, #tpu.memory_space<vmem>> -> memref<120xi32, #tpu.memory_space<vmem>>
        %dma_start3A_105 = arith.constant 0 : i32
        %dma_start3A_106 = arith.constant 0 : i32
        %dma_start3A_107 = tpu.memref_slice %arg6[%dma_start3A_105, %dma_start3A_106] : memref<10112x128xf32, #tpu.memory_space<vmem_shared>> -> memref<10112x128xf32, #tpu.memory_space<vmem_shared>>
        tpu.enqueue_indirect_dma source(%arg10 : memref<120x128xf32, #tpu.memory_space<vmem>>) target(%dma_start3A_107 : memref<10112x128xf32, #tpu.memory_space<vmem_shared>>) offsets(%dma_start3A_104 : memref<120xi32, #tpu.memory_space<vmem>>) semaphore(%arg16 : memref<!tpu.dma_semaphore, #tpu.memory_space<semaphore_mem>>) {add = true}
        %dma_wait3A_108 = arith.constant 2 : i32
        %dma_wait3A_109 = arith.constant 0 : i32
        %dma_wait3A_110 = tpu.memref_slice %arg7[%dma_wait3A_108, %dma_wait3A_109] : memref<12x120xi32, #tpu.memory_space<vmem>> -> memref<1x120xi32, #tpu.memory_space<vmem>>
        %dma_wait3A_111 = tpu.memref_squeeze %dma_wait3A_110 : memref<1x120xi32, #tpu.memory_space<vmem>> -> memref<120xi32, #tpu.memory_space<vmem>>
        %dma_wait3A_112 = arith.constant 0 : i32
        %dma_wait3A_113 = arith.constant 0 : i32
        %dma_wait3A_114 = tpu.memref_slice %arg2[%scan3A, %dma_wait3A_112, %dma_wait3A_113] : memref<2x10000x128xf32, #tpu.memory_space<hbm>> -> memref<1x10000x128xf32, #tpu.memory_space<hbm>>
        %dma_wait3A_115 = tpu.memref_squeeze %dma_wait3A_114 : memref<1x10000x128xf32, #tpu.memory_space<hbm>> -> memref<10000x128xf32, #tpu.memory_space<hbm>>
        %dma_wait3A_116 = arith.constant 0 : i32
        %dma_wait3A_117 = arith.constant 0 : i32
        %dma_wait3A_118 = tpu.memref_slice %dma_wait3A_115[%dma_wait3A_116, %dma_wait3A_117] : memref<10000x128xf32, #tpu.memory_space<hbm>> -> memref<10000x128xf32, #tpu.memory_space<hbm>>
        tpu.wait_indirect_dma semaphore(%arg14 : memref<!tpu.dma_semaphore, #tpu.memory_space<semaphore_mem>>) src(%dma_wait3A_118 : memref<10000x128xf32, #tpu.memory_space<hbm>>) dst(%arg11 : memref<120x128xf32, #tpu.memory_space<vmem>>)
        %dma_start3A_119 = arith.constant 2 : i32
        %dma_start3A_120 = arith.constant 0 : i32
        %dma_start3A_121 = tpu.memref_slice %arg8[%dma_start3A_119, %dma_start3A_120] : memref<12x120xi32, #tpu.memory_space<vmem>> -> memref<1x120xi32, #tpu.memory_space<vmem>>
        %dma_start3A_122 = tpu.memref_squeeze %dma_start3A_121 : memref<1x120xi32, #tpu.memory_space<vmem>> -> memref<120xi32, #tpu.memory_space<vmem>>
        %dma_start3A_123 = arith.constant 0 : i32
        %dma_start3A_124 = arith.constant 0 : i32
        %dma_start3A_125 = tpu.memref_slice %arg6[%dma_start3A_123, %dma_start3A_124] : memref<10112x128xf32, #tpu.memory_space<vmem_shared>> -> memref<10112x128xf32, #tpu.memory_space<vmem_shared>>
        tpu.enqueue_indirect_dma source(%arg11 : memref<120x128xf32, #tpu.memory_space<vmem>>) target(%dma_start3A_125 : memref<10112x128xf32, #tpu.memory_space<vmem_shared>>) offsets(%dma_start3A_122 : memref<120xi32, #tpu.memory_space<vmem>>) semaphore(%arg17 : memref<!tpu.dma_semaphore, #tpu.memory_space<semaphore_mem>>) {add = true}
        %dma_wait3A_126 = arith.constant 0 : i32
        %dma_wait3A_127 = arith.constant 0 : i32
        %dma_wait3A_128 = tpu.memref_slice %arg8[%dma_wait3A_126, %dma_wait3A_127] : memref<12x120xi32, #tpu.memory_space<vmem>> -> memref<1x120xi32, #tpu.memory_space<vmem>>
        %dma_wait3A_129 = tpu.memref_squeeze %dma_wait3A_128 : memref<1x120xi32, #tpu.memory_space<vmem>> -> memref<120xi32, #tpu.memory_space<vmem>>
        %dma_wait3A_130 = arith.constant 0 : i32
        %dma_wait3A_131 = arith.constant 0 : i32
        %dma_wait3A_132 = tpu.memref_slice %arg6[%dma_wait3A_130, %dma_wait3A_131] : memref<10112x128xf32, #tpu.memory_space<vmem_shared>> -> memref<10112x128xf32, #tpu.memory_space<vmem_shared>>
        tpu.wait_indirect_dma semaphore(%arg15 : memref<!tpu.dma_semaphore, #tpu.memory_space<semaphore_mem>>) src(%arg9 : memref<120x128xf32, #tpu.memory_space<vmem>>) dst(%dma_wait3A_132 : memref<10112x128xf32, #tpu.memory_space<vmem_shared>>)
        %dma_start3A_133 = arith.constant 3 : i32
        %dma_start3A_134 = arith.constant 0 : i32
        %dma_start3A_135 = tpu.memref_slice %arg7[%dma_start3A_133, %dma_start3A_134] : memref<12x120xi32, #tpu.memory_space<vmem>> -> memref<1x120xi32, #tpu.memory_space<vmem>>
        %dma_start3A_136 = tpu.memref_squeeze %dma_start3A_135 : memref<1x120xi32, #tpu.memory_space<vmem>> -> memref<120xi32, #tpu.memory_space<vmem>>
        %dma_start3A_137 = arith.constant 0 : i32
        %dma_start3A_138 = arith.constant 0 : i32
        %dma_start3A_139 = tpu.memref_slice %arg2[%scan3A, %dma_start3A_137, %dma_start3A_138] : memref<2x10000x128xf32, #tpu.memory_space<hbm>> -> memref<1x10000x128xf32, #tpu.memory_space<hbm>>
        %dma_start3A_140 = tpu.memref_squeeze %dma_start3A_139 : memref<1x10000x128xf32, #tpu.memory_space<hbm>> -> memref<10000x128xf32, #tpu.memory_space<hbm>>
        %dma_start3A_141 = arith.constant 0 : i32
        %dma_start3A_142 = arith.constant 0 : i32
        %dma_start3A_143 = tpu.memref_slice %dma_start3A_140[%dma_start3A_141, %dma_start3A_142] : memref<10000x128xf32, #tpu.memory_space<hbm>> -> memref<10000x128xf32, #tpu.memory_space<hbm>>
        tpu.enqueue_indirect_dma source(%dma_start3A_143 : memref<10000x128xf32, #tpu.memory_space<hbm>>) target(%arg9 : memref<120x128xf32, #tpu.memory_space<vmem>>) offsets(%dma_start3A_136 : memref<120xi32, #tpu.memory_space<vmem>>) semaphore(%arg12 : memref<!tpu.dma_semaphore, #tpu.memory_space<semaphore_mem>>)
        %dma_wait3A_144 = arith.constant 1 : i32
        %dma_wait3A_145 = arith.constant 0 : i32
        %dma_wait3A_146 = tpu.memref_slice %arg8[%dma_wait3A_144, %dma_wait3A_145] : memref<12x120xi32, #tpu.memory_space<vmem>> -> memref<1x120xi32, #tpu.memory_space<vmem>>
        %dma_wait3A_147 = tpu.memref_squeeze %dma_wait3A_146 : memref<1x120xi32, #tpu.memory_space<vmem>> -> memref<120xi32, #tpu.memory_space<vmem>>
        %dma_wait3A_148 = arith.constant 0 : i32
        %dma_wait3A_149 = arith.constant 0 : i32
        %dma_wait3A_150 = tpu.memref_slice %arg6[%dma_wait3A_148, %dma_wait3A_149] : memref<10112x128xf32, #tpu.memory_space<vmem_shared>> -> memref<10112x128xf32, #tpu.memory_space<vmem_shared>>
        tpu.wait_indirect_dma semaphore(%arg16 : memref<!tpu.dma_semaphore, #tpu.memory_space<semaphore_mem>>) src(%arg10 : memref<120x128xf32, #tpu.memory_space<vmem>>) dst(%dma_wait3A_150 : memref<10112x128xf32, #tpu.memory_space<vmem_shared>>)
        %dma_start3A_151 = arith.constant 4 : i32
        %dma_start3A_152 = arith.constant 0 : i32
        %dma_start3A_153 = tpu.memref_slice %arg7[%dma_start3A_151, %dma_start3A_152] : memref<12x120xi32, #tpu.memory_space<vmem>> -> memref<1x120xi32, #tpu.memory_space<vmem>>
        %dma_start3A_154 = tpu.memref_squeeze %dma_start3A_153 : memref<1x120xi32, #tpu.memory_space<vmem>> -> memref<120xi32, #tpu.memory_space<vmem>>
        %dma_start3A_155 = arith.constant 0 : i32
        %dma_start3A_156 = arith.constant 0 : i32
        %dma_start3A_157 = tpu.memref_slice %arg2[%scan3A, %dma_start3A_155, %dma_start3A_156] : memref<2x10000x128xf32, #tpu.memory_space<hbm>> -> memref<1x10000x128xf32, #tpu.memory_space<hbm>>
        %dma_start3A_158 = tpu.memref_squeeze %dma_start3A_157 : memref<1x10000x128xf32, #tpu.memory_space<hbm>> -> memref<10000x128xf32, #tpu.memory_space<hbm>>
        %dma_start3A_159 = arith.constant 0 : i32
        %dma_start3A_160 = arith.constant 0 : i32
        %dma_start3A_161 = tpu.memref_slice %dma_start3A_158[%dma_start3A_159, %dma_start3A_160] : memref<10000x128xf32, #tpu.memory_space<hbm>> -> memref<10000x128xf32, #tpu.memory_space<hbm>>
        tpu.enqueue_indirect_dma source(%dma_start3A_161 : memref<10000x128xf32, #tpu.memory_space<hbm>>) target(%arg10 : memref<120x128xf32, #tpu.memory_space<vmem>>) offsets(%dma_start3A_154 : memref<120xi32, #tpu.memory_space<vmem>>) semaphore(%arg13 : memref<!tpu.dma_semaphore, #tpu.memory_space<semaphore_mem>>)
        %dma_wait3A_162 = arith.constant 2 : i32
        %dma_wait3A_163 = arith.constant 0 : i32
        %dma_wait3A_164 = tpu.memref_slice %arg8[%dma_wait3A_162, %dma_wait3A_163] : memref<12x120xi32, #tpu.memory_space<vmem>> -> memref<1x120xi32, #tpu.memory_space<vmem>>
        %dma_wait3A_165 = tpu.memref_squeeze %dma_wait3A_164 : memref<1x120xi32, #tpu.memory_space<vmem>> -> memref<120xi32, #tpu.memory_space<vmem>>
        %dma_wait3A_166 = arith.constant 0 : i32
        %dma_wait3A_167 = arith.constant 0 : i32
        %dma_wait3A_168 = tpu.memref_slice %arg6[%dma_wait3A_166, %dma_wait3A_167] : memref<10112x128xf32, #tpu.memory_space<vmem_shared>> -> memref<10112x128xf32, #tpu.memory_space<vmem_shared>>
        tpu.wait_indirect_dma semaphore(%arg17 : memref<!tpu.dma_semaphore, #tpu.memory_space<semaphore_mem>>) src(%arg11 : memref<120x128xf32, #tpu.memory_space<vmem>>) dst(%dma_wait3A_168 : memref<10112x128xf32, #tpu.memory_space<vmem_shared>>)
        %dma_start3A_169 = arith.constant 5 : i32
        %dma_start3A_170 = arith.constant 0 : i32
        %dma_start3A_171 = tpu.memref_slice %arg7[%dma_start3A_169, %dma_start3A_170] : memref<12x120xi32, #tpu.memory_space<vmem>> -> memref<1x120xi32, #tpu.memory_space<vmem>>
        %dma_start3A_172 = tpu.memref_squeeze %dma_start3A_171 : memref<1x120xi32, #tpu.memory_space<vmem>> -> memref<120xi32, #tpu.memory_space<vmem>>
        %dma_start3A_173 = arith.constant 0 : i32
        %dma_start3A_174 = arith.constant 0 : i32
        %dma_start3A_175 = tpu.memref_slice %arg2[%scan3A, %dma_start3A_173, %dma_start3A_174] : memref<2x10000x128xf32, #tpu.memory_space<hbm>> -> memref<1x10000x128xf32, #tpu.memory_space<hbm>>
        %dma_start3A_176 = tpu.memref_squeeze %dma_start3A_175 : memref<1x10000x128xf32, #tpu.memory_space<hbm>> -> memref<10000x128xf32, #tpu.memory_space<hbm>>
        %dma_start3A_177 = arith.constant 0 : i32
        %dma_start3A_178 = arith.constant 0 : i32
        %dma_start3A_179 = tpu.memref_slice %dma_start3A_176[%dma_start3A_177, %dma_start3A_178] : memref<10000x128xf32, #tpu.memory_space<hbm>> -> memref<10000x128xf32, #tpu.memory_space<hbm>>
        tpu.enqueue_indirect_dma source(%dma_start3A_179 : memref<10000x128xf32, #tpu.memory_space<hbm>>) target(%arg11 : memref<120x128xf32, #tpu.memory_space<vmem>>) offsets(%dma_start3A_172 : memref<120xi32, #tpu.memory_space<vmem>>) semaphore(%arg14 : memref<!tpu.dma_semaphore, #tpu.memory_space<semaphore_mem>>)
        %dma_wait3A_180 = arith.constant 3 : i32
        %dma_wait3A_181 = arith.constant 0 : i32
        %dma_wait3A_182 = tpu.memref_slice %arg7[%dma_wait3A_180, %dma_wait3A_181] : memref<12x120xi32, #tpu.memory_space<vmem>> -> memref<1x120xi32, #tpu.memory_space<vmem>>
        %dma_wait3A_183 = tpu.memref_squeeze %dma_wait3A_182 : memref<1x120xi32, #tpu.memory_space<vmem>> -> memref<120xi32, #tpu.memory_space<vmem>>
        %dma_wait3A_184 = arith.constant 0 : i32
        %dma_wait3A_185 = arith.constant 0 : i32
        %dma_wait3A_186 = tpu.memref_slice %arg2[%scan3A, %dma_wait3A_184, %dma_wait3A_185] : memref<2x10000x128xf32, #tpu.memory_space<hbm>> -> memref<1x10000x128xf32, #tpu.memory_space<hbm>>
        %dma_wait3A_187 = tpu.memref_squeeze %dma_wait3A_186 : memref<1x10000x128xf32, #tpu.memory_space<hbm>> -> memref<10000x128xf32, #tpu.memory_space<hbm>>
        %dma_wait3A_188 = arith.constant 0 : i32
        %dma_wait3A_189 = arith.constant 0 : i32
        %dma_wait3A_190 = tpu.memref_slice %dma_wait3A_187[%dma_wait3A_188, %dma_wait3A_189] : memref<10000x128xf32, #tpu.memory_space<hbm>> -> memref<10000x128xf32, #tpu.memory_space<hbm>>
        tpu.wait_indirect_dma semaphore(%arg12 : memref<!tpu.dma_semaphore, #tpu.memory_space<semaphore_mem>>) src(%dma_wait3A_190 : memref<10000x128xf32, #tpu.memory_space<hbm>>) dst(%arg9 : memref<120x128xf32, #tpu.memory_space<vmem>>)
        %dma_start3A_191 = arith.constant 3 : i32
        %dma_start3A_192 = arith.constant 0 : i32
        %dma_start3A_193 = tpu.memref_slice %arg8[%dma_start3A_191, %dma_start3A_192] : memref<12x120xi32, #tpu.memory_space<vmem>> -> memref<1x120xi32, #tpu.memory_space<vmem>>
        %dma_start3A_194 = tpu.memref_squeeze %dma_start3A_193 : memref<1x120xi32, #tpu.memory_space<vmem>> -> memref<120xi32, #tpu.memory_space<vmem>>
        %dma_start3A_195 = arith.constant 0 : i32
        %dma_start3A_196 = arith.constant 0 : i32
        %dma_start3A_197 = tpu.memref_slice %arg6[%dma_start3A_195, %dma_start3A_196] : memref<10112x128xf32, #tpu.memory_space<vmem_shared>> -> memref<10112x128xf32, #tpu.memory_space<vmem_shared>>
        tpu.enqueue_indirect_dma source(%arg9 : memref<120x128xf32, #tpu.memory_space<vmem>>) target(%dma_start3A_197 : memref<10112x128xf32, #tpu.memory_space<vmem_shared>>) offsets(%dma_start3A_194 : memref<120xi32, #tpu.memory_space<vmem>>) semaphore(%arg15 : memref<!tpu.dma_semaphore, #tpu.memory_space<semaphore_mem>>) {add = true}
        %dma_wait3A_198 = arith.constant 4 : i32
        %dma_wait3A_199 = arith.constant 0 : i32
        %dma_wait3A_200 = tpu.memref_slice %arg7[%dma_wait3A_198, %dma_wait3A_199] : memref<12x120xi32, #tpu.memory_space<vmem>> -> memref<1x120xi32, #tpu.memory_space<vmem>>
        %dma_wait3A_201 = tpu.memref_squeeze %dma_wait3A_200 : memref<1x120xi32, #tpu.memory_space<vmem>> -> memref<120xi32, #tpu.memory_space<vmem>>
        %dma_wait3A_202 = arith.constant 0 : i32
        %dma_wait3A_203 = arith.constant 0 : i32
        %dma_wait3A_204 = tpu.memref_slice %arg2[%scan3A, %dma_wait3A_202, %dma_wait3A_203] : memref<2x10000x128xf32, #tpu.memory_space<hbm>> -> memref<1x10000x128xf32, #tpu.memory_space<hbm>>
        %dma_wait3A_205 = tpu.memref_squeeze %dma_wait3A_204 : memref<1x10000x128xf32, #tpu.memory_space<hbm>> -> memref<10000x128xf32, #tpu.memory_space<hbm>>
        %dma_wait3A_206 = arith.constant 0 : i32
        %dma_wait3A_207 = arith.constant 0 : i32
        %dma_wait3A_208 = tpu.memref_slice %dma_wait3A_205[%dma_wait3A_206, %dma_wait3A_207] : memref<10000x128xf32, #tpu.memory_space<hbm>> -> memref<10000x128xf32, #tpu.memory_space<hbm>>
        tpu.wait_indirect_dma semaphore(%arg13 : memref<!tpu.dma_semaphore, #tpu.memory_space<semaphore_mem>>) src(%dma_wait3A_208 : memref<10000x128xf32, #tpu.memory_space<hbm>>) dst(%arg10 : memref<120x128xf32, #tpu.memory_space<vmem>>)
        %dma_start3A_209 = arith.constant 4 : i32
        %dma_start3A_210 = arith.constant 0 : i32
        %dma_start3A_211 = tpu.memref_slice %arg8[%dma_start3A_209, %dma_start3A_210] : memref<12x120xi32, #tpu.memory_space<vmem>> -> memref<1x120xi32, #tpu.memory_space<vmem>>
        %dma_start3A_212 = tpu.memref_squeeze %dma_start3A_211 : memref<1x120xi32, #tpu.memory_space<vmem>> -> memref<120xi32, #tpu.memory_space<vmem>>
        %dma_start3A_213 = arith.constant 0 : i32
        %dma_start3A_214 = arith.constant 0 : i32
        %dma_start3A_215 = tpu.memref_slice %arg6[%dma_start3A_213, %dma_start3A_214] : memref<10112x128xf32, #tpu.memory_space<vmem_shared>> -> memref<10112x128xf32, #tpu.memory_space<vmem_shared>>
        tpu.enqueue_indirect_dma source(%arg10 : memref<120x128xf32, #tpu.memory_space<vmem>>) target(%dma_start3A_215 : memref<10112x128xf32, #tpu.memory_space<vmem_shared>>) offsets(%dma_start3A_212 : memref<120xi32, #tpu.memory_space<vmem>>) semaphore(%arg16 : memref<!tpu.dma_semaphore, #tpu.memory_space<semaphore_mem>>) {add = true}
        %dma_wait3A_216 = arith.constant 5 : i32
        %dma_wait3A_217 = arith.constant 0 : i32
        %dma_wait3A_218 = tpu.memref_slice %arg7[%dma_wait3A_216, %dma_wait3A_217] : memref<12x120xi32, #tpu.memory_space<vmem>> -> memref<1x120xi32, #tpu.memory_space<vmem>>
        %dma_wait3A_219 = tpu.memref_squeeze %dma_wait3A_218 : memref<1x120xi32, #tpu.memory_space<vmem>> -> memref<120xi32, #tpu.memory_space<vmem>>
        %dma_wait3A_220 = arith.constant 0 : i32
        %dma_wait3A_221 = arith.constant 0 : i32
        %dma_wait3A_222 = tpu.memref_slice %arg2[%scan3A, %dma_wait3A_220, %dma_wait3A_221] : memref<2x10000x128xf32, #tpu.memory_space<hbm>> -> memref<1x10000x128xf32, #tpu.memory_space<hbm>>
        %dma_wait3A_223 = tpu.memref_squeeze %dma_wait3A_222 : memref<1x10000x128xf32, #tpu.memory_space<hbm>> -> memref<10000x128xf32, #tpu.memory_space<hbm>>
        %dma_wait3A_224 = arith.constant 0 : i32
        %dma_wait3A_225 = arith.constant 0 : i32
        %dma_wait3A_226 = tpu.memref_slice %dma_wait3A_223[%dma_wait3A_224, %dma_wait3A_225] : memref<10000x128xf32, #tpu.memory_space<hbm>> -> memref<10000x128xf32, #tpu.memory_space<hbm>>
        tpu.wait_indirect_dma semaphore(%arg14 : memref<!tpu.dma_semaphore, #tpu.memory_space<semaphore_mem>>) src(%dma_wait3A_226 : memref<10000x128xf32, #tpu.memory_space<hbm>>) dst(%arg11 : memref<120x128xf32, #tpu.memory_space<vmem>>)
        %dma_start3A_227 = arith.constant 5 : i32
        %dma_start3A_228 = arith.constant 0 : i32
        %dma_start3A_229 = tpu.memref_slice %arg8[%dma_start3A_227, %dma_start3A_228] : memref<12x120xi32, #tpu.memory_space<vmem>> -> memref<1x120xi32, #tpu.memory_space<vmem>>
        %dma_start3A_230 = tpu.memref_squeeze %dma_start3A_229 : memref<1x120xi32, #tpu.memory_space<vmem>> -> memref<120xi32, #tpu.memory_space<vmem>>
        %dma_start3A_231 = arith.constant 0 : i32
        %dma_start3A_232 = arith.constant 0 : i32
        %dma_start3A_233 = tpu.memref_slice %arg6[%dma_start3A_231, %dma_start3A_232] : memref<10112x128xf32, #tpu.memory_space<vmem_shared>> -> memref<10112x128xf32, #tpu.memory_space<vmem_shared>>
        tpu.enqueue_indirect_dma source(%arg11 : memref<120x128xf32, #tpu.memory_space<vmem>>) target(%dma_start3A_233 : memref<10112x128xf32, #tpu.memory_space<vmem_shared>>) offsets(%dma_start3A_230 : memref<120xi32, #tpu.memory_space<vmem>>) semaphore(%arg17 : memref<!tpu.dma_semaphore, #tpu.memory_space<semaphore_mem>>) {add = true}
        %dma_wait3A_234 = arith.constant 3 : i32
        %dma_wait3A_235 = arith.constant 0 : i32
        %dma_wait3A_236 = tpu.memref_slice %arg8[%dma_wait3A_234, %dma_wait3A_235] : memref<12x120xi32, #tpu.memory_space<vmem>> -> memref<1x120xi32, #tpu.memory_space<vmem>>
        %dma_wait3A_237 = tpu.memref_squeeze %dma_wait3A_236 : memref<1x120xi32, #tpu.memory_space<vmem>> -> memref<120xi32, #tpu.memory_space<vmem>>
        %dma_wait3A_238 = arith.constant 0 : i32
        %dma_wait3A_239 = arith.constant 0 : i32
        %dma_wait3A_240 = tpu.memref_slice %arg6[%dma_wait3A_238, %dma_wait3A_239] : memref<10112x128xf32, #tpu.memory_space<vmem_shared>> -> memref<10112x128xf32, #tpu.memory_space<vmem_shared>>
        tpu.wait_indirect_dma semaphore(%arg15 : memref<!tpu.dma_semaphore, #tpu.memory_space<semaphore_mem>>) src(%arg9 : memref<120x128xf32, #tpu.memory_space<vmem>>) dst(%dma_wait3A_240 : memref<10112x128xf32, #tpu.memory_space<vmem_shared>>)
        %dma_start3A_241 = arith.constant 6 : i32
        %dma_start3A_242 = arith.constant 0 : i32
        %dma_start3A_243 = tpu.memref_slice %arg7[%dma_start3A_241, %dma_start3A_242] : memref<12x120xi32, #tpu.memory_space<vmem>> -> memref<1x120xi32, #tpu.memory_space<vmem>>
        %dma_start3A_244 = tpu.memref_squeeze %dma_start3A_243 : memref<1x120xi32, #tpu.memory_space<vmem>> -> memref<120xi32, #tpu.memory_space<vmem>>
        %dma_start3A_245 = arith.constant 0 : i32
        %dma_start3A_246 = arith.constant 0 : i32
        %dma_start3A_247 = tpu.memref_slice %arg2[%scan3A, %dma_start3A_245, %dma_start3A_246] : memref<2x10000x128xf32, #tpu.memory_space<hbm>> -> memref<1x10000x128xf32, #tpu.memory_space<hbm>>
        %dma_start3A_248 = tpu.memref_squeeze %dma_start3A_247 : memref<1x10000x128xf32, #tpu.memory_space<hbm>> -> memref<10000x128xf32, #tpu.memory_space<hbm>>
        %dma_start3A_249 = arith.constant 0 : i32
        %dma_start3A_250 = arith.constant 0 : i32
        %dma_start3A_251 = tpu.memref_slice %dma_start3A_248[%dma_start3A_249, %dma_start3A_250] : memref<10000x128xf32, #tpu.memory_space<hbm>> -> memref<10000x128xf32, #tpu.memory_space<hbm>>
        tpu.enqueue_indirect_dma source(%dma_start3A_251 : memref<10000x128xf32, #tpu.memory_space<hbm>>) target(%arg9 : memref<120x128xf32, #tpu.memory_space<vmem>>) offsets(%dma_start3A_244 : memref<120xi32, #tpu.memory_space<vmem>>) semaphore(%arg12 : memref<!tpu.dma_semaphore, #tpu.memory_space<semaphore_mem>>)
        %dma_wait3A_252 = arith.constant 4 : i32
        %dma_wait3A_253 = arith.constant 0 : i32
        %dma_wait3A_254 = tpu.memref_slice %arg8[%dma_wait3A_252, %dma_wait3A_253] : memref<12x120xi32, #tpu.memory_space<vmem>> -> memref<1x120xi32, #tpu.memory_space<vmem>>
        %dma_wait3A_255 = tpu.memref_squeeze %dma_wait3A_254 : memref<1x120xi32, #tpu.memory_space<vmem>> -> memref<120xi32, #tpu.memory_space<vmem>>
        %dma_wait3A_256 = arith.constant 0 : i32
        %dma_wait3A_257 = arith.constant 0 : i32
        %dma_wait3A_258 = tpu.memref_slice %arg6[%dma_wait3A_256, %dma_wait3A_257] : memref<10112x128xf32, #tpu.memory_space<vmem_shared>> -> memref<10112x128xf32, #tpu.memory_space<vmem_shared>>
        tpu.wait_indirect_dma semaphore(%arg16 : memref<!tpu.dma_semaphore, #tpu.memory_space<semaphore_mem>>) src(%arg10 : memref<120x128xf32, #tpu.memory_space<vmem>>) dst(%dma_wait3A_258 : memref<10112x128xf32, #tpu.memory_space<vmem_shared>>)
        %dma_start3A_259 = arith.constant 7 : i32
        %dma_start3A_260 = arith.constant 0 : i32
        %dma_start3A_261 = tpu.memref_slice %arg7[%dma_start3A_259, %dma_start3A_260] : memref<12x120xi32, #tpu.memory_space<vmem>> -> memref<1x120xi32, #tpu.memory_space<vmem>>
        %dma_start3A_262 = tpu.memref_squeeze %dma_start3A_261 : memref<1x120xi32, #tpu.memory_space<vmem>> -> memref<120xi32, #tpu.memory_space<vmem>>
        %dma_start3A_263 = arith.constant 0 : i32
        %dma_start3A_264 = arith.constant 0 : i32
        %dma_start3A_265 = tpu.memref_slice %arg2[%scan3A, %dma_start3A_263, %dma_start3A_264] : memref<2x10000x128xf32, #tpu.memory_space<hbm>> -> memref<1x10000x128xf32, #tpu.memory_space<hbm>>
        %dma_start3A_266 = tpu.memref_squeeze %dma_start3A_265 : memref<1x10000x128xf32, #tpu.memory_space<hbm>> -> memref<10000x128xf32, #tpu.memory_space<hbm>>
        %dma_start3A_267 = arith.constant 0 : i32
        %dma_start3A_268 = arith.constant 0 : i32
        %dma_start3A_269 = tpu.memref_slice %dma_start3A_266[%dma_start3A_267, %dma_start3A_268] : memref<10000x128xf32, #tpu.memory_space<hbm>> -> memref<10000x128xf32, #tpu.memory_space<hbm>>
        tpu.enqueue_indirect_dma source(%dma_start3A_269 : memref<10000x128xf32, #tpu.memory_space<hbm>>) target(%arg10 : memref<120x128xf32, #tpu.memory_space<vmem>>) offsets(%dma_start3A_262 : memref<120xi32, #tpu.memory_space<vmem>>) semaphore(%arg13 : memref<!tpu.dma_semaphore, #tpu.memory_space<semaphore_mem>>)
        %dma_wait3A_270 = arith.constant 5 : i32
        %dma_wait3A_271 = arith.constant 0 : i32
        %dma_wait3A_272 = tpu.memref_slice %arg8[%dma_wait3A_270, %dma_wait3A_271] : memref<12x120xi32, #tpu.memory_space<vmem>> -> memref<1x120xi32, #tpu.memory_space<vmem>>
        %dma_wait3A_273 = tpu.memref_squeeze %dma_wait3A_272 : memref<1x120xi32, #tpu.memory_space<vmem>> -> memref<120xi32, #tpu.memory_space<vmem>>
        %dma_wait3A_274 = arith.constant 0 : i32
        %dma_wait3A_275 = arith.constant 0 : i32
        %dma_wait3A_276 = tpu.memref_slice %arg6[%dma_wait3A_274, %dma_wait3A_275] : memref<10112x128xf32, #tpu.memory_space<vmem_shared>> -> memref<10112x128xf32, #tpu.memory_space<vmem_shared>>
        tpu.wait_indirect_dma semaphore(%arg17 : memref<!tpu.dma_semaphore, #tpu.memory_space<semaphore_mem>>) src(%arg11 : memref<120x128xf32, #tpu.memory_space<vmem>>) dst(%dma_wait3A_276 : memref<10112x128xf32, #tpu.memory_space<vmem_shared>>)
        %dma_start3A_277 = arith.constant 8 : i32
        %dma_start3A_278 = arith.constant 0 : i32
        %dma_start3A_279 = tpu.memref_slice %arg7[%dma_start3A_277, %dma_start3A_278] : memref<12x120xi32, #tpu.memory_space<vmem>> -> memref<1x120xi32, #tpu.memory_space<vmem>>
        %dma_start3A_280 = tpu.memref_squeeze %dma_start3A_279 : memref<1x120xi32, #tpu.memory_space<vmem>> -> memref<120xi32, #tpu.memory_space<vmem>>
        %dma_start3A_281 = arith.constant 0 : i32
        %dma_start3A_282 = arith.constant 0 : i32
        %dma_start3A_283 = tpu.memref_slice %arg2[%scan3A, %dma_start3A_281, %dma_start3A_282] : memref<2x10000x128xf32, #tpu.memory_space<hbm>> -> memref<1x10000x128xf32, #tpu.memory_space<hbm>>
        %dma_start3A_284 = tpu.memref_squeeze %dma_start3A_283 : memref<1x10000x128xf32, #tpu.memory_space<hbm>> -> memref<10000x128xf32, #tpu.memory_space<hbm>>
        %dma_start3A_285 = arith.constant 0 : i32
        %dma_start3A_286 = arith.constant 0 : i32
        %dma_start3A_287 = tpu.memref_slice %dma_start3A_284[%dma_start3A_285, %dma_start3A_286] : memref<10000x128xf32, #tpu.memory_space<hbm>> -> memref<10000x128xf32, #tpu.memory_space<hbm>>
        tpu.enqueue_indirect_dma source(%dma_start3A_287 : memref<10000x128xf32, #tpu.memory_space<hbm>>) target(%arg11 : memref<120x128xf32, #tpu.memory_space<vmem>>) offsets(%dma_start3A_280 : memref<120xi32, #tpu.memory_space<vmem>>) semaphore(%arg14 : memref<!tpu.dma_semaphore, #tpu.memory_space<semaphore_mem>>)
        %dma_wait3A_288 = arith.constant 6 : i32
        %dma_wait3A_289 = arith.constant 0 : i32
        %dma_wait3A_290 = tpu.memref_slice %arg7[%dma_wait3A_288, %dma_wait3A_289] : memref<12x120xi32, #tpu.memory_space<vmem>> -> memref<1x120xi32, #tpu.memory_space<vmem>>
        %dma_wait3A_291 = tpu.memref_squeeze %dma_wait3A_290 : memref<1x120xi32, #tpu.memory_space<vmem>> -> memref<120xi32, #tpu.memory_space<vmem>>
        %dma_wait3A_292 = arith.constant 0 : i32
        %dma_wait3A_293 = arith.constant 0 : i32
        %dma_wait3A_294 = tpu.memref_slice %arg2[%scan3A, %dma_wait3A_292, %dma_wait3A_293] : memref<2x10000x128xf32, #tpu.memory_space<hbm>> -> memref<1x10000x128xf32, #tpu.memory_space<hbm>>
        %dma_wait3A_295 = tpu.memref_squeeze %dma_wait3A_294 : memref<1x10000x128xf32, #tpu.memory_space<hbm>> -> memref<10000x128xf32, #tpu.memory_space<hbm>>
        %dma_wait3A_296 = arith.constant 0 : i32
        %dma_wait3A_297 = arith.constant 0 : i32
        %dma_wait3A_298 = tpu.memref_slice %dma_wait3A_295[%dma_wait3A_296, %dma_wait3A_297] : memref<10000x128xf32, #tpu.memory_space<hbm>> -> memref<10000x128xf32, #tpu.memory_space<hbm>>
        tpu.wait_indirect_dma semaphore(%arg12 : memref<!tpu.dma_semaphore, #tpu.memory_space<semaphore_mem>>) src(%dma_wait3A_298 : memref<10000x128xf32, #tpu.memory_space<hbm>>) dst(%arg9 : memref<120x128xf32, #tpu.memory_space<vmem>>)
        %dma_start3A_299 = arith.constant 6 : i32
        %dma_start3A_300 = arith.constant 0 : i32
        %dma_start3A_301 = tpu.memref_slice %arg8[%dma_start3A_299, %dma_start3A_300] : memref<12x120xi32, #tpu.memory_space<vmem>> -> memref<1x120xi32, #tpu.memory_space<vmem>>
        %dma_start3A_302 = tpu.memref_squeeze %dma_start3A_301 : memref<1x120xi32, #tpu.memory_space<vmem>> -> memref<120xi32, #tpu.memory_space<vmem>>
        %dma_start3A_303 = arith.constant 0 : i32
        %dma_start3A_304 = arith.constant 0 : i32
        %dma_start3A_305 = tpu.memref_slice %arg6[%dma_start3A_303, %dma_start3A_304] : memref<10112x128xf32, #tpu.memory_space<vmem_shared>> -> memref<10112x128xf32, #tpu.memory_space<vmem_shared>>
        tpu.enqueue_indirect_dma source(%arg9 : memref<120x128xf32, #tpu.memory_space<vmem>>) target(%dma_start3A_305 : memref<10112x128xf32, #tpu.memory_space<vmem_shared>>) offsets(%dma_start3A_302 : memref<120xi32, #tpu.memory_space<vmem>>) semaphore(%arg15 : memref<!tpu.dma_semaphore, #tpu.memory_space<semaphore_mem>>) {add = true}
        %dma_wait3A_306 = arith.constant 7 : i32
        %dma_wait3A_307 = arith.constant 0 : i32
        %dma_wait3A_308 = tpu.memref_slice %arg7[%dma_wait3A_306, %dma_wait3A_307] : memref<12x120xi32, #tpu.memory_space<vmem>> -> memref<1x120xi32, #tpu.memory_space<vmem>>
        %dma_wait3A_309 = tpu.memref_squeeze %dma_wait3A_308 : memref<1x120xi32, #tpu.memory_space<vmem>> -> memref<120xi32, #tpu.memory_space<vmem>>
        %dma_wait3A_310 = arith.constant 0 : i32
        %dma_wait3A_311 = arith.constant 0 : i32
        %dma_wait3A_312 = tpu.memref_slice %arg2[%scan3A, %dma_wait3A_310, %dma_wait3A_311] : memref<2x10000x128xf32, #tpu.memory_space<hbm>> -> memref<1x10000x128xf32, #tpu.memory_space<hbm>>
        %dma_wait3A_313 = tpu.memref_squeeze %dma_wait3A_312 : memref<1x10000x128xf32, #tpu.memory_space<hbm>> -> memref<10000x128xf32, #tpu.memory_space<hbm>>
        %dma_wait3A_314 = arith.constant 0 : i32
        %dma_wait3A_315 = arith.constant 0 : i32
        %dma_wait3A_316 = tpu.memref_slice %dma_wait3A_313[%dma_wait3A_314, %dma_wait3A_315] : memref<10000x128xf32, #tpu.memory_space<hbm>> -> memref<10000x128xf32, #tpu.memory_space<hbm>>
        tpu.wait_indirect_dma semaphore(%arg13 : memref<!tpu.dma_semaphore, #tpu.memory_space<semaphore_mem>>) src(%dma_wait3A_316 : memref<10000x128xf32, #tpu.memory_space<hbm>>) dst(%arg10 : memref<120x128xf32, #tpu.memory_space<vmem>>)
        %dma_start3A_317 = arith.constant 7 : i32
        %dma_start3A_318 = arith.constant 0 : i32
        %dma_start3A_319 = tpu.memref_slice %arg8[%dma_start3A_317, %dma_start3A_318] : memref<12x120xi32, #tpu.memory_space<vmem>> -> memref<1x120xi32, #tpu.memory_space<vmem>>
        %dma_start3A_320 = tpu.memref_squeeze %dma_start3A_319 : memref<1x120xi32, #tpu.memory_space<vmem>> -> memref<120xi32, #tpu.memory_space<vmem>>
        %dma_start3A_321 = arith.constant 0 : i32
        %dma_start3A_322 = arith.constant 0 : i32
        %dma_start3A_323 = tpu.memref_slice %arg6[%dma_start3A_321, %dma_start3A_322] : memref<10112x128xf32, #tpu.memory_space<vmem_shared>> -> memref<10112x128xf32, #tpu.memory_space<vmem_shared>>
        tpu.enqueue_indirect_dma source(%arg10 : memref<120x128xf32, #tpu.memory_space<vmem>>) target(%dma_start3A_323 : memref<10112x128xf32, #tpu.memory_space<vmem_shared>>) offsets(%dma_start3A_320 : memref<120xi32, #tpu.memory_space<vmem>>) semaphore(%arg16 : memref<!tpu.dma_semaphore, #tpu.memory_space<semaphore_mem>>) {add = true}
        %dma_wait3A_324 = arith.constant 8 : i32
        %dma_wait3A_325 = arith.constant 0 : i32
        %dma_wait3A_326 = tpu.memref_slice %arg7[%dma_wait3A_324, %dma_wait3A_325] : memref<12x120xi32, #tpu.memory_space<vmem>> -> memref<1x120xi32, #tpu.memory_space<vmem>>
        %dma_wait3A_327 = tpu.memref_squeeze %dma_wait3A_326 : memref<1x120xi32, #tpu.memory_space<vmem>> -> memref<120xi32, #tpu.memory_space<vmem>>
        %dma_wait3A_328 = arith.constant 0 : i32
        %dma_wait3A_329 = arith.constant 0 : i32
        %dma_wait3A_330 = tpu.memref_slice %arg2[%scan3A, %dma_wait3A_328, %dma_wait3A_329] : memref<2x10000x128xf32, #tpu.memory_space<hbm>> -> memref<1x10000x128xf32, #tpu.memory_space<hbm>>
        %dma_wait3A_331 = tpu.memref_squeeze %dma_wait3A_330 : memref<1x10000x128xf32, #tpu.memory_space<hbm>> -> memref<10000x128xf32, #tpu.memory_space<hbm>>
        %dma_wait3A_332 = arith.constant 0 : i32
        %dma_wait3A_333 = arith.constant 0 : i32
        %dma_wait3A_334 = tpu.memref_slice %dma_wait3A_331[%dma_wait3A_332, %dma_wait3A_333] : memref<10000x128xf32, #tpu.memory_space<hbm>> -> memref<10000x128xf32, #tpu.memory_space<hbm>>
        tpu.wait_indirect_dma semaphore(%arg14 : memref<!tpu.dma_semaphore, #tpu.memory_space<semaphore_mem>>) src(%dma_wait3A_334 : memref<10000x128xf32, #tpu.memory_space<hbm>>) dst(%arg11 : memref<120x128xf32, #tpu.memory_space<vmem>>)
        %dma_start3A_335 = arith.constant 8 : i32
        %dma_start3A_336 = arith.constant 0 : i32
        %dma_start3A_337 = tpu.memref_slice %arg8[%dma_start3A_335, %dma_start3A_336] : memref<12x120xi32, #tpu.memory_space<vmem>> -> memref<1x120xi32, #tpu.memory_space<vmem>>
        %dma_start3A_338 = tpu.memref_squeeze %dma_start3A_337 : memref<1x120xi32, #tpu.memory_space<vmem>> -> memref<120xi32, #tpu.memory_space<vmem>>
        %dma_start3A_339 = arith.constant 0 : i32
        %dma_start3A_340 = arith.constant 0 : i32
        %dma_start3A_341 = tpu.memref_slice %arg6[%dma_start3A_339, %dma_start3A_340] : memref<10112x128xf32, #tpu.memory_space<vmem_shared>> -> memref<10112x128xf32, #tpu.memory_space<vmem_shared>>
        tpu.enqueue_indirect_dma source(%arg11 : memref<120x128xf32, #tpu.memory_space<vmem>>) target(%dma_start3A_341 : memref<10112x128xf32, #tpu.memory_space<vmem_shared>>) offsets(%dma_start3A_338 : memref<120xi32, #tpu.memory_space<vmem>>) semaphore(%arg17 : memref<!tpu.dma_semaphore, #tpu.memory_space<semaphore_mem>>) {add = true}
        %dma_wait3A_342 = arith.constant 6 : i32
        %dma_wait3A_343 = arith.constant 0 : i32
        %dma_wait3A_344 = tpu.memref_slice %arg8[%dma_wait3A_342, %dma_wait3A_343] : memref<12x120xi32, #tpu.memory_space<vmem>> -> memref<1x120xi32, #tpu.memory_space<vmem>>
        %dma_wait3A_345 = tpu.memref_squeeze %dma_wait3A_344 : memref<1x120xi32, #tpu.memory_space<vmem>> -> memref<120xi32, #tpu.memory_space<vmem>>
        %dma_wait3A_346 = arith.constant 0 : i32
        %dma_wait3A_347 = arith.constant 0 : i32
        %dma_wait3A_348 = tpu.memref_slice %arg6[%dma_wait3A_346, %dma_wait3A_347] : memref<10112x128xf32, #tpu.memory_space<vmem_shared>> -> memref<10112x128xf32, #tpu.memory_space<vmem_shared>>
        tpu.wait_indirect_dma semaphore(%arg15 : memref<!tpu.dma_semaphore, #tpu.memory_space<semaphore_mem>>) src(%arg9 : memref<120x128xf32, #tpu.memory_space<vmem>>) dst(%dma_wait3A_348 : memref<10112x128xf32, #tpu.memory_space<vmem_shared>>)
        %dma_start3A_349 = arith.constant 9 : i32
        %dma_start3A_350 = arith.constant 0 : i32
        %dma_start3A_351 = tpu.memref_slice %arg7[%dma_start3A_349, %dma_start3A_350] : memref<12x120xi32, #tpu.memory_space<vmem>> -> memref<1x120xi32, #tpu.memory_space<vmem>>
        %dma_start3A_352 = tpu.memref_squeeze %dma_start3A_351 : memref<1x120xi32, #tpu.memory_space<vmem>> -> memref<120xi32, #tpu.memory_space<vmem>>
        %dma_start3A_353 = arith.constant 0 : i32
        %dma_start3A_354 = arith.constant 0 : i32
        %dma_start3A_355 = tpu.memref_slice %arg2[%scan3A, %dma_start3A_353, %dma_start3A_354] : memref<2x10000x128xf32, #tpu.memory_space<hbm>> -> memref<1x10000x128xf32, #tpu.memory_space<hbm>>
        %dma_start3A_356 = tpu.memref_squeeze %dma_start3A_355 : memref<1x10000x128xf32, #tpu.memory_space<hbm>> -> memref<10000x128xf32, #tpu.memory_space<hbm>>
        %dma_start3A_357 = arith.constant 0 : i32
        %dma_start3A_358 = arith.constant 0 : i32
        %dma_start3A_359 = tpu.memref_slice %dma_start3A_356[%dma_start3A_357, %dma_start3A_358] : memref<10000x128xf32, #tpu.memory_space<hbm>> -> memref<10000x128xf32, #tpu.memory_space<hbm>>
        tpu.enqueue_indirect_dma source(%dma_start3A_359 : memref<10000x128xf32, #tpu.memory_space<hbm>>) target(%arg9 : memref<120x128xf32, #tpu.memory_space<vmem>>) offsets(%dma_start3A_352 : memref<120xi32, #tpu.memory_space<vmem>>) semaphore(%arg12 : memref<!tpu.dma_semaphore, #tpu.memory_space<semaphore_mem>>)
        %dma_wait3A_360 = arith.constant 7 : i32
        %dma_wait3A_361 = arith.constant 0 : i32
        %dma_wait3A_362 = tpu.memref_slice %arg8[%dma_wait3A_360, %dma_wait3A_361] : memref<12x120xi32, #tpu.memory_space<vmem>> -> memref<1x120xi32, #tpu.memory_space<vmem>>
        %dma_wait3A_363 = tpu.memref_squeeze %dma_wait3A_362 : memref<1x120xi32, #tpu.memory_space<vmem>> -> memref<120xi32, #tpu.memory_space<vmem>>
        %dma_wait3A_364 = arith.constant 0 : i32
        %dma_wait3A_365 = arith.constant 0 : i32
        %dma_wait3A_366 = tpu.memref_slice %arg6[%dma_wait3A_364, %dma_wait3A_365] : memref<10112x128xf32, #tpu.memory_space<vmem_shared>> -> memref<10112x128xf32, #tpu.memory_space<vmem_shared>>
        tpu.wait_indirect_dma semaphore(%arg16 : memref<!tpu.dma_semaphore, #tpu.memory_space<semaphore_mem>>) src(%arg10 : memref<120x128xf32, #tpu.memory_space<vmem>>) dst(%dma_wait3A_366 : memref<10112x128xf32, #tpu.memory_space<vmem_shared>>)
        %dma_start3A_367 = arith.constant 10 : i32
        %dma_start3A_368 = arith.constant 0 : i32
        %dma_start3A_369 = tpu.memref_slice %arg7[%dma_start3A_367, %dma_start3A_368] : memref<12x120xi32, #tpu.memory_space<vmem>> -> memref<1x120xi32, #tpu.memory_space<vmem>>
        %dma_start3A_370 = tpu.memref_squeeze %dma_start3A_369 : memref<1x120xi32, #tpu.memory_space<vmem>> -> memref<120xi32, #tpu.memory_space<vmem>>
        %dma_start3A_371 = arith.constant 0 : i32
        %dma_start3A_372 = arith.constant 0 : i32
        %dma_start3A_373 = tpu.memref_slice %arg2[%scan3A, %dma_start3A_371, %dma_start3A_372] : memref<2x10000x128xf32, #tpu.memory_space<hbm>> -> memref<1x10000x128xf32, #tpu.memory_space<hbm>>
        %dma_start3A_374 = tpu.memref_squeeze %dma_start3A_373 : memref<1x10000x128xf32, #tpu.memory_space<hbm>> -> memref<10000x128xf32, #tpu.memory_space<hbm>>
        %dma_start3A_375 = arith.constant 0 : i32
        %dma_start3A_376 = arith.constant 0 : i32
        %dma_start3A_377 = tpu.memref_slice %dma_start3A_374[%dma_start3A_375, %dma_start3A_376] : memref<10000x128xf32, #tpu.memory_space<hbm>> -> memref<10000x128xf32, #tpu.memory_space<hbm>>
        tpu.enqueue_indirect_dma source(%dma_start3A_377 : memref<10000x128xf32, #tpu.memory_space<hbm>>) target(%arg10 : memref<120x128xf32, #tpu.memory_space<vmem>>) offsets(%dma_start3A_370 : memref<120xi32, #tpu.memory_space<vmem>>) semaphore(%arg13 : memref<!tpu.dma_semaphore, #tpu.memory_space<semaphore_mem>>)
        %dma_wait3A_378 = arith.constant 8 : i32
        %dma_wait3A_379 = arith.constant 0 : i32
        %dma_wait3A_380 = tpu.memref_slice %arg8[%dma_wait3A_378, %dma_wait3A_379] : memref<12x120xi32, #tpu.memory_space<vmem>> -> memref<1x120xi32, #tpu.memory_space<vmem>>
        %dma_wait3A_381 = tpu.memref_squeeze %dma_wait3A_380 : memref<1x120xi32, #tpu.memory_space<vmem>> -> memref<120xi32, #tpu.memory_space<vmem>>
        %dma_wait3A_382 = arith.constant 0 : i32
        %dma_wait3A_383 = arith.constant 0 : i32
        %dma_wait3A_384 = tpu.memref_slice %arg6[%dma_wait3A_382, %dma_wait3A_383] : memref<10112x128xf32, #tpu.memory_space<vmem_shared>> -> memref<10112x128xf32, #tpu.memory_space<vmem_shared>>
        tpu.wait_indirect_dma semaphore(%arg17 : memref<!tpu.dma_semaphore, #tpu.memory_space<semaphore_mem>>) src(%arg11 : memref<120x128xf32, #tpu.memory_space<vmem>>) dst(%dma_wait3A_384 : memref<10112x128xf32, #tpu.memory_space<vmem_shared>>)
        %dma_start3A_385 = arith.constant 11 : i32
        %dma_start3A_386 = arith.constant 0 : i32
        %dma_start3A_387 = tpu.memref_slice %arg7[%dma_start3A_385, %dma_start3A_386] : memref<12x120xi32, #tpu.memory_space<vmem>> -> memref<1x120xi32, #tpu.memory_space<vmem>>
        %dma_start3A_388 = tpu.memref_squeeze %dma_start3A_387 : memref<1x120xi32, #tpu.memory_space<vmem>> -> memref<120xi32, #tpu.memory_space<vmem>>
        %dma_start3A_389 = arith.constant 0 : i32
        %dma_start3A_390 = arith.constant 0 : i32
        %dma_start3A_391 = tpu.memref_slice %arg2[%scan3A, %dma_start3A_389, %dma_start3A_390] : memref<2x10000x128xf32, #tpu.memory_space<hbm>> -> memref<1x10000x128xf32, #tpu.memory_space<hbm>>
        %dma_start3A_392 = tpu.memref_squeeze %dma_start3A_391 : memref<1x10000x128xf32, #tpu.memory_space<hbm>> -> memref<10000x128xf32, #tpu.memory_space<hbm>>
        %dma_start3A_393 = arith.constant 0 : i32
        %dma_start3A_394 = arith.constant 0 : i32
        %dma_start3A_395 = tpu.memref_slice %dma_start3A_392[%dma_start3A_393, %dma_start3A_394] : memref<10000x128xf32, #tpu.memory_space<hbm>> -> memref<10000x128xf32, #tpu.memory_space<hbm>>
        tpu.enqueue_indirect_dma source(%dma_start3A_395 : memref<10000x128xf32, #tpu.memory_space<hbm>>) target(%arg11 : memref<120x128xf32, #tpu.memory_space<vmem>>) offsets(%dma_start3A_388 : memref<120xi32, #tpu.memory_space<vmem>>) semaphore(%arg14 : memref<!tpu.dma_semaphore, #tpu.memory_space<semaphore_mem>>)
        %dma_wait3A_396 = arith.constant 9 : i32
        %dma_wait3A_397 = arith.constant 0 : i32
        %dma_wait3A_398 = tpu.memref_slice %arg7[%dma_wait3A_396, %dma_wait3A_397] : memref<12x120xi32, #tpu.memory_space<vmem>> -> memref<1x120xi32, #tpu.memory_space<vmem>>
        %dma_wait3A_399 = tpu.memref_squeeze %dma_wait3A_398 : memref<1x120xi32, #tpu.memory_space<vmem>> -> memref<120xi32, #tpu.memory_space<vmem>>
        %dma_wait3A_400 = arith.constant 0 : i32
        %dma_wait3A_401 = arith.constant 0 : i32
        %dma_wait3A_402 = tpu.memref_slice %arg2[%scan3A, %dma_wait3A_400, %dma_wait3A_401] : memref<2x10000x128xf32, #tpu.memory_space<hbm>> -> memref<1x10000x128xf32, #tpu.memory_space<hbm>>
        %dma_wait3A_403 = tpu.memref_squeeze %dma_wait3A_402 : memref<1x10000x128xf32, #tpu.memory_space<hbm>> -> memref<10000x128xf32, #tpu.memory_space<hbm>>
        %dma_wait3A_404 = arith.constant 0 : i32
        %dma_wait3A_405 = arith.constant 0 : i32
        %dma_wait3A_406 = tpu.memref_slice %dma_wait3A_403[%dma_wait3A_404, %dma_wait3A_405] : memref<10000x128xf32, #tpu.memory_space<hbm>> -> memref<10000x128xf32, #tpu.memory_space<hbm>>
        tpu.wait_indirect_dma semaphore(%arg12 : memref<!tpu.dma_semaphore, #tpu.memory_space<semaphore_mem>>) src(%dma_wait3A_406 : memref<10000x128xf32, #tpu.memory_space<hbm>>) dst(%arg9 : memref<120x128xf32, #tpu.memory_space<vmem>>)
        %dma_start3A_407 = arith.constant 9 : i32
        %dma_start3A_408 = arith.constant 0 : i32
        %dma_start3A_409 = tpu.memref_slice %arg8[%dma_start3A_407, %dma_start3A_408] : memref<12x120xi32, #tpu.memory_space<vmem>> -> memref<1x120xi32, #tpu.memory_space<vmem>>
        %dma_start3A_410 = tpu.memref_squeeze %dma_start3A_409 : memref<1x120xi32, #tpu.memory_space<vmem>> -> memref<120xi32, #tpu.memory_space<vmem>>
        %dma_start3A_411 = arith.constant 0 : i32
        %dma_start3A_412 = arith.constant 0 : i32
        %dma_start3A_413 = tpu.memref_slice %arg6[%dma_start3A_411, %dma_start3A_412] : memref<10112x128xf32, #tpu.memory_space<vmem_shared>> -> memref<10112x128xf32, #tpu.memory_space<vmem_shared>>
        tpu.enqueue_indirect_dma source(%arg9 : memref<120x128xf32, #tpu.memory_space<vmem>>) target(%dma_start3A_413 : memref<10112x128xf32, #tpu.memory_space<vmem_shared>>) offsets(%dma_start3A_410 : memref<120xi32, #tpu.memory_space<vmem>>) semaphore(%arg15 : memref<!tpu.dma_semaphore, #tpu.memory_space<semaphore_mem>>) {add = true}
        %dma_wait3A_414 = arith.constant 10 : i32
        %dma_wait3A_415 = arith.constant 0 : i32
        %dma_wait3A_416 = tpu.memref_slice %arg7[%dma_wait3A_414, %dma_wait3A_415] : memref<12x120xi32, #tpu.memory_space<vmem>> -> memref<1x120xi32, #tpu.memory_space<vmem>>
        %dma_wait3A_417 = tpu.memref_squeeze %dma_wait3A_416 : memref<1x120xi32, #tpu.memory_space<vmem>> -> memref<120xi32, #tpu.memory_space<vmem>>
        %dma_wait3A_418 = arith.constant 0 : i32
        %dma_wait3A_419 = arith.constant 0 : i32
        %dma_wait3A_420 = tpu.memref_slice %arg2[%scan3A, %dma_wait3A_418, %dma_wait3A_419] : memref<2x10000x128xf32, #tpu.memory_space<hbm>> -> memref<1x10000x128xf32, #tpu.memory_space<hbm>>
        %dma_wait3A_421 = tpu.memref_squeeze %dma_wait3A_420 : memref<1x10000x128xf32, #tpu.memory_space<hbm>> -> memref<10000x128xf32, #tpu.memory_space<hbm>>
        %dma_wait3A_422 = arith.constant 0 : i32
        %dma_wait3A_423 = arith.constant 0 : i32
        %dma_wait3A_424 = tpu.memref_slice %dma_wait3A_421[%dma_wait3A_422, %dma_wait3A_423] : memref<10000x128xf32, #tpu.memory_space<hbm>> -> memref<10000x128xf32, #tpu.memory_space<hbm>>
        tpu.wait_indirect_dma semaphore(%arg13 : memref<!tpu.dma_semaphore, #tpu.memory_space<semaphore_mem>>) src(%dma_wait3A_424 : memref<10000x128xf32, #tpu.memory_space<hbm>>) dst(%arg10 : memref<120x128xf32, #tpu.memory_space<vmem>>)
        %dma_start3A_425 = arith.constant 10 : i32
        %dma_start3A_426 = arith.constant 0 : i32
        %dma_start3A_427 = tpu.memref_slice %arg8[%dma_start3A_425, %dma_start3A_426] : memref<12x120xi32, #tpu.memory_space<vmem>> -> memref<1x120xi32, #tpu.memory_space<vmem>>
        %dma_start3A_428 = tpu.memref_squeeze %dma_start3A_427 : memref<1x120xi32, #tpu.memory_space<vmem>> -> memref<120xi32, #tpu.memory_space<vmem>>
        %dma_start3A_429 = arith.constant 0 : i32
        %dma_start3A_430 = arith.constant 0 : i32
        %dma_start3A_431 = tpu.memref_slice %arg6[%dma_start3A_429, %dma_start3A_430] : memref<10112x128xf32, #tpu.memory_space<vmem_shared>> -> memref<10112x128xf32, #tpu.memory_space<vmem_shared>>
        tpu.enqueue_indirect_dma source(%arg10 : memref<120x128xf32, #tpu.memory_space<vmem>>) target(%dma_start3A_431 : memref<10112x128xf32, #tpu.memory_space<vmem_shared>>) offsets(%dma_start3A_428 : memref<120xi32, #tpu.memory_space<vmem>>) semaphore(%arg16 : memref<!tpu.dma_semaphore, #tpu.memory_space<semaphore_mem>>) {add = true}
        %dma_wait3A_432 = arith.constant 11 : i32
        %dma_wait3A_433 = arith.constant 0 : i32
        %dma_wait3A_434 = tpu.memref_slice %arg7[%dma_wait3A_432, %dma_wait3A_433] : memref<12x120xi32, #tpu.memory_space<vmem>> -> memref<1x120xi32, #tpu.memory_space<vmem>>
        %dma_wait3A_435 = tpu.memref_squeeze %dma_wait3A_434 : memref<1x120xi32, #tpu.memory_space<vmem>> -> memref<120xi32, #tpu.memory_space<vmem>>
        %dma_wait3A_436 = arith.constant 0 : i32
        %dma_wait3A_437 = arith.constant 0 : i32
        %dma_wait3A_438 = tpu.memref_slice %arg2[%scan3A, %dma_wait3A_436, %dma_wait3A_437] : memref<2x10000x128xf32, #tpu.memory_space<hbm>> -> memref<1x10000x128xf32, #tpu.memory_space<hbm>>
        %dma_wait3A_439 = tpu.memref_squeeze %dma_wait3A_438 : memref<1x10000x128xf32, #tpu.memory_space<hbm>> -> memref<10000x128xf32, #tpu.memory_space<hbm>>
        %dma_wait3A_440 = arith.constant 0 : i32
        %dma_wait3A_441 = arith.constant 0 : i32
        %dma_wait3A_442 = tpu.memref_slice %dma_wait3A_439[%dma_wait3A_440, %dma_wait3A_441] : memref<10000x128xf32, #tpu.memory_space<hbm>> -> memref<10000x128xf32, #tpu.memory_space<hbm>>
        tpu.wait_indirect_dma semaphore(%arg14 : memref<!tpu.dma_semaphore, #tpu.memory_space<semaphore_mem>>) src(%dma_wait3A_442 : memref<10000x128xf32, #tpu.memory_space<hbm>>) dst(%arg11 : memref<120x128xf32, #tpu.memory_space<vmem>>)
        %dma_start3A_443 = arith.constant 11 : i32
        %dma_start3A_444 = arith.constant 0 : i32
        %dma_start3A_445 = tpu.memref_slice %arg8[%dma_start3A_443, %dma_start3A_444] : memref<12x120xi32, #tpu.memory_space<vmem>> -> memref<1x120xi32, #tpu.memory_space<vmem>>
        %dma_start3A_446 = tpu.memref_squeeze %dma_start3A_445 : memref<1x120xi32, #tpu.memory_space<vmem>> -> memref<120xi32, #tpu.memory_space<vmem>>
        %dma_start3A_447 = arith.constant 0 : i32
        %dma_start3A_448 = arith.constant 0 : i32
        %dma_start3A_449 = tpu.memref_slice %arg6[%dma_start3A_447, %dma_start3A_448] : memref<10112x128xf32, #tpu.memory_space<vmem_shared>> -> memref<10112x128xf32, #tpu.memory_space<vmem_shared>>
        tpu.enqueue_indirect_dma source(%arg11 : memref<120x128xf32, #tpu.memory_space<vmem>>) target(%dma_start3A_449 : memref<10112x128xf32, #tpu.memory_space<vmem_shared>>) offsets(%dma_start3A_446 : memref<120xi32, #tpu.memory_space<vmem>>) semaphore(%arg17 : memref<!tpu.dma_semaphore, #tpu.memory_space<semaphore_mem>>) {add = true}
        %dma_wait3A_450 = arith.constant 9 : i32
        %dma_wait3A_451 = arith.constant 0 : i32
        %dma_wait3A_452 = tpu.memref_slice %arg8[%dma_wait3A_450, %dma_wait3A_451] : memref<12x120xi32, #tpu.memory_space<vmem>> -> memref<1x120xi32, #tpu.memory_space<vmem>>
        %dma_wait3A_453 = tpu.memref_squeeze %dma_wait3A_452 : memref<1x120xi32, #tpu.memory_space<vmem>> -> memref<120xi32, #tpu.memory_space<vmem>>
        %dma_wait3A_454 = arith.constant 0 : i32
        %dma_wait3A_455 = arith.constant 0 : i32
        %dma_wait3A_456 = tpu.memref_slice %arg6[%dma_wait3A_454, %dma_wait3A_455] : memref<10112x128xf32, #tpu.memory_space<vmem_shared>> -> memref<10112x128xf32, #tpu.memory_space<vmem_shared>>
        tpu.wait_indirect_dma semaphore(%arg15 : memref<!tpu.dma_semaphore, #tpu.memory_space<semaphore_mem>>) src(%arg9 : memref<120x128xf32, #tpu.memory_space<vmem>>) dst(%dma_wait3A_456 : memref<10112x128xf32, #tpu.memory_space<vmem_shared>>)
        %dma_wait3A_457 = arith.constant 10 : i32
        %dma_wait3A_458 = arith.constant 0 : i32
        %dma_wait3A_459 = tpu.memref_slice %arg8[%dma_wait3A_457, %dma_wait3A_458] : memref<12x120xi32, #tpu.memory_space<vmem>> -> memref<1x120xi32, #tpu.memory_space<vmem>>
        %dma_wait3A_460 = tpu.memref_squeeze %dma_wait3A_459 : memref<1x120xi32, #tpu.memory_space<vmem>> -> memref<120xi32, #tpu.memory_space<vmem>>
        %dma_wait3A_461 = arith.constant 0 : i32
        %dma_wait3A_462 = arith.constant 0 : i32
        %dma_wait3A_463 = tpu.memref_slice %arg6[%dma_wait3A_461, %dma_wait3A_462] : memref<10112x128xf32, #tpu.memory_space<vmem_shared>> -> memref<10112x128xf32, #tpu.memory_space<vmem_shared>>
        tpu.wait_indirect_dma semaphore(%arg16 : memref<!tpu.dma_semaphore, #tpu.memory_space<semaphore_mem>>) src(%arg10 : memref<120x128xf32, #tpu.memory_space<vmem>>) dst(%dma_wait3A_463 : memref<10112x128xf32, #tpu.memory_space<vmem_shared>>)
        %dma_wait3A_464 = arith.constant 11 : i32
        %dma_wait3A_465 = arith.constant 0 : i32
        %dma_wait3A_466 = tpu.memref_slice %arg8[%dma_wait3A_464, %dma_wait3A_465] : memref<12x120xi32, #tpu.memory_space<vmem>> -> memref<1x120xi32, #tpu.memory_space<vmem>>
        %dma_wait3A_467 = tpu.memref_squeeze %dma_wait3A_466 : memref<1x120xi32, #tpu.memory_space<vmem>> -> memref<120xi32, #tpu.memory_space<vmem>>
        %dma_wait3A_468 = arith.constant 0 : i32
        %dma_wait3A_469 = arith.constant 0 : i32
        %dma_wait3A_470 = tpu.memref_slice %arg6[%dma_wait3A_468, %dma_wait3A_469] : memref<10112x128xf32, #tpu.memory_space<vmem_shared>> -> memref<10112x128xf32, #tpu.memory_space<vmem_shared>>
        tpu.wait_indirect_dma semaphore(%arg17 : memref<!tpu.dma_semaphore, #tpu.memory_space<semaphore_mem>>) src(%arg11 : memref<120x128xf32, #tpu.memory_space<vmem>>) dst(%dma_wait3A_470 : memref<10112x128xf32, #tpu.memory_space<vmem_shared>>)
      }
      %scan3A_23 = arith.constant 14 : i32
      %barrier3A_24 = arith.constant 0 : index
      tpu.barrier barrier_id(%barrier3A_24)
      %lt3A_25 = arith.constant 15 : i32
      %lt3A_26 = arith.cmpi slt, %arg1, %lt3A_25 : i32
      %convert_element_type3A_27 = arith.extui %lt3A_26 : i1 to i32
      %cond3A_28 = arith.constant 1 : i32
      %cond3A_29 = arith.constant 0 : i32
      %cond3A_30 = arith.cmpi ne, %convert_element_type3A_27, %cond3A_29 : i32
      scf.if %cond3A_30 {
        "tpu.region"() ({
          %run_scoped3A = tpu.sem_alloc : memref<!tpu.dma_semaphore, #tpu.memory_space<semaphore_mem>>
          %dma_start3A = arith.constant 0 : i32
          %dma_start3A_37 = arith.constant 0 : i32
          %dma_start3A_38 = tpu.memref_slice %arg5[%cond3A_28, %dma_start3A, %dma_start3A_37] : memref<2x10000x128xf32, #tpu.memory_space<hbm>> -> memref<1x10000x128xf32, #tpu.memory_space<hbm>>
          %dma_start3A_39 = tpu.memref_squeeze %dma_start3A_38 : memref<1x10000x128xf32, #tpu.memory_space<hbm>> -> memref<10000x128xf32, #tpu.memory_space<hbm>>
          %dma_start3A_40 = arith.constant 0 : i32
          %dma_start3A_41 = tpu.memref_slice %dma_start3A_39[%mul3A_0, %dma_start3A_40] : memref<10000x128xf32, #tpu.memory_space<hbm>> -> memref<632x128xf32, #tpu.memory_space<hbm>>
          %dma_start3A_42 = arith.constant 0 : i32
          %dma_start3A_43 = tpu.memref_slice %arg6[%mul3A_0, %dma_start3A_42] : memref<10112x128xf32, #tpu.memory_space<vmem_shared>> -> memref<632x128xf32, #tpu.memory_space<vmem_shared>>
          tpu.enqueue_dma source(%dma_start3A_43 : memref<632x128xf32, #tpu.memory_space<vmem_shared>>) target(%dma_start3A_41 : memref<632x128xf32, #tpu.memory_space<hbm>>) target_semaphore(%run_scoped3A : memref<!tpu.dma_semaphore, #tpu.memory_space<semaphore_mem>>)
          %dma_wait3A = arith.constant 0 : i32
          %dma_wait3A_44 = arith.constant 0 : i32
          %dma_wait3A_45 = tpu.memref_slice %arg5[%cond3A_28, %dma_wait3A, %dma_wait3A_44] : memref<2x10000x128xf32, #tpu.memory_space<hbm>> -> memref<1x10000x128xf32, #tpu.memory_space<hbm>>
          %dma_wait3A_46 = tpu.memref_squeeze %dma_wait3A_45 : memref<1x10000x128xf32, #tpu.memory_space<hbm>> -> memref<10000x128xf32, #tpu.memory_space<hbm>>
          %dma_wait3A_47 = arith.constant 0 : i32
          %dma_wait3A_48 = tpu.memref_slice %dma_wait3A_46[%mul3A_0, %dma_wait3A_47] : memref<10000x128xf32, #tpu.memory_space<hbm>> -> memref<632x128xf32, #tpu.memory_space<hbm>>
          %dma_wait3A_49 = arith.constant 0 : i32
          %dma_wait3A_50 = tpu.memref_slice %arg6[%mul3A_0, %dma_wait3A_49] : memref<10112x128xf32, #tpu.memory_space<vmem_shared>> -> memref<632x128xf32, #tpu.memory_space<vmem_shared>>
          tpu.wait_dma2 semaphore(%run_scoped3A : memref<!tpu.dma_semaphore, #tpu.memory_space<semaphore_mem>>) src(%dma_wait3A_50 : memref<632x128xf32, #tpu.memory_space<vmem_shared>>) dst(%dma_wait3A_48 : memref<632x128xf32, #tpu.memory_space<hbm>>)
          tpu.yield
        }) : () -> ()
      } else {
      }
      %eq3A_31 = arith.constant 15 : i32
      %eq3A_32 = arith.cmpi eq, %arg1, %eq3A_31 : i32
      %convert_element_type3A_33 = arith.extui %eq3A_32 : i1 to i32
      %cond3A_34 = arith.constant 1 : i32
      %cond3A_35 = arith.constant 0 : i32
      %cond3A_36 = arith.cmpi ne, %convert_element_type3A_33, %cond3A_35 : i32
      scf.if %cond3A_36 {
        "tpu.region"() ({
          %run_scoped3A = tpu.sem_alloc : memref<!tpu.dma_semaphore, #tpu.memory_space<semaphore_mem>>
          %dma_start3A = arith.constant 0 : i32
          %dma_start3A_37 = arith.constant 0 : i32
          %dma_start3A_38 = tpu.memref_slice %arg5[%cond3A_34, %dma_start3A, %dma_start3A_37] : memref<2x10000x128xf32, #tpu.memory_space<hbm>> -> memref<1x10000x128xf32, #tpu.memory_space<hbm>>
          %dma_start3A_39 = tpu.memref_squeeze %dma_start3A_38 : memref<1x10000x128xf32, #tpu.memory_space<hbm>> -> memref<10000x128xf32, #tpu.memory_space<hbm>>
          %dma_start3A_40 = arith.constant 9480 : i32
          %dma_start3A_41 = arith.constant 0 : i32
          %dma_start3A_42 = tpu.memref_slice %dma_start3A_39[%dma_start3A_40, %dma_start3A_41] : memref<10000x128xf32, #tpu.memory_space<hbm>> -> memref<520x128xf32, #tpu.memory_space<hbm>>
          %dma_start3A_43 = arith.constant 9480 : i32
          %dma_start3A_44 = arith.constant 0 : i32
          %dma_start3A_45 = tpu.memref_slice %arg6[%dma_start3A_43, %dma_start3A_44] : memref<10112x128xf32, #tpu.memory_space<vmem_shared>> -> memref<520x128xf32, #tpu.memory_space<vmem_shared>>
          tpu.enqueue_dma source(%dma_start3A_45 : memref<520x128xf32, #tpu.memory_space<vmem_shared>>) target(%dma_start3A_42 : memref<520x128xf32, #tpu.memory_space<hbm>>) target_semaphore(%run_scoped3A : memref<!tpu.dma_semaphore, #tpu.memory_space<semaphore_mem>>)
          %dma_wait3A = arith.constant 0 : i32
          %dma_wait3A_46 = arith.constant 0 : i32
          %dma_wait3A_47 = tpu.memref_slice %arg5[%cond3A_34, %dma_wait3A, %dma_wait3A_46] : memref<2x10000x128xf32, #tpu.memory_space<hbm>> -> memref<1x10000x128xf32, #tpu.memory_space<hbm>>
          %dma_wait3A_48 = tpu.memref_squeeze %dma_wait3A_47 : memref<1x10000x128xf32, #tpu.memory_space<hbm>> -> memref<10000x128xf32, #tpu.memory_space<hbm>>
          %dma_wait3A_49 = arith.constant 9480 : i32
          %dma_wait3A_50 = arith.constant 0 : i32
          %dma_wait3A_51 = tpu.memref_slice %dma_wait3A_48[%dma_wait3A_49, %dma_wait3A_50] : memref<10000x128xf32, #tpu.memory_space<hbm>> -> memref<520x128xf32, #tpu.memory_space<hbm>>
          %dma_wait3A_52 = arith.constant 9480 : i32
          %dma_wait3A_53 = arith.constant 0 : i32
          %dma_wait3A_54 = tpu.memref_slice %arg6[%dma_wait3A_52, %dma_wait3A_53] : memref<10112x128xf32, #tpu.memory_space<vmem_shared>> -> memref<520x128xf32, #tpu.memory_space<vmem_shared>>
          tpu.wait_dma2 semaphore(%run_scoped3A : memref<!tpu.dma_semaphore, #tpu.memory_space<semaphore_mem>>) src(%dma_wait3A_54 : memref<520x128xf32, #tpu.memory_space<vmem_shared>>) dst(%dma_wait3A_51 : memref<520x128xf32, #tpu.memory_space<hbm>>)
          tpu.yield
        }) : () -> ()
      } else {
      }
    } else {
    }
    return
  }
}

module attributes {stable_mosaic.version = 14 : i64} {
  func.func @body(%arg0: i32, %arg1: memref<1000x128xf32, #tpu.memory_space<vmem>>, %arg2: memref<128x256xf32, #tpu.memory_space<vmem>>, %arg3: memref<1000x256xf32, #tpu.memory_space<vmem>>) attributes {dimension_semantics = [#tpu.dimension_semantics<arbitrary>], iteration_bounds = array<i64: 10>, scalar_prefetch = 0 : i64, scratch_operands = 0 : i64, tpu.core_type = #tpu.core_type<tc>, window_params = [{transform_indices = @transform_0, window_bounds = array<i64: 1000, 128>}, {pipeline_mode = #tpu.pipeline_mode<synchronous>, transform_indices = @transform_1, window_bounds = array<i64: 128, 256>}, {transform_indices = @transform_2, window_bounds = array<i64: 1000, 256>}]} {
    %get3A = arith.constant 0 : index
    %get3A_0 = arith.constant 0 : index
    %get3A_1 = vector.load %arg1[%get3A, %get3A_0] : memref<1000x128xf32, #tpu.memory_space<vmem>>, vector<1000x128xf32>
    %get3A_2 = arith.constant 0 : index
    %get3A_3 = arith.constant 0 : index
    %get3A_4 = vector.load %arg2[%get3A_2, %get3A_3] : memref<128x256xf32, #tpu.memory_space<vmem>>, vector<128x256xf32>
    %dot_general3A = arith.constant dense<0.000000e+00> : vector<1000x256xf32>
    %dot_general3A_5 = tpu.matmul %get3A_1, %get3A_4, %dot_general3A {dimension_numbers = #tpu.dot_dimension_numbers<[1], [0], [0], [1], [0, 0, 1, 1], [], []>, precision = #tpu.contract_precision<fp32>, transpose_lhs_hint = false} : vector<1000x128xf32>, vector<128x256xf32>, vector<1000x256xf32> -> vector<1000x256xf32>
    %swap3A = arith.constant 0 : index
    %swap3A_6 = arith.constant 0 : index
    %swap3A_7 = vector.load %arg3[%swap3A, %swap3A_6] : memref<1000x256xf32, #tpu.memory_space<vmem>>, vector<1000x256xf32>
    tpu.vector_store %arg3[%swap3A, %swap3A_6], %dot_general3A_5 {strides = array<i32>} : memref<1000x256xf32, #tpu.memory_space<vmem>>, vector<1000x256xf32>,
    return
  }
  func.func @transform_0(%arg0: i32) -> (i32, i32) {
    %c0_i32 = arith.constant 0 : i32
    %c0_i32_0 = arith.constant 0 : i32
    return %arg0, %c0_i32 : i32, i32
  }
  func.func @transform_1(%arg0: i32) -> (i32, i32) {
    %c0_i32 = arith.constant 0 : i32
    %c0_i32_0 = arith.constant 0 : i32
    %c0_i32_1 = arith.constant 0 : i32
    return %c0_i32, %c0_i32_0 : i32, i32
  }
  func.func @transform_2(%arg0: i32) -> (i32, i32) {
    %c0_i32 = arith.constant 0 : i32
    %c0_i32_0 = arith.constant 0 : i32
    return %arg0, %c0_i32 : i32, i32
  }
}

module attributes {stable_mosaic.version = 14 : i64} {
  func.func @body(%arg0: i32, %arg1: memref<2x1000x128xf32, #tpu.memory_space<vmem>>, %arg2: memref<1000x256xf32, #tpu.memory_space<vmem>>, %arg3: memref<2x1000x128xf32, #tpu.memory_space<vmem>>) attributes {dimension_semantics = [#tpu.dimension_semantics<arbitrary>], iteration_bounds = array<i64: 10>, scalar_prefetch = 0 : i64, scratch_operands = 0 : i64, tpu.core_type = #tpu.core_type<tc>, window_params = [{transform_indices = @transform_0, window_bounds = array<i64: 2, 1000, 128>}, {transform_indices = @transform_1, window_bounds = array<i64: 1000, 256>}, {transform_indices = @transform_2, window_bounds = array<i64: 2, 1000, 128>}]} {
    %get3A = arith.constant 0 : index
    %get3A_0 = arith.constant 0 : index
    %get3A_1 = arith.constant 0 : index
    %get3A_2 = vector.load %arg1[%get3A, %get3A_0, %get3A_1] : memref<2x1000x128xf32, #tpu.memory_space<vmem>>, vector<2x1000x128xf32>
    %slice3A = vector.extract_strided_slice %get3A_2 {offsets = [0, 0, 0], sizes = [1, 1000, 1], strides = [1, 1, 1]} : vector<2x1000x128xf32> to vector<1x1000x1xf32>
    %squeeze3A = vector.shape_cast %slice3A : vector<1x1000x1xf32> to vector<1000x1xf32>
    %slice3A_3 = vector.extract_strided_slice %get3A_2 {offsets = [1, 0, 0], sizes = [1, 1000, 1], strides = [1, 1, 1]} : vector<2x1000x128xf32> to vector<1x1000x1xf32>
    %squeeze3A_4 = vector.shape_cast %slice3A_3 : vector<1x1000x1xf32> to vector<1000x1xf32>
    %add3A = arith.addf %squeeze3A, %squeeze3A_4 : vector<1000x1xf32>
    %add3A_5 = arith.constant 1.000000e+00 : f32
    %add3A_6 = vector.broadcast %add3A_5 : f32 to vector<1000x1xf32>
    %add3A_7 = arith.addf %add3A, %add3A_6 : vector<1000x1xf32>
    %rsqrt3A = math.rsqrt %add3A_7 : vector<1000x1xf32>
    %get3A_8 = arith.constant 0 : index
    %get3A_9 = arith.constant 0 : index
    %get3A_10 = vector.load %arg2[%get3A_8, %get3A_9] : memref<1000x256xf32, #tpu.memory_space<vmem>>, vector<1000x256xf32>
    %mul3A = vector.broadcast %rsqrt3A : vector<1000x1xf32> to vector<1000x256xf32>
    %mul3A_11 = arith.mulf %mul3A, %get3A_10 : vector<1000x256xf32>
    %slice3A_12 = vector.extract_strided_slice %mul3A_11 {offsets = [0, 0], sizes = [1000, 128], strides = [1, 1]} : vector<1000x256xf32> to vector<1000x128xf32>
    %swap3A = arith.constant 0 : index
    %swap3A_13 = arith.constant 0 : index
    %swap3A_14 = arith.constant 0 : index
    %swap3A_15 = vector.load %arg3[%swap3A, %swap3A_13, %swap3A_14] : memref<2x1000x128xf32, #tpu.memory_space<vmem>>, vector<1x1000x128xf32>
    %swap3A_16 = vector.shape_cast %swap3A_15 : vector<1x1000x128xf32> to vector<1000x128xf32>
    %swap3A_17 = vector.shape_cast %slice3A_12 : vector<1000x128xf32> to vector<1x1000x128xf32>
    tpu.vector_store %arg3[%swap3A, %swap3A_13, %swap3A_14], %swap3A_17 {strides = array<i32>} : memref<2x1000x128xf32, #tpu.memory_space<vmem>>, vector<1x1000x128xf32>,
    %slice3A_18 = vector.extract_strided_slice %mul3A_11 {offsets = [0, 128], sizes = [1000, 128], strides = [1, 1]} : vector<1000x256xf32> to vector<1000x128xf32>
    %swap3A_19 = arith.constant 1 : index
    %swap3A_20 = arith.constant 0 : index
    %swap3A_21 = arith.constant 0 : index
    %swap3A_22 = vector.load %arg3[%swap3A_19, %swap3A_20, %swap3A_21] : memref<2x1000x128xf32, #tpu.memory_space<vmem>>, vector<1x1000x128xf32>
    %swap3A_23 = vector.shape_cast %swap3A_22 : vector<1x1000x128xf32> to vector<1000x128xf32>
    %swap3A_24 = vector.shape_cast %slice3A_18 : vector<1000x128xf32> to vector<1x1000x128xf32>
    tpu.vector_store %arg3[%swap3A_19, %swap3A_20, %swap3A_21], %swap3A_24 {strides = array<i32>} : memref<2x1000x128xf32, #tpu.memory_space<vmem>>, vector<1x1000x128xf32>,
    return
  }
  func.func @transform_0(%arg0: i32) -> (i32, i32, i32) {
    %c0_i32 = arith.constant 0 : i32
    %c0_i32_0 = arith.constant 0 : i32
    %c0_i32_1 = arith.constant 0 : i32
    return %c0_i32, %arg0, %c0_i32_0 : i32, i32, i32
  }
  func.func @transform_1(%arg0: i32) -> (i32, i32) {
    %c0_i32 = arith.constant 0 : i32
    %c0_i32_0 = arith.constant 0 : i32
    return %arg0, %c0_i32 : i32, i32
  }
  func.func @transform_2(%arg0: i32) -> (i32, i32, i32) {
    %c0_i32 = arith.constant 0 : i32
    %c0_i32_0 = arith.constant 0 : i32
    %c0_i32_1 = arith.constant 0 : i32
    return %c0_i32, %arg0, %c0_i32_0 : i32, i32, i32
  }
}

module attributes {stable_mosaic.version = 14 : i64} {
  func.func @body(%arg0: i32, %arg1: memref<2x1000x128xf32, #tpu.memory_space<vmem>>, %arg2: memref<2x1000x128xf32, #tpu.memory_space<vmem>>, %arg3: memref<1x256xf32, #tpu.memory_space<vmem>>, %arg4: memref<256x256xf32, #tpu.memory_space<vmem>>, %arg5: memref<2x1000x128xf32, #tpu.memory_space<vmem>>) attributes {dimension_semantics = [#tpu.dimension_semantics<arbitrary>], iteration_bounds = array<i64: 10>, scalar_prefetch = 0 : i64, scratch_operands = 0 : i64, tpu.core_type = #tpu.core_type<tc>, window_params = [{transform_indices = @transform_0, window_bounds = array<i64: 2, 1000, 128>}, {transform_indices = @transform_1, window_bounds = array<i64: 2, 1000, 128>}, {pipeline_mode = #tpu.pipeline_mode<synchronous>, transform_indices = @transform_2, window_bounds = array<i64: 1, 256>}, {pipeline_mode = #tpu.pipeline_mode<synchronous>, transform_indices = @transform_3, window_bounds = array<i64: 256, 256>}, {transform_indices = @transform_4, window_bounds = array<i64: 2, 1000, 128>}]} {
    %get3A = arith.constant 0 : index
    %get3A_0 = arith.constant 0 : index
    %get3A_1 = arith.constant 0 : index
    %get3A_2 = vector.load %arg2[%get3A, %get3A_0, %get3A_1] : memref<2x1000x128xf32, #tpu.memory_space<vmem>>, vector<2x1000x128xf32>
    %slice3A = vector.extract_strided_slice %get3A_2 {offsets = [0, 0, 0], sizes = [1, 1000, 1], strides = [1, 1, 1]} : vector<2x1000x128xf32> to vector<1x1000x1xf32>
    %squeeze3A = vector.shape_cast %slice3A : vector<1x1000x1xf32> to vector<1000x1xf32>
    %slice3A_3 = vector.extract_strided_slice %get3A_2 {offsets = [1, 0, 0], sizes = [1, 1000, 1], strides = [1, 1, 1]} : vector<2x1000x128xf32> to vector<1x1000x1xf32>
    %squeeze3A_4 = vector.shape_cast %slice3A_3 : vector<1x1000x1xf32> to vector<1000x1xf32>
    %add3A = arith.addf %squeeze3A, %squeeze3A_4 : vector<1000x1xf32>
    %add3A_5 = arith.constant 1.000000e+00 : f32
    %add3A_6 = vector.broadcast %add3A_5 : f32 to vector<1000x1xf32>
    %add3A_7 = arith.addf %add3A, %add3A_6 : vector<1000x1xf32>
    %rsqrt3A = math.rsqrt %add3A_7 : vector<1000x1xf32>
    %get3A_8 = arith.constant 0 : index
    %get3A_9 = arith.constant 0 : index
    %get3A_10 = arith.constant 0 : index
    %get3A_11 = vector.load %arg1[%get3A_8, %get3A_9, %get3A_10] : memref<2x1000x128xf32, #tpu.memory_space<vmem>>, vector<2x1000x128xf32>
    %slice3A_12 = vector.extract_strided_slice %get3A_11 {offsets = [0, 0, 0], sizes = [1, 1000, 128], strides = [1, 1, 1]} : vector<2x1000x128xf32> to vector<1x1000x128xf32>
    %squeeze3A_13 = vector.shape_cast %slice3A_12 : vector<1x1000x128xf32> to vector<1000x128xf32>
    %slice3A_14 = vector.extract_strided_slice %get3A_11 {offsets = [1, 0, 0], sizes = [1, 1000, 128], strides = [1, 1, 1]} : vector<2x1000x128xf32> to vector<1x1000x128xf32>
    %squeeze3A_15 = vector.shape_cast %slice3A_14 : vector<1x1000x128xf32> to vector<1000x128xf32>
    %concatenate3A = tpu.concatenate %squeeze3A_13, %squeeze3A_15 in 1 : vector<1000x128xf32>, vector<1000x128xf32> -> vector<1000x256xf32>
    %mul3A = vector.broadcast %rsqrt3A : vector<1000x1xf32> to vector<1000x256xf32>
    %mul3A_16 = arith.mulf %mul3A, %concatenate3A : vector<1000x256xf32>
    %get3A_17 = arith.constant 0 : index
    %get3A_18 = arith.constant 0 : index
    %get3A_19 = vector.load %arg3[%get3A_17, %get3A_18] : memref<1x256xf32, #tpu.memory_space<vmem>>, vector<1x256xf32>
    %add3A_20 = vector.broadcast %get3A_19 : vector<1x256xf32> to vector<1000x256xf32>
    %add3A_21 = arith.addf %mul3A_16, %add3A_20 : vector<1000x256xf32>
    %max3A = arith.constant 0.000000e+00 : f32
    %max3A_22 = vector.broadcast %max3A : f32 to vector<1000x256xf32>
    %max3A_23 = arith.maximumf %add3A_21, %max3A_22 : vector<1000x256xf32>
    %get3A_24 = arith.constant 0 : index
    %get3A_25 = arith.constant 0 : index
    %get3A_26 = vector.load %arg4[%get3A_24, %get3A_25] : memref<256x256xf32, #tpu.memory_space<vmem>>, vector<256x256xf32>
    %dot_general3A = arith.constant dense<0.000000e+00> : vector<1000x256xf32>
    %dot_general3A_27 = tpu.matmul %max3A_23, %get3A_26, %dot_general3A {dimension_numbers = #tpu.dot_dimension_numbers<[1], [0], [0], [1], [0, 0, 1, 1], [], []>, precision = #tpu.contract_precision<fp32>, transpose_lhs_hint = false} : vector<1000x256xf32>, vector<256x256xf32>, vector<1000x256xf32> -> vector<1000x256xf32>
    %slice3A_28 = vector.extract_strided_slice %dot_general3A_27 {offsets = [0, 0], sizes = [1000, 128], strides = [1, 1]} : vector<1000x256xf32> to vector<1000x128xf32>
    %mul3A_29 = vector.broadcast %rsqrt3A : vector<1000x1xf32> to vector<1000x128xf32>
    %mul3A_30 = arith.mulf %mul3A_29, %slice3A_28 : vector<1000x128xf32>
    %swap3A = arith.constant 0 : index
    %swap3A_31 = arith.constant 0 : index
    %swap3A_32 = arith.constant 0 : index
    %swap3A_33 = vector.load %arg5[%swap3A, %swap3A_31, %swap3A_32] : memref<2x1000x128xf32, #tpu.memory_space<vmem>>, vector<1x1000x128xf32>
    %swap3A_34 = vector.shape_cast %swap3A_33 : vector<1x1000x128xf32> to vector<1000x128xf32>
    %swap3A_35 = vector.shape_cast %mul3A_30 : vector<1000x128xf32> to vector<1x1000x128xf32>
    tpu.vector_store %arg5[%swap3A, %swap3A_31, %swap3A_32], %swap3A_35 {strides = array<i32>} : memref<2x1000x128xf32, #tpu.memory_space<vmem>>, vector<1x1000x128xf32>,
    %slice3A_36 = vector.extract_strided_slice %dot_general3A_27 {offsets = [0, 128], sizes = [1000, 128], strides = [1, 1]} : vector<1000x256xf32> to vector<1000x128xf32>
    %mul3A_37 = vector.broadcast %rsqrt3A : vector<1000x1xf32> to vector<1000x128xf32>
    %mul3A_38 = arith.mulf %mul3A_37, %slice3A_36 : vector<1000x128xf32>
    %swap3A_39 = arith.constant 1 : index
    %swap3A_40 = arith.constant 0 : index
    %swap3A_41 = arith.constant 0 : index
    %swap3A_42 = vector.load %arg5[%swap3A_39, %swap3A_40, %swap3A_41] : memref<2x1000x128xf32, #tpu.memory_space<vmem>>, vector<1x1000x128xf32>
    %swap3A_43 = vector.shape_cast %swap3A_42 : vector<1x1000x128xf32> to vector<1000x128xf32>
    %swap3A_44 = vector.shape_cast %mul3A_38 : vector<1000x128xf32> to vector<1x1000x128xf32>
    tpu.vector_store %arg5[%swap3A_39, %swap3A_40, %swap3A_41], %swap3A_44 {strides = array<i32>} : memref<2x1000x128xf32, #tpu.memory_space<vmem>>, vector<1x1000x128xf32>,
    return
  }
  func.func @transform_0(%arg0: i32) -> (i32, i32, i32) {
    %c0_i32 = arith.constant 0 : i32
    %c0_i32_0 = arith.constant 0 : i32
    %c0_i32_1 = arith.constant 0 : i32
    return %c0_i32, %arg0, %c0_i32_0 : i32, i32, i32
  }
  func.func @transform_1(%arg0: i32) -> (i32, i32, i32) {
    %c0_i32 = arith.constant 0 : i32
    %c0_i32_0 = arith.constant 0 : i32
    %c0_i32_1 = arith.constant 0 : i32
    return %c0_i32, %arg0, %c0_i32_0 : i32, i32, i32
  }
  func.func @transform_2(%arg0: i32) -> (i32, i32) {
    %c0_i32 = arith.constant 0 : i32
    %c0_i32_0 = arith.constant 0 : i32
    %c0_i32_1 = arith.constant 0 : i32
    return %c0_i32, %c0_i32_0 : i32, i32
  }
  func.func @transform_3(%arg0: i32) -> (i32, i32) {
    %c0_i32 = arith.constant 0 : i32
    %c0_i32_0 = arith.constant 0 : i32
    %c0_i32_1 = arith.constant 0 : i32
    return %c0_i32, %c0_i32_0 : i32, i32
  }
  func.func @transform_4(%arg0: i32) -> (i32, i32, i32) {
    %c0_i32 = arith.constant 0 : i32
    %c0_i32_0 = arith.constant 0 : i32
    %c0_i32_1 = arith.constant 0 : i32
    return %c0_i32, %arg0, %c0_i32_0 : i32, i32, i32
  }
}

module attributes {stable_mosaic.version = 14 : i64} {
  func.func @body(%arg0: i32, %arg1: memref<2x1000x128xf32, #tpu.memory_space<vmem>>, %arg2: memref<2x1000x128xf32, #tpu.memory_space<vmem>>, %arg3: memref<1x128xf32, #tpu.memory_space<vmem>>, %arg4: memref<1x128xf32, #tpu.memory_space<vmem>>, %arg5: memref<128x128xf32, #tpu.memory_space<vmem>>, %arg6: memref<1x128xf32, #tpu.memory_space<vmem>>, %arg7: memref<1000x128xf32, #tpu.memory_space<vmem>>, %arg8: memref<1000x128xf32, #tpu.memory_space<vmem>>, %arg9: memref<1000x128xf32, #tpu.memory_space<vmem>>, %arg10: memref<1000x128xf32, #tpu.memory_space<vmem>>) attributes {dimension_semantics = [#tpu.dimension_semantics<arbitrary>], iteration_bounds = array<i64: 10>, scalar_prefetch = 0 : i64, scratch_operands = 0 : i64, tpu.core_type = #tpu.core_type<tc>, window_params = [{transform_indices = @transform_0, window_bounds = array<i64: 2, 1000, 128>}, {transform_indices = @transform_1, window_bounds = array<i64: 2, 1000, 128>}, {pipeline_mode = #tpu.pipeline_mode<synchronous>, transform_indices = @transform_2, window_bounds = array<i64: 1, 128>}, {pipeline_mode = #tpu.pipeline_mode<synchronous>, transform_indices = @transform_3, window_bounds = array<i64: 1, 128>}, {pipeline_mode = #tpu.pipeline_mode<synchronous>, transform_indices = @transform_4, window_bounds = array<i64: 128, 128>}, {pipeline_mode = #tpu.pipeline_mode<synchronous>, transform_indices = @transform_5, window_bounds = array<i64: 1, 128>}, {transform_indices = @transform_6, window_bounds = array<i64: 1000, 128>}, {transform_indices = @transform_7, window_bounds = array<i64: 1000, 128>}, {transform_indices = @transform_8, window_bounds = array<i64: 1000, 128>}, {transform_indices = @transform_9, window_bounds = array<i64: 1000, 128>}]} {
    %get3A = arith.constant 0 : index
    %get3A_0 = arith.constant 0 : index
    %get3A_1 = arith.constant 0 : index
    %get3A_2 = vector.load %arg2[%get3A, %get3A_0, %get3A_1] : memref<2x1000x128xf32, #tpu.memory_space<vmem>>, vector<2x1000x128xf32>
    %slice3A = vector.extract_strided_slice %get3A_2 {offsets = [0, 0, 0], sizes = [1, 1000, 1], strides = [1, 1, 1]} : vector<2x1000x128xf32> to vector<1x1000x1xf32>
    %squeeze3A = vector.shape_cast %slice3A : vector<1x1000x1xf32> to vector<1000x1xf32>
    %slice3A_3 = vector.extract_strided_slice %get3A_2 {offsets = [1, 0, 0], sizes = [1, 1000, 1], strides = [1, 1, 1]} : vector<2x1000x128xf32> to vector<1x1000x1xf32>
    %squeeze3A_4 = vector.shape_cast %slice3A_3 : vector<1x1000x1xf32> to vector<1000x1xf32>
    %add3A = arith.addf %squeeze3A, %squeeze3A_4 : vector<1000x1xf32>
    %add3A_5 = arith.constant 1.000000e+00 : f32
    %add3A_6 = vector.broadcast %add3A_5 : f32 to vector<1000x1xf32>
    %add3A_7 = arith.addf %add3A, %add3A_6 : vector<1000x1xf32>
    %rsqrt3A = math.rsqrt %add3A_7 : vector<1000x1xf32>
    %get3A_8 = arith.constant 0 : index
    %get3A_9 = arith.constant 0 : index
    %get3A_10 = arith.constant 0 : index
    %get3A_11 = vector.load %arg1[%get3A_8, %get3A_9, %get3A_10] : memref<2x1000x128xf32, #tpu.memory_space<vmem>>, vector<2x1000x128xf32>
    %slice3A_12 = vector.extract_strided_slice %get3A_11 {offsets = [0, 0, 0], sizes = [1, 1000, 128], strides = [1, 1, 1]} : vector<2x1000x128xf32> to vector<1x1000x128xf32>
    %squeeze3A_13 = vector.shape_cast %slice3A_12 : vector<1x1000x128xf32> to vector<1000x128xf32>
    %mul3A = vector.broadcast %rsqrt3A : vector<1000x1xf32> to vector<1000x128xf32>
    %mul3A_14 = arith.mulf %mul3A, %squeeze3A_13 : vector<1000x128xf32>
    %get3A_15 = arith.constant 0 : index
    %get3A_16 = arith.constant 0 : index
    %get3A_17 = vector.load %arg3[%get3A_15, %get3A_16] : memref<1x128xf32, #tpu.memory_space<vmem>>, vector<1x128xf32>
    %add3A_18 = vector.broadcast %get3A_17 : vector<1x128xf32> to vector<1000x128xf32>
    %add3A_19 = arith.addf %mul3A_14, %add3A_18 : vector<1000x128xf32>
    %slice3A_20 = vector.extract_strided_slice %get3A_11 {offsets = [1, 0, 0], sizes = [1, 1000, 128], strides = [1, 1, 1]} : vector<2x1000x128xf32> to vector<1x1000x128xf32>
    %squeeze3A_21 = vector.shape_cast %slice3A_20 : vector<1x1000x128xf32> to vector<1000x128xf32>
    %mul3A_22 = vector.broadcast %rsqrt3A : vector<1000x1xf32> to vector<1000x128xf32>
    %mul3A_23 = arith.mulf %mul3A_22, %squeeze3A_21 : vector<1000x128xf32>
    %get3A_24 = arith.constant 0 : index
    %get3A_25 = arith.constant 0 : index
    %get3A_26 = vector.load %arg4[%get3A_24, %get3A_25] : memref<1x128xf32, #tpu.memory_space<vmem>>, vector<1x128xf32>
    %add3A_27 = vector.broadcast %get3A_26 : vector<1x128xf32> to vector<1000x128xf32>
    %add3A_28 = arith.addf %mul3A_23, %add3A_27 : vector<1000x128xf32>
    %max3A = arith.constant 0.000000e+00 : f32
    %max3A_29 = vector.broadcast %max3A : f32 to vector<1000x128xf32>
    %max3A_30 = arith.maximumf %add3A_28, %max3A_29 : vector<1000x128xf32>
    %get3A_31 = arith.constant 0 : index
    %get3A_32 = arith.constant 0 : index
    %get3A_33 = vector.load %arg5[%get3A_31, %get3A_32] : memref<128x128xf32, #tpu.memory_space<vmem>>, vector<128x128xf32>
    %dot_general3A = arith.constant dense<0.000000e+00> : vector<1000x128xf32>
    %dot_general3A_34 = tpu.matmul %max3A_30, %get3A_33, %dot_general3A {dimension_numbers = #tpu.dot_dimension_numbers<[1], [0], [0], [1], [0, 0, 1, 1], [], []>, precision = #tpu.contract_precision<fp32>, transpose_lhs_hint = false} : vector<1000x128xf32>, vector<128x128xf32>, vector<1000x128xf32> -> vector<1000x128xf32>
    %get3A_35 = arith.constant 0 : index
    %get3A_36 = arith.constant 0 : index
    %get3A_37 = vector.load %arg6[%get3A_35, %get3A_36] : memref<1x128xf32, #tpu.memory_space<vmem>>, vector<1x128xf32>
    %add3A_38 = vector.broadcast %get3A_37 : vector<1x128xf32> to vector<1000x128xf32>
    %add3A_39 = arith.addf %dot_general3A_34, %add3A_38 : vector<1000x128xf32>
    %tanh3A = math.tanh %add3A_39 : vector<1000x128xf32>
    %swap3A = arith.constant 0 : index
    %swap3A_40 = arith.constant 0 : index
    %swap3A_41 = vector.load %arg8[%swap3A, %swap3A_40] : memref<1000x128xf32, #tpu.memory_space<vmem>>, vector<1000x128xf32>
    tpu.vector_store %arg8[%swap3A, %swap3A_40], %add3A_19 {strides = array<i32>} : memref<1000x128xf32, #tpu.memory_space<vmem>>, vector<1000x128xf32>,
    %swap3A_42 = arith.constant 0 : index
    %swap3A_43 = arith.constant 0 : index
    %swap3A_44 = vector.load %arg9[%swap3A_42, %swap3A_43] : memref<1000x128xf32, #tpu.memory_space<vmem>>, vector<1000x128xf32>
    tpu.vector_store %arg9[%swap3A_42, %swap3A_43], %tanh3A {strides = array<i32>} : memref<1000x128xf32, #tpu.memory_space<vmem>>, vector<1000x128xf32>,
    %get3A_45 = arith.constant 0 : index
    %get3A_46 = arith.constant 0 : index
    %get3A_47 = vector.load %arg7[%get3A_45, %get3A_46] : memref<1000x128xf32, #tpu.memory_space<vmem>>, vector<1000x128xf32>
    %mul3A_48 = arith.constant 5.000000e-01 : f32
    %mul3A_49 = vector.broadcast %mul3A_48 : f32 to vector<1000x128xf32>
    %mul3A_50 = arith.mulf %mul3A_49, %tanh3A : vector<1000x128xf32>
    %exp3A = math.exp %mul3A_50 : vector<1000x128xf32>
    %mul3A_51 = arith.mulf %get3A_47, %exp3A : vector<1000x128xf32>
    %add3A_52 = arith.addf %mul3A_51, %add3A_19 : vector<1000x128xf32>
    %swap3A_53 = arith.constant 0 : index
    %swap3A_54 = arith.constant 0 : index
    %swap3A_55 = vector.load %arg10[%swap3A_53, %swap3A_54] : memref<1000x128xf32, #tpu.memory_space<vmem>>, vector<1000x128xf32>
    tpu.vector_store %arg10[%swap3A_53, %swap3A_54], %add3A_52 {strides = array<i32>} : memref<1000x128xf32, #tpu.memory_space<vmem>>, vector<1000x128xf32>,
    return
  }
  func.func @transform_0(%arg0: i32) -> (i32, i32, i32) {
    %c0_i32 = arith.constant 0 : i32
    %c0_i32_0 = arith.constant 0 : i32
    %c0_i32_1 = arith.constant 0 : i32
    return %c0_i32, %arg0, %c0_i32_0 : i32, i32, i32
  }
  func.func @transform_1(%arg0: i32) -> (i32, i32, i32) {
    %c0_i32 = arith.constant 0 : i32
    %c0_i32_0 = arith.constant 0 : i32
    %c0_i32_1 = arith.constant 0 : i32
    return %c0_i32, %arg0, %c0_i32_0 : i32, i32, i32
  }
  func.func @transform_2(%arg0: i32) -> (i32, i32) {
    %c0_i32 = arith.constant 0 : i32
    %c0_i32_0 = arith.constant 0 : i32
    %c0_i32_1 = arith.constant 0 : i32
    return %c0_i32, %c0_i32_0 : i32, i32
  }
  func.func @transform_3(%arg0: i32) -> (i32, i32) {
    %c0_i32 = arith.constant 0 : i32
    %c0_i32_0 = arith.constant 0 : i32
    %c0_i32_1 = arith.constant 0 : i32
    return %c0_i32, %c0_i32_0 : i32, i32
  }
  func.func @transform_4(%arg0: i32) -> (i32, i32) {
    %c0_i32 = arith.constant 0 : i32
    %c0_i32_0 = arith.constant 0 : i32
    %c0_i32_1 = arith.constant 0 : i32
    return %c0_i32, %c0_i32_0 : i32, i32
  }
  func.func @transform_5(%arg0: i32) -> (i32, i32) {
    %c0_i32 = arith.constant 0 : i32
    %c0_i32_0 = arith.constant 0 : i32
    %c0_i32_1 = arith.constant 0 : i32
    return %c0_i32, %c0_i32_0 : i32, i32
  }
  func.func @transform_6(%arg0: i32) -> (i32, i32) {
    %c0_i32 = arith.constant 0 : i32
    %c0_i32_0 = arith.constant 0 : i32
    return %arg0, %c0_i32 : i32, i32
  }
  func.func @transform_7(%arg0: i32) -> (i32, i32) {
    %c0_i32 = arith.constant 0 : i32
    %c0_i32_0 = arith.constant 0 : i32
    return %arg0, %c0_i32 : i32, i32
  }
  func.func @transform_8(%arg0: i32) -> (i32, i32) {
    %c0_i32 = arith.constant 0 : i32
    %c0_i32_0 = arith.constant 0 : i32
    return %arg0, %c0_i32 : i32, i32
  }
  func.func @transform_9(%arg0: i32) -> (i32, i32) {
    %c0_i32 = arith.constant 0 : i32
    %c0_i32_0 = arith.constant 0 : i32
    return %arg0, %c0_i32 : i32, i32
  }
}

</mosaic_0001>

<sc_bundles>
// kernel: kernel.12.cloned.1.call-start
scs
__scs_entry_jumppad:
0x0: {  	(pc) =	sbr.rel $0x88, $3  }
0x1: {  	(tag) =	ssettag $0x0;
	lr =	simm.s32 $0x1  }
0x2: {  	[smem:$0x3F96] =	sst lr;
	_ =	strace $0xD0000000  }
0x3: {  	_ = 	snop  }
0x4: {  	_ = 	snop  }
0x5: {  	_ = 	snop  }
0x6: {  	_ = 	snop  }
0x7: {  	_ = 	snop  }
__scs_overlays_trampoline_lowered:
0x8: {  	[smem:$0x3FA5] =	sst s0  }
0x9: {  	[smem:$0x3FA6] =	sst s1  }
0xa: {  	[smem:$0x3FA7] =	sst s2  }
0xb: {  	[smem:$0x3FA8] =	sst s3  }
0xc: {  	[smem:$0x3FA9] =	sst s4  }
0xd: {  	[smem:$0x3FAA] =	sst s5  }
0xe: {  	[smem:$0x3FAB] =	sst s6  }
0xf: {  	[smem:$0x3FAC] =	sst s7  }
0x10: {  	[smem:$0x3FAD] =	sst s8  }
0x11: {  	[smem:$0x3FAE] =	sst s9;
	s0 =	simm.s32 @!p0 $0x0  }
0x12: {  	s1 =	sld [smem:$0x3F94];
	s0 =	simm.s32 @p0 $0x1  }
0x13: {  	[smem:$0x3FAF] =	sst s0;
	s0 =	simm.s32 @!p1 $0x0  }
0x14: {  	s2 =	sld [smem:$0x3F93];
	s0 =	simm.s32 @p1 $0x1  }
0x15: {  	[smem:$0x3FB0] =	sst s0;
	s0 =	simm.s32 @!p2 $0x0  }
0x16: {  	s3 =	sld [smem:$0x3FDB];
	s0 =	simm.s32 @p2 $0x1  }
0x17: {  	s4 =	simm.s32 $0x1BF5;
	[smem:$0x3FB2] =	sst s0  }
0x18: {  	s0 =	sld [smem:$0x3F95];
	_ =	swait.ge [sflag:s4], $0x0  }
0x19: {  	s7 =	sld [smem:$0x3F96]  }
0x1a: {  	s8 =	sadd.s32 $0xFFFFE003, lr  }
0x1b: {  	s9 =	sadd.s32 $0xFFFFFEF7, lr;
	s5 =	simm.s32 $0xFFFFFFFF;
	p2 =	slt.u32 s8, $0xFFFFF086  }
0x1c: {  	p1 =	slt.u32 s9, $0xF7A;
	s5 =	simm.s32 @!p2 $0x0  }
0x1d: {  	s5 =	simm.s32 @p1 $0x1;
	p0 =	seq.s32 s7, s2  }
0x1e: {  	s7 =	smul.u32 @!p0 $0xF7A, s2;
	p2 =	seq.s32 @!p0 s5, $0x0  }
0x1f: {  	s9 =	smul.u32 $0xF7A, s1;
	s8 =	simm.s32 @!p0 $0x1BF5;
	p2 =	por !p2, p0  }
0x20: {  	[sflag:s8] =	ssyncset.s32 @!p0 $0xFFFFF086;
	s6 =	sadd.s32 @!p0 s3, s7;
	s7 =	simm.s32 @!p0 $0x108  }
0x21: {  	s3 =	sadd.s32 s3, s9;
	s6 =	sadd.s32 @!p0 $0x88, s6;
	s7 =	simm.s32 @p2 $0x1082  }
0x22: {  	[simem:s7], [sflag:s8] =	dma.local @!p0 [hbm:s6], $0xF7A  }
0x23: {  	s9 =	sor.u32 $0xD0000000, s2;
	s6 =	simm.s32 $0x108;
	_ =	swait.ge @!p0 [sflag:s8], $0x0  }
0x24: {  	s3 =	sadd.s32 $0x88, s3;
	s6 =	simm.s32 @!p1 $0x1082;
	[sflag:s4] =	ssyncset.s32 $0xFFFFF086  }
0x25: {  	[simem:s6], [sflag:s4] =	dma.local [hbm:s3], $0xF7A  }
0x26: {  	[smem:$0x3F96] =	sst s1;
	(tag) =	ssettag s2;
	_ =	strace s9  }
0x27: {  	s1 =	sld [smem:$0x3FA6]  }
0x28: {  	s2 =	sld [smem:$0x3FA7]  }
0x29: {  	s4 =	sld [smem:$0x3FA9]  }
0x2a: {  	p0 =	seq.s32 s5, $0x0;
	s5 =	sld [smem:$0x3FAA]  }
0x2b: {  	s6 =	sld [smem:$0x3FAB]  }
0x2c: {  	s7 =	sld [smem:$0x3FAC]  }
0x2d: {  	s3 =	simm.s32 $0x108;
	s8 =	sld [smem:$0x3FAD]  }
0x2e: {  	s3 =	simm.s32 @!p0 $0x1082;
	s9 =	sld [smem:$0x3FAE]  }
0x2f: {  	lr =	sadd.s32 s0, s3;
	s0 =	sld [smem:$0x3FA5]  }
0x30: {  	s3 =	sld [smem:$0x3FA8]  }
0x31: {  	[smem:$0x3FB1] =	sst s10  }
0x32: {  	s10 =	sld [smem:$0x3FAF];
	_ =	sdelay $0x3  }
0x33: {  	p0 =	seq.s32 s10, $0x1;
	s10 =	sld [smem:$0x3FB1];
	_ =	sdelay $0x3  }
0x34: {  	[smem:$0x3FB1] =	sst s10  }
0x35: {  	s10 =	sld [smem:$0x3FB0];
	_ =	sdelay $0x3  }
0x36: {  	p1 =	seq.s32 s10, $0x1;
	s10 =	sld [smem:$0x3FB1];
	_ =	sdelay $0x3  }
0x37: {  	[smem:$0x3FB1] =	sst s10  }
0x38: {  	s10 =	sld [smem:$0x3FB2]  }
0x39: {  	_ = 	snop;
	(pc) =	sbr.ind lr, $3  }
0x3a: {  	_ = 	snop  }
0x3b: {  	_ = 	snop  }
0x3c: {  	p2 =	seq.s32 s10, $0x1;
	s10 =	sld [smem:$0x3FB1]  }
0x3d: {  	_ =	shalt  }
0x3e: {  	_ =	shalt  }
0x3f: {  	_ =	shalt  }
0x40: {  	_ =	shalt  }
0x41: {  	_ =	shalt  }
0x42: {  	_ =	shalt  }
0x43: {  	_ =	shalt  }
0x44: {  	_ =	shalt  }
0x45: {  	_ =	shalt  }
0x46: {  	_ =	shalt  }
0x47: {  	_ =	shalt  }
0x48: {  	_ =	shalt  }
0x49: {  	_ =	shalt  }
0x4a: {  	_ =	shalt  }
0x4b: {  	_ =	shalt  }
0x4c: {  	_ =	shalt  }
0x4d: {  	_ =	shalt  }
0x4e: {  	_ =	shalt  }
0x4f: {  	_ =	shalt  }
0x50: {  	_ =	shalt  }
0x51: {  	_ =	shalt  }
0x52: {  	_ =	shalt  }
0x53: {  	_ =	shalt  }
0x54: {  	_ =	shalt  }
0x55: {  	_ =	shalt  }
0x56: {  	_ =	shalt  }
0x57: {  	_ =	shalt  }
0x58: {  	_ =	shalt  }
0x59: {  	_ =	shalt  }
0x5a: {  	_ =	shalt  }
0x5b: {  	_ =	shalt  }
0x5c: {  	_ =	shalt  }
0x5d: {  	_ =	shalt  }
0x5e: {  	_ =	shalt  }
0x5f: {  	_ =	shalt  }
0x60: {  	_ =	shalt  }
0x61: {  	_ =	shalt  }
0x62: {  	_ =	shalt  }
0x63: {  	_ =	shalt  }
0x64: {  	_ =	shalt  }
0x65: {  	_ =	shalt  }
0x66: {  	_ =	shalt  }
0x67: {  	_ =	shalt  }
0x68: {  	_ =	shalt  }
0x69: {  	_ =	shalt  }
0x6a: {  	_ =	shalt  }
0x6b: {  	_ =	shalt  }
0x6c: {  	_ =	shalt  }
0x6d: {  	_ =	shalt  }
0x6e: {  	_ =	shalt  }
0x6f: {  	_ =	shalt  }
0x70: {  	_ =	shalt  }
0x71: {  	_ =	shalt  }
0x72: {  	_ =	shalt  }
0x73: {  	_ =	shalt  }
0x74: {  	_ =	shalt  }
0x75: {  	_ =	shalt  }
0x76: {  	_ =	shalt  }
0x77: {  	_ =	shalt  }
0x78: {  	_ =	shalt  }
0x79: {  	_ =	shalt  }
0x7a: {  	_ =	shalt  }
0x7b: {  	_ =	shalt  }
0x7c: {  	_ =	shalt  }
0x7d: {  	_ =	shalt  }
0x7e: {  	_ =	shalt  }
0x7f: {  	_ =	shalt  }
0x80: {  	_ =	shalt  }
0x81: {  	_ =	shalt  }
0x82: {  	_ =	shalt  }
0x83: {  	_ =	shalt  }
0x84: {  	_ =	shalt  }
0x85: {  	_ =	shalt  }
0x86: {  	_ =	shalt  }
0x87: {  	_ =	shalt  }
.Lfunc_end0:
.L_simem_size_0:
called_computation.1_lowered:
.L_overlay_start_0:
0x88: {  	s2 =	sld [smem:$0x3FD9]  }
0x89: {  	s3 =	sld [smem:$0x3FFE];
	_ =	sdelay $0x1  }
0x8a: {  	s1 =	srdreg.scid  }
0x8b: {  	s0 =	sand.u32 $0x1, s1  }
0x8c: {  	s14 =	sshll.u32 s0, $0xA;
	s2 =	sadd.s32 s3, s2  }
0x8d: {  	s2 =	sadd.s32 s2, s14  }
0x8e: {  	[smem:$0x3FBD] =	sst s2  }
0x8f: {  	_ = 	snop  }
0x90: {  	s2 =	sld [smem:$0x3FD0];
	_ =	sdelay $0x2  }
0x91: {  	s15 =	simm.s32 $0xA;
	s4 =	simm.s32 $0x10  }
0x92: {  	[smem:s4], [sflag:s15] =	dma.local [hbm:s2], $0x1  }
0x93: {  	_ =	swait.eq [sflag:s15], $0x1  }
0x94: {  	[sflag:s15] =	ssyncset.done $0x0  }
0x95: {  	s16 =	sld [smem:$0x11];
	[sflag:s15] =	ssyncadd.s32 $0xFFFFFFFF  }
0x96: {  	s17 =	sld [smem:$0x12];
	(tm) =	ssettm $0x1  }
0x97: {  	s18 =	sld [smem:$0x3FFB];
	_ =	sdelay $0x3  }
0x98: {  	_ =	strace s18  }
0x99: {  	s4 =	sld [smem:$0x3FFC];
	_ =	sdelay $0x3  }
0x9a: {  	_ =	strace s4  }
0x9b: {  	s4 =	sld [smem:$0x3FFD];
	_ =	sdelay $0x3  }
0x9c: {  	_ =	strace s4  }
0x9d: {  	_ =	strace $0x8FFFFFFF  }
0x9e: {  	s19 =	sld [smem:$0x3FDB];
	_ =	sdelay $0x1  }
0x9f: {  	s5 =	simm.s32 $_scs_section_size  }
0xa0: {  	s6 =	simm.s32 $_size__tile_overlayer_lowered;
	s7 =	simm.s32 $_tile_overlayer_lowered  }
0xa1: {  	s22 =	simm.s32 $0x1BFF;
	s21 =	sshll.u32 s7, $0x1;
	s4 =	sadd.s32 s5, s19  }
0xa2: {  	s8 =	simm.s32 $0x0;
	s20 =	sshll.u32 s6, $0x1;
	s6 =	sadd.s32 s21, s4  }
0xa3: {  	[timem:s8], [sflag:s22] =	dma.local [hbm:s6], s20  }
0xa4: {  	_ =	swait.ge [sflag:s22], s20  }
0xa5: {  	s5 =	ssub.s32 $0x0, s20;
	[sflag:s22] =	ssyncset.done $0x0  }
0xa6: {  	[sflag:s22] =	ssyncadd.s32 s5;
	_ =	sdelay $0x1  }
0xa7: {  	s23 =	simm.s32 $0x1B8B  }
0xa8: {  	_ =	swait.ge [sflag:s23], $0x1  }
0xa9: {  	[sflag:s23] =	ssyncset.done $0x0  }
0xaa: {  	s25 =	simm.s32 $0x1B8E;
	s24 =	sld [smem:$0x3FFE];
	[sflag:s23] =	ssyncadd.s32 $0xFFFFFFFF  }
0xab: {  	s26 =	simm.s32 $execute0_lowered;
	[smem:$0x3FD2] =	sst s25  }
0xac: {  	s6 =	sshll.u32 s26, $0x1;
	_ =	strace $0x80000049;
	[dreg:$0x1] =	wrdreg $0xFFFFFFFF  }
0xad: {  	s28 =	simm.s32 $_size_execute0_lowered;
	s4 =	sadd.s32 s4, s6;
	[dreg:$0x0] =	wrdreg $0x0  }
0xae: {  	s6 =	sshll.u32 s28, $0x1;
	[dreg:$0x2] =	wrdreg s4  }
0xaf: {  	[dreg:$0x3] =	wrdreg s6  }
0xb0: {  	[dreg:$0x4] =	wrdreg $0xC0  }
0xb1: {  	_ =	task [dreg:s8], $0x5FFFF  }
0xb2: {  	[dreg:$0x1] =	wrdreg $0xFFFFFFFF  }
0xb3: {  	[dreg:$0x0] =	wrdreg $0x60  }
0xb4: {  	[dreg:$0x2] =	wrdreg s24  }
0xb5: {  	[dreg:$0x3] =	wrdreg s17  }
0xb6: {  	[dreg:$0x4] =	wrdreg s16  }
0xb7: {  	[dreg:$0x5] =	wrdreg $0x0  }
0xb8: {  	[dreg:$0x6] =	wrdreg $0x9  }
0xb9: {  	_ =	task.clear_ibuf [dreg:s8], $0x7FFFF;
	_ =	strace $0x90000049  }
0xba: {  	s29 =	simm.s32 $0x9;
	_ =	strace $0x8000004B  }
0xbb: {  	_ =	swait.ge [sflag:s29], $0x1  }
0xbc: {  	[sflag:s29] =	ssyncadd.s32 $0xFFFFFFFF  }
0xbd: {  	_ =	strace $0x9000004B  }
0xbe: {  	_ =	sfence  }
0xbf: {  	s30 =	sld [smem:$0x0];
	_ =	sdelay $0x2  }
0xc0: {  	s31 =	sshll.u32 s1, $0xD;
	s1 =	sshrl.u32 s1, $0x2  }
0xc1: {  	s3 =	sand.u32 $0x4000, s31;
	s1 =	sadd.s32 s1, s30  }
0xc2: {  	s0 =	sor.u32 s3, s0;
	s1 =	sshll.u32 s1, $0x11  }
0xc3: {  	s0 =	sor.u32 s1, s0  }
0xc4: {  	s0 =	sadd.s32 $0x8F2B, s0  }
0xc5: {  	[sflag:s0] =	ssyncadd.remote.s32 $0x1  }
0xc6: {  	_ =	sfence.sel $0xFFFF  }
0xc7: {  	[dreg:$0x0] =	wrdreg $0xFFFFFFFF;
	(pc) =	sbr.abs _section_cstart, $3  }
0xc8: {  	[dreg:$0x1] =	wrdreg $0xFFFFFFFF  }
0xc9: {  	_ =	task.clear_ibuf [dreg:s8], $0x2FFFF;
	_ =	strace $0x9FFFFFFF  }
0xca: {  	(tm) =	ssettm $0x7FFFFFFF  }
0xcb: {  	_ =	shalt  }
tec
execute0_lowered:
.L_overlay_start_1:
0x0: {  	(tag) =	ssettag $0x1  }
0x1: {  	s0 =	rddreg [dreg:$0x0]  }
0x2: {  	s1 =	rddreg [dreg:$0x1]  }
0x3: {  	s4 =	rddreg [dreg:$0x2]  }
0x4: {  	s2 =	rddreg [dreg:$0x3];
	s5 =	srdreg.scid  }
0x5: {  	s3 =	simm.s32 $0x0;
	s13 =	stileid.u32;
	s29 =	simm.s32 $0x1C400  }
0x6: {  	s30 =	simm.s32 $0x1;
	s31 =	simm.s32 $0x2;
	s14 =	smul.u32 $0x2780, s13  }
0x7: {  	s17 =	simm.s32 $0x6;
	s6 =	sand.u32 $0x1, s5;
	s9 =	smul.u32 $0x4F000, s13  }
0x8: {  	[smem:$0x7FF] =	sst s3;
	s5 =	sadd.s32 $0x79C00, s0;
	s21 =	smul.u32 $0xE00, s13  }
0x9: {  	s11 =	sadd.s32 $0x128400, s2;
	s23 =	sadd.s32 $0x9EC80, s0;
	s25 =	sadd.s32 $0xECE80, s0  }
0xa: {  	s12 =	sadd.s32 $0xA0D00, s0;
	p1 =	seq.s32 s13, $0xF;
	s7 =	ssub.s32 $0x2, s6  }
0xb: {  	_ =	strace $0x8000004A;
	p0 =	seq.s32 s6, $0x1;
	[dreg:$0x7] =	wrdreg s23  }
0xc: {  	[dreg:$0x9] =	wrdreg s25;
	s25 =	sshrl.u32 @p1 s11, $0x3;
	s23 =	simm.s32 $0x78  }
0xd: {  	s11 =	simm.s32 $0x5;
	s8 =	sshrl.u32 s7, $0x1;
	s10 =	sadd.s32 s14, s0  }
0xe: {  	s20 =	sshrl.u32 s9, $0x2;
	s22 =	sadd.s32 s5, s14;
	s9 =	sadd.s32 s4, s21  }
0xf: {  	s0 =	sadd.s32 $0xEEF00, s0;
	[dreg:$0x5] =	wrdreg s14;
	s4 =	simm.s32 $0x0  }
0x10: {  	[dreg:$0xd] =	wrdreg s25;
	s7 =	ssub.s32 s7, s8;
	s6 =	sadd.s32 s20, s2  }
0x11: {  	[dreg:$0x6] =	wrdreg s22;
	s8 =	sadd.s32 s1, s21;
	s24 =	sadd.s32 $0xC7E00, s10  }
0x12: {  	[dreg:$0xa] =	wrdreg s0;
	s0 =	sadd.s32 @p1 $0x25080, s12;
	s1 =	sadd.s32 @!p1 s14, s12  }
0x13: {  	s20 =	simm.s32 $0x13C00;
	s21 =	simm.s32 $0x7;
	[dreg:$0x8] =	wrdreg s24  }
.Ltmp0:
0x14: {  	s22 =	simm.s32 $0x14400;
	[dreg:$0xc] =	wrdreg s0;
	(pc) =	sbr.rel .LBB2_1-.Ltmp0, $4  }
0x15: {  	s26 =	smax.u32 s7, $0x1;
	s0 =	sshll.u32 @!p1 s13, $0x6;
	[dreg:$0xe] =	wrdreg s1  }
0x16: {  	s28 =	sshrl.u32 @!p1 s6, $0x3;
	s24 =	simm.s32 $0x14C00;
	[dreg:$0xb] =	wrdreg s26  }
0x17: {  	s1 =	simm.s32 $0x3;
	s19 =	sor.u32 @!p1 $0x1C07, s0;
	[dreg:$0x10] =	wrdreg s28  }
0x18: {  	s7 =	simm.s32 $0x4;
	s26 =	simm.s32 $0x18800;
	[dreg:$0xf] =	wrdreg s19  }
.LBB2_7:
0x19: {  	s0 =	sadd.s32 s18, s8;
	[sflag:s17] =	ssyncadd.s32 $0xFFFFC400  }
0x1a: {  	[tilespmem:s20], [sflag:$0x7] =	stream.linear.gather [hbm4b:s0+s3], $0x600, $0x38;
	v63 =	vld [tilespmem:$0x0]  }
0x1b: {  	_ =	swait.ge [sflag:s21], $0x600  }
0x1c: {  	[sflag:s21] =	ssyncset.done $0x0  }
0x1d: {  	s25 =	sadd.s32 s18, s9;
	[sflag:s21] =	ssyncadd.s32 $0xFFFFFA00  }
0x1e: {  	[tilespmem:s22], [sflag:$0x7] =	stream.linear.gather [hbm4b:s25+s3], $0x600, $0x38;
	v63 =	vld [tilespmem:$0x0]  }
0x1f: {  	_ =	swait.ge [sflag:s21], $0x600  }
0x20: {  	[sflag:s21] =	ssyncset.done $0x0  }
0x21: {  	[sflag:s21] =	ssyncadd.s32 $0xFFFFFA00  }
0x22: {  	[tilespmem:s24], [sflag:$0x1] =	stream.indirect.gather [hbm4b:s12+s23], $0x80, s20, s23, $0xb8;
	v63 =	vld [tilespmem:$0x0]  }
0x23: {  	_ = 	snop  }
0x24: {  	[tilespmem:s26], [sflag:$0x2] =	stream.indirect.gather [hbm4b:s12+s23], $0x80, s28, s23, $0xb8;
	v63 =	vld [tilespmem:$0x0]  }
0x25: {  	_ = 	snop  }
0x26: {  	[tilespmem:s29], [sflag:$0x3] =	stream.indirect.gather [hbm4b:s12+s23], $0x80, s6, s23, $0xb8;
	v63 =	vld [tilespmem:$0x0]  }
0x27: {  	_ =	swait.ge [sflag:s30], $0x3C00  }
0x28: {  	[sflag:s30] =	ssyncset.done $0x0  }
0x29: {  	[sflag:s30] =	ssyncadd.s32 $0xFFFFC400  }
0x2a: {  	[spmem:s2] =	stream.indirect.scatter.add.f32 [tilespmem:s24], [sflag:$0x4], $0x80, s22, s23, $0xb8;
	v63 =	vld [tilespmem:$0x0]  }
0x2b: {  	_ =	swait.ge [sflag:s31], $0x3C00  }
0x2c: {  	[sflag:s31] =	ssyncset.done $0x0  }
0x2d: {  	[sflag:s31] =	ssyncadd.s32 $0xFFFFC400  }
0x2e: {  	[spmem:s2] =	stream.indirect.scatter.add.f32 [tilespmem:s26], [sflag:$0x5], $0x80, s10, s23, $0xb8;
	v63 =	vld [tilespmem:$0x0]  }
0x2f: {  	_ =	swait.ge [sflag:s1], $0x3C00  }
0x30: {  	[sflag:s1] =	ssyncset.done $0x0  }
0x31: {  	[sflag:s1] =	ssyncadd.s32 $0xFFFFC400  }
0x32: {  	[spmem:s2] =	stream.indirect.scatter.add.f32 [tilespmem:s29], [sflag:$0x6], $0x80, s15, s23, $0xb8;
	v63 =	vld [tilespmem:$0x0]  }
0x33: {  	_ =	swait.ge [sflag:s7], $0x3C00  }
0x34: {  	[sflag:s7] =	ssyncset.done $0x0  }
0x35: {  	[sflag:s7] =	ssyncadd.s32 $0xFFFFC400  }
0x36: {  	[tilespmem:s24], [sflag:$0x1] =	stream.indirect.gather [hbm4b:s12+s23], $0x80, s4, s23, $0xb8;
	v63 =	vld [tilespmem:$0x0]  }
0x37: {  	_ =	swait.ge [sflag:s11], $0x3C00  }
0x38: {  	[sflag:s11] =	ssyncset.done $0x0  }
0x39: {  	[sflag:s11] =	ssyncadd.s32 $0xFFFFC400  }
0x3a: {  	[tilespmem:s26], [sflag:$0x2] =	stream.indirect.gather [hbm4b:s12+s23], $0x80, s13, s23, $0xb8;
	v63 =	vld [tilespmem:$0x0]  }
0x3b: {  	_ =	swait.ge [sflag:s17], $0x3C00  }
0x3c: {  	[sflag:s17] =	ssyncset.done $0x0  }
0x3d: {  	[sflag:s17] =	ssyncadd.s32 $0xFFFFC400  }
0x3e: {  	[tilespmem:s29], [sflag:$0x3] =	stream.indirect.gather [hbm4b:s12+s23], $0x80, s14, s23, $0xb8;
	v63 =	vld [tilespmem:$0x0]  }
0x3f: {  	_ =	swait.ge [sflag:s30], $0x3C00  }
0x40: {  	[sflag:s30] =	ssyncset.done $0x0  }
0x41: {  	[sflag:s30] =	ssyncadd.s32 $0xFFFFC400  }
0x42: {  	[spmem:s2] =	stream.indirect.scatter.add.f32 [tilespmem:s24], [sflag:$0x4], $0x80, s16, s23, $0xb8;
	v63 =	vld [tilespmem:$0x0]  }
0x43: {  	_ =	swait.ge [sflag:s31], $0x3C00  }
0x44: {  	[sflag:s31] =	ssyncset.done $0x0  }
0x45: {  	s16 =	simm.s32 $0x14600;
	[sflag:s31] =	ssyncadd.s32 $0xFFFFC400  }
0x46: {  	[spmem:s2] =	stream.indirect.scatter.add.f32 [tilespmem:s26], [sflag:$0x5], $0x80, s16, s23, $0xb8;
	v63 =	vld [tilespmem:$0x0]  }
0x47: {  	_ =	swait.ge [sflag:s1], $0x3C00  }
0x48: {  	[sflag:s1] =	ssyncset.done $0x0  }
0x49: {  	s18 =	simm.s32 $0x14680;
	[sflag:s1] =	ssyncadd.s32 $0xFFFFC400  }
0x4a: {  	[spmem:s2] =	stream.indirect.scatter.add.f32 [tilespmem:s29], [sflag:$0x6], $0x80, s18, s23, $0xb8;
	v63 =	vld [tilespmem:$0x0]  }
0x4b: {  	_ =	swait.ge [sflag:s7], $0x3C00  }
0x4c: {  	[sflag:s7] =	ssyncset.done $0x0  }
0x4d: {  	s19 =	simm.s32 $0x13F00;
	[sflag:s7] =	ssyncadd.s32 $0xFFFFC400  }
0x4e: {  	[tilespmem:s24], [sflag:$0x1] =	stream.indirect.gather [hbm4b:s12+s23], $0x80, s19, s23, $0xb8;
	v63 =	vld [tilespmem:$0x0]  }
0x4f: {  	_ =	swait.ge [sflag:s11], $0x3C00  }
0x50: {  	[sflag:s11] =	ssyncset.done $0x0  }
0x51: {  	s25 =	simm.s32 $0x13F80;
	[sflag:s11] =	ssyncadd.s32 $0xFFFFC400  }
0x52: {  	[tilespmem:s26], [sflag:$0x2] =	stream.indirect.gather [hbm4b:s12+s23], $0x80, s25, s23, $0xb8;
	v63 =	vld [tilespmem:$0x0]  }
0x53: {  	_ =	swait.ge [sflag:s17], $0x3C00  }
0x54: {  	[sflag:s17] =	ssyncset.done $0x0  }
0x55: {  	s4 =	simm.s32 $0x14000;
	[sflag:s17] =	ssyncadd.s32 $0xFFFFC400  }
0x56: {  	[tilespmem:s29], [sflag:$0x3] =	stream.indirect.gather [hbm4b:s12+s23], $0x80, s4, s23, $0xb8;
	v63 =	vld [tilespmem:$0x0]  }
0x57: {  	_ =	swait.ge [sflag:s30], $0x3C00  }
0x58: {  	[sflag:s30] =	ssyncset.done $0x0  }
0x59: {  	s6 =	simm.s32 $0x14700;
	[sflag:s30] =	ssyncadd.s32 $0xFFFFC400  }
0x5a: {  	[spmem:s2] =	stream.indirect.scatter.add.f32 [tilespmem:s24], [sflag:$0x4], $0x80, s6, s23, $0xb8;
	v63 =	vld [tilespmem:$0x0]  }
0x5b: {  	_ =	swait.ge [sflag:s31], $0x3C00  }
0x5c: {  	[sflag:s31] =	ssyncset.done $0x0  }
0x5d: {  	s10 =	simm.s32 $0x14780;
	[sflag:s31] =	ssyncadd.s32 $0xFFFFC400  }
0x5e: {  	[spmem:s2] =	stream.indirect.scatter.add.f32 [tilespmem:s26], [sflag:$0x5], $0x80, s10, s23, $0xb8;
	v63 =	vld [tilespmem:$0x0]  }
0x5f: {  	_ =	swait.ge [sflag:s1], $0x3C00  }
0x60: {  	[sflag:s1] =	ssyncset.done $0x0  }
0x61: {  	s13 =	simm.s32 $0x14800;
	[sflag:s1] =	ssyncadd.s32 $0xFFFFC400  }
0x62: {  	[spmem:s2] =	stream.indirect.scatter.add.f32 [tilespmem:s29], [sflag:$0x6], $0x80, s13, s23, $0xb8;
	v63 =	vld [tilespmem:$0x0]  }
0x63: {  	_ =	swait.ge [sflag:s7], $0x3C00  }
0x64: {  	[sflag:s7] =	ssyncset.done $0x0  }
0x65: {  	s14 =	simm.s32 $0x14080;
	[sflag:s7] =	ssyncadd.s32 $0xFFFFC400  }
0x66: {  	[tilespmem:s24], [sflag:$0x1] =	stream.indirect.gather [hbm4b:s12+s23], $0x80, s14, s23, $0xb8;
	v63 =	vld [tilespmem:$0x0]  }
0x67: {  	_ =	swait.ge [sflag:s11], $0x3C00  }
0x68: {  	[sflag:s11] =	ssyncset.done $0x0  }
0x69: {  	s15 =	simm.s32 $0x14100;
	[sflag:s11] =	ssyncadd.s32 $0xFFFFC400  }
0x6a: {  	[tilespmem:s26], [sflag:$0x2] =	stream.indirect.gather [hbm4b:s12+s23], $0x80, s15, s23, $0xb8;
	v63 =	vld [tilespmem:$0x0]  }
0x6b: {  	_ =	swait.ge [sflag:s17], $0x3C00  }
0x6c: {  	[sflag:s17] =	ssyncset.done $0x0  }
0x6d: {  	s16 =	simm.s32 $0x14180;
	[sflag:s17] =	ssyncadd.s32 $0xFFFFC400  }
0x6e: {  	[tilespmem:s29], [sflag:$0x3] =	stream.indirect.gather [hbm4b:s12+s23], $0x80, s16, s23, $0xb8;
	v63 =	vld [tilespmem:$0x0]  }
0x6f: {  	_ =	swait.ge [sflag:s30], $0x3C00  }
0x70: {  	[sflag:s30] =	ssyncset.done $0x0  }
0x71: {  	s18 =	simm.s32 $0x14880;
	[sflag:s30] =	ssyncadd.s32 $0xFFFFC400  }
0x72: {  	[spmem:s2] =	stream.indirect.scatter.add.f32 [tilespmem:s24], [sflag:$0x4], $0x80, s18, s23, $0xb8;
	v63 =	vld [tilespmem:$0x0]  }
0x73: {  	_ =	swait.ge [sflag:s31], $0x3C00  }
0x74: {  	[sflag:s31] =	ssyncset.done $0x0  }
0x75: {  	s19 =	simm.s32 $0x14900;
	[sflag:s31] =	ssyncadd.s32 $0xFFFFC400  }
0x76: {  	[spmem:s2] =	stream.indirect.scatter.add.f32 [tilespmem:s26], [sflag:$0x5], $0x80, s19, s23, $0xb8;
	v63 =	vld [tilespmem:$0x0]  }
0x77: {  	_ =	swait.ge [sflag:s1], $0x3C00  }
0x78: {  	[sflag:s1] =	ssyncset.done $0x0  }
0x79: {  	s25 =	simm.s32 $0x14980;
	[sflag:s1] =	ssyncadd.s32 $0xFFFFC400  }
0x7a: {  	[spmem:s2] =	stream.indirect.scatter.add.f32 [tilespmem:s29], [sflag:$0x6], $0x80, s25, s23, $0xb8;
	v63 =	vld [tilespmem:$0x0]  }
0x7b: {  	_ =	swait.ge [sflag:s7], $0x3C00  }
0x7c: {  	[sflag:s7] =	ssyncset.done $0x0  }
0x7d: {  	[sflag:s7] =	ssyncadd.s32 $0xFFFFC400  }
0x7e: {  	_ =	swait.ge [sflag:s11], $0x3C00  }
0x7f: {  	[sflag:s11] =	ssyncset.done $0x0  }
0x80: {  	[sflag:s11] =	ssyncadd.s32 $0xFFFFC400  }
0x81: {  	_ =	swait.ge [sflag:s17], $0x3C00  }
0x82: {  	[sflag:s17] =	ssyncset.done $0x0  }
0x83: {  	[sflag:s17] =	ssyncadd.s32 $0xFFFFC400  }
0x84: {  	[bflag:$0x0] =	sbarrier.arrive $0xFFFF  }
0x85: {  	s19 =	rddreg [dreg:$0xa]  }
0x86: {  	s18 =	simm.s32 @p1 $0x1FC7;
	s25 =	rddreg [dreg:$0xd];
	s0 =	sadd.s32 @p1 $0x25080, s19  }
0x87: {  	[hbm:s0], [sflag:s18] =	dma.local @p1 [spmem:s25], $0x2080  }
0x88: {  	s0 =	simm.s32 @p1 $0x7  }
0x89: {  	_ =	swait.ge @p1 [sflag:s0], $0x2080  }
0x8a: {  	[sflag:s0] =	ssyncset.done @p1 $0x0;
	s28 =	rddreg [dreg:$0x10]  }
0x8b: {  	[sflag:s0] =	ssyncadd.s32 @p1 $0xFFFFDF80;
	s0 =	rddreg [dreg:$0x5]  }
0x8c: {  	s0 =	sadd.s32 @!p1 s0, s19;
	s19 =	rddreg [dreg:$0xf]  }
0x8d: {  	[hbm:s0], [sflag:s19] =	dma.local @!p1 [spmem:s28], $0x2780  }
0x8e: {  	s0 =	simm.s32 @!p1 $0x7  }
0x8f: {  	_ =	swait.ge @!p1 [sflag:s0], $0x2780  }
0x90: {  	[sflag:s0] =	ssyncset.done @!p1 $0x0  }
0x91: {  	s4 =	rddreg [dreg:$0x11];
	[sflag:s0] =	ssyncadd.s32 @!p1 $0xFFFFD880  }
.LBB2_8:
0x92: {  	s4 =	sadd.s32 $0x1, s4;
	s0 =	rddreg [dreg:$0xb]  }
0x93: {  	p2 =	sne.s32 s4, s0  }
.Ltmp1:
0x94: {  	_ = 	snop;
	(pc) =	sbr.rel @!p2 .LBB2_9-.Ltmp1, $1  }
0x95: {  	_ =	sdelay $0x3  }
.LBB2_1:
.Ltmp2:
0x96: {  	(pc) =	sbr.rel @!p0 .LBB2_2-.Ltmp2, $2  }
0x97: {  	_ =	sdelay $0x2  }
0x98: {  	[dreg:$0x11] =	wrdreg s4  }
0x99: {  	s0 =	simm.s32 @p1 $0x1FC7;
	s18 =	rddreg [dreg:$0xc]  }
0x9a: {  	[spmem:s25], [sflag:s0] =	dma.local @p1 [hbm:s18], $0x2080  }
0x9b: {  	s0 =	simm.s32 @p1 $0x7  }
0x9c: {  	_ =	swait.ge @p1 [sflag:s0], $0x2080  }
0x9d: {  	[sflag:s0] =	ssyncset.done @p1 $0x0  }
0x9e: {  	[sflag:s0] =	ssyncadd.s32 @p1 $0xFFFFDF80;
	s0 =	rddreg [dreg:$0xe]  }
0x9f: {  	[spmem:s28], [sflag:s19] =	dma.local @!p1 [hbm:s0], $0x2780  }
0xa0: {  	s0 =	simm.s32 @!p1 $0x7  }
0xa1: {  	_ =	swait.ge @!p1 [sflag:s0], $0x2780  }
0xa2: {  	[sflag:s0] =	ssyncset.done @!p1 $0x0  }
0xa3: {  	[sflag:s0] =	ssyncadd.s32 @!p1 $0xFFFFD880  }
0xa4: {  	s16 =	sadd.s32 $0x0, s8;
	[bflag:$0x0] =	sbarrier.arrive $0xFFFF  }
0xa5: {  	[tilespmem:s20], [sflag:$0x7] =	stream.linear.gather [hbm4b:s16+s3], $0x600, $0x38;
	v63 =	vld [tilespmem:$0x0]  }
0xa6: {  	_ =	swait.ge [sflag:s21], $0x600  }
0xa7: {  	[sflag:s21] =	ssyncset.done $0x0  }
0xa8: {  	s18 =	sadd.s32 $0x0, s9;
	[sflag:s21] =	ssyncadd.s32 $0xFFFFFA00  }
0xa9: {  	[tilespmem:s22], [sflag:$0x7] =	stream.linear.gather [hbm4b:s18+s3], $0x600, $0x38;
	v63 =	vld [tilespmem:$0x0]  }
0xaa: {  	_ =	swait.ge [sflag:s21], $0x600  }
0xab: {  	[sflag:s21] =	ssyncset.done $0x0  }
0xac: {  	[sflag:s21] =	ssyncadd.s32 $0xFFFFFA00  }
0xad: {  	[tilespmem:s24], [sflag:$0x1] =	stream.indirect.gather [hbm4b:s12+s23], $0x80, s20, s23, $0xb8;
	v63 =	vld [tilespmem:$0x0]  }
0xae: {  	s19 =	simm.s32 $0x13C80  }
0xaf: {  	[tilespmem:s26], [sflag:$0x2] =	stream.indirect.gather [hbm4b:s12+s23], $0x80, s19, s23, $0xb8;
	v63 =	vld [tilespmem:$0x0]  }
0xb0: {  	s6 =	simm.s32 $0x13D00  }
0xb1: {  	[tilespmem:s29], [sflag:$0x3] =	stream.indirect.gather [hbm4b:s12+s23], $0x80, s6, s23, $0xb8;
	v63 =	vld [tilespmem:$0x0]  }
0xb2: {  	_ =	swait.ge [sflag:s30], $0x3C00  }
0xb3: {  	[sflag:s30] =	ssyncset.done $0x0  }
0xb4: {  	[sflag:s30] =	ssyncadd.s32 $0xFFFFC400  }
0xb5: {  	[spmem:s2] =	stream.indirect.scatter.add.f32 [tilespmem:s24], [sflag:$0x4], $0x80, s22, s23, $0xb8;
	v63 =	vld [tilespmem:$0x0]  }
0xb6: {  	_ =	swait.ge [sflag:s31], $0x3C00  }
0xb7: {  	[sflag:s31] =	ssyncset.done $0x0  }
0xb8: {  	s10 =	simm.s32 $0x14480;
	[sflag:s31] =	ssyncadd.s32 $0xFFFFC400  }
0xb9: {  	[spmem:s2] =	stream.indirect.scatter.add.f32 [tilespmem:s26], [sflag:$0x5], $0x80, s10, s23, $0xb8;
	v63 =	vld [tilespmem:$0x0]  }
0xba: {  	_ =	swait.ge [sflag:s1], $0x3C00  }
0xbb: {  	[sflag:s1] =	ssyncset.done $0x0  }
0xbc: {  	s15 =	simm.s32 $0x14500;
	[sflag:s1] =	ssyncadd.s32 $0xFFFFC400  }
0xbd: {  	[spmem:s2] =	stream.indirect.scatter.add.f32 [tilespmem:s29], [sflag:$0x6], $0x80, s15, s23, $0xb8;
	v63 =	vld [tilespmem:$0x0]  }
0xbe: {  	_ =	swait.ge [sflag:s7], $0x3C00  }
0xbf: {  	[sflag:s7] =	ssyncset.done $0x0  }
0xc0: {  	s4 =	simm.s32 $0x13D80;
	[sflag:s7] =	ssyncadd.s32 $0xFFFFC400  }
0xc1: {  	[tilespmem:s24], [sflag:$0x1] =	stream.indirect.gather [hbm4b:s12+s23], $0x80, s4, s23, $0xb8;
	v63 =	vld [tilespmem:$0x0]  }
0xc2: {  	_ =	swait.ge [sflag:s11], $0x3C00  }
0xc3: {  	[sflag:s11] =	ssyncset.done $0x0  }
0xc4: {  	s13 =	simm.s32 $0x13E00;
	[sflag:s11] =	ssyncadd.s32 $0xFFFFC400  }
0xc5: {  	[tilespmem:s26], [sflag:$0x2] =	stream.indirect.gather [hbm4b:s12+s23], $0x80, s13, s23, $0xb8;
	v63 =	vld [tilespmem:$0x0]  }
0xc6: {  	_ =	swait.ge [sflag:s17], $0x3C00  }
0xc7: {  	[sflag:s17] =	ssyncset.done $0x0  }
0xc8: {  	s14 =	simm.s32 $0x13E80;
	[sflag:s17] =	ssyncadd.s32 $0xFFFFC400  }
0xc9: {  	[tilespmem:s29], [sflag:$0x3] =	stream.indirect.gather [hbm4b:s12+s23], $0x80, s14, s23, $0xb8;
	v63 =	vld [tilespmem:$0x0]  }
0xca: {  	_ =	swait.ge [sflag:s30], $0x3C00  }
0xcb: {  	[sflag:s30] =	ssyncset.done $0x0  }
0xcc: {  	s16 =	simm.s32 $0x14580;
	[sflag:s30] =	ssyncadd.s32 $0xFFFFC400  }
0xcd: {  	[spmem:s2] =	stream.indirect.scatter.add.f32 [tilespmem:s24], [sflag:$0x4], $0x80, s16, s23, $0xb8;
	v63 =	vld [tilespmem:$0x0]  }
0xce: {  	_ =	swait.ge [sflag:s31], $0x3C00  }
0xcf: {  	[sflag:s31] =	ssyncset.done $0x0  }
0xd0: {  	s25 =	simm.s32 $0x14600;
	[sflag:s31] =	ssyncadd.s32 $0xFFFFC400  }
0xd1: {  	[spmem:s2] =	stream.indirect.scatter.add.f32 [tilespmem:s26], [sflag:$0x5], $0x80, s25, s23, $0xb8;
	v63 =	vld [tilespmem:$0x0]  }
0xd2: {  	_ =	swait.ge [sflag:s1], $0x3C00  }
0xd3: {  	[sflag:s1] =	ssyncset.done $0x0  }
0xd4: {  	s28 =	simm.s32 $0x14680;
	[sflag:s1] =	ssyncadd.s32 $0xFFFFC400  }
0xd5: {  	[spmem:s2] =	stream.indirect.scatter.add.f32 [tilespmem:s29], [sflag:$0x6], $0x80, s28, s23, $0xb8;
	v63 =	vld [tilespmem:$0x0]  }
0xd6: {  	_ =	swait.ge [sflag:s7], $0x3C00  }
0xd7: {  	[sflag:s7] =	ssyncset.done $0x0  }
0xd8: {  	s18 =	simm.s32 $0x13F00;
	[sflag:s7] =	ssyncadd.s32 $0xFFFFC400  }
0xd9: {  	[tilespmem:s24], [sflag:$0x1] =	stream.indirect.gather [hbm4b:s12+s23], $0x80, s18, s23, $0xb8;
	v63 =	vld [tilespmem:$0x0]  }
0xda: {  	_ =	swait.ge [sflag:s11], $0x3C00  }
0xdb: {  	[sflag:s11] =	ssyncset.done $0x0  }
0xdc: {  	s19 =	simm.s32 $0x13F80;
	[sflag:s11] =	ssyncadd.s32 $0xFFFFC400  }
0xdd: {  	[tilespmem:s26], [sflag:$0x2] =	stream.indirect.gather [hbm4b:s12+s23], $0x80, s19, s23, $0xb8;
	v63 =	vld [tilespmem:$0x0]  }
0xde: {  	_ =	swait.ge [sflag:s17], $0x3C00  }
0xdf: {  	[sflag:s17] =	ssyncset.done $0x0  }
0xe0: {  	s25 =	simm.s32 $0x14000;
	[sflag:s17] =	ssyncadd.s32 $0xFFFFC400  }
0xe1: {  	[tilespmem:s29], [sflag:$0x3] =	stream.indirect.gather [hbm4b:s12+s23], $0x80, s25, s23, $0xb8;
	v63 =	vld [tilespmem:$0x0]  }
0xe2: {  	_ =	swait.ge [sflag:s30], $0x3C00  }
0xe3: {  	[sflag:s30] =	ssyncset.done $0x0  }
0xe4: {  	s28 =	simm.s32 $0x14700;
	[sflag:s30] =	ssyncadd.s32 $0xFFFFC400  }
0xe5: {  	[spmem:s2] =	stream.indirect.scatter.add.f32 [tilespmem:s24], [sflag:$0x4], $0x80, s28, s23, $0xb8;
	v63 =	vld [tilespmem:$0x0]  }
0xe6: {  	_ =	swait.ge [sflag:s31], $0x3C00  }
0xe7: {  	[sflag:s31] =	ssyncset.done $0x0  }
0xe8: {  	s18 =	simm.s32 $0x14780;
	[sflag:s31] =	ssyncadd.s32 $0xFFFFC400  }
0xe9: {  	[spmem:s2] =	stream.indirect.scatter.add.f32 [tilespmem:s26], [sflag:$0x5], $0x80, s18, s23, $0xb8;
	v63 =	vld [tilespmem:$0x0]  }
0xea: {  	_ =	swait.ge [sflag:s1], $0x3C00  }
0xeb: {  	[sflag:s1] =	ssyncset.done $0x0  }
0xec: {  	s19 =	simm.s32 $0x14800;
	[sflag:s1] =	ssyncadd.s32 $0xFFFFC400  }
0xed: {  	[spmem:s2] =	stream.indirect.scatter.add.f32 [tilespmem:s29], [sflag:$0x6], $0x80, s19, s23, $0xb8;
	v63 =	vld [tilespmem:$0x0]  }
0xee: {  	_ =	swait.ge [sflag:s7], $0x3C00  }
0xef: {  	[sflag:s7] =	ssyncset.done $0x0  }
0xf0: {  	s25 =	simm.s32 $0x14080;
	[sflag:s7] =	ssyncadd.s32 $0xFFFFC400  }
0xf1: {  	[tilespmem:s24], [sflag:$0x1] =	stream.indirect.gather [hbm4b:s12+s23], $0x80, s25, s23, $0xb8;
	v63 =	vld [tilespmem:$0x0]  }
0xf2: {  	_ =	swait.ge [sflag:s11], $0x3C00  }
0xf3: {  	[sflag:s11] =	ssyncset.done $0x0  }
0xf4: {  	s28 =	simm.s32 $0x14100;
	[sflag:s11] =	ssyncadd.s32 $0xFFFFC400  }
0xf5: {  	[tilespmem:s26], [sflag:$0x2] =	stream.indirect.gather [hbm4b:s12+s23], $0x80, s28, s23, $0xb8;
	v63 =	vld [tilespmem:$0x0]  }
0xf6: {  	_ =	swait.ge [sflag:s17], $0x3C00  }
0xf7: {  	[sflag:s17] =	ssyncset.done $0x0  }
0xf8: {  	s18 =	simm.s32 $0x14180;
	[sflag:s17] =	ssyncadd.s32 $0xFFFFC400  }
0xf9: {  	[tilespmem:s29], [sflag:$0x3] =	stream.indirect.gather [hbm4b:s12+s23], $0x80, s18, s23, $0xb8;
	v63 =	vld [tilespmem:$0x0]  }
0xfa: {  	_ =	swait.ge [sflag:s30], $0x3C00  }
0xfb: {  	[sflag:s30] =	ssyncset.done $0x0  }
0xfc: {  	s19 =	simm.s32 $0x14880;
	[sflag:s30] =	ssyncadd.s32 $0xFFFFC400  }
0xfd: {  	[spmem:s2] =	stream.indirect.scatter.add.f32 [tilespmem:s24], [sflag:$0x4], $0x80, s19, s23, $0xb8;
	v63 =	vld [tilespmem:$0x0]  }
0xfe: {  	_ =	swait.ge [sflag:s31], $0x3C00  }
0xff: {  	[sflag:s31] =	ssyncset.done $0x0  }
0x100: {  	s25 =	simm.s32 $0x14900;
	[sflag:s31] =	ssyncadd.s32 $0xFFFFC400  }
0x101: {  	[spmem:s2] =	stream.indirect.scatter.add.f32 [tilespmem:s26], [sflag:$0x5], $0x80, s25, s23, $0xb8;
	v63 =	vld [tilespmem:$0x0]  }
0x102: {  	_ =	swait.ge [sflag:s1], $0x3C00  }
0x103: {  	[sflag:s1] =	ssyncset.done $0x0  }
0x104: {  	s28 =	simm.s32 $0x14980;
	[sflag:s1] =	ssyncadd.s32 $0xFFFFC400  }
0x105: {  	[spmem:s2] =	stream.indirect.scatter.add.f32 [tilespmem:s29], [sflag:$0x6], $0x80, s28, s23, $0xb8;
	v63 =	vld [tilespmem:$0x0]  }
0x106: {  	_ =	swait.ge [sflag:s7], $0x3C00  }
0x107: {  	[sflag:s7] =	ssyncset.done $0x0  }
0x108: {  	[sflag:s7] =	ssyncadd.s32 $0xFFFFC400  }
0x109: {  	_ =	swait.ge [sflag:s11], $0x3C00  }
0x10a: {  	[sflag:s11] =	ssyncset.done $0x0  }
0x10b: {  	[sflag:s11] =	ssyncadd.s32 $0xFFFFC400  }
0x10c: {  	_ =	swait.ge [sflag:s17], $0x3C00  }
0x10d: {  	s18 =	simm.s32 $0x100;
	s25 =	simm.s32 $0x200;
	[sflag:s17] =	ssyncset.done $0x0  }
.LBB2_6:
0x10e: {  	s0 =	sadd.s32 s18, s8  }
0x10f: {  	[sflag:s17] =	ssyncadd.s32 $0xFFFFC400;
	s28 =	smov.u32 s25;
	s19 =	sadd.s32 $0x100, s25  }
0x110: {  	[tilespmem:s20], [sflag:$0x7] =	stream.linear.gather [hbm4b:s0+s3], $0x600, $0x38;
	v63 =	vld [tilespmem:$0x0]  }
0x111: {  	p2 =	sne.s32 s25, $0xD00;
	_ =	swait.ge [sflag:s21], $0x600  }
0x112: {  	s0 =	sadd.s32 s18, s9;
	[sflag:s21] =	ssyncset.done $0x0  }
0x113: {  	s18 =	smov.u32 s28;
	s28 =	simm.s32 $0x13C80;
	[sflag:s21] =	ssyncadd.s32 $0xFFFFFA00  }
0x114: {  	[tilespmem:s22], [sflag:$0x7] =	stream.linear.gather [hbm4b:s0+s3], $0x600, $0x38;
	v63 =	vld [tilespmem:$0x0]  }
0x115: {  	_ =	swait.ge [sflag:s21], $0x600  }
0x116: {  	[sflag:s21] =	ssyncset.done $0x0  }
0x117: {  	[sflag:s21] =	ssyncadd.s32 $0xFFFFFA00  }
0x118: {  	[tilespmem:s24], [sflag:$0x1] =	stream.indirect.gather [hbm4b:s12+s23], $0x80, s20, s23, $0xb8;
	v63 =	vld [tilespmem:$0x0]  }
0x119: {  	_ = 	snop  }
0x11a: {  	[tilespmem:s26], [sflag:$0x2] =	stream.indirect.gather [hbm4b:s12+s23], $0x80, s28, s23, $0xb8;
	v63 =	vld [tilespmem:$0x0]  }
0x11b: {  	_ = 	snop  }
0x11c: {  	[tilespmem:s29], [sflag:$0x3] =	stream.indirect.gather [hbm4b:s12+s23], $0x80, s6, s23, $0xb8;
	v63 =	vld [tilespmem:$0x0]  }
0x11d: {  	_ =	swait.ge [sflag:s30], $0x3C00  }
0x11e: {  	[sflag:s30] =	ssyncset.done $0x0  }
0x11f: {  	[sflag:s30] =	ssyncadd.s32 $0xFFFFC400  }
0x120: {  	[spmem:s2] =	stream.indirect.scatter.add.f32 [tilespmem:s24], [sflag:$0x4], $0x80, s22, s23, $0xb8;
	v63 =	vld [tilespmem:$0x0]  }
0x121: {  	_ =	swait.ge [sflag:s31], $0x3C00  }
0x122: {  	[sflag:s31] =	ssyncset.done $0x0  }
0x123: {  	[sflag:s31] =	ssyncadd.s32 $0xFFFFC400  }
0x124: {  	[spmem:s2] =	stream.indirect.scatter.add.f32 [tilespmem:s26], [sflag:$0x5], $0x80, s10, s23, $0xb8;
	v63 =	vld [tilespmem:$0x0]  }
0x125: {  	_ =	swait.ge [sflag:s1], $0x3C00  }
0x126: {  	[sflag:s1] =	ssyncset.done $0x0  }
0x127: {  	[sflag:s1] =	ssyncadd.s32 $0xFFFFC400  }
0x128: {  	[spmem:s2] =	stream.indirect.scatter.add.f32 [tilespmem:s29], [sflag:$0x6], $0x80, s15, s23, $0xb8;
	v63 =	vld [tilespmem:$0x0]  }
0x129: {  	_ =	swait.ge [sflag:s7], $0x3C00  }
0x12a: {  	[sflag:s7] =	ssyncset.done $0x0  }
0x12b: {  	[sflag:s7] =	ssyncadd.s32 $0xFFFFC400  }
0x12c: {  	[tilespmem:s24], [sflag:$0x1] =	stream.indirect.gather [hbm4b:s12+s23], $0x80, s4, s23, $0xb8;
	v63 =	vld [tilespmem:$0x0]  }
0x12d: {  	_ =	swait.ge [sflag:s11], $0x3C00  }
0x12e: {  	[sflag:s11] =	ssyncset.done $0x0  }
0x12f: {  	[sflag:s11] =	ssyncadd.s32 $0xFFFFC400  }
0x130: {  	[tilespmem:s26], [sflag:$0x2] =	stream.indirect.gather [hbm4b:s12+s23], $0x80, s13, s23, $0xb8;
	v63 =	vld [tilespmem:$0x0]  }
0x131: {  	_ =	swait.ge [sflag:s17], $0x3C00  }
0x132: {  	[sflag:s17] =	ssyncset.done $0x0  }
0x133: {  	[sflag:s17] =	ssyncadd.s32 $0xFFFFC400  }
0x134: {  	[tilespmem:s29], [sflag:$0x3] =	stream.indirect.gather [hbm4b:s12+s23], $0x80, s14, s23, $0xb8;
	v63 =	vld [tilespmem:$0x0]  }
0x135: {  	_ =	swait.ge [sflag:s30], $0x3C00  }
0x136: {  	[sflag:s30] =	ssyncset.done $0x0  }
0x137: {  	[sflag:s30] =	ssyncadd.s32 $0xFFFFC400  }
0x138: {  	[spmem:s2] =	stream.indirect.scatter.add.f32 [tilespmem:s24], [sflag:$0x4], $0x80, s16, s23, $0xb8;
	v63 =	vld [tilespmem:$0x0]  }
0x139: {  	_ =	swait.ge [sflag:s31], $0x3C00  }
0x13a: {  	[sflag:s31] =	ssyncset.done $0x0  }
0x13b: {  	s0 =	simm.s32 $0x14600;
	[sflag:s31] =	ssyncadd.s32 $0xFFFFC400  }
0x13c: {  	[spmem:s2] =	stream.indirect.scatter.add.f32 [tilespmem:s26], [sflag:$0x5], $0x80, s0, s23, $0xb8;
	v63 =	vld [tilespmem:$0x0]  }
0x13d: {  	_ =	swait.ge [sflag:s1], $0x3C00  }
0x13e: {  	[sflag:s1] =	ssyncset.done $0x0  }
0x13f: {  	s0 =	simm.s32 $0x14680;
	[sflag:s1] =	ssyncadd.s32 $0xFFFFC400  }
0x140: {  	[spmem:s2] =	stream.indirect.scatter.add.f32 [tilespmem:s29], [sflag:$0x6], $0x80, s0, s23, $0xb8;
	v63 =	vld [tilespmem:$0x0]  }
0x141: {  	_ =	swait.ge [sflag:s7], $0x3C00  }
0x142: {  	[sflag:s7] =	ssyncset.done $0x0  }
0x143: {  	s0 =	simm.s32 $0x13F00;
	[sflag:s7] =	ssyncadd.s32 $0xFFFFC400  }
0x144: {  	[tilespmem:s24], [sflag:$0x1] =	stream.indirect.gather [hbm4b:s12+s23], $0x80, s0, s23, $0xb8;
	v63 =	vld [tilespmem:$0x0]  }
0x145: {  	_ =	swait.ge [sflag:s11], $0x3C00  }
0x146: {  	[sflag:s11] =	ssyncset.done $0x0  }
0x147: {  	s0 =	simm.s32 $0x13F80;
	[sflag:s11] =	ssyncadd.s32 $0xFFFFC400  }
0x148: {  	[tilespmem:s26], [sflag:$0x2] =	stream.indirect.gather [hbm4b:s12+s23], $0x80, s0, s23, $0xb8;
	v63 =	vld [tilespmem:$0x0]  }
0x149: {  	_ =	swait.ge [sflag:s17], $0x3C00  }
0x14a: {  	[sflag:s17] =	ssyncset.done $0x0  }
0x14b: {  	s0 =	simm.s32 $0x14000;
	[sflag:s17] =	ssyncadd.s32 $0xFFFFC400  }
0x14c: {  	[tilespmem:s29], [sflag:$0x3] =	stream.indirect.gather [hbm4b:s12+s23], $0x80, s0, s23, $0xb8;
	v63 =	vld [tilespmem:$0x0]  }
0x14d: {  	_ =	swait.ge [sflag:s30], $0x3C00  }
0x14e: {  	[sflag:s30] =	ssyncset.done $0x0  }
0x14f: {  	s0 =	simm.s32 $0x14700;
	[sflag:s30] =	ssyncadd.s32 $0xFFFFC400  }
0x150: {  	[spmem:s2] =	stream.indirect.scatter.add.f32 [tilespmem:s24], [sflag:$0x4], $0x80, s0, s23, $0xb8;
	v63 =	vld [tilespmem:$0x0]  }
0x151: {  	_ =	swait.ge [sflag:s31], $0x3C00  }
0x152: {  	[sflag:s31] =	ssyncset.done $0x0  }
0x153: {  	s0 =	simm.s32 $0x14780;
	[sflag:s31] =	ssyncadd.s32 $0xFFFFC400  }
0x154: {  	[spmem:s2] =	stream.indirect.scatter.add.f32 [tilespmem:s26], [sflag:$0x5], $0x80, s0, s23, $0xb8;
	v63 =	vld [tilespmem:$0x0]  }
0x155: {  	_ =	swait.ge [sflag:s1], $0x3C00  }
0x156: {  	[sflag:s1] =	ssyncset.done $0x0  }
0x157: {  	s0 =	simm.s32 $0x14800;
	[sflag:s1] =	ssyncadd.s32 $0xFFFFC400  }
0x158: {  	[spmem:s2] =	stream.indirect.scatter.add.f32 [tilespmem:s29], [sflag:$0x6], $0x80, s0, s23, $0xb8;
	v63 =	vld [tilespmem:$0x0]  }
0x159: {  	_ =	swait.ge [sflag:s7], $0x3C00  }
0x15a: {  	[sflag:s7] =	ssyncset.done $0x0  }
0x15b: {  	s0 =	simm.s32 $0x14080;
	[sflag:s7] =	ssyncadd.s32 $0xFFFFC400  }
0x15c: {  	[tilespmem:s24], [sflag:$0x1] =	stream.indirect.gather [hbm4b:s12+s23], $0x80, s0, s23, $0xb8;
	v63 =	vld [tilespmem:$0x0]  }
0x15d: {  	_ =	swait.ge [sflag:s11], $0x3C00  }
0x15e: {  	[sflag:s11] =	ssyncset.done $0x0  }
0x15f: {  	s0 =	simm.s32 $0x14100;
	[sflag:s11] =	ssyncadd.s32 $0xFFFFC400  }
0x160: {  	[tilespmem:s26], [sflag:$0x2] =	stream.indirect.gather [hbm4b:s12+s23], $0x80, s0, s23, $0xb8;
	v63 =	vld [tilespmem:$0x0]  }
0x161: {  	_ =	swait.ge [sflag:s17], $0x3C00  }
0x162: {  	[sflag:s17] =	ssyncset.done $0x0  }
0x163: {  	s0 =	simm.s32 $0x14180;
	[sflag:s17] =	ssyncadd.s32 $0xFFFFC400  }
0x164: {  	[tilespmem:s29], [sflag:$0x3] =	stream.indirect.gather [hbm4b:s12+s23], $0x80, s0, s23, $0xb8;
	v63 =	vld [tilespmem:$0x0]  }
0x165: {  	_ =	swait.ge [sflag:s30], $0x3C00  }
0x166: {  	[sflag:s30] =	ssyncset.done $0x0  }
0x167: {  	s0 =	simm.s32 $0x14880;
	[sflag:s30] =	ssyncadd.s32 $0xFFFFC400  }
0x168: {  	[spmem:s2] =	stream.indirect.scatter.add.f32 [tilespmem:s24], [sflag:$0x4], $0x80, s0, s23, $0xb8;
	v63 =	vld [tilespmem:$0x0]  }
0x169: {  	_ =	swait.ge [sflag:s31], $0x3C00  }
0x16a: {  	[sflag:s31] =	ssyncset.done $0x0  }
0x16b: {  	s0 =	simm.s32 $0x14900;
	[sflag:s31] =	ssyncadd.s32 $0xFFFFC400  }
0x16c: {  	[spmem:s2] =	stream.indirect.scatter.add.f32 [tilespmem:s26], [sflag:$0x5], $0x80, s0, s23, $0xb8;
	v63 =	vld [tilespmem:$0x0]  }
0x16d: {  	_ =	swait.ge [sflag:s1], $0x3C00  }
0x16e: {  	[sflag:s1] =	ssyncset.done $0x0  }
0x16f: {  	s0 =	simm.s32 $0x14980;
	[sflag:s1] =	ssyncadd.s32 $0xFFFFC400  }
0x170: {  	[spmem:s2] =	stream.indirect.scatter.add.f32 [tilespmem:s29], [sflag:$0x6], $0x80, s0, s23, $0xb8;
	v63 =	vld [tilespmem:$0x0]  }
0x171: {  	_ =	swait.ge [sflag:s7], $0x3C00  }
0x172: {  	[sflag:s7] =	ssyncset.done $0x0  }
0x173: {  	[sflag:s7] =	ssyncadd.s32 $0xFFFFC400  }
.Ltmp3:
0x174: {  	_ =	swait.ge [sflag:s11], $0x3C00;
	(pc) =	sbr.rel @p2 .LBB2_6-.Ltmp3, $4  }
0x175: {  	[sflag:s11] =	ssyncset.done $0x0  }
0x176: {  	[sflag:s11] =	ssyncadd.s32 $0xFFFFC400  }
0x177: {  	_ =	swait.ge [sflag:s17], $0x3C00  }
0x178: {  	s25 =	smov.u32 s19;
	[sflag:s17] =	ssyncset.done $0x0  }
.Ltmp4:
0x179: {  	_ = 	snop;
	(pc) =	sbr.rel .LBB2_7-.Ltmp4, $1  }
0x17a: {  	_ =	sdelay $0x3  }
.LBB2_2:
0x17b: {  	s18 =	simm.s32 @p1 $0x1FC7;
	s0 =	rddreg [dreg:$0x7]  }
0x17c: {  	[spmem:s25], [sflag:s18] =	dma.local @p1 [hbm:s0], $0x2080  }
0x17d: {  	s18 =	simm.s32 @p1 $0x7  }
0x17e: {  	_ =	swait.ge @p1 [sflag:s18], $0x2080  }
0x17f: {  	[sflag:s18] =	ssyncset.done @p1 $0x0  }
0x180: {  	s0 =	rddreg [dreg:$0x6];
	[sflag:s18] =	ssyncadd.s32 @p1 $0xFFFFDF80;
	s18 =	simm.s32 @!p1 $0x7  }
0x181: {  	[spmem:s28], [sflag:s19] =	dma.local @!p1 [hbm:s0], $0x2780  }
0x182: {  	_ =	swait.ge @!p1 [sflag:s18], $0x2780  }
0x183: {  	[sflag:s18] =	ssyncset.done @!p1 $0x0  }
0x184: {  	[sflag:s18] =	ssyncadd.s32 @!p1 $0xFFFFD880  }
0x185: {  	s15 =	sadd.s32 $0x0, s8;
	[bflag:$0x0] =	sbarrier.arrive $0xFFFF  }
0x186: {  	[tilespmem:s20], [sflag:$0x7] =	stream.linear.gather [hbm4b:s15+s3], $0x600, $0x38;
	v63 =	vld [tilespmem:$0x0]  }
0x187: {  	_ =	swait.ge [sflag:s21], $0x600  }
0x188: {  	[sflag:s21] =	ssyncset.done $0x0  }
0x189: {  	s16 =	sadd.s32 $0x0, s9;
	[sflag:s21] =	ssyncadd.s32 $0xFFFFFA00  }
0x18a: {  	[tilespmem:s22], [sflag:$0x7] =	stream.linear.gather [hbm4b:s16+s3], $0x600, $0x38;
	v63 =	vld [tilespmem:$0x0]  }
0x18b: {  	_ =	swait.ge [sflag:s21], $0x600  }
0x18c: {  	[sflag:s21] =	ssyncset.done $0x0  }
0x18d: {  	[sflag:s21] =	ssyncadd.s32 $0xFFFFFA00  }
0x18e: {  	[tilespmem:s24], [sflag:$0x1] =	stream.indirect.gather [hbm4b:s5+s23], $0x80, s20, s23, $0xb8;
	v63 =	vld [tilespmem:$0x0]  }
0x18f: {  	s19 =	simm.s32 $0x13C80  }
0x190: {  	[tilespmem:s26], [sflag:$0x2] =	stream.indirect.gather [hbm4b:s5+s23], $0x80, s19, s23, $0xb8;
	v63 =	vld [tilespmem:$0x0]  }
0x191: {  	s6 =	simm.s32 $0x13D00  }
0x192: {  	[tilespmem:s29], [sflag:$0x3] =	stream.indirect.gather [hbm4b:s5+s23], $0x80, s6, s23, $0xb8;
	v63 =	vld [tilespmem:$0x0]  }
0x193: {  	_ =	swait.ge [sflag:s30], $0x3C00  }
0x194: {  	[sflag:s30] =	ssyncset.done $0x0  }
0x195: {  	[sflag:s30] =	ssyncadd.s32 $0xFFFFC400  }
0x196: {  	[spmem:s2] =	stream.indirect.scatter.add.f32 [tilespmem:s24], [sflag:$0x4], $0x80, s22, s23, $0xb8;
	v63 =	vld [tilespmem:$0x0]  }
0x197: {  	_ =	swait.ge [sflag:s31], $0x3C00  }
0x198: {  	[sflag:s31] =	ssyncset.done $0x0  }
0x199: {  	s10 =	simm.s32 $0x14480;
	[sflag:s31] =	ssyncadd.s32 $0xFFFFC400  }
0x19a: {  	[spmem:s2] =	stream.indirect.scatter.add.f32 [tilespmem:s26], [sflag:$0x5], $0x80, s10, s23, $0xb8;
	v63 =	vld [tilespmem:$0x0]  }
0x19b: {  	_ =	swait.ge [sflag:s1], $0x3C00  }
0x19c: {  	[sflag:s1] =	ssyncset.done $0x0  }
0x19d: {  	s15 =	simm.s32 $0x14500;
	[sflag:s1] =	ssyncadd.s32 $0xFFFFC400  }
0x19e: {  	[spmem:s2] =	stream.indirect.scatter.add.f32 [tilespmem:s29], [sflag:$0x6], $0x80, s15, s23, $0xb8;
	v63 =	vld [tilespmem:$0x0]  }
0x19f: {  	_ =	swait.ge [sflag:s7], $0x3C00  }
0x1a0: {  	[sflag:s7] =	ssyncset.done $0x0  }
0x1a1: {  	s4 =	simm.s32 $0x13D80;
	[sflag:s7] =	ssyncadd.s32 $0xFFFFC400  }
0x1a2: {  	[tilespmem:s24], [sflag:$0x1] =	stream.indirect.gather [hbm4b:s5+s23], $0x80, s4, s23, $0xb8;
	v63 =	vld [tilespmem:$0x0]  }
0x1a3: {  	_ =	swait.ge [sflag:s11], $0x3C00  }
0x1a4: {  	[sflag:s11] =	ssyncset.done $0x0  }
0x1a5: {  	s13 =	simm.s32 $0x13E00;
	[sflag:s11] =	ssyncadd.s32 $0xFFFFC400  }
0x1a6: {  	[tilespmem:s26], [sflag:$0x2] =	stream.indirect.gather [hbm4b:s5+s23], $0x80, s13, s23, $0xb8;
	v63 =	vld [tilespmem:$0x0]  }
0x1a7: {  	_ =	swait.ge [sflag:s17], $0x3C00  }
0x1a8: {  	[sflag:s17] =	ssyncset.done $0x0  }
0x1a9: {  	s14 =	simm.s32 $0x13E80;
	[sflag:s17] =	ssyncadd.s32 $0xFFFFC400  }
0x1aa: {  	[tilespmem:s29], [sflag:$0x3] =	stream.indirect.gather [hbm4b:s5+s23], $0x80, s14, s23, $0xb8;
	v63 =	vld [tilespmem:$0x0]  }
0x1ab: {  	_ =	swait.ge [sflag:s30], $0x3C00  }
0x1ac: {  	[sflag:s30] =	ssyncset.done $0x0  }
0x1ad: {  	s16 =	simm.s32 $0x14580;
	[sflag:s30] =	ssyncadd.s32 $0xFFFFC400  }
0x1ae: {  	[spmem:s2] =	stream.indirect.scatter.add.f32 [tilespmem:s24], [sflag:$0x4], $0x80, s16, s23, $0xb8;
	v63 =	vld [tilespmem:$0x0]  }
0x1af: {  	_ =	swait.ge [sflag:s31], $0x3C00  }
0x1b0: {  	[sflag:s31] =	ssyncset.done $0x0  }
0x1b1: {  	s25 =	simm.s32 $0x14600;
	[sflag:s31] =	ssyncadd.s32 $0xFFFFC400  }
0x1b2: {  	[spmem:s2] =	stream.indirect.scatter.add.f32 [tilespmem:s26], [sflag:$0x5], $0x80, s25, s23, $0xb8;
	v63 =	vld [tilespmem:$0x0]  }
0x1b3: {  	_ =	swait.ge [sflag:s1], $0x3C00  }
0x1b4: {  	[sflag:s1] =	ssyncset.done $0x0  }
0x1b5: {  	s28 =	simm.s32 $0x14680;
	[sflag:s1] =	ssyncadd.s32 $0xFFFFC400  }
0x1b6: {  	[spmem:s2] =	stream.indirect.scatter.add.f32 [tilespmem:s29], [sflag:$0x6], $0x80, s28, s23, $0xb8;
	v63 =	vld [tilespmem:$0x0]  }
0x1b7: {  	_ =	swait.ge [sflag:s7], $0x3C00  }
0x1b8: {  	[sflag:s7] =	ssyncset.done $0x0  }
0x1b9: {  	s18 =	simm.s32 $0x13F00;
	[sflag:s7] =	ssyncadd.s32 $0xFFFFC400  }
0x1ba: {  	[tilespmem:s24], [sflag:$0x1] =	stream.indirect.gather [hbm4b:s5+s23], $0x80, s18, s23, $0xb8;
	v63 =	vld [tilespmem:$0x0]  }
0x1bb: {  	_ =	swait.ge [sflag:s11], $0x3C00  }
0x1bc: {  	[sflag:s11] =	ssyncset.done $0x0  }
0x1bd: {  	s19 =	simm.s32 $0x13F80;
	[sflag:s11] =	ssyncadd.s32 $0xFFFFC400  }
0x1be: {  	[tilespmem:s26], [sflag:$0x2] =	stream.indirect.gather [hbm4b:s5+s23], $0x80, s19, s23, $0xb8;
	v63 =	vld [tilespmem:$0x0]  }
0x1bf: {  	_ =	swait.ge [sflag:s17], $0x3C00  }
0x1c0: {  	[sflag:s17] =	ssyncset.done $0x0  }
0x1c1: {  	s25 =	simm.s32 $0x14000;
	[sflag:s17] =	ssyncadd.s32 $0xFFFFC400  }
0x1c2: {  	[tilespmem:s29], [sflag:$0x3] =	stream.indirect.gather [hbm4b:s5+s23], $0x80, s25, s23, $0xb8;
	v63 =	vld [tilespmem:$0x0]  }
0x1c3: {  	_ =	swait.ge [sflag:s30], $0x3C00  }
0x1c4: {  	[sflag:s30] =	ssyncset.done $0x0  }
0x1c5: {  	s28 =	simm.s32 $0x14700;
	[sflag:s30] =	ssyncadd.s32 $0xFFFFC400  }
0x1c6: {  	[spmem:s2] =	stream.indirect.scatter.add.f32 [tilespmem:s24], [sflag:$0x4], $0x80, s28, s23, $0xb8;
	v63 =	vld [tilespmem:$0x0]  }
0x1c7: {  	_ =	swait.ge [sflag:s31], $0x3C00  }
0x1c8: {  	[sflag:s31] =	ssyncset.done $0x0  }
0x1c9: {  	s18 =	simm.s32 $0x14780;
	[sflag:s31] =	ssyncadd.s32 $0xFFFFC400  }
0x1ca: {  	[spmem:s2] =	stream.indirect.scatter.add.f32 [tilespmem:s26], [sflag:$0x5], $0x80, s18, s23, $0xb8;
	v63 =	vld [tilespmem:$0x0]  }
0x1cb: {  	_ =	swait.ge [sflag:s1], $0x3C00  }
0x1cc: {  	[sflag:s1] =	ssyncset.done $0x0  }
0x1cd: {  	s19 =	simm.s32 $0x14800;
	[sflag:s1] =	ssyncadd.s32 $0xFFFFC400  }
0x1ce: {  	[spmem:s2] =	stream.indirect.scatter.add.f32 [tilespmem:s29], [sflag:$0x6], $0x80, s19, s23, $0xb8;
	v63 =	vld [tilespmem:$0x0]  }
0x1cf: {  	_ =	swait.ge [sflag:s7], $0x3C00  }
0x1d0: {  	[sflag:s7] =	ssyncset.done $0x0  }
0x1d1: {  	s25 =	simm.s32 $0x14080;
	[sflag:s7] =	ssyncadd.s32 $0xFFFFC400  }
0x1d2: {  	[tilespmem:s24], [sflag:$0x1] =	stream.indirect.gather [hbm4b:s5+s23], $0x80, s25, s23, $0xb8;
	v63 =	vld [tilespmem:$0x0]  }
0x1d3: {  	_ =	swait.ge [sflag:s11], $0x3C00  }
0x1d4: {  	[sflag:s11] =	ssyncset.done $0x0  }
0x1d5: {  	s28 =	simm.s32 $0x14100;
	[sflag:s11] =	ssyncadd.s32 $0xFFFFC400  }
0x1d6: {  	[tilespmem:s26], [sflag:$0x2] =	stream.indirect.gather [hbm4b:s5+s23], $0x80, s28, s23, $0xb8;
	v63 =	vld [tilespmem:$0x0]  }
0x1d7: {  	_ =	swait.ge [sflag:s17], $0x3C00  }
0x1d8: {  	[sflag:s17] =	ssyncset.done $0x0  }
0x1d9: {  	s18 =	simm.s32 $0x14180;
	[sflag:s17] =	ssyncadd.s32 $0xFFFFC400  }
0x1da: {  	[tilespmem:s29], [sflag:$0x3] =	stream.indirect.gather [hbm4b:s5+s23], $0x80, s18, s23, $0xb8;
	v63 =	vld [tilespmem:$0x0]  }
0x1db: {  	_ =	swait.ge [sflag:s30], $0x3C00  }
0x1dc: {  	[sflag:s30] =	ssyncset.done $0x0  }
0x1dd: {  	s19 =	simm.s32 $0x14880;
	[sflag:s30] =	ssyncadd.s32 $0xFFFFC400  }
0x1de: {  	[spmem:s2] =	stream.indirect.scatter.add.f32 [tilespmem:s24], [sflag:$0x4], $0x80, s19, s23, $0xb8;
	v63 =	vld [tilespmem:$0x0]  }
0x1df: {  	_ =	swait.ge [sflag:s31], $0x3C00  }
0x1e0: {  	[sflag:s31] =	ssyncset.done $0x0  }
0x1e1: {  	s25 =	simm.s32 $0x14900;
	[sflag:s31] =	ssyncadd.s32 $0xFFFFC400  }
0x1e2: {  	[spmem:s2] =	stream.indirect.scatter.add.f32 [tilespmem:s26], [sflag:$0x5], $0x80, s25, s23, $0xb8;
	v63 =	vld [tilespmem:$0x0]  }
0x1e3: {  	_ =	swait.ge [sflag:s1], $0x3C00  }
0x1e4: {  	[sflag:s1] =	ssyncset.done $0x0  }
0x1e5: {  	s28 =	simm.s32 $0x14980;
	[sflag:s1] =	ssyncadd.s32 $0xFFFFC400  }
0x1e6: {  	[spmem:s2] =	stream.indirect.scatter.add.f32 [tilespmem:s29], [sflag:$0x6], $0x80, s28, s23, $0xb8;
	v63 =	vld [tilespmem:$0x0]  }
0x1e7: {  	_ =	swait.ge [sflag:s7], $0x3C00  }
0x1e8: {  	[sflag:s7] =	ssyncset.done $0x0  }
0x1e9: {  	[sflag:s7] =	ssyncadd.s32 $0xFFFFC400  }
0x1ea: {  	_ =	swait.ge [sflag:s11], $0x3C00  }
0x1eb: {  	[sflag:s11] =	ssyncset.done $0x0  }
0x1ec: {  	[sflag:s11] =	ssyncadd.s32 $0xFFFFC400  }
0x1ed: {  	_ =	swait.ge [sflag:s17], $0x3C00  }
0x1ee: {  	s18 =	simm.s32 $0x100;
	s19 =	simm.s32 $0x200;
	[sflag:s17] =	ssyncset.done $0x0  }
.LBB2_3:
0x1ef: {  	s28 =	sadd.s32 s18, s8  }
0x1f0: {  	[sflag:s17] =	ssyncadd.s32 $0xFFFFC400;
	s0 =	smov.u32 s19;
	s25 =	sadd.s32 $0x100, s19  }
0x1f1: {  	[tilespmem:s20], [sflag:$0x7] =	stream.linear.gather [hbm4b:s28+s3], $0x600, $0x38;
	v63 =	vld [tilespmem:$0x0]  }
0x1f2: {  	s28 =	simm.s32 $0x13C80  }
0x1f3: {  	p2 =	sne.s32 s19, $0xD00;
	_ =	swait.ge [sflag:s21], $0x600  }
0x1f4: {  	[sflag:s21] =	ssyncset.done $0x0  }
0x1f5: {  	s19 =	sadd.s32 s18, s9;
	s18 =	smov.u32 s0;
	[sflag:s21] =	ssyncadd.s32 $0xFFFFFA00  }
0x1f6: {  	[tilespmem:s22], [sflag:$0x7] =	stream.linear.gather [hbm4b:s19+s3], $0x600, $0x38;
	v63 =	vld [tilespmem:$0x0]  }
0x1f7: {  	_ =	swait.ge [sflag:s21], $0x600  }
0x1f8: {  	[sflag:s21] =	ssyncset.done $0x0  }
0x1f9: {  	[sflag:s21] =	ssyncadd.s32 $0xFFFFFA00  }
0x1fa: {  	[tilespmem:s24], [sflag:$0x1] =	stream.indirect.gather [hbm4b:s5+s23], $0x80, s20, s23, $0xb8;
	v63 =	vld [tilespmem:$0x0]  }
0x1fb: {  	_ = 	snop  }
0x1fc: {  	[tilespmem:s26], [sflag:$0x2] =	stream.indirect.gather [hbm4b:s5+s23], $0x80, s28, s23, $0xb8;
	v63 =	vld [tilespmem:$0x0]  }
0x1fd: {  	_ = 	snop  }
0x1fe: {  	[tilespmem:s29], [sflag:$0x3] =	stream.indirect.gather [hbm4b:s5+s23], $0x80, s6, s23, $0xb8;
	v63 =	vld [tilespmem:$0x0]  }
0x1ff: {  	_ =	swait.ge [sflag:s30], $0x3C00  }
0x200: {  	[sflag:s30] =	ssyncset.done $0x0  }
0x201: {  	[sflag:s30] =	ssyncadd.s32 $0xFFFFC400  }
0x202: {  	[spmem:s2] =	stream.indirect.scatter.add.f32 [tilespmem:s24], [sflag:$0x4], $0x80, s22, s23, $0xb8;
	v63 =	vld [tilespmem:$0x0]  }
0x203: {  	_ =	swait.ge [sflag:s31], $0x3C00  }
0x204: {  	[sflag:s31] =	ssyncset.done $0x0  }
0x205: {  	[sflag:s31] =	ssyncadd.s32 $0xFFFFC400  }
0x206: {  	[spmem:s2] =	stream.indirect.scatter.add.f32 [tilespmem:s26], [sflag:$0x5], $0x80, s10, s23, $0xb8;
	v63 =	vld [tilespmem:$0x0]  }
0x207: {  	_ =	swait.ge [sflag:s1], $0x3C00  }
0x208: {  	[sflag:s1] =	ssyncset.done $0x0  }
0x209: {  	[sflag:s1] =	ssyncadd.s32 $0xFFFFC400  }
0x20a: {  	[spmem:s2] =	stream.indirect.scatter.add.f32 [tilespmem:s29], [sflag:$0x6], $0x80, s15, s23, $0xb8;
	v63 =	vld [tilespmem:$0x0]  }
0x20b: {  	_ =	swait.ge [sflag:s7], $0x3C00  }
0x20c: {  	[sflag:s7] =	ssyncset.done $0x0  }
0x20d: {  	[sflag:s7] =	ssyncadd.s32 $0xFFFFC400  }
0x20e: {  	[tilespmem:s24], [sflag:$0x1] =	stream.indirect.gather [hbm4b:s5+s23], $0x80, s4, s23, $0xb8;
	v63 =	vld [tilespmem:$0x0]  }
0x20f: {  	_ =	swait.ge [sflag:s11], $0x3C00  }
0x210: {  	[sflag:s11] =	ssyncset.done $0x0  }
0x211: {  	[sflag:s11] =	ssyncadd.s32 $0xFFFFC400  }
0x212: {  	[tilespmem:s26], [sflag:$0x2] =	stream.indirect.gather [hbm4b:s5+s23], $0x80, s13, s23, $0xb8;
	v63 =	vld [tilespmem:$0x0]  }
0x213: {  	_ =	swait.ge [sflag:s17], $0x3C00  }
0x214: {  	[sflag:s17] =	ssyncset.done $0x0  }
0x215: {  	[sflag:s17] =	ssyncadd.s32 $0xFFFFC400  }
0x216: {  	[tilespmem:s29], [sflag:$0x3] =	stream.indirect.gather [hbm4b:s5+s23], $0x80, s14, s23, $0xb8;
	v63 =	vld [tilespmem:$0x0]  }
0x217: {  	_ =	swait.ge [sflag:s30], $0x3C00  }
0x218: {  	[sflag:s30] =	ssyncset.done $0x0  }
0x219: {  	[sflag:s30] =	ssyncadd.s32 $0xFFFFC400  }
0x21a: {  	[spmem:s2] =	stream.indirect.scatter.add.f32 [tilespmem:s24], [sflag:$0x4], $0x80, s16, s23, $0xb8;
	v63 =	vld [tilespmem:$0x0]  }
0x21b: {  	_ =	swait.ge [sflag:s31], $0x3C00  }
0x21c: {  	[sflag:s31] =	ssyncset.done $0x0  }
0x21d: {  	s0 =	simm.s32 $0x14600;
	[sflag:s31] =	ssyncadd.s32 $0xFFFFC400  }
0x21e: {  	[spmem:s2] =	stream.indirect.scatter.add.f32 [tilespmem:s26], [sflag:$0x5], $0x80, s0, s23, $0xb8;
	v63 =	vld [tilespmem:$0x0]  }
0x21f: {  	_ =	swait.ge [sflag:s1], $0x3C00  }
0x220: {  	[sflag:s1] =	ssyncset.done $0x0  }
0x221: {  	s0 =	simm.s32 $0x14680;
	[sflag:s1] =	ssyncadd.s32 $0xFFFFC400  }
0x222: {  	[spmem:s2] =	stream.indirect.scatter.add.f32 [tilespmem:s29], [sflag:$0x6], $0x80, s0, s23, $0xb8;
	v63 =	vld [tilespmem:$0x0]  }
0x223: {  	_ =	swait.ge [sflag:s7], $0x3C00  }
0x224: {  	[sflag:s7] =	ssyncset.done $0x0  }
0x225: {  	s0 =	simm.s32 $0x13F00;
	[sflag:s7] =	ssyncadd.s32 $0xFFFFC400  }
0x226: {  	[tilespmem:s24], [sflag:$0x1] =	stream.indirect.gather [hbm4b:s5+s23], $0x80, s0, s23, $0xb8;
	v63 =	vld [tilespmem:$0x0]  }
0x227: {  	_ =	swait.ge [sflag:s11], $0x3C00  }
0x228: {  	[sflag:s11] =	ssyncset.done $0x0  }
0x229: {  	s0 =	simm.s32 $0x13F80;
	[sflag:s11] =	ssyncadd.s32 $0xFFFFC400  }
0x22a: {  	[tilespmem:s26], [sflag:$0x2] =	stream.indirect.gather [hbm4b:s5+s23], $0x80, s0, s23, $0xb8;
	v63 =	vld [tilespmem:$0x0]  }
0x22b: {  	_ =	swait.ge [sflag:s17], $0x3C00  }
0x22c: {  	[sflag:s17] =	ssyncset.done $0x0  }
0x22d: {  	s0 =	simm.s32 $0x14000;
	[sflag:s17] =	ssyncadd.s32 $0xFFFFC400  }
0x22e: {  	[tilespmem:s29], [sflag:$0x3] =	stream.indirect.gather [hbm4b:s5+s23], $0x80, s0, s23, $0xb8;
	v63 =	vld [tilespmem:$0x0]  }
0x22f: {  	_ =	swait.ge [sflag:s30], $0x3C00  }
0x230: {  	[sflag:s30] =	ssyncset.done $0x0  }
0x231: {  	s0 =	simm.s32 $0x14700;
	[sflag:s30] =	ssyncadd.s32 $0xFFFFC400  }
0x232: {  	[spmem:s2] =	stream.indirect.scatter.add.f32 [tilespmem:s24], [sflag:$0x4], $0x80, s0, s23, $0xb8;
	v63 =	vld [tilespmem:$0x0]  }
0x233: {  	_ =	swait.ge [sflag:s31], $0x3C00  }
0x234: {  	[sflag:s31] =	ssyncset.done $0x0  }
0x235: {  	s0 =	simm.s32 $0x14780;
	[sflag:s31] =	ssyncadd.s32 $0xFFFFC400  }
0x236: {  	[spmem:s2] =	stream.indirect.scatter.add.f32 [tilespmem:s26], [sflag:$0x5], $0x80, s0, s23, $0xb8;
	v63 =	vld [tilespmem:$0x0]  }
0x237: {  	_ =	swait.ge [sflag:s1], $0x3C00  }
0x238: {  	[sflag:s1] =	ssyncset.done $0x0  }
0x239: {  	s0 =	simm.s32 $0x14800;
	[sflag:s1] =	ssyncadd.s32 $0xFFFFC400  }
0x23a: {  	[spmem:s2] =	stream.indirect.scatter.add.f32 [tilespmem:s29], [sflag:$0x6], $0x80, s0, s23, $0xb8;
	v63 =	vld [tilespmem:$0x0]  }
0x23b: {  	_ =	swait.ge [sflag:s7], $0x3C00  }
0x23c: {  	[sflag:s7] =	ssyncset.done $0x0  }
0x23d: {  	s0 =	simm.s32 $0x14080;
	[sflag:s7] =	ssyncadd.s32 $0xFFFFC400  }
0x23e: {  	[tilespmem:s24], [sflag:$0x1] =	stream.indirect.gather [hbm4b:s5+s23], $0x80, s0, s23, $0xb8;
	v63 =	vld [tilespmem:$0x0]  }
0x23f: {  	_ =	swait.ge [sflag:s11], $0x3C00  }
0x240: {  	[sflag:s11] =	ssyncset.done $0x0  }
0x241: {  	s0 =	simm.s32 $0x14100;
	[sflag:s11] =	ssyncadd.s32 $0xFFFFC400  }
0x242: {  	[tilespmem:s26], [sflag:$0x2] =	stream.indirect.gather [hbm4b:s5+s23], $0x80, s0, s23, $0xb8;
	v63 =	vld [tilespmem:$0x0]  }
0x243: {  	_ =	swait.ge [sflag:s17], $0x3C00  }
0x244: {  	[sflag:s17] =	ssyncset.done $0x0  }
0x245: {  	s0 =	simm.s32 $0x14180;
	[sflag:s17] =	ssyncadd.s32 $0xFFFFC400  }
0x246: {  	[tilespmem:s29], [sflag:$0x3] =	stream.indirect.gather [hbm4b:s5+s23], $0x80, s0, s23, $0xb8;
	v63 =	vld [tilespmem:$0x0]  }
0x247: {  	_ =	swait.ge [sflag:s30], $0x3C00  }
0x248: {  	[sflag:s30] =	ssyncset.done $0x0  }
0x249: {  	s0 =	simm.s32 $0x14880;
	[sflag:s30] =	ssyncadd.s32 $0xFFFFC400  }
0x24a: {  	[spmem:s2] =	stream.indirect.scatter.add.f32 [tilespmem:s24], [sflag:$0x4], $0x80, s0, s23, $0xb8;
	v63 =	vld [tilespmem:$0x0]  }
0x24b: {  	_ =	swait.ge [sflag:s31], $0x3C00  }
0x24c: {  	[sflag:s31] =	ssyncset.done $0x0  }
0x24d: {  	s0 =	simm.s32 $0x14900;
	[sflag:s31] =	ssyncadd.s32 $0xFFFFC400  }
0x24e: {  	[spmem:s2] =	stream.indirect.scatter.add.f32 [tilespmem:s26], [sflag:$0x5], $0x80, s0, s23, $0xb8;
	v63 =	vld [tilespmem:$0x0]  }
0x24f: {  	_ =	swait.ge [sflag:s1], $0x3C00  }
0x250: {  	[sflag:s1] =	ssyncset.done $0x0  }
0x251: {  	s0 =	simm.s32 $0x14980;
	[sflag:s1] =	ssyncadd.s32 $0xFFFFC400  }
0x252: {  	[spmem:s2] =	stream.indirect.scatter.add.f32 [tilespmem:s29], [sflag:$0x6], $0x80, s0, s23, $0xb8;
	v63 =	vld [tilespmem:$0x0]  }
0x253: {  	_ =	swait.ge [sflag:s7], $0x3C00  }
0x254: {  	[sflag:s7] =	ssyncset.done $0x0  }
0x255: {  	[sflag:s7] =	ssyncadd.s32 $0xFFFFC400  }
.Ltmp5:
0x256: {  	_ =	swait.ge [sflag:s11], $0x3C00;
	(pc) =	sbr.rel @p2 .LBB2_3-.Ltmp5, $4  }
0x257: {  	[sflag:s11] =	ssyncset.done $0x0  }
0x258: {  	[sflag:s11] =	ssyncadd.s32 $0xFFFFC400  }
0x259: {  	_ =	swait.ge [sflag:s17], $0x3C00  }
0x25a: {  	s19 =	smov.u32 s25;
	[sflag:s17] =	ssyncset.done $0x0  }
0x25b: {  	s0 =	sadd.s32 s18, s8;
	[sflag:s17] =	ssyncadd.s32 $0xFFFFC400  }
0x25c: {  	[tilespmem:s20], [sflag:$0x7] =	stream.linear.gather [hbm4b:s0+s3], $0x600, $0x38;
	v63 =	vld [tilespmem:$0x0]  }
0x25d: {  	_ =	swait.ge [sflag:s21], $0x600  }
0x25e: {  	[sflag:s21] =	ssyncset.done $0x0  }
0x25f: {  	s25 =	sadd.s32 s18, s9;
	[sflag:s21] =	ssyncadd.s32 $0xFFFFFA00  }
0x260: {  	[tilespmem:s22], [sflag:$0x7] =	stream.linear.gather [hbm4b:s25+s3], $0x600, $0x38;
	v63 =	vld [tilespmem:$0x0]  }
0x261: {  	_ =	swait.ge [sflag:s21], $0x600  }
0x262: {  	[sflag:s21] =	ssyncset.done $0x0  }
0x263: {  	[sflag:s21] =	ssyncadd.s32 $0xFFFFFA00  }
0x264: {  	[tilespmem:s24], [sflag:$0x1] =	stream.indirect.gather [hbm4b:s5+s23], $0x80, s20, s23, $0xb8;
	v63 =	vld [tilespmem:$0x0]  }
0x265: {  	_ = 	snop  }
0x266: {  	[tilespmem:s26], [sflag:$0x2] =	stream.indirect.gather [hbm4b:s5+s23], $0x80, s28, s23, $0xb8;
	v63 =	vld [tilespmem:$0x0]  }
0x267: {  	_ = 	snop  }
0x268: {  	[tilespmem:s29], [sflag:$0x3] =	stream.indirect.gather [hbm4b:s5+s23], $0x80, s6, s23, $0xb8;
	v63 =	vld [tilespmem:$0x0]  }
0x269: {  	_ =	swait.ge [sflag:s30], $0x3C00  }
0x26a: {  	[sflag:s30] =	ssyncset.done $0x0  }
0x26b: {  	[sflag:s30] =	ssyncadd.s32 $0xFFFFC400  }
0x26c: {  	[spmem:s2] =	stream.indirect.scatter.add.f32 [tilespmem:s24], [sflag:$0x4], $0x80, s22, s23, $0xb8;
	v63 =	vld [tilespmem:$0x0]  }
0x26d: {  	_ =	swait.ge [sflag:s31], $0x3C00  }
0x26e: {  	[sflag:s31] =	ssyncset.done $0x0  }
0x26f: {  	[sflag:s31] =	ssyncadd.s32 $0xFFFFC400  }
0x270: {  	[spmem:s2] =	stream.indirect.scatter.add.f32 [tilespmem:s26], [sflag:$0x5], $0x80, s10, s23, $0xb8;
	v63 =	vld [tilespmem:$0x0]  }
0x271: {  	_ =	swait.ge [sflag:s1], $0x3C00  }
0x272: {  	[sflag:s1] =	ssyncset.done $0x0  }
0x273: {  	[sflag:s1] =	ssyncadd.s32 $0xFFFFC400  }
0x274: {  	[spmem:s2] =	stream.indirect.scatter.add.f32 [tilespmem:s29], [sflag:$0x6], $0x80, s15, s23, $0xb8;
	v63 =	vld [tilespmem:$0x0]  }
0x275: {  	_ =	swait.ge [sflag:s7], $0x3C00  }
0x276: {  	[sflag:s7] =	ssyncset.done $0x0  }
0x277: {  	[sflag:s7] =	ssyncadd.s32 $0xFFFFC400  }
0x278: {  	[tilespmem:s24], [sflag:$0x1] =	stream.indirect.gather [hbm4b:s5+s23], $0x80, s4, s23, $0xb8;
	v63 =	vld [tilespmem:$0x0]  }
0x279: {  	_ =	swait.ge [sflag:s11], $0x3C00  }
0x27a: {  	[sflag:s11] =	ssyncset.done $0x0  }
0x27b: {  	[sflag:s11] =	ssyncadd.s32 $0xFFFFC400  }
0x27c: {  	[tilespmem:s26], [sflag:$0x2] =	stream.indirect.gather [hbm4b:s5+s23], $0x80, s13, s23, $0xb8;
	v63 =	vld [tilespmem:$0x0]  }
0x27d: {  	_ =	swait.ge [sflag:s17], $0x3C00  }
0x27e: {  	[sflag:s17] =	ssyncset.done $0x0  }
0x27f: {  	[sflag:s17] =	ssyncadd.s32 $0xFFFFC400  }
0x280: {  	[tilespmem:s29], [sflag:$0x3] =	stream.indirect.gather [hbm4b:s5+s23], $0x80, s14, s23, $0xb8;
	v63 =	vld [tilespmem:$0x0]  }
0x281: {  	_ =	swait.ge [sflag:s30], $0x3C00  }
0x282: {  	[sflag:s30] =	ssyncset.done $0x0  }
0x283: {  	[sflag:s30] =	ssyncadd.s32 $0xFFFFC400  }
0x284: {  	[spmem:s2] =	stream.indirect.scatter.add.f32 [tilespmem:s24], [sflag:$0x4], $0x80, s16, s23, $0xb8;
	v63 =	vld [tilespmem:$0x0]  }
0x285: {  	_ =	swait.ge [sflag:s31], $0x3C00  }
0x286: {  	[sflag:s31] =	ssyncset.done $0x0  }
0x287: {  	s16 =	simm.s32 $0x14600;
	[sflag:s31] =	ssyncadd.s32 $0xFFFFC400  }
0x288: {  	[spmem:s2] =	stream.indirect.scatter.add.f32 [tilespmem:s26], [sflag:$0x5], $0x80, s16, s23, $0xb8;
	v63 =	vld [tilespmem:$0x0]  }
0x289: {  	_ =	swait.ge [sflag:s1], $0x3C00  }
0x28a: {  	[sflag:s1] =	ssyncset.done $0x0  }
0x28b: {  	s18 =	simm.s32 $0x14680;
	[sflag:s1] =	ssyncadd.s32 $0xFFFFC400  }
0x28c: {  	[spmem:s2] =	stream.indirect.scatter.add.f32 [tilespmem:s29], [sflag:$0x6], $0x80, s18, s23, $0xb8;
	v63 =	vld [tilespmem:$0x0]  }
0x28d: {  	_ =	swait.ge [sflag:s7], $0x3C00  }
0x28e: {  	[sflag:s7] =	ssyncset.done $0x0  }
0x28f: {  	s19 =	simm.s32 $0x13F00;
	[sflag:s7] =	ssyncadd.s32 $0xFFFFC400  }
0x290: {  	[tilespmem:s24], [sflag:$0x1] =	stream.indirect.gather [hbm4b:s5+s23], $0x80, s19, s23, $0xb8;
	v63 =	vld [tilespmem:$0x0]  }
0x291: {  	_ =	swait.ge [sflag:s11], $0x3C00  }
0x292: {  	[sflag:s11] =	ssyncset.done $0x0  }
0x293: {  	s25 =	simm.s32 $0x13F80;
	[sflag:s11] =	ssyncadd.s32 $0xFFFFC400  }
0x294: {  	[tilespmem:s26], [sflag:$0x2] =	stream.indirect.gather [hbm4b:s5+s23], $0x80, s25, s23, $0xb8;
	v63 =	vld [tilespmem:$0x0]  }
0x295: {  	_ =	swait.ge [sflag:s17], $0x3C00  }
0x296: {  	[sflag:s17] =	ssyncset.done $0x0  }
0x297: {  	s4 =	simm.s32 $0x14000;
	[sflag:s17] =	ssyncadd.s32 $0xFFFFC400  }
0x298: {  	[tilespmem:s29], [sflag:$0x3] =	stream.indirect.gather [hbm4b:s5+s23], $0x80, s4, s23, $0xb8;
	v63 =	vld [tilespmem:$0x0]  }
0x299: {  	_ =	swait.ge [sflag:s30], $0x3C00  }
0x29a: {  	[sflag:s30] =	ssyncset.done $0x0  }
0x29b: {  	s6 =	simm.s32 $0x14700;
	[sflag:s30] =	ssyncadd.s32 $0xFFFFC400  }
0x29c: {  	[spmem:s2] =	stream.indirect.scatter.add.f32 [tilespmem:s24], [sflag:$0x4], $0x80, s6, s23, $0xb8;
	v63 =	vld [tilespmem:$0x0]  }
0x29d: {  	_ =	swait.ge [sflag:s31], $0x3C00  }
0x29e: {  	[sflag:s31] =	ssyncset.done $0x0  }
0x29f: {  	s10 =	simm.s32 $0x14780;
	[sflag:s31] =	ssyncadd.s32 $0xFFFFC400  }
0x2a0: {  	[spmem:s2] =	stream.indirect.scatter.add.f32 [tilespmem:s26], [sflag:$0x5], $0x80, s10, s23, $0xb8;
	v63 =	vld [tilespmem:$0x0]  }
0x2a1: {  	_ =	swait.ge [sflag:s1], $0x3C00  }
0x2a2: {  	[sflag:s1] =	ssyncset.done $0x0  }
0x2a3: {  	s13 =	simm.s32 $0x14800;
	[sflag:s1] =	ssyncadd.s32 $0xFFFFC400  }
0x2a4: {  	[spmem:s2] =	stream.indirect.scatter.add.f32 [tilespmem:s29], [sflag:$0x6], $0x80, s13, s23, $0xb8;
	v63 =	vld [tilespmem:$0x0]  }
0x2a5: {  	_ =	swait.ge [sflag:s7], $0x3C00  }
0x2a6: {  	[sflag:s7] =	ssyncset.done $0x0  }
0x2a7: {  	s14 =	simm.s32 $0x14080;
	[sflag:s7] =	ssyncadd.s32 $0xFFFFC400  }
0x2a8: {  	[tilespmem:s24], [sflag:$0x1] =	stream.indirect.gather [hbm4b:s5+s23], $0x80, s14, s23, $0xb8;
	v63 =	vld [tilespmem:$0x0]  }
0x2a9: {  	_ =	swait.ge [sflag:s11], $0x3C00  }
0x2aa: {  	[sflag:s11] =	ssyncset.done $0x0  }
0x2ab: {  	s15 =	simm.s32 $0x14100;
	[sflag:s11] =	ssyncadd.s32 $0xFFFFC400  }
0x2ac: {  	[tilespmem:s26], [sflag:$0x2] =	stream.indirect.gather [hbm4b:s5+s23], $0x80, s15, s23, $0xb8;
	v63 =	vld [tilespmem:$0x0]  }
0x2ad: {  	_ =	swait.ge [sflag:s17], $0x3C00  }
0x2ae: {  	[sflag:s17] =	ssyncset.done $0x0  }
0x2af: {  	s16 =	simm.s32 $0x14180;
	[sflag:s17] =	ssyncadd.s32 $0xFFFFC400  }
0x2b0: {  	[tilespmem:s29], [sflag:$0x3] =	stream.indirect.gather [hbm4b:s5+s23], $0x80, s16, s23, $0xb8;
	v63 =	vld [tilespmem:$0x0]  }
0x2b1: {  	_ =	swait.ge [sflag:s30], $0x3C00  }
0x2b2: {  	[sflag:s30] =	ssyncset.done $0x0  }
0x2b3: {  	s18 =	simm.s32 $0x14880;
	[sflag:s30] =	ssyncadd.s32 $0xFFFFC400  }
0x2b4: {  	[spmem:s2] =	stream.indirect.scatter.add.f32 [tilespmem:s24], [sflag:$0x4], $0x80, s18, s23, $0xb8;
	v63 =	vld [tilespmem:$0x0]  }
0x2b5: {  	_ =	swait.ge [sflag:s31], $0x3C00  }
0x2b6: {  	[sflag:s31] =	ssyncset.done $0x0  }
0x2b7: {  	s19 =	simm.s32 $0x14900;
	[sflag:s31] =	ssyncadd.s32 $0xFFFFC400  }
0x2b8: {  	[spmem:s2] =	stream.indirect.scatter.add.f32 [tilespmem:s26], [sflag:$0x5], $0x80, s19, s23, $0xb8;
	v63 =	vld [tilespmem:$0x0]  }
0x2b9: {  	_ =	swait.ge [sflag:s1], $0x3C00  }
0x2ba: {  	[sflag:s1] =	ssyncset.done $0x0  }
0x2bb: {  	s25 =	simm.s32 $0x14980;
	[sflag:s1] =	ssyncadd.s32 $0xFFFFC400  }
0x2bc: {  	[spmem:s2] =	stream.indirect.scatter.add.f32 [tilespmem:s29], [sflag:$0x6], $0x80, s25, s23, $0xb8;
	v63 =	vld [tilespmem:$0x0]  }
0x2bd: {  	_ =	swait.ge [sflag:s7], $0x3C00  }
0x2be: {  	[sflag:s7] =	ssyncset.done $0x0  }
0x2bf: {  	[sflag:s7] =	ssyncadd.s32 $0xFFFFC400  }
0x2c0: {  	_ =	swait.ge [sflag:s11], $0x3C00  }
0x2c1: {  	[sflag:s11] =	ssyncset.done $0x0  }
0x2c2: {  	[sflag:s11] =	ssyncadd.s32 $0xFFFFC400  }
0x2c3: {  	_ =	swait.ge [sflag:s17], $0x3C00  }
0x2c4: {  	[sflag:s17] =	ssyncset.done $0x0  }
0x2c5: {  	[sflag:s17] =	ssyncadd.s32 $0xFFFFC400  }
0x2c6: {  	[bflag:$0x0] =	sbarrier.arrive $0xFFFF  }
0x2c7: {  	s18 =	rddreg [dreg:$0x9]  }
0x2c8: {  	s0 =	simm.s32 @p1 $0x1FC7;
	s25 =	rddreg [dreg:$0xd]  }
0x2c9: {  	[hbm:s18], [sflag:s0] =	dma.local @p1 [spmem:s25], $0x2080  }
0x2ca: {  	s0 =	simm.s32 @p1 $0x7  }
0x2cb: {  	_ =	swait.ge @p1 [sflag:s0], $0x2080  }
0x2cc: {  	s19 =	rddreg [dreg:$0xf]  }
0x2cd: {  	[sflag:s0] =	ssyncset.done @p1 $0x0;
	s28 =	rddreg [dreg:$0x10]  }
0x2ce: {  	[sflag:s0] =	ssyncadd.s32 @p1 $0xFFFFDF80;
	s0 =	rddreg [dreg:$0x8]  }
0x2cf: {  	[hbm:s0], [sflag:s19] =	dma.local @!p1 [spmem:s28], $0x2780  }
.Ltmp6:
0x2d0: {  	_ = 	snop;
	(pc) =	sbr.rel .LBB2_8-.Ltmp6, $4  }
0x2d1: {  	s0 =	simm.s32 @!p1 $0x7  }
0x2d2: {  	_ =	swait.ge @!p1 [sflag:s0], $0x2780  }
0x2d3: {  	[sflag:s0] =	ssyncset.done @!p1 $0x0  }
0x2d4: {  	s4 =	rddreg [dreg:$0x11];
	[sflag:s0] =	ssyncadd.s32 @!p1 $0xFFFFD880  }
.LBB2_9:
0x2d5: {  	_ =	sfence.sel $0x180000  }
0x2d6: {  	[bflag:$0x0] =	sbarrier.arrive $0xFFFF  }
0x2d7: {  	_ =	strace $0x9000004A  }
0x2d8: {  	s0 =	stileid.u32;
	[bflag:$0x2] =	sbarrier.arrive $0xFFFF  }
0x2d9: {  	p0 =	sne.s32 s0, $0x0;
	s0 =	rddreg [dreg:$0x4]  }
0x2da: {  	s0 =	sadd.s32 @!p0 $0x100000, s0  }
0x2db: {  	[sflag:s0] =	ssyncadd.tile.s32 @!p0 $0x1;
	_ =	shalt  }
.Lfunc_end2:
_tile_overlayer_lowered:
.L_overlay_start_2:
0x2dc: {  	(tag) =	ssettag $0x2  }
0x2dd: {  	s0 =	rddreg [dreg:$0x0];
	s2 =	stileid.u32  }
0x2de: {  	s1 =	rddreg [dreg:$0x1];
	p0 =	sne.s32 s2, $0x0  }
0x2df: {  	s3 =	rddreg [dreg:$0x2];
	[bflag:$0x3] =	sbarrier.arrive $0xFFFF;
	s2 =	simm.s32 @!p0 $0x1C07  }
0x2e0: {  	[timem:s3], [sflag:s2] =	dma.local @!p0 [hbm:s0], s1  }
0x2e1: {  	s0 =	simm.s32 @!p0 $0x7  }
0x2e2: {  	_ =	swait.ge @!p0 [sflag:s0], s1  }
0x2e3: {  	s1 =	ssub.s32 @!p0 $0x0, s1;
	[sflag:s0] =	ssyncset.done @!p0 $0x0  }
0x2e4: {  	[sflag:s0] =	ssyncadd.s32 @!p0 s1  }
0x2e5: {  	[bflag:$0x3] =	sbarrier.arrive $0xFFFF  }
0x2e6: {  	_ =	shalt  }

// kernel: kernel.15.cloned.1.call-start
scs
__scs_entry_jumppad:
0x0: {  	(pc) =	sbr.rel $0x88, $3  }
0x1: {  	(tag) =	ssettag $0x0;
	lr =	simm.s32 $0x1  }
0x2: {  	[smem:$0x3F96] =	sst lr;
	_ =	strace $0xD0000000  }
0x3: {  	_ = 	snop  }
0x4: {  	_ = 	snop  }
0x5: {  	_ = 	snop  }
0x6: {  	_ = 	snop  }
0x7: {  	_ = 	snop  }
__scs_overlays_trampoline_lowered:
0x8: {  	[smem:$0x3FA5] =	sst s0  }
0x9: {  	[smem:$0x3FA6] =	sst s1  }
0xa: {  	[smem:$0x3FA7] =	sst s2  }
0xb: {  	[smem:$0x3FA8] =	sst s3  }
0xc: {  	[smem:$0x3FA9] =	sst s4  }
0xd: {  	[smem:$0x3FAA] =	sst s5  }
0xe: {  	[smem:$0x3FAB] =	sst s6  }
0xf: {  	[smem:$0x3FAC] =	sst s7  }
0x10: {  	[smem:$0x3FAD] =	sst s8  }
0x11: {  	[smem:$0x3FAE] =	sst s9;
	s0 =	simm.s32 @!p0 $0x0  }
0x12: {  	s1 =	sld [smem:$0x3F94];
	s0 =	simm.s32 @p0 $0x1  }
0x13: {  	[smem:$0x3FAF] =	sst s0;
	s0 =	simm.s32 @!p1 $0x0  }
0x14: {  	s2 =	sld [smem:$0x3F93];
	s0 =	simm.s32 @p1 $0x1  }
0x15: {  	[smem:$0x3FB0] =	sst s0;
	s0 =	simm.s32 @!p2 $0x0  }
0x16: {  	s3 =	sld [smem:$0x3FDB];
	s0 =	simm.s32 @p2 $0x1  }
0x17: {  	s4 =	simm.s32 $0x1BF5;
	[smem:$0x3FB2] =	sst s0  }
0x18: {  	s0 =	sld [smem:$0x3F95];
	_ =	swait.ge [sflag:s4], $0x0  }
0x19: {  	s7 =	sld [smem:$0x3F96]  }
0x1a: {  	s8 =	sadd.s32 $0xFFFFE003, lr  }
0x1b: {  	s9 =	sadd.s32 $0xFFFFFEF7, lr;
	s5 =	simm.s32 $0xFFFFFFFF;
	p2 =	slt.u32 s8, $0xFFFFF086  }
0x1c: {  	p1 =	slt.u32 s9, $0xF7A;
	s5 =	simm.s32 @!p2 $0x0  }
0x1d: {  	s5 =	simm.s32 @p1 $0x1;
	p0 =	seq.s32 s7, s2  }
0x1e: {  	s7 =	smul.u32 @!p0 $0xF7A, s2;
	p2 =	seq.s32 @!p0 s5, $0x0  }
0x1f: {  	s9 =	smul.u32 $0xF7A, s1;
	s8 =	simm.s32 @!p0 $0x1BF5;
	p2 =	por !p2, p0  }
0x20: {  	[sflag:s8] =	ssyncset.s32 @!p0 $0xFFFFF086;
	s6 =	sadd.s32 @!p0 s3, s7;
	s7 =	simm.s32 @!p0 $0x108  }
0x21: {  	s3 =	sadd.s32 s3, s9;
	s6 =	sadd.s32 @!p0 $0x88, s6;
	s7 =	simm.s32 @p2 $0x1082  }
0x22: {  	[simem:s7], [sflag:s8] =	dma.local @!p0 [hbm:s6], $0xF7A  }
0x23: {  	s9 =	sor.u32 $0xD0000000, s2;
	s6 =	simm.s32 $0x108;
	_ =	swait.ge @!p0 [sflag:s8], $0x0  }
0x24: {  	s3 =	sadd.s32 $0x88, s3;
	s6 =	simm.s32 @!p1 $0x1082;
	[sflag:s4] =	ssyncset.s32 $0xFFFFF086  }
0x25: {  	[simem:s6], [sflag:s4] =	dma.local [hbm:s3], $0xF7A  }
0x26: {  	[smem:$0x3F96] =	sst s1;
	(tag) =	ssettag s2;
	_ =	strace s9  }
0x27: {  	s1 =	sld [smem:$0x3FA6]  }
0x28: {  	s2 =	sld [smem:$0x3FA7]  }
0x29: {  	s4 =	sld [smem:$0x3FA9]  }
0x2a: {  	p0 =	seq.s32 s5, $0x0;
	s5 =	sld [smem:$0x3FAA]  }
0x2b: {  	s6 =	sld [smem:$0x3FAB]  }
0x2c: {  	s7 =	sld [smem:$0x3FAC]  }
0x2d: {  	s3 =	simm.s32 $0x108;
	s8 =	sld [smem:$0x3FAD]  }
0x2e: {  	s3 =	simm.s32 @!p0 $0x1082;
	s9 =	sld [smem:$0x3FAE]  }
0x2f: {  	lr =	sadd.s32 s0, s3;
	s0 =	sld [smem:$0x3FA5]  }
0x30: {  	s3 =	sld [smem:$0x3FA8]  }
0x31: {  	[smem:$0x3FB1] =	sst s10  }
0x32: {  	s10 =	sld [smem:$0x3FAF];
	_ =	sdelay $0x3  }
0x33: {  	p0 =	seq.s32 s10, $0x1;
	s10 =	sld [smem:$0x3FB1];
	_ =	sdelay $0x3  }
0x34: {  	[smem:$0x3FB1] =	sst s10  }
0x35: {  	s10 =	sld [smem:$0x3FB0];
	_ =	sdelay $0x3  }
0x36: {  	p1 =	seq.s32 s10, $0x1;
	s10 =	sld [smem:$0x3FB1];
	_ =	sdelay $0x3  }
0x37: {  	[smem:$0x3FB1] =	sst s10  }
0x38: {  	s10 =	sld [smem:$0x3FB2]  }
0x39: {  	_ = 	snop;
	(pc) =	sbr.ind lr, $3  }
0x3a: {  	_ = 	snop  }
0x3b: {  	_ = 	snop  }
0x3c: {  	p2 =	seq.s32 s10, $0x1;
	s10 =	sld [smem:$0x3FB1]  }
0x3d: {  	_ =	shalt  }
0x3e: {  	_ =	shalt  }
0x3f: {  	_ =	shalt  }
0x40: {  	_ =	shalt  }
0x41: {  	_ =	shalt  }
0x42: {  	_ =	shalt  }
0x43: {  	_ =	shalt  }
0x44: {  	_ =	shalt  }
0x45: {  	_ =	shalt  }
0x46: {  	_ =	shalt  }
0x47: {  	_ =	shalt  }
0x48: {  	_ =	shalt  }
0x49: {  	_ =	shalt  }
0x4a: {  	_ =	shalt  }
0x4b: {  	_ =	shalt  }
0x4c: {  	_ =	shalt  }
0x4d: {  	_ =	shalt  }
0x4e: {  	_ =	shalt  }
0x4f: {  	_ =	shalt  }
0x50: {  	_ =	shalt  }
0x51: {  	_ =	shalt  }
0x52: {  	_ =	shalt  }
0x53: {  	_ =	shalt  }
0x54: {  	_ =	shalt  }
0x55: {  	_ =	shalt  }
0x56: {  	_ =	shalt  }
0x57: {  	_ =	shalt  }
0x58: {  	_ =	shalt  }
0x59: {  	_ =	shalt  }
0x5a: {  	_ =	shalt  }
0x5b: {  	_ =	shalt  }
0x5c: {  	_ =	shalt  }
0x5d: {  	_ =	shalt  }
0x5e: {  	_ =	shalt  }
0x5f: {  	_ =	shalt  }
0x60: {  	_ =	shalt  }
0x61: {  	_ =	shalt  }
0x62: {  	_ =	shalt  }
0x63: {  	_ =	shalt  }
0x64: {  	_ =	shalt  }
0x65: {  	_ =	shalt  }
0x66: {  	_ =	shalt  }
0x67: {  	_ =	shalt  }
0x68: {  	_ =	shalt  }
0x69: {  	_ =	shalt  }
0x6a: {  	_ =	shalt  }
0x6b: {  	_ =	shalt  }
0x6c: {  	_ =	shalt  }
0x6d: {  	_ =	shalt  }
0x6e: {  	_ =	shalt  }
0x6f: {  	_ =	shalt  }
0x70: {  	_ =	shalt  }
0x71: {  	_ =	shalt  }
0x72: {  	_ =	shalt  }
0x73: {  	_ =	shalt  }
0x74: {  	_ =	shalt  }
0x75: {  	_ =	shalt  }
0x76: {  	_ =	shalt  }
0x77: {  	_ =	shalt  }
0x78: {  	_ =	shalt  }
0x79: {  	_ =	shalt  }
0x7a: {  	_ =	shalt  }
0x7b: {  	_ =	shalt  }
0x7c: {  	_ =	shalt  }
0x7d: {  	_ =	shalt  }
0x7e: {  	_ =	shalt  }
0x7f: {  	_ =	shalt  }
0x80: {  	_ =	shalt  }
0x81: {  	_ =	shalt  }
0x82: {  	_ =	shalt  }
0x83: {  	_ =	shalt  }
0x84: {  	_ =	shalt  }
0x85: {  	_ =	shalt  }
0x86: {  	_ =	shalt  }
0x87: {  	_ =	shalt  }
.Lfunc_end0:
.L_simem_size_0:
called_computation.2_lowered:
.L_overlay_start_0:
0x88: {  	s2 =	sld [smem:$0x3FD9]  }
0x89: {  	s3 =	sld [smem:$0x3FFE];
	_ =	sdelay $0x1  }
0x8a: {  	s1 =	srdreg.scid  }
0x8b: {  	s0 =	sand.u32 $0x1, s1  }
0x8c: {  	s14 =	sshll.u32 s0, $0xA;
	s2 =	sadd.s32 s3, s2  }
0x8d: {  	s2 =	sadd.s32 s2, s14  }
0x8e: {  	[smem:$0x3FBD] =	sst s2  }
0x8f: {  	_ = 	snop  }
0x90: {  	s2 =	sld [smem:$0x3FD0];
	_ =	sdelay $0x2  }
0x91: {  	s15 =	simm.s32 $0xA;
	s4 =	simm.s32 $0x10  }
0x92: {  	[smem:s4], [sflag:s15] =	dma.local [hbm:s2], $0x1  }
0x93: {  	_ =	swait.eq [sflag:s15], $0x1  }
0x94: {  	[sflag:s15] =	ssyncset.done $0x0  }
0x95: {  	s16 =	sld [smem:$0x11];
	[sflag:s15] =	ssyncadd.s32 $0xFFFFFFFF  }
0x96: {  	s17 =	sld [smem:$0x12];
	(tm) =	ssettm $0x1  }
0x97: {  	s18 =	sld [smem:$0x3FFB];
	_ =	sdelay $0x3  }
0x98: {  	_ =	strace s18  }
0x99: {  	s4 =	sld [smem:$0x3FFC];
	_ =	sdelay $0x3  }
0x9a: {  	_ =	strace s4  }
0x9b: {  	s4 =	sld [smem:$0x3FFD];
	_ =	sdelay $0x3  }
0x9c: {  	_ =	strace s4  }
0x9d: {  	_ =	strace $0x8FFFFFFF  }
0x9e: {  	s19 =	sld [smem:$0x3FDB];
	_ =	sdelay $0x1  }
0x9f: {  	s5 =	simm.s32 $_scs_section_size  }
0xa0: {  	s6 =	simm.s32 $_size__tile_overlayer_lowered;
	s7 =	simm.s32 $_tile_overlayer_lowered  }
0xa1: {  	s22 =	simm.s32 $0x1BFF;
	s21 =	sshll.u32 s7, $0x1;
	s4 =	sadd.s32 s5, s19  }
0xa2: {  	s8 =	simm.s32 $0x0;
	s20 =	sshll.u32 s6, $0x1;
	s6 =	sadd.s32 s21, s4  }
0xa3: {  	[timem:s8], [sflag:s22] =	dma.local [hbm:s6], s20  }
0xa4: {  	_ =	swait.ge [sflag:s22], s20  }
0xa5: {  	s5 =	ssub.s32 $0x0, s20;
	[sflag:s22] =	ssyncset.done $0x0  }
0xa6: {  	[sflag:s22] =	ssyncadd.s32 s5;
	_ =	sdelay $0x1  }
0xa7: {  	s23 =	simm.s32 $0x1B8B  }
0xa8: {  	_ =	swait.ge [sflag:s23], $0x1  }
0xa9: {  	[sflag:s23] =	ssyncset.done $0x0  }
0xaa: {  	s25 =	simm.s32 $0x1B8E;
	s24 =	sld [smem:$0x3FFE];
	[sflag:s23] =	ssyncadd.s32 $0xFFFFFFFF  }
0xab: {  	s26 =	simm.s32 $execute0_lowered;
	[smem:$0x3FD2] =	sst s25  }
0xac: {  	s6 =	sshll.u32 s26, $0x1;
	_ =	strace $0x8000004C;
	[dreg:$0x1] =	wrdreg $0xFFFFFFFF  }
0xad: {  	s28 =	simm.s32 $_size_execute0_lowered;
	s4 =	sadd.s32 s4, s6;
	[dreg:$0x0] =	wrdreg $0x0  }
0xae: {  	s6 =	sshll.u32 s28, $0x1;
	[dreg:$0x2] =	wrdreg s4  }
0xaf: {  	[dreg:$0x3] =	wrdreg s6  }
0xb0: {  	[dreg:$0x4] =	wrdreg $0xC0  }
0xb1: {  	_ =	task [dreg:s8], $0x5FFFF  }
0xb2: {  	[dreg:$0x1] =	wrdreg $0xFFFFFFFF  }
0xb3: {  	[dreg:$0x0] =	wrdreg $0x60  }
0xb4: {  	[dreg:$0x2] =	wrdreg s24  }
0xb5: {  	[dreg:$0x3] =	wrdreg s17  }
0xb6: {  	[dreg:$0x4] =	wrdreg s16  }
0xb7: {  	[dreg:$0x5] =	wrdreg $0x0  }
0xb8: {  	[dreg:$0x6] =	wrdreg $0x9  }
0xb9: {  	_ =	task.clear_ibuf [dreg:s8], $0x7FFFF;
	_ =	strace $0x9000004C  }
0xba: {  	s29 =	simm.s32 $0x9;
	_ =	strace $0x8000004E  }
0xbb: {  	_ =	swait.ge [sflag:s29], $0x1  }
0xbc: {  	[sflag:s29] =	ssyncadd.s32 $0xFFFFFFFF  }
0xbd: {  	_ =	strace $0x9000004E  }
0xbe: {  	_ =	sfence  }
0xbf: {  	s30 =	sld [smem:$0x0];
	_ =	sdelay $0x2  }
0xc0: {  	s31 =	sshll.u32 s1, $0xD;
	s1 =	sshrl.u32 s1, $0x2  }
0xc1: {  	s3 =	sand.u32 $0x4000, s31;
	s1 =	sadd.s32 s1, s30  }
0xc2: {  	s0 =	sor.u32 s3, s0;
	s1 =	sshll.u32 s1, $0x11  }
0xc3: {  	s0 =	sor.u32 s1, s0  }
0xc4: {  	s0 =	sadd.s32 $0x8F2B, s0  }
0xc5: {  	[sflag:s0] =	ssyncadd.remote.s32 $0x1  }
0xc6: {  	_ =	sfence.sel $0xFFFF  }
0xc7: {  	[dreg:$0x0] =	wrdreg $0xFFFFFFFF;
	(pc) =	sbr.abs _section_cstart, $3  }
0xc8: {  	[dreg:$0x1] =	wrdreg $0xFFFFFFFF  }
0xc9: {  	_ =	task.clear_ibuf [dreg:s8], $0x2FFFF;
	_ =	strace $0x9FFFFFFF  }
0xca: {  	(tm) =	ssettm $0x7FFFFFFF  }
0xcb: {  	_ =	shalt  }
tec
execute0_lowered:
.L_overlay_start_1:
0x0: {  	(tag) =	ssettag $0x1  }
0x1: {  	s0 =	rddreg [dreg:$0x0]  }
0x2: {  	s1 =	rddreg [dreg:$0x1]  }
0x3: {  	s4 =	rddreg [dreg:$0x2]  }
0x4: {  	s2 =	rddreg [dreg:$0x3];
	s5 =	srdreg.scid  }
0x5: {  	s3 =	simm.s32 $0x0;
	s13 =	stileid.u32;
	s29 =	simm.s32 $0x1C400  }
0x6: {  	s30 =	simm.s32 $0x1;
	s31 =	simm.s32 $0x2;
	s14 =	smul.u32 $0x2780, s13  }
0x7: {  	s17 =	simm.s32 $0x6;
	s6 =	sand.u32 $0x1, s5;
	s9 =	smul.u32 $0x4F000, s13  }
0x8: {  	[smem:$0x7FF] =	sst s3;
	s5 =	sadd.s32 $0x79C00, s0;
	s21 =	smul.u32 $0xE00, s13  }
0x9: {  	s11 =	sadd.s32 $0x128400, s2;
	s23 =	sadd.s32 $0x9EC80, s0;
	s25 =	sadd.s32 $0xECE80, s0  }
0xa: {  	s12 =	sadd.s32 $0xA0D00, s0;
	p1 =	seq.s32 s13, $0xF;
	s7 =	ssub.s32 $0x2, s6  }
0xb: {  	_ =	strace $0x8000004D;
	p0 =	seq.s32 s6, $0x1;
	[dreg:$0x7] =	wrdreg s23  }
0xc: {  	[dreg:$0x9] =	wrdreg s25;
	s25 =	sshrl.u32 @p1 s11, $0x3;
	s23 =	simm.s32 $0x78  }
0xd: {  	s11 =	simm.s32 $0x5;
	s8 =	sshrl.u32 s7, $0x1;
	s10 =	sadd.s32 s14, s0  }
0xe: {  	s20 =	sshrl.u32 s9, $0x2;
	s22 =	sadd.s32 s5, s14;
	s9 =	sadd.s32 s4, s21  }
0xf: {  	s0 =	sadd.s32 $0xEEF00, s0;
	[dreg:$0x5] =	wrdreg s14;
	s4 =	simm.s32 $0x0  }
0x10: {  	[dreg:$0xd] =	wrdreg s25;
	s7 =	ssub.s32 s7, s8;
	s6 =	sadd.s32 s20, s2  }
0x11: {  	[dreg:$0x6] =	wrdreg s22;
	s8 =	sadd.s32 s1, s21;
	s24 =	sadd.s32 $0xC7E00, s10  }
0x12: {  	[dreg:$0xa] =	wrdreg s0;
	s0 =	sadd.s32 @p1 $0x25080, s12;
	s1 =	sadd.s32 @!p1 s14, s12  }
0x13: {  	s20 =	simm.s32 $0x13C00;
	s21 =	simm.s32 $0x7;
	[dreg:$0x8] =	wrdreg s24  }
.Ltmp0:
0x14: {  	s22 =	simm.s32 $0x14400;
	[dreg:$0xc] =	wrdreg s0;
	(pc) =	sbr.rel .LBB2_1-.Ltmp0, $4  }
0x15: {  	s26 =	smax.u32 s7, $0x1;
	s0 =	sshll.u32 @!p1 s13, $0x6;
	[dreg:$0xe] =	wrdreg s1  }
0x16: {  	s28 =	sshrl.u32 @!p1 s6, $0x3;
	s24 =	simm.s32 $0x14C00;
	[dreg:$0xb] =	wrdreg s26  }
0x17: {  	s1 =	simm.s32 $0x3;
	s19 =	sor.u32 @!p1 $0x1C07, s0;
	[dreg:$0x10] =	wrdreg s28  }
0x18: {  	s7 =	simm.s32 $0x4;
	s26 =	simm.s32 $0x18800;
	[dreg:$0xf] =	wrdreg s19  }
.LBB2_7:
0x19: {  	s0 =	sadd.s32 s18, s8;
	[sflag:s17] =	ssyncadd.s32 $0xFFFFC400  }
0x1a: {  	[tilespmem:s20], [sflag:$0x7] =	stream.linear.gather [hbm4b:s0+s3], $0x600, $0x38;
	v63 =	vld [tilespmem:$0x0]  }
0x1b: {  	_ =	swait.ge [sflag:s21], $0x600  }
0x1c: {  	[sflag:s21] =	ssyncset.done $0x0  }
0x1d: {  	s25 =	sadd.s32 s18, s9;
	[sflag:s21] =	ssyncadd.s32 $0xFFFFFA00  }
0x1e: {  	[tilespmem:s22], [sflag:$0x7] =	stream.linear.gather [hbm4b:s25+s3], $0x600, $0x38;
	v63 =	vld [tilespmem:$0x0]  }
0x1f: {  	_ =	swait.ge [sflag:s21], $0x600  }
0x20: {  	[sflag:s21] =	ssyncset.done $0x0  }
0x21: {  	[sflag:s21] =	ssyncadd.s32 $0xFFFFFA00  }
0x22: {  	[tilespmem:s24], [sflag:$0x1] =	stream.indirect.gather [hbm4b:s12+s23], $0x80, s20, s23, $0xb8;
	v63 =	vld [tilespmem:$0x0]  }
0x23: {  	_ = 	snop  }
0x24: {  	[tilespmem:s26], [sflag:$0x2] =	stream.indirect.gather [hbm4b:s12+s23], $0x80, s28, s23, $0xb8;
	v63 =	vld [tilespmem:$0x0]  }
0x25: {  	_ = 	snop  }
0x26: {  	[tilespmem:s29], [sflag:$0x3] =	stream.indirect.gather [hbm4b:s12+s23], $0x80, s6, s23, $0xb8;
	v63 =	vld [tilespmem:$0x0]  }
0x27: {  	_ =	swait.ge [sflag:s30], $0x3C00  }
0x28: {  	[sflag:s30] =	ssyncset.done $0x0  }
0x29: {  	[sflag:s30] =	ssyncadd.s32 $0xFFFFC400  }
0x2a: {  	[spmem:s2] =	stream.indirect.scatter.add.f32 [tilespmem:s24], [sflag:$0x4], $0x80, s22, s23, $0xb8;
	v63 =	vld [tilespmem:$0x0]  }
0x2b: {  	_ =	swait.ge [sflag:s31], $0x3C00  }
0x2c: {  	[sflag:s31] =	ssyncset.done $0x0  }
0x2d: {  	[sflag:s31] =	ssyncadd.s32 $0xFFFFC400  }
0x2e: {  	[spmem:s2] =	stream.indirect.scatter.add.f32 [tilespmem:s26], [sflag:$0x5], $0x80, s10, s23, $0xb8;
	v63 =	vld [tilespmem:$0x0]  }
0x2f: {  	_ =	swait.ge [sflag:s1], $0x3C00  }
0x30: {  	[sflag:s1] =	ssyncset.done $0x0  }
0x31: {  	[sflag:s1] =	ssyncadd.s32 $0xFFFFC400  }
0x32: {  	[spmem:s2] =	stream.indirect.scatter.add.f32 [tilespmem:s29], [sflag:$0x6], $0x80, s15, s23, $0xb8;
	v63 =	vld [tilespmem:$0x0]  }
0x33: {  	_ =	swait.ge [sflag:s7], $0x3C00  }
0x34: {  	[sflag:s7] =	ssyncset.done $0x0  }
0x35: {  	[sflag:s7] =	ssyncadd.s32 $0xFFFFC400  }
0x36: {  	[tilespmem:s24], [sflag:$0x1] =	stream.indirect.gather [hbm4b:s12+s23], $0x80, s4, s23, $0xb8;
	v63 =	vld [tilespmem:$0x0]  }
0x37: {  	_ =	swait.ge [sflag:s11], $0x3C00  }
0x38: {  	[sflag:s11] =	ssyncset.done $0x0  }
0x39: {  	[sflag:s11] =	ssyncadd.s32 $0xFFFFC400  }
0x3a: {  	[tilespmem:s26], [sflag:$0x2] =	stream.indirect.gather [hbm4b:s12+s23], $0x80, s13, s23, $0xb8;
	v63 =	vld [tilespmem:$0x0]  }
0x3b: {  	_ =	swait.ge [sflag:s17], $0x3C00  }
0x3c: {  	[sflag:s17] =	ssyncset.done $0x0  }
0x3d: {  	[sflag:s17] =	ssyncadd.s32 $0xFFFFC400  }
0x3e: {  	[tilespmem:s29], [sflag:$0x3] =	stream.indirect.gather [hbm4b:s12+s23], $0x80, s14, s23, $0xb8;
	v63 =	vld [tilespmem:$0x0]  }
0x3f: {  	_ =	swait.ge [sflag:s30], $0x3C00  }
0x40: {  	[sflag:s30] =	ssyncset.done $0x0  }
0x41: {  	[sflag:s30] =	ssyncadd.s32 $0xFFFFC400  }
0x42: {  	[spmem:s2] =	stream.indirect.scatter.add.f32 [tilespmem:s24], [sflag:$0x4], $0x80, s16, s23, $0xb8;
	v63 =	vld [tilespmem:$0x0]  }
0x43: {  	_ =	swait.ge [sflag:s31], $0x3C00  }
0x44: {  	[sflag:s31] =	ssyncset.done $0x0  }
0x45: {  	s16 =	simm.s32 $0x14600;
	[sflag:s31] =	ssyncadd.s32 $0xFFFFC400  }
0x46: {  	[spmem:s2] =	stream.indirect.scatter.add.f32 [tilespmem:s26], [sflag:$0x5], $0x80, s16, s23, $0xb8;
	v63 =	vld [tilespmem:$0x0]  }
0x47: {  	_ =	swait.ge [sflag:s1], $0x3C00  }
0x48: {  	[sflag:s1] =	ssyncset.done $0x0  }
0x49: {  	s18 =	simm.s32 $0x14680;
	[sflag:s1] =	ssyncadd.s32 $0xFFFFC400  }
0x4a: {  	[spmem:s2] =	stream.indirect.scatter.add.f32 [tilespmem:s29], [sflag:$0x6], $0x80, s18, s23, $0xb8;
	v63 =	vld [tilespmem:$0x0]  }
0x4b: {  	_ =	swait.ge [sflag:s7], $0x3C00  }
0x4c: {  	[sflag:s7] =	ssyncset.done $0x0  }
0x4d: {  	s19 =	simm.s32 $0x13F00;
	[sflag:s7] =	ssyncadd.s32 $0xFFFFC400  }
0x4e: {  	[tilespmem:s24], [sflag:$0x1] =	stream.indirect.gather [hbm4b:s12+s23], $0x80, s19, s23, $0xb8;
	v63 =	vld [tilespmem:$0x0]  }
0x4f: {  	_ =	swait.ge [sflag:s11], $0x3C00  }
0x50: {  	[sflag:s11] =	ssyncset.done $0x0  }
0x51: {  	s25 =	simm.s32 $0x13F80;
	[sflag:s11] =	ssyncadd.s32 $0xFFFFC400  }
0x52: {  	[tilespmem:s26], [sflag:$0x2] =	stream.indirect.gather [hbm4b:s12+s23], $0x80, s25, s23, $0xb8;
	v63 =	vld [tilespmem:$0x0]  }
0x53: {  	_ =	swait.ge [sflag:s17], $0x3C00  }
0x54: {  	[sflag:s17] =	ssyncset.done $0x0  }
0x55: {  	s4 =	simm.s32 $0x14000;
	[sflag:s17] =	ssyncadd.s32 $0xFFFFC400  }
0x56: {  	[tilespmem:s29], [sflag:$0x3] =	stream.indirect.gather [hbm4b:s12+s23], $0x80, s4, s23, $0xb8;
	v63 =	vld [tilespmem:$0x0]  }
0x57: {  	_ =	swait.ge [sflag:s30], $0x3C00  }
0x58: {  	[sflag:s30] =	ssyncset.done $0x0  }
0x59: {  	s6 =	simm.s32 $0x14700;
	[sflag:s30] =	ssyncadd.s32 $0xFFFFC400  }
0x5a: {  	[spmem:s2] =	stream.indirect.scatter.add.f32 [tilespmem:s24], [sflag:$0x4], $0x80, s6, s23, $0xb8;
	v63 =	vld [tilespmem:$0x0]  }
0x5b: {  	_ =	swait.ge [sflag:s31], $0x3C00  }
0x5c: {  	[sflag:s31] =	ssyncset.done $0x0  }
0x5d: {  	s10 =	simm.s32 $0x14780;
	[sflag:s31] =	ssyncadd.s32 $0xFFFFC400  }
0x5e: {  	[spmem:s2] =	stream.indirect.scatter.add.f32 [tilespmem:s26], [sflag:$0x5], $0x80, s10, s23, $0xb8;
	v63 =	vld [tilespmem:$0x0]  }
0x5f: {  	_ =	swait.ge [sflag:s1], $0x3C00  }
0x60: {  	[sflag:s1] =	ssyncset.done $0x0  }
0x61: {  	s13 =	simm.s32 $0x14800;
	[sflag:s1] =	ssyncadd.s32 $0xFFFFC400  }
0x62: {  	[spmem:s2] =	stream.indirect.scatter.add.f32 [tilespmem:s29], [sflag:$0x6], $0x80, s13, s23, $0xb8;
	v63 =	vld [tilespmem:$0x0]  }
0x63: {  	_ =	swait.ge [sflag:s7], $0x3C00  }
0x64: {  	[sflag:s7] =	ssyncset.done $0x0  }
0x65: {  	s14 =	simm.s32 $0x14080;
	[sflag:s7] =	ssyncadd.s32 $0xFFFFC400  }
0x66: {  	[tilespmem:s24], [sflag:$0x1] =	stream.indirect.gather [hbm4b:s12+s23], $0x80, s14, s23, $0xb8;
	v63 =	vld [tilespmem:$0x0]  }
0x67: {  	_ =	swait.ge [sflag:s11], $0x3C00  }
0x68: {  	[sflag:s11] =	ssyncset.done $0x0  }
0x69: {  	s15 =	simm.s32 $0x14100;
	[sflag:s11] =	ssyncadd.s32 $0xFFFFC400  }
0x6a: {  	[tilespmem:s26], [sflag:$0x2] =	stream.indirect.gather [hbm4b:s12+s23], $0x80, s15, s23, $0xb8;
	v63 =	vld [tilespmem:$0x0]  }
0x6b: {  	_ =	swait.ge [sflag:s17], $0x3C00  }
0x6c: {  	[sflag:s17] =	ssyncset.done $0x0  }
0x6d: {  	s16 =	simm.s32 $0x14180;
	[sflag:s17] =	ssyncadd.s32 $0xFFFFC400  }
0x6e: {  	[tilespmem:s29], [sflag:$0x3] =	stream.indirect.gather [hbm4b:s12+s23], $0x80, s16, s23, $0xb8;
	v63 =	vld [tilespmem:$0x0]  }
0x6f: {  	_ =	swait.ge [sflag:s30], $0x3C00  }
0x70: {  	[sflag:s30] =	ssyncset.done $0x0  }
0x71: {  	s18 =	simm.s32 $0x14880;
	[sflag:s30] =	ssyncadd.s32 $0xFFFFC400  }
0x72: {  	[spmem:s2] =	stream.indirect.scatter.add.f32 [tilespmem:s24], [sflag:$0x4], $0x80, s18, s23, $0xb8;
	v63 =	vld [tilespmem:$0x0]  }
0x73: {  	_ =	swait.ge [sflag:s31], $0x3C00  }
0x74: {  	[sflag:s31] =	ssyncset.done $0x0  }
0x75: {  	s19 =	simm.s32 $0x14900;
	[sflag:s31] =	ssyncadd.s32 $0xFFFFC400  }
0x76: {  	[spmem:s2] =	stream.indirect.scatter.add.f32 [tilespmem:s26], [sflag:$0x5], $0x80, s19, s23, $0xb8;
	v63 =	vld [tilespmem:$0x0]  }
0x77: {  	_ =	swait.ge [sflag:s1], $0x3C00  }
0x78: {  	[sflag:s1] =	ssyncset.done $0x0  }
0x79: {  	s25 =	simm.s32 $0x14980;
	[sflag:s1] =	ssyncadd.s32 $0xFFFFC400  }
0x7a: {  	[spmem:s2] =	stream.indirect.scatter.add.f32 [tilespmem:s29], [sflag:$0x6], $0x80, s25, s23, $0xb8;
	v63 =	vld [tilespmem:$0x0]  }
0x7b: {  	_ =	swait.ge [sflag:s7], $0x3C00  }
0x7c: {  	[sflag:s7] =	ssyncset.done $0x0  }
0x7d: {  	[sflag:s7] =	ssyncadd.s32 $0xFFFFC400  }
0x7e: {  	_ =	swait.ge [sflag:s11], $0x3C00  }
0x7f: {  	[sflag:s11] =	ssyncset.done $0x0  }
0x80: {  	[sflag:s11] =	ssyncadd.s32 $0xFFFFC400  }
0x81: {  	_ =	swait.ge [sflag:s17], $0x3C00  }
0x82: {  	[sflag:s17] =	ssyncset.done $0x0  }
0x83: {  	[sflag:s17] =	ssyncadd.s32 $0xFFFFC400  }
0x84: {  	[bflag:$0x0] =	sbarrier.arrive $0xFFFF  }
0x85: {  	s19 =	rddreg [dreg:$0xa]  }
0x86: {  	s18 =	simm.s32 @p1 $0x1FC7;
	s25 =	rddreg [dreg:$0xd];
	s0 =	sadd.s32 @p1 $0x25080, s19  }
0x87: {  	[hbm:s0], [sflag:s18] =	dma.local @p1 [spmem:s25], $0x2080  }
0x88: {  	s0 =	simm.s32 @p1 $0x7  }
0x89: {  	_ =	swait.ge @p1 [sflag:s0], $0x2080  }
0x8a: {  	[sflag:s0] =	ssyncset.done @p1 $0x0;
	s28 =	rddreg [dreg:$0x10]  }
0x8b: {  	[sflag:s0] =	ssyncadd.s32 @p1 $0xFFFFDF80;
	s0 =	rddreg [dreg:$0x5]  }
0x8c: {  	s0 =	sadd.s32 @!p1 s0, s19;
	s19 =	rddreg [dreg:$0xf]  }
0x8d: {  	[hbm:s0], [sflag:s19] =	dma.local @!p1 [spmem:s28], $0x2780  }
0x8e: {  	s0 =	simm.s32 @!p1 $0x7  }
0x8f: {  	_ =	swait.ge @!p1 [sflag:s0], $0x2780  }
0x90: {  	[sflag:s0] =	ssyncset.done @!p1 $0x0  }
0x91: {  	s4 =	rddreg [dreg:$0x11];
	[sflag:s0] =	ssyncadd.s32 @!p1 $0xFFFFD880  }
.LBB2_8:
0x92: {  	s4 =	sadd.s32 $0x1, s4;
	s0 =	rddreg [dreg:$0xb]  }
0x93: {  	p2 =	sne.s32 s4, s0  }
.Ltmp1:
0x94: {  	_ = 	snop;
	(pc) =	sbr.rel @!p2 .LBB2_9-.Ltmp1, $1  }
0x95: {  	_ =	sdelay $0x3  }
.LBB2_1:
.Ltmp2:
0x96: {  	(pc) =	sbr.rel @!p0 .LBB2_2-.Ltmp2, $2  }
0x97: {  	_ =	sdelay $0x2  }
0x98: {  	[dreg:$0x11] =	wrdreg s4  }
0x99: {  	s0 =	simm.s32 @p1 $0x1FC7;
	s18 =	rddreg [dreg:$0xc]  }
0x9a: {  	[spmem:s25], [sflag:s0] =	dma.local @p1 [hbm:s18], $0x2080  }
0x9b: {  	s0 =	simm.s32 @p1 $0x7  }
0x9c: {  	_ =	swait.ge @p1 [sflag:s0], $0x2080  }
0x9d: {  	[sflag:s0] =	ssyncset.done @p1 $0x0  }
0x9e: {  	[sflag:s0] =	ssyncadd.s32 @p1 $0xFFFFDF80;
	s0 =	rddreg [dreg:$0xe]  }
0x9f: {  	[spmem:s28], [sflag:s19] =	dma.local @!p1 [hbm:s0], $0x2780  }
0xa0: {  	s0 =	simm.s32 @!p1 $0x7  }
0xa1: {  	_ =	swait.ge @!p1 [sflag:s0], $0x2780  }
0xa2: {  	[sflag:s0] =	ssyncset.done @!p1 $0x0  }
0xa3: {  	[sflag:s0] =	ssyncadd.s32 @!p1 $0xFFFFD880  }
0xa4: {  	s16 =	sadd.s32 $0x0, s8;
	[bflag:$0x0] =	sbarrier.arrive $0xFFFF  }
0xa5: {  	[tilespmem:s20], [sflag:$0x7] =	stream.linear.gather [hbm4b:s16+s3], $0x600, $0x38;
	v63 =	vld [tilespmem:$0x0]  }
0xa6: {  	_ =	swait.ge [sflag:s21], $0x600  }
0xa7: {  	[sflag:s21] =	ssyncset.done $0x0  }
0xa8: {  	s18 =	sadd.s32 $0x0, s9;
	[sflag:s21] =	ssyncadd.s32 $0xFFFFFA00  }
0xa9: {  	[tilespmem:s22], [sflag:$0x7] =	stream.linear.gather [hbm4b:s18+s3], $0x600, $0x38;
	v63 =	vld [tilespmem:$0x0]  }
0xaa: {  	_ =	swait.ge [sflag:s21], $0x600  }
0xab: {  	[sflag:s21] =	ssyncset.done $0x0  }
0xac: {  	[sflag:s21] =	ssyncadd.s32 $0xFFFFFA00  }
0xad: {  	[tilespmem:s24], [sflag:$0x1] =	stream.indirect.gather [hbm4b:s12+s23], $0x80, s20, s23, $0xb8;
	v63 =	vld [tilespmem:$0x0]  }
0xae: {  	s19 =	simm.s32 $0x13C80  }
0xaf: {  	[tilespmem:s26], [sflag:$0x2] =	stream.indirect.gather [hbm4b:s12+s23], $0x80, s19, s23, $0xb8;
	v63 =	vld [tilespmem:$0x0]  }
0xb0: {  	s6 =	simm.s32 $0x13D00  }
0xb1: {  	[tilespmem:s29], [sflag:$0x3] =	stream.indirect.gather [hbm4b:s12+s23], $0x80, s6, s23, $0xb8;
	v63 =	vld [tilespmem:$0x0]  }
0xb2: {  	_ =	swait.ge [sflag:s30], $0x3C00  }
0xb3: {  	[sflag:s30] =	ssyncset.done $0x0  }
0xb4: {  	[sflag:s30] =	ssyncadd.s32 $0xFFFFC400  }
0xb5: {  	[spmem:s2] =	stream.indirect.scatter.add.f32 [tilespmem:s24], [sflag:$0x4], $0x80, s22, s23, $0xb8;
	v63 =	vld [tilespmem:$0x0]  }
0xb6: {  	_ =	swait.ge [sflag:s31], $0x3C00  }
0xb7: {  	[sflag:s31] =	ssyncset.done $0x0  }
0xb8: {  	s10 =	simm.s32 $0x14480;
	[sflag:s31] =	ssyncadd.s32 $0xFFFFC400  }
0xb9: {  	[spmem:s2] =	stream.indirect.scatter.add.f32 [tilespmem:s26], [sflag:$0x5], $0x80, s10, s23, $0xb8;
	v63 =	vld [tilespmem:$0x0]  }
0xba: {  	_ =	swait.ge [sflag:s1], $0x3C00  }
0xbb: {  	[sflag:s1] =	ssyncset.done $0x0  }
0xbc: {  	s15 =	simm.s32 $0x14500;
	[sflag:s1] =	ssyncadd.s32 $0xFFFFC400  }
0xbd: {  	[spmem:s2] =	stream.indirect.scatter.add.f32 [tilespmem:s29], [sflag:$0x6], $0x80, s15, s23, $0xb8;
	v63 =	vld [tilespmem:$0x0]  }
0xbe: {  	_ =	swait.ge [sflag:s7], $0x3C00  }
0xbf: {  	[sflag:s7] =	ssyncset.done $0x0  }
0xc0: {  	s4 =	simm.s32 $0x13D80;
	[sflag:s7] =	ssyncadd.s32 $0xFFFFC400  }
0xc1: {  	[tilespmem:s24], [sflag:$0x1] =	stream.indirect.gather [hbm4b:s12+s23], $0x80, s4, s23, $0xb8;
	v63 =	vld [tilespmem:$0x0]  }
0xc2: {  	_ =	swait.ge [sflag:s11], $0x3C00  }
0xc3: {  	[sflag:s11] =	ssyncset.done $0x0  }
0xc4: {  	s13 =	simm.s32 $0x13E00;
	[sflag:s11] =	ssyncadd.s32 $0xFFFFC400  }
0xc5: {  	[tilespmem:s26], [sflag:$0x2] =	stream.indirect.gather [hbm4b:s12+s23], $0x80, s13, s23, $0xb8;
	v63 =	vld [tilespmem:$0x0]  }
0xc6: {  	_ =	swait.ge [sflag:s17], $0x3C00  }
0xc7: {  	[sflag:s17] =	ssyncset.done $0x0  }
0xc8: {  	s14 =	simm.s32 $0x13E80;
	[sflag:s17] =	ssyncadd.s32 $0xFFFFC400  }
0xc9: {  	[tilespmem:s29], [sflag:$0x3] =	stream.indirect.gather [hbm4b:s12+s23], $0x80, s14, s23, $0xb8;
	v63 =	vld [tilespmem:$0x0]  }
0xca: {  	_ =	swait.ge [sflag:s30], $0x3C00  }
0xcb: {  	[sflag:s30] =	ssyncset.done $0x0  }
0xcc: {  	s16 =	simm.s32 $0x14580;
	[sflag:s30] =	ssyncadd.s32 $0xFFFFC400  }
0xcd: {  	[spmem:s2] =	stream.indirect.scatter.add.f32 [tilespmem:s24], [sflag:$0x4], $0x80, s16, s23, $0xb8;
	v63 =	vld [tilespmem:$0x0]  }
0xce: {  	_ =	swait.ge [sflag:s31], $0x3C00  }
0xcf: {  	[sflag:s31] =	ssyncset.done $0x0  }
0xd0: {  	s25 =	simm.s32 $0x14600;
	[sflag:s31] =	ssyncadd.s32 $0xFFFFC400  }
0xd1: {  	[spmem:s2] =	stream.indirect.scatter.add.f32 [tilespmem:s26], [sflag:$0x5], $0x80, s25, s23, $0xb8;
	v63 =	vld [tilespmem:$0x0]  }
0xd2: {  	_ =	swait.ge [sflag:s1], $0x3C00  }
0xd3: {  	[sflag:s1] =	ssyncset.done $0x0  }
0xd4: {  	s28 =	simm.s32 $0x14680;
	[sflag:s1] =	ssyncadd.s32 $0xFFFFC400  }
0xd5: {  	[spmem:s2] =	stream.indirect.scatter.add.f32 [tilespmem:s29], [sflag:$0x6], $0x80, s28, s23, $0xb8;
	v63 =	vld [tilespmem:$0x0]  }
0xd6: {  	_ =	swait.ge [sflag:s7], $0x3C00  }
0xd7: {  	[sflag:s7] =	ssyncset.done $0x0  }
0xd8: {  	s18 =	simm.s32 $0x13F00;
	[sflag:s7] =	ssyncadd.s32 $0xFFFFC400  }
0xd9: {  	[tilespmem:s24], [sflag:$0x1] =	stream.indirect.gather [hbm4b:s12+s23], $0x80, s18, s23, $0xb8;
	v63 =	vld [tilespmem:$0x0]  }
0xda: {  	_ =	swait.ge [sflag:s11], $0x3C00  }
0xdb: {  	[sflag:s11] =	ssyncset.done $0x0  }
0xdc: {  	s19 =	simm.s32 $0x13F80;
	[sflag:s11] =	ssyncadd.s32 $0xFFFFC400  }
0xdd: {  	[tilespmem:s26], [sflag:$0x2] =	stream.indirect.gather [hbm4b:s12+s23], $0x80, s19, s23, $0xb8;
	v63 =	vld [tilespmem:$0x0]  }
0xde: {  	_ =	swait.ge [sflag:s17], $0x3C00  }
0xdf: {  	[sflag:s17] =	ssyncset.done $0x0  }
0xe0: {  	s25 =	simm.s32 $0x14000;
	[sflag:s17] =	ssyncadd.s32 $0xFFFFC400  }
0xe1: {  	[tilespmem:s29], [sflag:$0x3] =	stream.indirect.gather [hbm4b:s12+s23], $0x80, s25, s23, $0xb8;
	v63 =	vld [tilespmem:$0x0]  }
0xe2: {  	_ =	swait.ge [sflag:s30], $0x3C00  }
0xe3: {  	[sflag:s30] =	ssyncset.done $0x0  }
0xe4: {  	s28 =	simm.s32 $0x14700;
	[sflag:s30] =	ssyncadd.s32 $0xFFFFC400  }
0xe5: {  	[spmem:s2] =	stream.indirect.scatter.add.f32 [tilespmem:s24], [sflag:$0x4], $0x80, s28, s23, $0xb8;
	v63 =	vld [tilespmem:$0x0]  }
0xe6: {  	_ =	swait.ge [sflag:s31], $0x3C00  }
0xe7: {  	[sflag:s31] =	ssyncset.done $0x0  }
0xe8: {  	s18 =	simm.s32 $0x14780;
	[sflag:s31] =	ssyncadd.s32 $0xFFFFC400  }
0xe9: {  	[spmem:s2] =	stream.indirect.scatter.add.f32 [tilespmem:s26], [sflag:$0x5], $0x80, s18, s23, $0xb8;
	v63 =	vld [tilespmem:$0x0]  }
0xea: {  	_ =	swait.ge [sflag:s1], $0x3C00  }
0xeb: {  	[sflag:s1] =	ssyncset.done $0x0  }
0xec: {  	s19 =	simm.s32 $0x14800;
	[sflag:s1] =	ssyncadd.s32 $0xFFFFC400  }
0xed: {  	[spmem:s2] =	stream.indirect.scatter.add.f32 [tilespmem:s29], [sflag:$0x6], $0x80, s19, s23, $0xb8;
	v63 =	vld [tilespmem:$0x0]  }
0xee: {  	_ =	swait.ge [sflag:s7], $0x3C00  }
0xef: {  	[sflag:s7] =	ssyncset.done $0x0  }
0xf0: {  	s25 =	simm.s32 $0x14080;
	[sflag:s7] =	ssyncadd.s32 $0xFFFFC400  }
0xf1: {  	[tilespmem:s24], [sflag:$0x1] =	stream.indirect.gather [hbm4b:s12+s23], $0x80, s25, s23, $0xb8;
	v63 =	vld [tilespmem:$0x0]  }
0xf2: {  	_ =	swait.ge [sflag:s11], $0x3C00  }
0xf3: {  	[sflag:s11] =	ssyncset.done $0x0  }
0xf4: {  	s28 =	simm.s32 $0x14100;
	[sflag:s11] =	ssyncadd.s32 $0xFFFFC400  }
0xf5: {  	[tilespmem:s26], [sflag:$0x2] =	stream.indirect.gather [hbm4b:s12+s23], $0x80, s28, s23, $0xb8;
	v63 =	vld [tilespmem:$0x0]  }
0xf6: {  	_ =	swait.ge [sflag:s17], $0x3C00  }
0xf7: {  	[sflag:s17] =	ssyncset.done $0x0  }
0xf8: {  	s18 =	simm.s32 $0x14180;
	[sflag:s17] =	ssyncadd.s32 $0xFFFFC400  }
0xf9: {  	[tilespmem:s29], [sflag:$0x3] =	stream.indirect.gather [hbm4b:s12+s23], $0x80, s18, s23, $0xb8;
	v63 =	vld [tilespmem:$0x0]  }
0xfa: {  	_ =	swait.ge [sflag:s30], $0x3C00  }
0xfb: {  	[sflag:s30] =	ssyncset.done $0x0  }
0xfc: {  	s19 =	simm.s32 $0x14880;
	[sflag:s30] =	ssyncadd.s32 $0xFFFFC400  }
0xfd: {  	[spmem:s2] =	stream.indirect.scatter.add.f32 [tilespmem:s24], [sflag:$0x4], $0x80, s19, s23, $0xb8;
	v63 =	vld [tilespmem:$0x0]  }
0xfe: {  	_ =	swait.ge [sflag:s31], $0x3C00  }
0xff: {  	[sflag:s31] =	ssyncset.done $0x0  }
0x100: {  	s25 =	simm.s32 $0x14900;
	[sflag:s31] =	ssyncadd.s32 $0xFFFFC400  }
0x101: {  	[spmem:s2] =	stream.indirect.scatter.add.f32 [tilespmem:s26], [sflag:$0x5], $0x80, s25, s23, $0xb8;
	v63 =	vld [tilespmem:$0x0]  }
0x102: {  	_ =	swait.ge [sflag:s1], $0x3C00  }
0x103: {  	[sflag:s1] =	ssyncset.done $0x0  }
0x104: {  	s28 =	simm.s32 $0x14980;
	[sflag:s1] =	ssyncadd.s32 $0xFFFFC400  }
0x105: {  	[spmem:s2] =	stream.indirect.scatter.add.f32 [tilespmem:s29], [sflag:$0x6], $0x80, s28, s23, $0xb8;
	v63 =	vld [tilespmem:$0x0]  }
0x106: {  	_ =	swait.ge [sflag:s7], $0x3C00  }
0x107: {  	[sflag:s7] =	ssyncset.done $0x0  }
0x108: {  	[sflag:s7] =	ssyncadd.s32 $0xFFFFC400  }
0x109: {  	_ =	swait.ge [sflag:s11], $0x3C00  }
0x10a: {  	[sflag:s11] =	ssyncset.done $0x0  }
0x10b: {  	[sflag:s11] =	ssyncadd.s32 $0xFFFFC400  }
0x10c: {  	_ =	swait.ge [sflag:s17], $0x3C00  }
0x10d: {  	s18 =	simm.s32 $0x100;
	s25 =	simm.s32 $0x200;
	[sflag:s17] =	ssyncset.done $0x0  }
.LBB2_6:
0x10e: {  	s0 =	sadd.s32 s18, s8  }
0x10f: {  	[sflag:s17] =	ssyncadd.s32 $0xFFFFC400;
	s28 =	smov.u32 s25;
	s19 =	sadd.s32 $0x100, s25  }
0x110: {  	[tilespmem:s20], [sflag:$0x7] =	stream.linear.gather [hbm4b:s0+s3], $0x600, $0x38;
	v63 =	vld [tilespmem:$0x0]  }
0x111: {  	p2 =	sne.s32 s25, $0xD00;
	_ =	swait.ge [sflag:s21], $0x600  }
0x112: {  	s0 =	sadd.s32 s18, s9;
	[sflag:s21] =	ssyncset.done $0x0  }
0x113: {  	s18 =	smov.u32 s28;
	s28 =	simm.s32 $0x13C80;
	[sflag:s21] =	ssyncadd.s32 $0xFFFFFA00  }
0x114: {  	[tilespmem:s22], [sflag:$0x7] =	stream.linear.gather [hbm4b:s0+s3], $0x600, $0x38;
	v63 =	vld [tilespmem:$0x0]  }
0x115: {  	_ =	swait.ge [sflag:s21], $0x600  }
0x116: {  	[sflag:s21] =	ssyncset.done $0x0  }
0x117: {  	[sflag:s21] =	ssyncadd.s32 $0xFFFFFA00  }
0x118: {  	[tilespmem:s24], [sflag:$0x1] =	stream.indirect.gather [hbm4b:s12+s23], $0x80, s20, s23, $0xb8;
	v63 =	vld [tilespmem:$0x0]  }
0x119: {  	_ = 	snop  }
0x11a: {  	[tilespmem:s26], [sflag:$0x2] =	stream.indirect.gather [hbm4b:s12+s23], $0x80, s28, s23, $0xb8;
	v63 =	vld [tilespmem:$0x0]  }
0x11b: {  	_ = 	snop  }
0x11c: {  	[tilespmem:s29], [sflag:$0x3] =	stream.indirect.gather [hbm4b:s12+s23], $0x80, s6, s23, $0xb8;
	v63 =	vld [tilespmem:$0x0]  }
0x11d: {  	_ =	swait.ge [sflag:s30], $0x3C00  }
0x11e: {  	[sflag:s30] =	ssyncset.done $0x0  }
0x11f: {  	[sflag:s30] =	ssyncadd.s32 $0xFFFFC400  }
0x120: {  	[spmem:s2] =	stream.indirect.scatter.add.f32 [tilespmem:s24], [sflag:$0x4], $0x80, s22, s23, $0xb8;
	v63 =	vld [tilespmem:$0x0]  }
0x121: {  	_ =	swait.ge [sflag:s31], $0x3C00  }
0x122: {  	[sflag:s31] =	ssyncset.done $0x0  }
0x123: {  	[sflag:s31] =	ssyncadd.s32 $0xFFFFC400  }
0x124: {  	[spmem:s2] =	stream.indirect.scatter.add.f32 [tilespmem:s26], [sflag:$0x5], $0x80, s10, s23, $0xb8;
	v63 =	vld [tilespmem:$0x0]  }
0x125: {  	_ =	swait.ge [sflag:s1], $0x3C00  }
0x126: {  	[sflag:s1] =	ssyncset.done $0x0  }
0x127: {  	[sflag:s1] =	ssyncadd.s32 $0xFFFFC400  }
0x128: {  	[spmem:s2] =	stream.indirect.scatter.add.f32 [tilespmem:s29], [sflag:$0x6], $0x80, s15, s23, $0xb8;
	v63 =	vld [tilespmem:$0x0]  }
0x129: {  	_ =	swait.ge [sflag:s7], $0x3C00  }
0x12a: {  	[sflag:s7] =	ssyncset.done $0x0  }
0x12b: {  	[sflag:s7] =	ssyncadd.s32 $0xFFFFC400  }
0x12c: {  	[tilespmem:s24], [sflag:$0x1] =	stream.indirect.gather [hbm4b:s12+s23], $0x80, s4, s23, $0xb8;
	v63 =	vld [tilespmem:$0x0]  }
0x12d: {  	_ =	swait.ge [sflag:s11], $0x3C00  }
0x12e: {  	[sflag:s11] =	ssyncset.done $0x0  }
0x12f: {  	[sflag:s11] =	ssyncadd.s32 $0xFFFFC400  }
0x130: {  	[tilespmem:s26], [sflag:$0x2] =	stream.indirect.gather [hbm4b:s12+s23], $0x80, s13, s23, $0xb8;
	v63 =	vld [tilespmem:$0x0]  }
0x131: {  	_ =	swait.ge [sflag:s17], $0x3C00  }
0x132: {  	[sflag:s17] =	ssyncset.done $0x0  }
0x133: {  	[sflag:s17] =	ssyncadd.s32 $0xFFFFC400  }
0x134: {  	[tilespmem:s29], [sflag:$0x3] =	stream.indirect.gather [hbm4b:s12+s23], $0x80, s14, s23, $0xb8;
	v63 =	vld [tilespmem:$0x0]  }
0x135: {  	_ =	swait.ge [sflag:s30], $0x3C00  }
0x136: {  	[sflag:s30] =	ssyncset.done $0x0  }
0x137: {  	[sflag:s30] =	ssyncadd.s32 $0xFFFFC400  }
0x138: {  	[spmem:s2] =	stream.indirect.scatter.add.f32 [tilespmem:s24], [sflag:$0x4], $0x80, s16, s23, $0xb8;
	v63 =	vld [tilespmem:$0x0]  }
0x139: {  	_ =	swait.ge [sflag:s31], $0x3C00  }
0x13a: {  	[sflag:s31] =	ssyncset.done $0x0  }
0x13b: {  	s0 =	simm.s32 $0x14600;
	[sflag:s31] =	ssyncadd.s32 $0xFFFFC400  }
0x13c: {  	[spmem:s2] =	stream.indirect.scatter.add.f32 [tilespmem:s26], [sflag:$0x5], $0x80, s0, s23, $0xb8;
	v63 =	vld [tilespmem:$0x0]  }
0x13d: {  	_ =	swait.ge [sflag:s1], $0x3C00  }
0x13e: {  	[sflag:s1] =	ssyncset.done $0x0  }
0x13f: {  	s0 =	simm.s32 $0x14680;
	[sflag:s1] =	ssyncadd.s32 $0xFFFFC400  }
0x140: {  	[spmem:s2] =	stream.indirect.scatter.add.f32 [tilespmem:s29], [sflag:$0x6], $0x80, s0, s23, $0xb8;
	v63 =	vld [tilespmem:$0x0]  }
0x141: {  	_ =	swait.ge [sflag:s7], $0x3C00  }
0x142: {  	[sflag:s7] =	ssyncset.done $0x0  }
0x143: {  	s0 =	simm.s32 $0x13F00;
	[sflag:s7] =	ssyncadd.s32 $0xFFFFC400  }
0x144: {  	[tilespmem:s24], [sflag:$0x1] =	stream.indirect.gather [hbm4b:s12+s23], $0x80, s0, s23, $0xb8;
	v63 =	vld [tilespmem:$0x0]  }
0x145: {  	_ =	swait.ge [sflag:s11], $0x3C00  }
0x146: {  	[sflag:s11] =	ssyncset.done $0x0  }
0x147: {  	s0 =	simm.s32 $0x13F80;
	[sflag:s11] =	ssyncadd.s32 $0xFFFFC400  }
0x148: {  	[tilespmem:s26], [sflag:$0x2] =	stream.indirect.gather [hbm4b:s12+s23], $0x80, s0, s23, $0xb8;
	v63 =	vld [tilespmem:$0x0]  }
0x149: {  	_ =	swait.ge [sflag:s17], $0x3C00  }
0x14a: {  	[sflag:s17] =	ssyncset.done $0x0  }
0x14b: {  	s0 =	simm.s32 $0x14000;
	[sflag:s17] =	ssyncadd.s32 $0xFFFFC400  }
0x14c: {  	[tilespmem:s29], [sflag:$0x3] =	stream.indirect.gather [hbm4b:s12+s23], $0x80, s0, s23, $0xb8;
	v63 =	vld [tilespmem:$0x0]  }
0x14d: {  	_ =	swait.ge [sflag:s30], $0x3C00  }
0x14e: {  	[sflag:s30] =	ssyncset.done $0x0  }
0x14f: {  	s0 =	simm.s32 $0x14700;
	[sflag:s30] =	ssyncadd.s32 $0xFFFFC400  }
0x150: {  	[spmem:s2] =	stream.indirect.scatter.add.f32 [tilespmem:s24], [sflag:$0x4], $0x80, s0, s23, $0xb8;
	v63 =	vld [tilespmem:$0x0]  }
0x151: {  	_ =	swait.ge [sflag:s31], $0x3C00  }
0x152: {  	[sflag:s31] =	ssyncset.done $0x0  }
0x153: {  	s0 =	simm.s32 $0x14780;
	[sflag:s31] =	ssyncadd.s32 $0xFFFFC400  }
0x154: {  	[spmem:s2] =	stream.indirect.scatter.add.f32 [tilespmem:s26], [sflag:$0x5], $0x80, s0, s23, $0xb8;
	v63 =	vld [tilespmem:$0x0]  }
0x155: {  	_ =	swait.ge [sflag:s1], $0x3C00  }
0x156: {  	[sflag:s1] =	ssyncset.done $0x0  }
0x157: {  	s0 =	simm.s32 $0x14800;
	[sflag:s1] =	ssyncadd.s32 $0xFFFFC400  }
0x158: {  	[spmem:s2] =	stream.indirect.scatter.add.f32 [tilespmem:s29], [sflag:$0x6], $0x80, s0, s23, $0xb8;
	v63 =	vld [tilespmem:$0x0]  }
0x159: {  	_ =	swait.ge [sflag:s7], $0x3C00  }
0x15a: {  	[sflag:s7] =	ssyncset.done $0x0  }
0x15b: {  	s0 =	simm.s32 $0x14080;
	[sflag:s7] =	ssyncadd.s32 $0xFFFFC400  }
0x15c: {  	[tilespmem:s24], [sflag:$0x1] =	stream.indirect.gather [hbm4b:s12+s23], $0x80, s0, s23, $0xb8;
	v63 =	vld [tilespmem:$0x0]  }
0x15d: {  	_ =	swait.ge [sflag:s11], $0x3C00  }
0x15e: {  	[sflag:s11] =	ssyncset.done $0x0  }
0x15f: {  	s0 =	simm.s32 $0x14100;
	[sflag:s11] =	ssyncadd.s32 $0xFFFFC400  }
0x160: {  	[tilespmem:s26], [sflag:$0x2] =	stream.indirect.gather [hbm4b:s12+s23], $0x80, s0, s23, $0xb8;
	v63 =	vld [tilespmem:$0x0]  }
0x161: {  	_ =	swait.ge [sflag:s17], $0x3C00  }
0x162: {  	[sflag:s17] =	ssyncset.done $0x0  }
0x163: {  	s0 =	simm.s32 $0x14180;
	[sflag:s17] =	ssyncadd.s32 $0xFFFFC400  }
0x164: {  	[tilespmem:s29], [sflag:$0x3] =	stream.indirect.gather [hbm4b:s12+s23], $0x80, s0, s23, $0xb8;
	v63 =	vld [tilespmem:$0x0]  }
0x165: {  	_ =	swait.ge [sflag:s30], $0x3C00  }
0x166: {  	[sflag:s30] =	ssyncset.done $0x0  }
0x167: {  	s0 =	simm.s32 $0x14880;
	[sflag:s30] =	ssyncadd.s32 $0xFFFFC400  }
0x168: {  	[spmem:s2] =	stream.indirect.scatter.add.f32 [tilespmem:s24], [sflag:$0x4], $0x80, s0, s23, $0xb8;
	v63 =	vld [tilespmem:$0x0]  }
0x169: {  	_ =	swait.ge [sflag:s31], $0x3C00  }
0x16a: {  	[sflag:s31] =	ssyncset.done $0x0  }
0x16b: {  	s0 =	simm.s32 $0x14900;
	[sflag:s31] =	ssyncadd.s32 $0xFFFFC400  }
0x16c: {  	[spmem:s2] =	stream.indirect.scatter.add.f32 [tilespmem:s26], [sflag:$0x5], $0x80, s0, s23, $0xb8;
	v63 =	vld [tilespmem:$0x0]  }
0x16d: {  	_ =	swait.ge [sflag:s1], $0x3C00  }
0x16e: {  	[sflag:s1] =	ssyncset.done $0x0  }
0x16f: {  	s0 =	simm.s32 $0x14980;
	[sflag:s1] =	ssyncadd.s32 $0xFFFFC400  }
0x170: {  	[spmem:s2] =	stream.indirect.scatter.add.f32 [tilespmem:s29], [sflag:$0x6], $0x80, s0, s23, $0xb8;
	v63 =	vld [tilespmem:$0x0]  }
0x171: {  	_ =	swait.ge [sflag:s7], $0x3C00  }
0x172: {  	[sflag:s7] =	ssyncset.done $0x0  }
0x173: {  	[sflag:s7] =	ssyncadd.s32 $0xFFFFC400  }
.Ltmp3:
0x174: {  	_ =	swait.ge [sflag:s11], $0x3C00;
	(pc) =	sbr.rel @p2 .LBB2_6-.Ltmp3, $4  }
0x175: {  	[sflag:s11] =	ssyncset.done $0x0  }
0x176: {  	[sflag:s11] =	ssyncadd.s32 $0xFFFFC400  }
0x177: {  	_ =	swait.ge [sflag:s17], $0x3C00  }
0x178: {  	s25 =	smov.u32 s19;
	[sflag:s17] =	ssyncset.done $0x0  }
.Ltmp4:
0x179: {  	_ = 	snop;
	(pc) =	sbr.rel .LBB2_7-.Ltmp4, $1  }
0x17a: {  	_ =	sdelay $0x3  }
.LBB2_2:
0x17b: {  	s18 =	simm.s32 @p1 $0x1FC7;
	s0 =	rddreg [dreg:$0x7]  }
0x17c: {  	[spmem:s25], [sflag:s18] =	dma.local @p1 [hbm:s0], $0x2080  }
0x17d: {  	s18 =	simm.s32 @p1 $0x7  }
0x17e: {  	_ =	swait.ge @p1 [sflag:s18], $0x2080  }
0x17f: {  	[sflag:s18] =	ssyncset.done @p1 $0x0  }
0x180: {  	s0 =	rddreg [dreg:$0x6];
	[sflag:s18] =	ssyncadd.s32 @p1 $0xFFFFDF80;
	s18 =	simm.s32 @!p1 $0x7  }
0x181: {  	[spmem:s28], [sflag:s19] =	dma.local @!p1 [hbm:s0], $0x2780  }
0x182: {  	_ =	swait.ge @!p1 [sflag:s18], $0x2780  }
0x183: {  	[sflag:s18] =	ssyncset.done @!p1 $0x0  }
0x184: {  	[sflag:s18] =	ssyncadd.s32 @!p1 $0xFFFFD880  }
0x185: {  	s15 =	sadd.s32 $0x0, s8;
	[bflag:$0x0] =	sbarrier.arrive $0xFFFF  }
0x186: {  	[tilespmem:s20], [sflag:$0x7] =	stream.linear.gather [hbm4b:s15+s3], $0x600, $0x38;
	v63 =	vld [tilespmem:$0x0]  }
0x187: {  	_ =	swait.ge [sflag:s21], $0x600  }
0x188: {  	[sflag:s21] =	ssyncset.done $0x0  }
0x189: {  	s16 =	sadd.s32 $0x0, s9;
	[sflag:s21] =	ssyncadd.s32 $0xFFFFFA00  }
0x18a: {  	[tilespmem:s22], [sflag:$0x7] =	stream.linear.gather [hbm4b:s16+s3], $0x600, $0x38;
	v63 =	vld [tilespmem:$0x0]  }
0x18b: {  	_ =	swait.ge [sflag:s21], $0x600  }
0x18c: {  	[sflag:s21] =	ssyncset.done $0x0  }
0x18d: {  	[sflag:s21] =	ssyncadd.s32 $0xFFFFFA00  }
0x18e: {  	[tilespmem:s24], [sflag:$0x1] =	stream.indirect.gather [hbm4b:s5+s23], $0x80, s20, s23, $0xb8;
	v63 =	vld [tilespmem:$0x0]  }
0x18f: {  	s19 =	simm.s32 $0x13C80  }
0x190: {  	[tilespmem:s26], [sflag:$0x2] =	stream.indirect.gather [hbm4b:s5+s23], $0x80, s19, s23, $0xb8;
	v63 =	vld [tilespmem:$0x0]  }
0x191: {  	s6 =	simm.s32 $0x13D00  }
0x192: {  	[tilespmem:s29], [sflag:$0x3] =	stream.indirect.gather [hbm4b:s5+s23], $0x80, s6, s23, $0xb8;
	v63 =	vld [tilespmem:$0x0]  }
0x193: {  	_ =	swait.ge [sflag:s30], $0x3C00  }
0x194: {  	[sflag:s30] =	ssyncset.done $0x0  }
0x195: {  	[sflag:s30] =	ssyncadd.s32 $0xFFFFC400  }
0x196: {  	[spmem:s2] =	stream.indirect.scatter.add.f32 [tilespmem:s24], [sflag:$0x4], $0x80, s22, s23, $0xb8;
	v63 =	vld [tilespmem:$0x0]  }
0x197: {  	_ =	swait.ge [sflag:s31], $0x3C00  }
0x198: {  	[sflag:s31] =	ssyncset.done $0x0  }
0x199: {  	s10 =	simm.s32 $0x14480;
	[sflag:s31] =	ssyncadd.s32 $0xFFFFC400  }
0x19a: {  	[spmem:s2] =	stream.indirect.scatter.add.f32 [tilespmem:s26], [sflag:$0x5], $0x80, s10, s23, $0xb8;
	v63 =	vld [tilespmem:$0x0]  }
0x19b: {  	_ =	swait.ge [sflag:s1], $0x3C00  }
0x19c: {  	[sflag:s1] =	ssyncset.done $0x0  }
0x19d: {  	s15 =	simm.s32 $0x14500;
	[sflag:s1] =	ssyncadd.s32 $0xFFFFC400  }
0x19e: {  	[spmem:s2] =	stream.indirect.scatter.add.f32 [tilespmem:s29], [sflag:$0x6], $0x80, s15, s23, $0xb8;
	v63 =	vld [tilespmem:$0x0]  }
0x19f: {  	_ =	swait.ge [sflag:s7], $0x3C00  }
0x1a0: {  	[sflag:s7] =	ssyncset.done $0x0  }
0x1a1: {  	s4 =	simm.s32 $0x13D80;
	[sflag:s7] =	ssyncadd.s32 $0xFFFFC400  }
0x1a2: {  	[tilespmem:s24], [sflag:$0x1] =	stream.indirect.gather [hbm4b:s5+s23], $0x80, s4, s23, $0xb8;
	v63 =	vld [tilespmem:$0x0]  }
0x1a3: {  	_ =	swait.ge [sflag:s11], $0x3C00  }
0x1a4: {  	[sflag:s11] =	ssyncset.done $0x0  }
0x1a5: {  	s13 =	simm.s32 $0x13E00;
	[sflag:s11] =	ssyncadd.s32 $0xFFFFC400  }
0x1a6: {  	[tilespmem:s26], [sflag:$0x2] =	stream.indirect.gather [hbm4b:s5+s23], $0x80, s13, s23, $0xb8;
	v63 =	vld [tilespmem:$0x0]  }
0x1a7: {  	_ =	swait.ge [sflag:s17], $0x3C00  }
0x1a8: {  	[sflag:s17] =	ssyncset.done $0x0  }
0x1a9: {  	s14 =	simm.s32 $0x13E80;
	[sflag:s17] =	ssyncadd.s32 $0xFFFFC400  }
0x1aa: {  	[tilespmem:s29], [sflag:$0x3] =	stream.indirect.gather [hbm4b:s5+s23], $0x80, s14, s23, $0xb8;
	v63 =	vld [tilespmem:$0x0]  }
0x1ab: {  	_ =	swait.ge [sflag:s30], $0x3C00  }
0x1ac: {  	[sflag:s30] =	ssyncset.done $0x0  }
0x1ad: {  	s16 =	simm.s32 $0x14580;
	[sflag:s30] =	ssyncadd.s32 $0xFFFFC400  }
0x1ae: {  	[spmem:s2] =	stream.indirect.scatter.add.f32 [tilespmem:s24], [sflag:$0x4], $0x80, s16, s23, $0xb8;
	v63 =	vld [tilespmem:$0x0]  }
0x1af: {  	_ =	swait.ge [sflag:s31], $0x3C00  }
0x1b0: {  	[sflag:s31] =	ssyncset.done $0x0  }
0x1b1: {  	s25 =	simm.s32 $0x14600;
	[sflag:s31] =	ssyncadd.s32 $0xFFFFC400  }
0x1b2: {  	[spmem:s2] =	stream.indirect.scatter.add.f32 [tilespmem:s26], [sflag:$0x5], $0x80, s25, s23, $0xb8;
	v63 =	vld [tilespmem:$0x0]  }
0x1b3: {  	_ =	swait.ge [sflag:s1], $0x3C00  }
0x1b4: {  	[sflag:s1] =	ssyncset.done $0x0  }
0x1b5: {  	s28 =	simm.s32 $0x14680;
	[sflag:s1] =	ssyncadd.s32 $0xFFFFC400  }
0x1b6: {  	[spmem:s2] =	stream.indirect.scatter.add.f32 [tilespmem:s29], [sflag:$0x6], $0x80, s28, s23, $0xb8;
	v63 =	vld [tilespmem:$0x0]  }
0x1b7: {  	_ =	swait.ge [sflag:s7], $0x3C00  }
0x1b8: {  	[sflag:s7] =	ssyncset.done $0x0  }
0x1b9: {  	s18 =	simm.s32 $0x13F00;
	[sflag:s7] =	ssyncadd.s32 $0xFFFFC400  }
0x1ba: {  	[tilespmem:s24], [sflag:$0x1] =	stream.indirect.gather [hbm4b:s5+s23], $0x80, s18, s23, $0xb8;
	v63 =	vld [tilespmem:$0x0]  }
0x1bb: {  	_ =	swait.ge [sflag:s11], $0x3C00  }
0x1bc: {  	[sflag:s11] =	ssyncset.done $0x0  }
0x1bd: {  	s19 =	simm.s32 $0x13F80;
	[sflag:s11] =	ssyncadd.s32 $0xFFFFC400  }
0x1be: {  	[tilespmem:s26], [sflag:$0x2] =	stream.indirect.gather [hbm4b:s5+s23], $0x80, s19, s23, $0xb8;
	v63 =	vld [tilespmem:$0x0]  }
0x1bf: {  	_ =	swait.ge [sflag:s17], $0x3C00  }
0x1c0: {  	[sflag:s17] =	ssyncset.done $0x0  }
0x1c1: {  	s25 =	simm.s32 $0x14000;
	[sflag:s17] =	ssyncadd.s32 $0xFFFFC400  }
0x1c2: {  	[tilespmem:s29], [sflag:$0x3] =	stream.indirect.gather [hbm4b:s5+s23], $0x80, s25, s23, $0xb8;
	v63 =	vld [tilespmem:$0x0]  }
0x1c3: {  	_ =	swait.ge [sflag:s30], $0x3C00  }
0x1c4: {  	[sflag:s30] =	ssyncset.done $0x0  }
0x1c5: {  	s28 =	simm.s32 $0x14700;
	[sflag:s30] =	ssyncadd.s32 $0xFFFFC400  }
0x1c6: {  	[spmem:s2] =	stream.indirect.scatter.add.f32 [tilespmem:s24], [sflag:$0x4], $0x80, s28, s23, $0xb8;
	v63 =	vld [tilespmem:$0x0]  }
0x1c7: {  	_ =	swait.ge [sflag:s31], $0x3C00  }
0x1c8: {  	[sflag:s31] =	ssyncset.done $0x0  }
0x1c9: {  	s18 =	simm.s32 $0x14780;
	[sflag:s31] =	ssyncadd.s32 $0xFFFFC400  }
0x1ca: {  	[spmem:s2] =	stream.indirect.scatter.add.f32 [tilespmem:s26], [sflag:$0x5], $0x80, s18, s23, $0xb8;
	v63 =	vld [tilespmem:$0x0]  }
0x1cb: {  	_ =	swait.ge [sflag:s1], $0x3C00  }
0x1cc: {  	[sflag:s1] =	ssyncset.done $0x0  }
0x1cd: {  	s19 =	simm.s32 $0x14800;
	[sflag:s1] =	ssyncadd.s32 $0xFFFFC400  }
0x1ce: {  	[spmem:s2] =	stream.indirect.scatter.add.f32 [tilespmem:s29], [sflag:$0x6], $0x80, s19, s23, $0xb8;
	v63 =	vld [tilespmem:$0x0]  }
0x1cf: {  	_ =	swait.ge [sflag:s7], $0x3C00  }
0x1d0: {  	[sflag:s7] =	ssyncset.done $0x0  }
0x1d1: {  	s25 =	simm.s32 $0x14080;
	[sflag:s7] =	ssyncadd.s32 $0xFFFFC400  }
0x1d2: {  	[tilespmem:s24], [sflag:$0x1] =	stream.indirect.gather [hbm4b:s5+s23], $0x80, s25, s23, $0xb8;
	v63 =	vld [tilespmem:$0x0]  }
0x1d3: {  	_ =	swait.ge [sflag:s11], $0x3C00  }
0x1d4: {  	[sflag:s11] =	ssyncset.done $0x0  }
0x1d5: {  	s28 =	simm.s32 $0x14100;
	[sflag:s11] =	ssyncadd.s32 $0xFFFFC400  }
0x1d6: {  	[tilespmem:s26], [sflag:$0x2] =	stream.indirect.gather [hbm4b:s5+s23], $0x80, s28, s23, $0xb8;
	v63 =	vld [tilespmem:$0x0]  }
0x1d7: {  	_ =	swait.ge [sflag:s17], $0x3C00  }
0x1d8: {  	[sflag:s17] =	ssyncset.done $0x0  }
0x1d9: {  	s18 =	simm.s32 $0x14180;
	[sflag:s17] =	ssyncadd.s32 $0xFFFFC400  }
0x1da: {  	[tilespmem:s29], [sflag:$0x3] =	stream.indirect.gather [hbm4b:s5+s23], $0x80, s18, s23, $0xb8;
	v63 =	vld [tilespmem:$0x0]  }
0x1db: {  	_ =	swait.ge [sflag:s30], $0x3C00  }
0x1dc: {  	[sflag:s30] =	ssyncset.done $0x0  }
0x1dd: {  	s19 =	simm.s32 $0x14880;
	[sflag:s30] =	ssyncadd.s32 $0xFFFFC400  }
0x1de: {  	[spmem:s2] =	stream.indirect.scatter.add.f32 [tilespmem:s24], [sflag:$0x4], $0x80, s19, s23, $0xb8;
	v63 =	vld [tilespmem:$0x0]  }
0x1df: {  	_ =	swait.ge [sflag:s31], $0x3C00  }
0x1e0: {  	[sflag:s31] =	ssyncset.done $0x0  }
0x1e1: {  	s25 =	simm.s32 $0x14900;
	[sflag:s31] =	ssyncadd.s32 $0xFFFFC400  }
0x1e2: {  	[spmem:s2] =	stream.indirect.scatter.add.f32 [tilespmem:s26], [sflag:$0x5], $0x80, s25, s23, $0xb8;
	v63 =	vld [tilespmem:$0x0]  }
0x1e3: {  	_ =	swait.ge [sflag:s1], $0x3C00  }
0x1e4: {  	[sflag:s1] =	ssyncset.done $0x0  }
0x1e5: {  	s28 =	simm.s32 $0x14980;
	[sflag:s1] =	ssyncadd.s32 $0xFFFFC400  }
0x1e6: {  	[spmem:s2] =	stream.indirect.scatter.add.f32 [tilespmem:s29], [sflag:$0x6], $0x80, s28, s23, $0xb8;
	v63 =	vld [tilespmem:$0x0]  }
0x1e7: {  	_ =	swait.ge [sflag:s7], $0x3C00  }
0x1e8: {  	[sflag:s7] =	ssyncset.done $0x0  }
0x1e9: {  	[sflag:s7] =	ssyncadd.s32 $0xFFFFC400  }
0x1ea: {  	_ =	swait.ge [sflag:s11], $0x3C00  }
0x1eb: {  	[sflag:s11] =	ssyncset.done $0x0  }
0x1ec: {  	[sflag:s11] =	ssyncadd.s32 $0xFFFFC400  }
0x1ed: {  	_ =	swait.ge [sflag:s17], $0x3C00  }
0x1ee: {  	s18 =	simm.s32 $0x100;
	s19 =	simm.s32 $0x200;
	[sflag:s17] =	ssyncset.done $0x0  }
.LBB2_3:
0x1ef: {  	s28 =	sadd.s32 s18, s8  }
0x1f0: {  	[sflag:s17] =	ssyncadd.s32 $0xFFFFC400;
	s0 =	smov.u32 s19;
	s25 =	sadd.s32 $0x100, s19  }
0x1f1: {  	[tilespmem:s20], [sflag:$0x7] =	stream.linear.gather [hbm4b:s28+s3], $0x600, $0x38;
	v63 =	vld [tilespmem:$0x0]  }
0x1f2: {  	s28 =	simm.s32 $0x13C80  }
0x1f3: {  	p2 =	sne.s32 s19, $0xD00;
	_ =	swait.ge [sflag:s21], $0x600  }
0x1f4: {  	[sflag:s21] =	ssyncset.done $0x0  }
0x1f5: {  	s19 =	sadd.s32 s18, s9;
	s18 =	smov.u32 s0;
	[sflag:s21] =	ssyncadd.s32 $0xFFFFFA00  }
0x1f6: {  	[tilespmem:s22], [sflag:$0x7] =	stream.linear.gather [hbm4b:s19+s3], $0x600, $0x38;
	v63 =	vld [tilespmem:$0x0]  }
0x1f7: {  	_ =	swait.ge [sflag:s21], $0x600  }
0x1f8: {  	[sflag:s21] =	ssyncset.done $0x0  }
0x1f9: {  	[sflag:s21] =	ssyncadd.s32 $0xFFFFFA00  }
0x1fa: {  	[tilespmem:s24], [sflag:$0x1] =	stream.indirect.gather [hbm4b:s5+s23], $0x80, s20, s23, $0xb8;
	v63 =	vld [tilespmem:$0x0]  }
0x1fb: {  	_ = 	snop  }
0x1fc: {  	[tilespmem:s26], [sflag:$0x2] =	stream.indirect.gather [hbm4b:s5+s23], $0x80, s28, s23, $0xb8;
	v63 =	vld [tilespmem:$0x0]  }
0x1fd: {  	_ = 	snop  }
0x1fe: {  	[tilespmem:s29], [sflag:$0x3] =	stream.indirect.gather [hbm4b:s5+s23], $0x80, s6, s23, $0xb8;
	v63 =	vld [tilespmem:$0x0]  }
0x1ff: {  	_ =	swait.ge [sflag:s30], $0x3C00  }
0x200: {  	[sflag:s30] =	ssyncset.done $0x0  }
0x201: {  	[sflag:s30] =	ssyncadd.s32 $0xFFFFC400  }
0x202: {  	[spmem:s2] =	stream.indirect.scatter.add.f32 [tilespmem:s24], [sflag:$0x4], $0x80, s22, s23, $0xb8;
	v63 =	vld [tilespmem:$0x0]  }
0x203: {  	_ =	swait.ge [sflag:s31], $0x3C00  }
0x204: {  	[sflag:s31] =	ssyncset.done $0x0  }
0x205: {  	[sflag:s31] =	ssyncadd.s32 $0xFFFFC400  }
0x206: {  	[spmem:s2] =	stream.indirect.scatter.add.f32 [tilespmem:s26], [sflag:$0x5], $0x80, s10, s23, $0xb8;
	v63 =	vld [tilespmem:$0x0]  }
0x207: {  	_ =	swait.ge [sflag:s1], $0x3C00  }
0x208: {  	[sflag:s1] =	ssyncset.done $0x0  }
0x209: {  	[sflag:s1] =	ssyncadd.s32 $0xFFFFC400  }
0x20a: {  	[spmem:s2] =	stream.indirect.scatter.add.f32 [tilespmem:s29], [sflag:$0x6], $0x80, s15, s23, $0xb8;
	v63 =	vld [tilespmem:$0x0]  }
0x20b: {  	_ =	swait.ge [sflag:s7], $0x3C00  }
0x20c: {  	[sflag:s7] =	ssyncset.done $0x0  }
0x20d: {  	[sflag:s7] =	ssyncadd.s32 $0xFFFFC400  }
0x20e: {  	[tilespmem:s24], [sflag:$0x1] =	stream.indirect.gather [hbm4b:s5+s23], $0x80, s4, s23, $0xb8;
	v63 =	vld [tilespmem:$0x0]  }
0x20f: {  	_ =	swait.ge [sflag:s11], $0x3C00  }
0x210: {  	[sflag:s11] =	ssyncset.done $0x0  }
0x211: {  	[sflag:s11] =	ssyncadd.s32 $0xFFFFC400  }
0x212: {  	[tilespmem:s26], [sflag:$0x2] =	stream.indirect.gather [hbm4b:s5+s23], $0x80, s13, s23, $0xb8;
	v63 =	vld [tilespmem:$0x0]  }
0x213: {  	_ =	swait.ge [sflag:s17], $0x3C00  }
0x214: {  	[sflag:s17] =	ssyncset.done $0x0  }
0x215: {  	[sflag:s17] =	ssyncadd.s32 $0xFFFFC400  }
0x216: {  	[tilespmem:s29], [sflag:$0x3] =	stream.indirect.gather [hbm4b:s5+s23], $0x80, s14, s23, $0xb8;
	v63 =	vld [tilespmem:$0x0]  }
0x217: {  	_ =	swait.ge [sflag:s30], $0x3C00  }
0x218: {  	[sflag:s30] =	ssyncset.done $0x0  }
0x219: {  	[sflag:s30] =	ssyncadd.s32 $0xFFFFC400  }
0x21a: {  	[spmem:s2] =	stream.indirect.scatter.add.f32 [tilespmem:s24], [sflag:$0x4], $0x80, s16, s23, $0xb8;
	v63 =	vld [tilespmem:$0x0]  }
0x21b: {  	_ =	swait.ge [sflag:s31], $0x3C00  }
0x21c: {  	[sflag:s31] =	ssyncset.done $0x0  }
0x21d: {  	s0 =	simm.s32 $0x14600;
	[sflag:s31] =	ssyncadd.s32 $0xFFFFC400  }
0x21e: {  	[spmem:s2] =	stream.indirect.scatter.add.f32 [tilespmem:s26], [sflag:$0x5], $0x80, s0, s23, $0xb8;
	v63 =	vld [tilespmem:$0x0]  }
0x21f: {  	_ =	swait.ge [sflag:s1], $0x3C00  }
0x220: {  	[sflag:s1] =	ssyncset.done $0x0  }
0x221: {  	s0 =	simm.s32 $0x14680;
	[sflag:s1] =	ssyncadd.s32 $0xFFFFC400  }
0x222: {  	[spmem:s2] =	stream.indirect.scatter.add.f32 [tilespmem:s29], [sflag:$0x6], $0x80, s0, s23, $0xb8;
	v63 =	vld [tilespmem:$0x0]  }
0x223: {  	_ =	swait.ge [sflag:s7], $0x3C00  }
0x224: {  	[sflag:s7] =	ssyncset.done $0x0  }
0x225: {  	s0 =	simm.s32 $0x13F00;
	[sflag:s7] =	ssyncadd.s32 $0xFFFFC400  }
0x226: {  	[tilespmem:s24], [sflag:$0x1] =	stream.indirect.gather [hbm4b:s5+s23], $0x80, s0, s23, $0xb8;
	v63 =	vld [tilespmem:$0x0]  }
0x227: {  	_ =	swait.ge [sflag:s11], $0x3C00  }
0x228: {  	[sflag:s11] =	ssyncset.done $0x0  }
0x229: {  	s0 =	simm.s32 $0x13F80;
	[sflag:s11] =	ssyncadd.s32 $0xFFFFC400  }
0x22a: {  	[tilespmem:s26], [sflag:$0x2] =	stream.indirect.gather [hbm4b:s5+s23], $0x80, s0, s23, $0xb8;
	v63 =	vld [tilespmem:$0x0]  }
0x22b: {  	_ =	swait.ge [sflag:s17], $0x3C00  }
0x22c: {  	[sflag:s17] =	ssyncset.done $0x0  }
0x22d: {  	s0 =	simm.s32 $0x14000;
	[sflag:s17] =	ssyncadd.s32 $0xFFFFC400  }
0x22e: {  	[tilespmem:s29], [sflag:$0x3] =	stream.indirect.gather [hbm4b:s5+s23], $0x80, s0, s23, $0xb8;
	v63 =	vld [tilespmem:$0x0]  }
0x22f: {  	_ =	swait.ge [sflag:s30], $0x3C00  }
0x230: {  	[sflag:s30] =	ssyncset.done $0x0  }
0x231: {  	s0 =	simm.s32 $0x14700;
	[sflag:s30] =	ssyncadd.s32 $0xFFFFC400  }
0x232: {  	[spmem:s2] =	stream.indirect.scatter.add.f32 [tilespmem:s24], [sflag:$0x4], $0x80, s0, s23, $0xb8;
	v63 =	vld [tilespmem:$0x0]  }
0x233: {  	_ =	swait.ge [sflag:s31], $0x3C00  }
0x234: {  	[sflag:s31] =	ssyncset.done $0x0  }
0x235: {  	s0 =	simm.s32 $0x14780;
	[sflag:s31] =	ssyncadd.s32 $0xFFFFC400  }
0x236: {  	[spmem:s2] =	stream.indirect.scatter.add.f32 [tilespmem:s26], [sflag:$0x5], $0x80, s0, s23, $0xb8;
	v63 =	vld [tilespmem:$0x0]  }
0x237: {  	_ =	swait.ge [sflag:s1], $0x3C00  }
0x238: {  	[sflag:s1] =	ssyncset.done $0x0  }
0x239: {  	s0 =	simm.s32 $0x14800;
	[sflag:s1] =	ssyncadd.s32 $0xFFFFC400  }
0x23a: {  	[spmem:s2] =	stream.indirect.scatter.add.f32 [tilespmem:s29], [sflag:$0x6], $0x80, s0, s23, $0xb8;
	v63 =	vld [tilespmem:$0x0]  }
0x23b: {  	_ =	swait.ge [sflag:s7], $0x3C00  }
0x23c: {  	[sflag:s7] =	ssyncset.done $0x0  }
0x23d: {  	s0 =	simm.s32 $0x14080;
	[sflag:s7] =	ssyncadd.s32 $0xFFFFC400  }
0x23e: {  	[tilespmem:s24], [sflag:$0x1] =	stream.indirect.gather [hbm4b:s5+s23], $0x80, s0, s23, $0xb8;
	v63 =	vld [tilespmem:$0x0]  }
0x23f: {  	_ =	swait.ge [sflag:s11], $0x3C00  }
0x240: {  	[sflag:s11] =	ssyncset.done $0x0  }
0x241: {  	s0 =	simm.s32 $0x14100;
	[sflag:s11] =	ssyncadd.s32 $0xFFFFC400  }
0x242: {  	[tilespmem:s26], [sflag:$0x2] =	stream.indirect.gather [hbm4b:s5+s23], $0x80, s0, s23, $0xb8;
	v63 =	vld [tilespmem:$0x0]  }
0x243: {  	_ =	swait.ge [sflag:s17], $0x3C00  }
0x244: {  	[sflag:s17] =	ssyncset.done $0x0  }
0x245: {  	s0 =	simm.s32 $0x14180;
	[sflag:s17] =	ssyncadd.s32 $0xFFFFC400  }
0x246: {  	[tilespmem:s29], [sflag:$0x3] =	stream.indirect.gather [hbm4b:s5+s23], $0x80, s0, s23, $0xb8;
	v63 =	vld [tilespmem:$0x0]  }
0x247: {  	_ =	swait.ge [sflag:s30], $0x3C00  }
0x248: {  	[sflag:s30] =	ssyncset.done $0x0  }
0x249: {  	s0 =	simm.s32 $0x14880;
	[sflag:s30] =	ssyncadd.s32 $0xFFFFC400  }
0x24a: {  	[spmem:s2] =	stream.indirect.scatter.add.f32 [tilespmem:s24], [sflag:$0x4], $0x80, s0, s23, $0xb8;
	v63 =	vld [tilespmem:$0x0]  }
0x24b: {  	_ =	swait.ge [sflag:s31], $0x3C00  }
0x24c: {  	[sflag:s31] =	ssyncset.done $0x0  }
0x24d: {  	s0 =	simm.s32 $0x14900;
	[sflag:s31] =	ssyncadd.s32 $0xFFFFC400  }
0x24e: {  	[spmem:s2] =	stream.indirect.scatter.add.f32 [tilespmem:s26], [sflag:$0x5], $0x80, s0, s23, $0xb8;
	v63 =	vld [tilespmem:$0x0]  }
0x24f: {  	_ =	swait.ge [sflag:s1], $0x3C00  }
0x250: {  	[sflag:s1] =	ssyncset.done $0x0  }
0x251: {  	s0 =	simm.s32 $0x14980;
	[sflag:s1] =	ssyncadd.s32 $0xFFFFC400  }
0x252: {  	[spmem:s2] =	stream.indirect.scatter.add.f32 [tilespmem:s29], [sflag:$0x6], $0x80, s0, s23, $0xb8;
	v63 =	vld [tilespmem:$0x0]  }
0x253: {  	_ =	swait.ge [sflag:s7], $0x3C00  }
0x254: {  	[sflag:s7] =	ssyncset.done $0x0  }
0x255: {  	[sflag:s7] =	ssyncadd.s32 $0xFFFFC400  }
.Ltmp5:
0x256: {  	_ =	swait.ge [sflag:s11], $0x3C00;
	(pc) =	sbr.rel @p2 .LBB2_3-.Ltmp5, $4  }
0x257: {  	[sflag:s11] =	ssyncset.done $0x0  }
0x258: {  	[sflag:s11] =	ssyncadd.s32 $0xFFFFC400  }
0x259: {  	_ =	swait.ge [sflag:s17], $0x3C00  }
0x25a: {  	s19 =	smov.u32 s25;
	[sflag:s17] =	ssyncset.done $0x0  }
0x25b: {  	s0 =	sadd.s32 s18, s8;
	[sflag:s17] =	ssyncadd.s32 $0xFFFFC400  }
0x25c: {  	[tilespmem:s20], [sflag:$0x7] =	stream.linear.gather [hbm4b:s0+s3], $0x600, $0x38;
	v63 =	vld [tilespmem:$0x0]  }
0x25d: {  	_ =	swait.ge [sflag:s21], $0x600  }
0x25e: {  	[sflag:s21] =	ssyncset.done $0x0  }
0x25f: {  	s25 =	sadd.s32 s18, s9;
	[sflag:s21] =	ssyncadd.s32 $0xFFFFFA00  }
0x260: {  	[tilespmem:s22], [sflag:$0x7] =	stream.linear.gather [hbm4b:s25+s3], $0x600, $0x38;
	v63 =	vld [tilespmem:$0x0]  }
0x261: {  	_ =	swait.ge [sflag:s21], $0x600  }
0x262: {  	[sflag:s21] =	ssyncset.done $0x0  }
0x263: {  	[sflag:s21] =	ssyncadd.s32 $0xFFFFFA00  }
0x264: {  	[tilespmem:s24], [sflag:$0x1] =	stream.indirect.gather [hbm4b:s5+s23], $0x80, s20, s23, $0xb8;
	v63 =	vld [tilespmem:$0x0]  }
0x265: {  	_ = 	snop  }
0x266: {  	[tilespmem:s26], [sflag:$0x2] =	stream.indirect.gather [hbm4b:s5+s23], $0x80, s28, s23, $0xb8;
	v63 =	vld [tilespmem:$0x0]  }
0x267: {  	_ = 	snop  }
0x268: {  	[tilespmem:s29], [sflag:$0x3] =	stream.indirect.gather [hbm4b:s5+s23], $0x80, s6, s23, $0xb8;
	v63 =	vld [tilespmem:$0x0]  }
0x269: {  	_ =	swait.ge [sflag:s30], $0x3C00  }
0x26a: {  	[sflag:s30] =	ssyncset.done $0x0  }
0x26b: {  	[sflag:s30] =	ssyncadd.s32 $0xFFFFC400  }
0x26c: {  	[spmem:s2] =	stream.indirect.scatter.add.f32 [tilespmem:s24], [sflag:$0x4], $0x80, s22, s23, $0xb8;
	v63 =	vld [tilespmem:$0x0]  }
0x26d: {  	_ =	swait.ge [sflag:s31], $0x3C00  }
0x26e: {  	[sflag:s31] =	ssyncset.done $0x0  }
0x26f: {  	[sflag:s31] =	ssyncadd.s32 $0xFFFFC400  }
0x270: {  	[spmem:s2] =	stream.indirect.scatter.add.f32 [tilespmem:s26], [sflag:$0x5], $0x80, s10, s23, $0xb8;
	v63 =	vld [tilespmem:$0x0]  }
0x271: {  	_ =	swait.ge [sflag:s1], $0x3C00  }
0x272: {  	[sflag:s1] =	ssyncset.done $0x0  }
0x273: {  	[sflag:s1] =	ssyncadd.s32 $0xFFFFC400  }
0x274: {  	[spmem:s2] =	stream.indirect.scatter.add.f32 [tilespmem:s29], [sflag:$0x6], $0x80, s15, s23, $0xb8;
	v63 =	vld [tilespmem:$0x0]  }
0x275: {  	_ =	swait.ge [sflag:s7], $0x3C00  }
0x276: {  	[sflag:s7] =	ssyncset.done $0x0  }
0x277: {  	[sflag:s7] =	ssyncadd.s32 $0xFFFFC400  }
0x278: {  	[tilespmem:s24], [sflag:$0x1] =	stream.indirect.gather [hbm4b:s5+s23], $0x80, s4, s23, $0xb8;
	v63 =	vld [tilespmem:$0x0]  }
0x279: {  	_ =	swait.ge [sflag:s11], $0x3C00  }
0x27a: {  	[sflag:s11] =	ssyncset.done $0x0  }
0x27b: {  	[sflag:s11] =	ssyncadd.s32 $0xFFFFC400  }
0x27c: {  	[tilespmem:s26], [sflag:$0x2] =	stream.indirect.gather [hbm4b:s5+s23], $0x80, s13, s23, $0xb8;
	v63 =	vld [tilespmem:$0x0]  }
0x27d: {  	_ =	swait.ge [sflag:s17], $0x3C00  }
0x27e: {  	[sflag:s17] =	ssyncset.done $0x0  }
0x27f: {  	[sflag:s17] =	ssyncadd.s32 $0xFFFFC400  }
0x280: {  	[tilespmem:s29], [sflag:$0x3] =	stream.indirect.gather [hbm4b:s5+s23], $0x80, s14, s23, $0xb8;
	v63 =	vld [tilespmem:$0x0]  }
0x281: {  	_ =	swait.ge [sflag:s30], $0x3C00  }
0x282: {  	[sflag:s30] =	ssyncset.done $0x0  }
0x283: {  	[sflag:s30] =	ssyncadd.s32 $0xFFFFC400  }
0x284: {  	[spmem:s2] =	stream.indirect.scatter.add.f32 [tilespmem:s24], [sflag:$0x4], $0x80, s16, s23, $0xb8;
	v63 =	vld [tilespmem:$0x0]  }
0x285: {  	_ =	swait.ge [sflag:s31], $0x3C00  }
0x286: {  	[sflag:s31] =	ssyncset.done $0x0  }
0x287: {  	s16 =	simm.s32 $0x14600;
	[sflag:s31] =	ssyncadd.s32 $0xFFFFC400  }
0x288: {  	[spmem:s2] =	stream.indirect.scatter.add.f32 [tilespmem:s26], [sflag:$0x5], $0x80, s16, s23, $0xb8;
	v63 =	vld [tilespmem:$0x0]  }
0x289: {  	_ =	swait.ge [sflag:s1], $0x3C00  }
0x28a: {  	[sflag:s1] =	ssyncset.done $0x0  }
0x28b: {  	s18 =	simm.s32 $0x14680;
	[sflag:s1] =	ssyncadd.s32 $0xFFFFC400  }
0x28c: {  	[spmem:s2] =	stream.indirect.scatter.add.f32 [tilespmem:s29], [sflag:$0x6], $0x80, s18, s23, $0xb8;
	v63 =	vld [tilespmem:$0x0]  }
0x28d: {  	_ =	swait.ge [sflag:s7], $0x3C00  }
0x28e: {  	[sflag:s7] =	ssyncset.done $0x0  }
0x28f: {  	s19 =	simm.s32 $0x13F00;
	[sflag:s7] =	ssyncadd.s32 $0xFFFFC400  }
0x290: {  	[tilespmem:s24], [sflag:$0x1] =	stream.indirect.gather [hbm4b:s5+s23], $0x80, s19, s23, $0xb8;
	v63 =	vld [tilespmem:$0x0]  }
0x291: {  	_ =	swait.ge [sflag:s11], $0x3C00  }
0x292: {  	[sflag:s11] =	ssyncset.done $0x0  }
0x293: {  	s25 =	simm.s32 $0x13F80;
	[sflag:s11] =	ssyncadd.s32 $0xFFFFC400  }
0x294: {  	[tilespmem:s26], [sflag:$0x2] =	stream.indirect.gather [hbm4b:s5+s23], $0x80, s25, s23, $0xb8;
	v63 =	vld [tilespmem:$0x0]  }
0x295: {  	_ =	swait.ge [sflag:s17], $0x3C00  }
0x296: {  	[sflag:s17] =	ssyncset.done $0x0  }
0x297: {  	s4 =	simm.s32 $0x14000;
	[sflag:s17] =	ssyncadd.s32 $0xFFFFC400  }
0x298: {  	[tilespmem:s29], [sflag:$0x3] =	stream.indirect.gather [hbm4b:s5+s23], $0x80, s4, s23, $0xb8;
	v63 =	vld [tilespmem:$0x0]  }
0x299: {  	_ =	swait.ge [sflag:s30], $0x3C00  }
0x29a: {  	[sflag:s30] =	ssyncset.done $0x0  }
0x29b: {  	s6 =	simm.s32 $0x14700;
	[sflag:s30] =	ssyncadd.s32 $0xFFFFC400  }
0x29c: {  	[spmem:s2] =	stream.indirect.scatter.add.f32 [tilespmem:s24], [sflag:$0x4], $0x80, s6, s23, $0xb8;
	v63 =	vld [tilespmem:$0x0]  }
0x29d: {  	_ =	swait.ge [sflag:s31], $0x3C00  }
0x29e: {  	[sflag:s31] =	ssyncset.done $0x0  }
0x29f: {  	s10 =	simm.s32 $0x14780;
	[sflag:s31] =	ssyncadd.s32 $0xFFFFC400  }
0x2a0: {  	[spmem:s2] =	stream.indirect.scatter.add.f32 [tilespmem:s26], [sflag:$0x5], $0x80, s10, s23, $0xb8;
	v63 =	vld [tilespmem:$0x0]  }
0x2a1: {  	_ =	swait.ge [sflag:s1], $0x3C00  }
0x2a2: {  	[sflag:s1] =	ssyncset.done $0x0  }
0x2a3: {  	s13 =	simm.s32 $0x14800;
	[sflag:s1] =	ssyncadd.s32 $0xFFFFC400  }
0x2a4: {  	[spmem:s2] =	stream.indirect.scatter.add.f32 [tilespmem:s29], [sflag:$0x6], $0x80, s13, s23, $0xb8;
	v63 =	vld [tilespmem:$0x0]  }
0x2a5: {  	_ =	swait.ge [sflag:s7], $0x3C00  }
0x2a6: {  	[sflag:s7] =	ssyncset.done $0x0  }
0x2a7: {  	s14 =	simm.s32 $0x14080;
	[sflag:s7] =	ssyncadd.s32 $0xFFFFC400  }
0x2a8: {  	[tilespmem:s24], [sflag:$0x1] =	stream.indirect.gather [hbm4b:s5+s23], $0x80, s14, s23, $0xb8;
	v63 =	vld [tilespmem:$0x0]  }
0x2a9: {  	_ =	swait.ge [sflag:s11], $0x3C00  }
0x2aa: {  	[sflag:s11] =	ssyncset.done $0x0  }
0x2ab: {  	s15 =	simm.s32 $0x14100;
	[sflag:s11] =	ssyncadd.s32 $0xFFFFC400  }
0x2ac: {  	[tilespmem:s26], [sflag:$0x2] =	stream.indirect.gather [hbm4b:s5+s23], $0x80, s15, s23, $0xb8;
	v63 =	vld [tilespmem:$0x0]  }
0x2ad: {  	_ =	swait.ge [sflag:s17], $0x3C00  }
0x2ae: {  	[sflag:s17] =	ssyncset.done $0x0  }
0x2af: {  	s16 =	simm.s32 $0x14180;
	[sflag:s17] =	ssyncadd.s32 $0xFFFFC400  }
0x2b0: {  	[tilespmem:s29], [sflag:$0x3] =	stream.indirect.gather [hbm4b:s5+s23], $0x80, s16, s23, $0xb8;
	v63 =	vld [tilespmem:$0x0]  }
0x2b1: {  	_ =	swait.ge [sflag:s30], $0x3C00  }
0x2b2: {  	[sflag:s30] =	ssyncset.done $0x0  }
0x2b3: {  	s18 =	simm.s32 $0x14880;
	[sflag:s30] =	ssyncadd.s32 $0xFFFFC400  }
0x2b4: {  	[spmem:s2] =	stream.indirect.scatter.add.f32 [tilespmem:s24], [sflag:$0x4], $0x80, s18, s23, $0xb8;
	v63 =	vld [tilespmem:$0x0]  }
0x2b5: {  	_ =	swait.ge [sflag:s31], $0x3C00  }
0x2b6: {  	[sflag:s31] =	ssyncset.done $0x0  }
0x2b7: {  	s19 =	simm.s32 $0x14900;
	[sflag:s31] =	ssyncadd.s32 $0xFFFFC400  }
0x2b8: {  	[spmem:s2] =	stream.indirect.scatter.add.f32 [tilespmem:s26], [sflag:$0x5], $0x80, s19, s23, $0xb8;
	v63 =	vld [tilespmem:$0x0]  }
0x2b9: {  	_ =	swait.ge [sflag:s1], $0x3C00  }
0x2ba: {  	[sflag:s1] =	ssyncset.done $0x0  }
0x2bb: {  	s25 =	simm.s32 $0x14980;
	[sflag:s1] =	ssyncadd.s32 $0xFFFFC400  }
0x2bc: {  	[spmem:s2] =	stream.indirect.scatter.add.f32 [tilespmem:s29], [sflag:$0x6], $0x80, s25, s23, $0xb8;
	v63 =	vld [tilespmem:$0x0]  }
0x2bd: {  	_ =	swait.ge [sflag:s7], $0x3C00  }
0x2be: {  	[sflag:s7] =	ssyncset.done $0x0  }
0x2bf: {  	[sflag:s7] =	ssyncadd.s32 $0xFFFFC400  }
0x2c0: {  	_ =	swait.ge [sflag:s11], $0x3C00  }
0x2c1: {  	[sflag:s11] =	ssyncset.done $0x0  }
0x2c2: {  	[sflag:s11] =	ssyncadd.s32 $0xFFFFC400  }
0x2c3: {  	_ =	swait.ge [sflag:s17], $0x3C00  }
0x2c4: {  	[sflag:s17] =	ssyncset.done $0x0  }
0x2c5: {  	[sflag:s17] =	ssyncadd.s32 $0xFFFFC400  }
0x2c6: {  	[bflag:$0x0] =	sbarrier.arrive $0xFFFF  }
0x2c7: {  	s18 =	rddreg [dreg:$0x9]  }
0x2c8: {  	s0 =	simm.s32 @p1 $0x1FC7;
	s25 =	rddreg [dreg:$0xd]  }
0x2c9: {  	[hbm:s18], [sflag:s0] =	dma.local @p1 [spmem:s25], $0x2080  }
0x2ca: {  	s0 =	simm.s32 @p1 $0x7  }
0x2cb: {  	_ =	swait.ge @p1 [sflag:s0], $0x2080  }
0x2cc: {  	s19 =	rddreg [dreg:$0xf]  }
0x2cd: {  	[sflag:s0] =	ssyncset.done @p1 $0x0;
	s28 =	rddreg [dreg:$0x10]  }
0x2ce: {  	[sflag:s0] =	ssyncadd.s32 @p1 $0xFFFFDF80;
	s0 =	rddreg [dreg:$0x8]  }
0x2cf: {  	[hbm:s0], [sflag:s19] =	dma.local @!p1 [spmem:s28], $0x2780  }
.Ltmp6:
0x2d0: {  	_ = 	snop;
	(pc) =	sbr.rel .LBB2_8-.Ltmp6, $4  }
0x2d1: {  	s0 =	simm.s32 @!p1 $0x7  }
0x2d2: {  	_ =	swait.ge @!p1 [sflag:s0], $0x2780  }
0x2d3: {  	[sflag:s0] =	ssyncset.done @!p1 $0x0  }
0x2d4: {  	s4 =	rddreg [dreg:$0x11];
	[sflag:s0] =	ssyncadd.s32 @!p1 $0xFFFFD880  }
.LBB2_9:
0x2d5: {  	_ =	sfence.sel $0x180000  }
0x2d6: {  	[bflag:$0x0] =	sbarrier.arrive $0xFFFF  }
0x2d7: {  	_ =	strace $0x9000004D  }
0x2d8: {  	s0 =	stileid.u32;
	[bflag:$0x2] =	sbarrier.arrive $0xFFFF  }
0x2d9: {  	p0 =	sne.s32 s0, $0x0;
	s0 =	rddreg [dreg:$0x4]  }
0x2da: {  	s0 =	sadd.s32 @!p0 $0x100000, s0  }
0x2db: {  	[sflag:s0] =	ssyncadd.tile.s32 @!p0 $0x1;
	_ =	shalt  }
.Lfunc_end2:
_tile_overlayer_lowered:
.L_overlay_start_2:
0x2dc: {  	(tag) =	ssettag $0x2  }
0x2dd: {  	s0 =	rddreg [dreg:$0x0];
	s2 =	stileid.u32  }
0x2de: {  	s1 =	rddreg [dreg:$0x1];
	p0 =	sne.s32 s2, $0x0  }
0x2df: {  	s3 =	rddreg [dreg:$0x2];
	[bflag:$0x3] =	sbarrier.arrive $0xFFFF;
	s2 =	simm.s32 @!p0 $0x1C07  }
0x2e0: {  	[timem:s3], [sflag:s2] =	dma.local @!p0 [hbm:s0], s1  }
0x2e1: {  	s0 =	simm.s32 @!p0 $0x7  }
0x2e2: {  	_ =	swait.ge @!p0 [sflag:s0], s1  }
0x2e3: {  	s1 =	ssub.s32 @!p0 $0x0, s1;
	[sflag:s0] =	ssyncset.done @!p0 $0x0  }
0x2e4: {  	[sflag:s0] =	ssyncadd.s32 @!p0 s1  }
0x2e5: {  	[bflag:$0x3] =	sbarrier.arrive $0xFFFF  }
0x2e6: {  	_ =	shalt  }

// kernel: kernel.9.cloned.1.call-start
scs
__scs_entry_jumppad:
0x0: {  	(pc) =	sbr.rel $0x88, $3  }
0x1: {  	(tag) =	ssettag $0x0;
	lr =	simm.s32 $0x1  }
0x2: {  	[smem:$0x3F96] =	sst lr;
	_ =	strace $0xD0000000  }
0x3: {  	_ = 	snop  }
0x4: {  	_ = 	snop  }
0x5: {  	_ = 	snop  }
0x6: {  	_ = 	snop  }
0x7: {  	_ = 	snop  }
__scs_overlays_trampoline_lowered:
0x8: {  	[smem:$0x3FA5] =	sst s0  }
0x9: {  	[smem:$0x3FA6] =	sst s1  }
0xa: {  	[smem:$0x3FA7] =	sst s2  }
0xb: {  	[smem:$0x3FA8] =	sst s3  }
0xc: {  	[smem:$0x3FA9] =	sst s4  }
0xd: {  	[smem:$0x3FAA] =	sst s5  }
0xe: {  	[smem:$0x3FAB] =	sst s6  }
0xf: {  	[smem:$0x3FAC] =	sst s7  }
0x10: {  	[smem:$0x3FAD] =	sst s8  }
0x11: {  	[smem:$0x3FAE] =	sst s9;
	s0 =	simm.s32 @!p0 $0x0  }
0x12: {  	s1 =	sld [smem:$0x3F94];
	s0 =	simm.s32 @p0 $0x1  }
0x13: {  	[smem:$0x3FAF] =	sst s0;
	s0 =	simm.s32 @!p1 $0x0  }
0x14: {  	s2 =	sld [smem:$0x3F93];
	s0 =	simm.s32 @p1 $0x1  }
0x15: {  	[smem:$0x3FB0] =	sst s0;
	s0 =	simm.s32 @!p2 $0x0  }
0x16: {  	s3 =	sld [smem:$0x3FDB];
	s0 =	simm.s32 @p2 $0x1  }
0x17: {  	s4 =	simm.s32 $0x1BF5;
	[smem:$0x3FB2] =	sst s0  }
0x18: {  	s0 =	sld [smem:$0x3F95];
	_ =	swait.ge [sflag:s4], $0x0  }
0x19: {  	s7 =	sld [smem:$0x3F96]  }
0x1a: {  	s8 =	sadd.s32 $0xFFFFE003, lr  }
0x1b: {  	s9 =	sadd.s32 $0xFFFFFEF7, lr;
	s5 =	simm.s32 $0xFFFFFFFF;
	p2 =	slt.u32 s8, $0xFFFFF086  }
0x1c: {  	p1 =	slt.u32 s9, $0xF7A;
	s5 =	simm.s32 @!p2 $0x0  }
0x1d: {  	s5 =	simm.s32 @p1 $0x1;
	p0 =	seq.s32 s7, s2  }
0x1e: {  	s7 =	smul.u32 @!p0 $0xF7A, s2;
	p2 =	seq.s32 @!p0 s5, $0x0  }
0x1f: {  	s9 =	smul.u32 $0xF7A, s1;
	s8 =	simm.s32 @!p0 $0x1BF5;
	p2 =	por !p2, p0  }
0x20: {  	[sflag:s8] =	ssyncset.s32 @!p0 $0xFFFFF086;
	s6 =	sadd.s32 @!p0 s3, s7;
	s7 =	simm.s32 @!p0 $0x108  }
0x21: {  	s3 =	sadd.s32 s3, s9;
	s6 =	sadd.s32 @!p0 $0x88, s6;
	s7 =	simm.s32 @p2 $0x1082  }
0x22: {  	[simem:s7], [sflag:s8] =	dma.local @!p0 [hbm:s6], $0xF7A  }
0x23: {  	s9 =	sor.u32 $0xD0000000, s2;
	s6 =	simm.s32 $0x108;
	_ =	swait.ge @!p0 [sflag:s8], $0x0  }
0x24: {  	s3 =	sadd.s32 $0x88, s3;
	s6 =	simm.s32 @!p1 $0x1082;
	[sflag:s4] =	ssyncset.s32 $0xFFFFF086  }
0x25: {  	[simem:s6], [sflag:s4] =	dma.local [hbm:s3], $0xF7A  }
0x26: {  	[smem:$0x3F96] =	sst s1;
	(tag) =	ssettag s2;
	_ =	strace s9  }
0x27: {  	s1 =	sld [smem:$0x3FA6]  }
0x28: {  	s2 =	sld [smem:$0x3FA7]  }
0x29: {  	s4 =	sld [smem:$0x3FA9]  }
0x2a: {  	p0 =	seq.s32 s5, $0x0;
	s5 =	sld [smem:$0x3FAA]  }
0x2b: {  	s6 =	sld [smem:$0x3FAB]  }
0x2c: {  	s7 =	sld [smem:$0x3FAC]  }
0x2d: {  	s3 =	simm.s32 $0x108;
	s8 =	sld [smem:$0x3FAD]  }
0x2e: {  	s3 =	simm.s32 @!p0 $0x1082;
	s9 =	sld [smem:$0x3FAE]  }
0x2f: {  	lr =	sadd.s32 s0, s3;
	s0 =	sld [smem:$0x3FA5]  }
0x30: {  	s3 =	sld [smem:$0x3FA8]  }
0x31: {  	[smem:$0x3FB1] =	sst s10  }
0x32: {  	s10 =	sld [smem:$0x3FAF];
	_ =	sdelay $0x3  }
0x33: {  	p0 =	seq.s32 s10, $0x1;
	s10 =	sld [smem:$0x3FB1];
	_ =	sdelay $0x3  }
0x34: {  	[smem:$0x3FB1] =	sst s10  }
0x35: {  	s10 =	sld [smem:$0x3FB0];
	_ =	sdelay $0x3  }
0x36: {  	p1 =	seq.s32 s10, $0x1;
	s10 =	sld [smem:$0x3FB1];
	_ =	sdelay $0x3  }
0x37: {  	[smem:$0x3FB1] =	sst s10  }
0x38: {  	s10 =	sld [smem:$0x3FB2]  }
0x39: {  	_ = 	snop;
	(pc) =	sbr.ind lr, $3  }
0x3a: {  	_ = 	snop  }
0x3b: {  	_ = 	snop  }
0x3c: {  	p2 =	seq.s32 s10, $0x1;
	s10 =	sld [smem:$0x3FB1]  }
0x3d: {  	_ =	shalt  }
0x3e: {  	_ =	shalt  }
0x3f: {  	_ =	shalt  }
0x40: {  	_ =	shalt  }
0x41: {  	_ =	shalt  }
0x42: {  	_ =	shalt  }
0x43: {  	_ =	shalt  }
0x44: {  	_ =	shalt  }
0x45: {  	_ =	shalt  }
0x46: {  	_ =	shalt  }
0x47: {  	_ =	shalt  }
0x48: {  	_ =	shalt  }
0x49: {  	_ =	shalt  }
0x4a: {  	_ =	shalt  }
0x4b: {  	_ =	shalt  }
0x4c: {  	_ =	shalt  }
0x4d: {  	_ =	shalt  }
0x4e: {  	_ =	shalt  }
0x4f: {  	_ =	shalt  }
0x50: {  	_ =	shalt  }
0x51: {  	_ =	shalt  }
0x52: {  	_ =	shalt  }
0x53: {  	_ =	shalt  }
0x54: {  	_ =	shalt  }
0x55: {  	_ =	shalt  }
0x56: {  	_ =	shalt  }
0x57: {  	_ =	shalt  }
0x58: {  	_ =	shalt  }
0x59: {  	_ =	shalt  }
0x5a: {  	_ =	shalt  }
0x5b: {  	_ =	shalt  }
0x5c: {  	_ =	shalt  }
0x5d: {  	_ =	shalt  }
0x5e: {  	_ =	shalt  }
0x5f: {  	_ =	shalt  }
0x60: {  	_ =	shalt  }
0x61: {  	_ =	shalt  }
0x62: {  	_ =	shalt  }
0x63: {  	_ =	shalt  }
0x64: {  	_ =	shalt  }
0x65: {  	_ =	shalt  }
0x66: {  	_ =	shalt  }
0x67: {  	_ =	shalt  }
0x68: {  	_ =	shalt  }
0x69: {  	_ =	shalt  }
0x6a: {  	_ =	shalt  }
0x6b: {  	_ =	shalt  }
0x6c: {  	_ =	shalt  }
0x6d: {  	_ =	shalt  }
0x6e: {  	_ =	shalt  }
0x6f: {  	_ =	shalt  }
0x70: {  	_ =	shalt  }
0x71: {  	_ =	shalt  }
0x72: {  	_ =	shalt  }
0x73: {  	_ =	shalt  }
0x74: {  	_ =	shalt  }
0x75: {  	_ =	shalt  }
0x76: {  	_ =	shalt  }
0x77: {  	_ =	shalt  }
0x78: {  	_ =	shalt  }
0x79: {  	_ =	shalt  }
0x7a: {  	_ =	shalt  }
0x7b: {  	_ =	shalt  }
0x7c: {  	_ =	shalt  }
0x7d: {  	_ =	shalt  }
0x7e: {  	_ =	shalt  }
0x7f: {  	_ =	shalt  }
0x80: {  	_ =	shalt  }
0x81: {  	_ =	shalt  }
0x82: {  	_ =	shalt  }
0x83: {  	_ =	shalt  }
0x84: {  	_ =	shalt  }
0x85: {  	_ =	shalt  }
0x86: {  	_ =	shalt  }
0x87: {  	_ =	shalt  }
.Lfunc_end0:
.L_simem_size_0:
called_computation_lowered:
.L_overlay_start_0:
0x88: {  	s2 =	sld [smem:$0x3FD9]  }
0x89: {  	s3 =	sld [smem:$0x3FFE];
	_ =	sdelay $0x1  }
0x8a: {  	s1 =	srdreg.scid  }
0x8b: {  	s0 =	sand.u32 $0x1, s1  }
0x8c: {  	s14 =	sshll.u32 s0, $0xA;
	s2 =	sadd.s32 s3, s2  }
0x8d: {  	s2 =	sadd.s32 s2, s14  }
0x8e: {  	[smem:$0x3FBD] =	sst s2  }
0x8f: {  	_ = 	snop  }
0x90: {  	s2 =	sld [smem:$0x3FD0];
	_ =	sdelay $0x2  }
0x91: {  	s15 =	simm.s32 $0xA;
	s4 =	simm.s32 $0x10  }
0x92: {  	[smem:s4], [sflag:s15] =	dma.local [hbm:s2], $0x1  }
0x93: {  	_ =	swait.eq [sflag:s15], $0x1  }
0x94: {  	[sflag:s15] =	ssyncset.done $0x0  }
0x95: {  	[sflag:s15] =	ssyncadd.s32 $0xFFFFFFFF  }
0x96: {  	s16 =	sld [smem:$0x10];
	(tm) =	ssettm $0x1  }
0x97: {  	s17 =	sld [smem:$0x3FFB];
	_ =	sdelay $0x3  }
0x98: {  	_ =	strace s17  }
0x99: {  	s3 =	sld [smem:$0x3FFC];
	_ =	sdelay $0x3  }
0x9a: {  	_ =	strace s3  }
0x9b: {  	s3 =	sld [smem:$0x3FFD];
	_ =	sdelay $0x3  }
0x9c: {  	_ =	strace s3  }
0x9d: {  	_ =	strace $0x8FFFFFFF  }
0x9e: {  	s18 =	sld [smem:$0x3FDB];
	_ =	sdelay $0x1  }
0x9f: {  	s19 =	simm.s32 $_scs_section_size  }
0xa0: {  	s5 =	simm.s32 $_size__tile_overlayer_lowered;
	s6 =	simm.s32 $_tile_overlayer_lowered  }
0xa1: {  	s22 =	simm.s32 $0x1BFF;
	s21 =	sshll.u32 s6, $0x1;
	s3 =	sadd.s32 s19, s18  }
0xa2: {  	s7 =	simm.s32 $0x0;
	s20 =	sshll.u32 s5, $0x1;
	s5 =	sadd.s32 s21, s3  }
0xa3: {  	[timem:s7], [sflag:s22] =	dma.local [hbm:s5], s20  }
0xa4: {  	_ =	swait.ge [sflag:s22], s20  }
0xa5: {  	s4 =	ssub.s32 $0x0, s20;
	[sflag:s22] =	ssyncset.done $0x0  }
0xa6: {  	[sflag:s22] =	ssyncadd.s32 s4;
	_ =	sdelay $0x1  }
0xa7: {  	s23 =	simm.s32 $0x1B8B  }
0xa8: {  	_ =	swait.ge [sflag:s23], $0x1  }
0xa9: {  	[sflag:s23] =	ssyncset.done $0x0  }
0xaa: {  	s25 =	simm.s32 $0x1B8E;
	s24 =	sld [smem:$0x3FFE];
	[sflag:s23] =	ssyncadd.s32 $0xFFFFFFFF  }
0xab: {  	s26 =	simm.s32 $execute0_lowered;
	[smem:$0x3FD2] =	sst s25  }
0xac: {  	s5 =	sshll.u32 s26, $0x1;
	_ =	strace $0x80000046;
	[dreg:$0x1] =	wrdreg $0xFFFFFFFF  }
0xad: {  	s28 =	simm.s32 $_size_execute0_lowered;
	s3 =	sadd.s32 s3, s5;
	[dreg:$0x0] =	wrdreg $0x0  }
0xae: {  	s5 =	sshll.u32 s28, $0x1;
	[dreg:$0x2] =	wrdreg s3  }
0xaf: {  	[dreg:$0x3] =	wrdreg s5  }
0xb0: {  	[dreg:$0x4] =	wrdreg $0xC0  }
0xb1: {  	_ =	task [dreg:s7], $0x5FFFF  }
0xb2: {  	[dreg:$0x1] =	wrdreg $0xFFFFFFFF  }
0xb3: {  	[dreg:$0x0] =	wrdreg $0x60  }
0xb4: {  	[dreg:$0x2] =	wrdreg s16  }
0xb5: {  	[dreg:$0x3] =	wrdreg s24  }
0xb6: {  	[dreg:$0x4] =	wrdreg $0x0  }
0xb7: {  	[dreg:$0x5] =	wrdreg $0x9  }
0xb8: {  	_ =	task.clear_ibuf [dreg:s7], $0x6FFFF;
	_ =	strace $0x90000046  }
0xb9: {  	s29 =	simm.s32 $0x9;
	_ =	strace $0x80000048  }
0xba: {  	_ =	swait.ge [sflag:s29], $0x1  }
0xbb: {  	[sflag:s29] =	ssyncadd.s32 $0xFFFFFFFF  }
0xbc: {  	_ =	strace $0x90000048  }
0xbd: {  	_ =	sfence  }
0xbe: {  	s30 =	sld [smem:$0x0];
	_ =	sdelay $0x2  }
0xbf: {  	s31 =	sshll.u32 s1, $0xD;
	s1 =	sshrl.u32 s1, $0x2  }
0xc0: {  	s3 =	sand.u32 $0x4000, s31;
	s1 =	sadd.s32 s1, s30  }
0xc1: {  	s0 =	sor.u32 s3, s0;
	s1 =	sshll.u32 s1, $0x11  }
0xc2: {  	s0 =	sor.u32 s1, s0  }
0xc3: {  	s0 =	sadd.s32 $0x8F2B, s0  }
0xc4: {  	[sflag:s0] =	ssyncadd.remote.s32 $0x1  }
0xc5: {  	_ =	sfence.sel $0xFFFF  }
0xc6: {  	[dreg:$0x0] =	wrdreg $0xFFFFFFFF;
	(pc) =	sbr.abs _section_cstart, $3  }
0xc7: {  	[dreg:$0x1] =	wrdreg $0xFFFFFFFF  }
0xc8: {  	_ =	task.clear_ibuf [dreg:s7], $0x2FFFF;
	_ =	strace $0x9FFFFFFF  }
0xc9: {  	(tm) =	ssettm $0x7FFFFFFF  }
tec
execute0_lowered:
.L_overlay_start_1:
0x0: {  	(tag) =	ssettag $0x1  }
0x1: {  	s5 =	rddreg [dreg:$0x0]  }
0x2: {  	s8 =	rddreg [dreg:$0x1]  }
0x3: {  	s2 =	rddreg [dreg:$0x2]  }
0x4: {  	s0 =	rddreg [dreg:$0x3];
	s1 =	stileid.u32  }
0x5: {  	s4 =	srdreg.scid;
	s3 =	simm.s32 $0x0;
	s14 =	smul.u32 $0x2780, s1  }
0x6: {  	s7 =	sand.u32 $0x1, s4;
	[smem:$0x7FF] =	sst s3;
	s9 =	smul.u32 $0x4F000, s1  }
0x7: {  	s15 =	sadd.s32 $0x52400, s8;
	s31 =	sshll.u32 s1, $0x6;
	s4 =	sshll.u32 s7, $0x4  }
0x8: {  	_ =	strace $0x80000047;
	s10 =	ssub.s32 $0x2, s7;
	p0 =	seq.s32 s7, $0x1  }
0x9: {  	s6 =	sor.u32 s1, s4;
	s4 =	sadd.s32 $0x2C00, s8;
	s11 =	sadd.s32 s14, s8  }
0xa: {  	s12 =	sshrl.u32 s10, $0x1;
	s9 =	sshrl.u32 s9, $0x2;
	s15 =	sadd.s32 @p0 s14, s15  }
0xb: {  	s14 =	simm.s32 $0x78;
	s6 =	smul.u32 $0x580, s6;
	s10 =	ssub.s32 s10, s12  }
0xc: {  	s13 =	sadd.s32 s9, s2;
	s7 =	sadd.s32 $0x2AC00, s11;
	s9 =	simm.s32 $0x13C00  }
0xd: {  	s12 =	sor.u32 $0x1C01, s31;
	s8 =	smax.u32 s10, $0x1;
	s10 =	simm.s32 $0x1  }
0xe: {  	s13 =	sshrl.u32 s13, $0x3;
	s7 =	smov.u32 @p0 s15;
	s15 =	simm.s32 $0x0  }
0xf: {  	s5 =	sadd.s32 s5, s6;
	s6 =	sadd.s32 $0x3400, s11;
	s11 =	simm.s32 $0x16800  }
.LBB2_1:
0x10: {  	[tilespmem:s9], [sflag:$0x1] =	stream.linear.gather [hbm4b:s5+s3], $0x2A00, $0x38;
	[tilespmem:$0x1A400] =	vst v63  }
0x11: {  	_ =	swait.ge [sflag:s10], $0x2A00  }
0x12: {  	[sflag:s10] =	ssyncset.done $0x0  }
0x13: {  	[sflag:s10] =	ssyncadd.s32 $0xFFFFD600  }
0x14: {  	[tilespmem:s11], [sflag:$0x1] =	stream.linear.gather [hbm4b:s4+s3], $0x3C00, $0x38;
	[tilespmem:$0x1A400] =	vst v63  }
0x15: {  	_ =	swait.ge [sflag:s10], $0x3C00  }
0x16: {  	[sflag:s10] =	ssyncset.done $0x0  }
0x17: {  	[sflag:s10] =	ssyncadd.s32 $0xFFFFC400  }
0x18: {  	[spmem:s13], [sflag:s12] =	dma.local [hbm:s6], $0x2780  }
0x19: {  	_ =	swait.ge [sflag:s10], $0x2780  }
0x1a: {  	[sflag:s10] =	ssyncset.done $0x0  }
0x1b: {  	[sflag:s10] =	ssyncadd.s32 $0xFFFFD880  }
0x1c: {  	s16 =	simm.s32 $0x13C00;
	[bflag:$0x0] =	sbarrier.arrive $0xFFFF  }
0x1d: {  	[spmem:s2] =	stream.indirect.scatter.add.f32 [tilespmem:s11], [sflag:$0x1], $0x80, s16, s14, $0xb8;
	[tilespmem:$0x1A400] =	vst v63  }
0x1e: {  	s16 =	simm.s32 $0x200;
	_ =	swait.ge [sflag:s10], $0x3C00  }
.LBB2_2:
0x1f: {  	s17 =	sshra.s32 s16, $0x2;
	[sflag:s10] =	ssyncset.done $0x0;
	p0 =	sne.s32 s16, $0xA600  }
.Ltmp0:
0x20: {  	s17 =	sadd.s32 $0x13C00, s17;
	[sflag:s10] =	ssyncadd.s32 $0xFFFFC400;
	(pc) =	sbr.rel @p0 .LBB2_2-.Ltmp0, $3  }
0x21: {  	[spmem:s2] =	stream.indirect.scatter.add.f32 [tilespmem:s11], [sflag:$0x1], $0x80, s17, s14, $0xb8;
	[tilespmem:$0x1A400] =	vst v63  }
0x22: {  	s16 =	sadd.s32 $0x200, s16;
	_ =	sdelay $0x1  }
0x23: {  	_ =	swait.ge [sflag:s10], $0x3C00  }
0x24: {  	[sflag:s10] =	ssyncset.done $0x0;
	s15 =	sadd.s32 $0x1, s15  }
0x25: {  	[sflag:s10] =	ssyncadd.s32 $0xFFFFC400;
	p0 =	sne.s32 s15, s8  }
.Ltmp1:
0x26: {  	[bflag:$0x0] =	sbarrier.arrive $0xFFFF;
	(pc) =	sbr.rel @p0 .LBB2_1-.Ltmp1, $4  }
0x27: {  	[hbm:s7], [sflag:s12] =	dma.local [spmem:s13], $0x2780  }
0x28: {  	_ =	swait.ge [sflag:s10], $0x2780  }
0x29: {  	[sflag:s10] =	ssyncset.done $0x0  }
0x2a: {  	[sflag:s10] =	ssyncadd.s32 $0xFFFFD880  }
0x2b: {  	_ =	sfence.sel $0x180000  }
0x2c: {  	[bflag:$0x0] =	sbarrier.arrive $0xFFFF  }
0x2d: {  	p0 =	sne.s32 s1, $0x0;
	_ =	strace $0x90000047  }
0x2e: {  	s0 =	sadd.s32 @!p0 $0x100000, s0;
	[bflag:$0x2] =	sbarrier.arrive $0xFFFF  }
0x2f: {  	[sflag:s0] =	ssyncadd.tile.s32 @!p0 $0x1;
	_ =	shalt  }
.Lfunc_end2:
_tile_overlayer_lowered:
.L_overlay_start_2:
0x30: {  	(tag) =	ssettag $0x2  }
0x31: {  	s0 =	rddreg [dreg:$0x0];
	s2 =	stileid.u32  }
0x32: {  	s1 =	rddreg [dreg:$0x1];
	p0 =	sne.s32 s2, $0x0  }
0x33: {  	s3 =	rddreg [dreg:$0x2];
	[bflag:$0x3] =	sbarrier.arrive $0xFFFF;
	s2 =	simm.s32 @!p0 $0x1C01  }
0x34: {  	[timem:s3], [sflag:s2] =	dma.local @!p0 [hbm:s0], s1  }
0x35: {  	s0 =	simm.s32 @!p0 $0x1  }
0x36: {  	_ =	swait.ge @!p0 [sflag:s0], s1  }
0x37: {  	s1 =	ssub.s32 @!p0 $0x0, s1;
	[sflag:s0] =	ssyncset.done @!p0 $0x0  }
0x38: {  	[sflag:s0] =	ssyncadd.s32 @!p0 s1  }
0x39: {  	[bflag:$0x3] =	sbarrier.arrive $0xFFFF  }
0x3a: {  	_ =	shalt  }

</sc_bundles>
